<compile_context>
chip_gen: v7x
topology: tpu7x:2x2x1
jax: 0.10.2.dev20260603
libtpu: 0.0.44.dev20260713+nightly
codegen_flags: <defaults>
</compile_context>

<pallas_src>
import functools

import jax
import jax.numpy as jnp
from jax import lax
from jax.experimental import pallas as pl
from jax.experimental.pallas import tpu as pltpu
from jax.experimental.pallas import tpu_sc as plsc

B, H, W = 16, 512, 512
NBOX = 20
NWORK = 32
ROWS_PER_W = H // 2
G_ROWS = 16
N_GROUPS = ROWS_PER_W // G_ROWS
WCH = W // 16
NPIX = B * H * W
FG_EXTRA = 12.0


def _floor_i(x):
    t = x.astype(jnp.int32)
    return t - jnp.where(t.astype(jnp.float32) > x, 1, 0)


def _ceil_i(x):
    t = x.astype(jnp.int32)
    return t + jnp.where(x > t.astype(jnp.float32), 1, 0)


def _fg_body(loss_hbm, gt_hbm, out_hbm, bxr_v, buf_v, cov_v, acc_v, sem):
    c = lax.axis_index("c")
    s = lax.axis_index("s")
    wid = s * 2 + c
    batch = s
    row0 = ((c + s) % 2) * ROWS_PER_W

    pltpu.sync_copy(gt_hbm.at[batch], bxr_v)

    iota = lax.iota(jnp.int32, 16)
    zero_i = jnp.zeros((16,), jnp.int32)
    idxb = jnp.where(iota < NBOX - 16, iota + 16, 0)
    validb = iota < NBOX - 16

    def _col(col, idx):
        return plsc.load_gather(bxr_v, [idx, jnp.full((16,), col, jnp.int32)])

    u1a = _floor_i(_col(0, iota))
    v1a = _floor_i(_col(1, iota))
    u2a = _ceil_i(_col(2, iota))
    v2a = _ceil_i(_col(3, iota))
    u1b = jnp.where(validb, _floor_i(_col(0, idxb)), zero_i)
    v1b = jnp.where(validb, _floor_i(_col(1, idxb)), zero_i)
    u2b = jnp.where(validb, _ceil_i(_col(2, idxb)), zero_i)
    v2b = jnp.where(validb, _ceil_i(_col(3, idxb)), zero_i)

    zero16 = jnp.zeros((16,), jnp.float32)
    acc_v[pl.ds(0, 16)] = zero16

    def group(g, _):
        gmin = row0 + g * G_ROWS
        gmax16 = jnp.full((16,), gmin + G_ROWS - 1, jnp.int32)
        gmin16 = jnp.full((16,), gmin, jnp.int32)
        ghit = jnp.any((v1a <= gmax16) & (v2a > gmin16)) | jnp.any(
            (v1b <= gmax16) & (v2b > gmin16))

        @pl.when(ghit)
        def _group():
            pltpu.make_async_copy(
                loss_hbm.at[batch, pl.ds(gmin, G_ROWS), :], buf_v, sem,
            ).start()
            pltpu.make_async_copy(
                loss_hbm.at[batch, pl.ds(gmin, G_ROWS), :], buf_v, sem,
            ).wait()

            def row_fg(r, _):
                v = gmin + r
                vv = jnp.full((16,), v, jnp.int32)
                acta = (vv >= v1a) & (vv < v2a)
                actb = (vv >= v1b) & (vv < v2b)
                have = jnp.any(acta) | jnp.any(actb)

                @pl.when(have)
                def _fg_row():
                    event = (v == row0) | jnp.any(
                        (vv == v1a) | (vv == v2a) | (vv == v1b) | (vv == v2b))

                    @pl.when(event)
                    def _recompute_cov():
                        eu1a = jnp.where(acta, u1a, 0)
                        eu1b = jnp.where(actb, u1b, 0)
                        eu2a = jnp.where(acta, u2a, 0)
                        eu2b = jnp.where(actb, u2b, 0)
                        bounds = [(eu1a[j], eu2a[j]) for j in range(16)]
                        bounds += [(eu1b[j], eu2b[j])
                                   for j in range(NBOX - 16)]

                        def col_body(ci, _):
                            cols = iota + ci * 16
                            cov = jnp.zeros((16,), jnp.bool_)
                            for e1, e2 in bounds:
                                cov = cov | ((cols >= e1) & (cols < e2))
                            cov_v[pl.ds(ci * 16, 16)] = jnp.where(
                                cov, jnp.float32(FG_EXTRA), jnp.float32(0.0))
                            return 0

                        lax.fori_loop(0, WCH, col_body, 0)

                    vals = [buf_v[r, pl.ds(i * 16, 16)]
                            * cov_v[pl.ds(i * 16, 16)] for i in range(WCH)]
                    while len(vals) > 1:
                        nxt = [vals[i] + vals[i + 1]
                               for i in range(0, len(vals) - 1, 2)]
                        if len(vals) % 2:
                            nxt.append(vals[-1])
                        vals = nxt
                    acc_v[pl.ds(0, 16)] = acc_v[pl.ds(0, 16)] + vals[0]

                return 0

            lax.fori_loop(0, G_ROWS, row_fg, 0)

        return 0

    lax.fori_loop(0, N_GROUPS, group, 0)
    pltpu.sync_copy(acc_v.at[pl.ds(0, 16)], out_hbm.at[pl.ds(wid * 16, 16)])


@functools.cache
def _build_fg_kernel():
    mesh = plsc.VectorSubcoreMesh(core_axis_name="c", subcore_axis_name="s")
    return pl.kernel(
        _fg_body,
        out_type=jax.ShapeDtypeStruct((NWORK * 16,), jnp.float32),
        mesh=mesh,
        compiler_params=pltpu.CompilerParams(
            needs_layout_passes=False, use_tc_tiling_on_sc=True),
        scratch_types=[
            pltpu.VMEM((NBOX, 4), jnp.float32),
            pltpu.VMEM((G_ROWS, W), jnp.float32),
            pltpu.VMEM((W,), jnp.float32),
            pltpu.VMEM((16,), jnp.float32),
            pltpu.SemaphoreType.DMA,
        ],
    )


def _dense_block_sum(x_ref, o_ref):
    i = pl.program_id(0)

    @pl.when(i == 0)
    def _init():
        o_ref[...] = jnp.zeros((8, 128), jnp.float32)

    parts = [jnp.zeros((8, 128), jnp.float32) for _ in range(16)]
    t = 0
    for b in range(x_ref.shape[0]):
        x = x_ref[b]
        for r in range(x.shape[0] // 8):
            for c in range(x.shape[1] // 128):
                parts[t % 16] = parts[t % 16] + x[
                    r * 8:(r + 1) * 8, c * 128:(c + 1) * 128]
                t += 1
    while len(parts) > 1:
        parts = [parts[k] + parts[k + 1] for k in range(0, len(parts), 2)]
    o_ref[...] = o_ref[...] + parts[0]


@functools.cache
def _build_dense_kernel():
    return pl.pallas_call(
        _dense_block_sum,
        grid=(B // 4,),
        in_specs=[pl.BlockSpec((4, H, W), lambda i: (i, 0, 0))],
        out_specs=pl.BlockSpec((8, 128), lambda i: (0, 0)),
        out_shape=jax.ShapeDtypeStruct((8, 128), jnp.float32),
    )


def kernel(loss, gt_boxes2d):
    dense = _build_dense_kernel()(loss)
    fg = _build_fg_kernel()(loss, gt_boxes2d)
    return (dense.sum() + fg.sum()) / jnp.float32(NPIX)

# --- scband reference (transcript-rebuilt; emitter-appended) ---
"""Pipeline reference for scband-balancer-10660108829428 (READ-ONLY COPY).

The authoritative reference and input builder live on the scoring server;
editing this copy changes nothing except your own understanding.
"""

import jax, jax.numpy as jnp
import numpy as np

FG_WEIGHT = 13.0
BG_WEIGHT = 1.0
DOWNSAMPLE_FACTOR = 1


def setup_inputs(seed: int = 0) -> dict:
    key = jax.random.key(seed)
    k1, k2 = jax.random.split(key)
    loss = jax.random.uniform(k1, (16, 512, 512), dtype=jnp.float32)
    gt_boxes2d = jax.random.uniform(k2, (16, 20, 4), dtype=jnp.float32)
    return {"loss": loss, "gt_boxes2d": gt_boxes2d}


def compute_fg_mask(gt_boxes2d, shape, downsample_factor=1):
    B, H, W = shape
    gb = gt_boxes2d / downsample_factor
    xy1 = jnp.floor(gb[:, :, :2])
    xy2 = jnp.ceil(gb[:, :, 2:])
    gb = jnp.concatenate([xy1, xy2], axis=-1).astype(jnp.int32)
    u1 = gb[:, :, 0][:, :, None, None]
    v1 = gb[:, :, 1][:, :, None, None]
    u2 = gb[:, :, 2][:, :, None, None]
    v2 = gb[:, :, 3][:, :, None, None]
    vs = jnp.arange(H)[None, None, :, None]
    us = jnp.arange(W)[None, None, None, :]
    inside = (vs >= v1) & (vs < v2) & (us >= u1) & (us < u2)
    return jnp.any(inside, axis=1)


def reference(loss, gt_boxes2d):
    fg_mask = compute_fg_mask(gt_boxes2d, loss.shape, DOWNSAMPLE_FACTOR)
    bg_mask = ~fg_mask
    weights = FG_WEIGHT * fg_mask.astype(loss.dtype) + BG_WEIGHT * bg_mask.astype(loss.dtype)
    num_pixels = fg_mask.sum() + bg_mask.sum()
    loss_w = loss * weights
    fg_loss = jnp.where(fg_mask, loss_w, 0.0).sum() / num_pixels
    bg_loss = jnp.where(bg_mask, loss_w, 0.0).sum() / num_pixels
    total = fg_loss + bg_loss
    return total

if __name__ == "__main__":
    import jax
    _d = setup_inputs()
    print(jax.jit(kernel)(*tuple(_d.values())))

</pallas_src>

<mosaic_0001>
#map = affine_map<(d0, d1) -> (0, 0, 0)>
#map1 = affine_map<(d0, d1) -> (0)>
module attributes {stable_mosaic.version = 14 : i64} {
  func.func @_fg_body(%arg0: i32, %arg1: i32, %arg2: memref<16x512x512xf32, #tpu.memory_space<hbm>>, %arg3: memref<16x20x4xf32, #tpu.memory_space<hbm>>, %arg4: memref<512xf32, #tpu.memory_space<hbm>>, %arg5: memref<20x4xf32, #tpu.memory_space<vmem>>, %arg6: memref<16x512xf32, #tpu.memory_space<vmem>>, %arg7: memref<512xf32, #tpu.memory_space<vmem>>, %arg8: memref<16xf32, #tpu.memory_space<vmem>>, %arg9: memref<!tpu.dma_semaphore, #tpu.memory_space<semaphore_mem>>) attributes {dimension_semantics = [#tpu.dimension_semantics<core_parallel>, #tpu.dimension_semantics<subcore_parallel>], iteration_bounds = array<i64: 2, 16>, scalar_prefetch = 0 : i64, scratch_operands = 5 : i64, tpu.core_type = #tpu.core_type<sc_vector_subcore>, window_params = [{transform_indices = #map}, {transform_indices = #map}, {transform_indices = #map1}]} {
    %mul3A = arith.constant 2 : i32
    %mul3A_0 = arith.muli %arg1, %mul3A : i32
    %add3A = arith.addi %mul3A_0, %arg0 : i32
    %add3A_1 = arith.addi %arg0, %arg1 : i32
    %jit3A = arith.constant 2 : i32
    %eq3A = arith.constant 0 : i32
    %eq3A_2 = arith.cmpi eq, %jit3A, %eq3A : i32
    %jit3A_3 = arith.constant 1 : i32
    %select_n3A = arith.select %eq3A_2, %jit3A_3, %jit3A : i32
    %rem3A = arith.remsi %add3A_1, %select_n3A : i32
    %ne3A = arith.constant 0 : i32
    %ne3A_4 = arith.cmpi ne, %rem3A, %ne3A : i32
    %lt3A = arith.constant 0 : i32
    %lt3A_5 = arith.cmpi slt, %rem3A, %lt3A : i32
    %lt3A_6 = arith.constant 0 : i32
    %lt3A_7 = arith.cmpi slt, %select_n3A, %lt3A_6 : i32
    %ne3A_8 = arith.xori %lt3A_5, %lt3A_7 : i1
    %and3A = arith.andi %ne3A_8, %ne3A_4 : i1
    %add3A_9 = arith.addi %rem3A, %select_n3A : i32
    %select_n3A_10 = arith.select %and3A, %add3A_9, %rem3A : i32
    %mul3A_11 = arith.constant 256 : i32
    %mul3A_12 = arith.muli %select_n3A_10, %mul3A_11 : i32
    "tpu.region"() ({
      %run_scoped3A = tpu.sem_alloc : memref<!tpu.dma_semaphore, #tpu.memory_space<semaphore_mem>>
      %dma_start3A = arith.constant 0 : i32
      %dma_start3A_133 = arith.constant 0 : i32
      %dma_start3A_134 = tpu.memref_slice %arg3[%arg1, %dma_start3A, %dma_start3A_133] : memref<16x20x4xf32, #tpu.memory_space<hbm>> -> memref<1x20x4xf32, #tpu.memory_space<hbm>>
      %dma_start3A_135 = tpu.memref_squeeze %dma_start3A_134 : memref<1x20x4xf32, #tpu.memory_space<hbm>> -> memref<20x4xf32, #tpu.memory_space<hbm>>
      %dma_start3A_136 = arith.constant 0 : i32
      %dma_start3A_137 = arith.constant 0 : i32
      %dma_start3A_138 = tpu.memref_slice %arg3[%arg1, %dma_start3A_136, %dma_start3A_137] : memref<16x20x4xf32, #tpu.memory_space<hbm>> -> memref<1x20x4xf32, #tpu.memory_space<hbm>>
      %dma_start3A_139 = tpu.memref_squeeze %dma_start3A_138 : memref<1x20x4xf32, #tpu.memory_space<hbm>> -> memref<20x4xf32, #tpu.memory_space<hbm>>
      tpu.enqueue_dma source(%dma_start3A_139 : memref<20x4xf32, #tpu.memory_space<hbm>>) target(%arg5 : memref<20x4xf32, #tpu.memory_space<vmem>>) target_semaphore(%run_scoped3A : memref<!tpu.dma_semaphore, #tpu.memory_space<semaphore_mem>>)
      %dma_wait3A = arith.constant 0 : i32
      %dma_wait3A_140 = arith.constant 0 : i32
      %dma_wait3A_141 = tpu.memref_slice %arg3[%arg1, %dma_wait3A, %dma_wait3A_140] : memref<16x20x4xf32, #tpu.memory_space<hbm>> -> memref<1x20x4xf32, #tpu.memory_space<hbm>>
      %dma_wait3A_142 = tpu.memref_squeeze %dma_wait3A_141 : memref<1x20x4xf32, #tpu.memory_space<hbm>> -> memref<20x4xf32, #tpu.memory_space<hbm>>
      %dma_wait3A_143 = arith.constant 0 : i32
      %dma_wait3A_144 = arith.constant 0 : i32
      %dma_wait3A_145 = tpu.memref_slice %arg3[%arg1, %dma_wait3A_143, %dma_wait3A_144] : memref<16x20x4xf32, #tpu.memory_space<hbm>> -> memref<1x20x4xf32, #tpu.memory_space<hbm>>
      %dma_wait3A_146 = tpu.memref_squeeze %dma_wait3A_145 : memref<1x20x4xf32, #tpu.memory_space<hbm>> -> memref<20x4xf32, #tpu.memory_space<hbm>>
      tpu.wait_dma2 semaphore(%run_scoped3A : memref<!tpu.dma_semaphore, #tpu.memory_space<semaphore_mem>>) src(%dma_wait3A_146 : memref<20x4xf32, #tpu.memory_space<hbm>>) dst(%arg5 : memref<20x4xf32, #tpu.memory_space<vmem>>)
      tpu.yield
    }) : () -> ()
    %iota3A = tpu.iota {dimensions = array<i32: 0>} : vector<16xi32>
    %broadcast_in_dim3A = arith.constant 0 : i32
    %broadcast_in_dim3A_13 = vector.broadcast %broadcast_in_dim3A : i32 to vector<16xi32>
    %lt3A_14 = arith.constant 4 : i32
    %lt3A_15 = vector.broadcast %lt3A_14 : i32 to vector<16xi32>
    %lt3A_16 = arith.cmpi slt, %iota3A, %lt3A_15 : vector<16xi32>
    %add3A_17 = arith.constant 16 : i32
    %add3A_18 = vector.broadcast %add3A_17 : i32 to vector<16xi32>
    %add3A_19 = arith.addi %iota3A, %add3A_18 : vector<16xi32>
    %jit3A_20 = arith.constant 0 : i32
    %broadcast_in_dim3A_21 = vector.broadcast %jit3A_20 : i32 to vector<16xi32>
    %select_n3A_22 = arith.select %lt3A_16, %add3A_19, %broadcast_in_dim3A_21 : vector<16xi1>, vector<16xi32>
    %lt3A_23 = arith.constant 4 : i32
    %lt3A_24 = vector.broadcast %lt3A_23 : i32 to vector<16xi32>
    %lt3A_25 = arith.cmpi slt, %iota3A, %lt3A_24 : vector<16xi32>
    %broadcast_in_dim3A_26 = arith.constant 0 : i32
    %broadcast_in_dim3A_27 = vector.broadcast %broadcast_in_dim3A_26 : i32 to vector<16xi32>
    %gather3A = tpu.vector_load_idx %arg5[%iota3A, %broadcast_in_dim3A_27] : memref<20x4xf32, #tpu.memory_space<vmem>>[vector<16xi32>, vector<16xi32>], vector<16xf32>,
    %convert_element_type3A = arith.fptosi %gather3A : vector<16xf32> to vector<16xi32>
    %convert_element_type3A_28 = arith.sitofp %convert_element_type3A : vector<16xi32> to vector<16xf32>
    %gt3A = arith.cmpf ogt, %convert_element_type3A_28, %gather3A : vector<16xf32>
    %jit3A_29 = arith.constant 1 : i32
    %jit3A_30 = arith.constant 0 : i32
    %broadcast_in_dim3A_31 = vector.broadcast %jit3A_29 : i32 to vector<16xi32>
    %broadcast_in_dim3A_32 = vector.broadcast %jit3A_30 : i32 to vector<16xi32>
    %select_n3A_33 = arith.select %gt3A, %broadcast_in_dim3A_31, %broadcast_in_dim3A_32 : vector<16xi1>, vector<16xi32>
    %sub3A = arith.subi %convert_element_type3A, %select_n3A_33 : vector<16xi32>
    %broadcast_in_dim3A_34 = arith.constant 1 : i32
    %broadcast_in_dim3A_35 = vector.broadcast %broadcast_in_dim3A_34 : i32 to vector<16xi32>
    %gather3A_36 = tpu.vector_load_idx %arg5[%iota3A, %broadcast_in_dim3A_35] : memref<20x4xf32, #tpu.memory_space<vmem>>[vector<16xi32>, vector<16xi32>], vector<16xf32>,
    %convert_element_type3A_37 = arith.fptosi %gather3A_36 : vector<16xf32> to vector<16xi32>
    %convert_element_type3A_38 = arith.sitofp %convert_element_type3A_37 : vector<16xi32> to vector<16xf32>
    %gt3A_39 = arith.cmpf ogt, %convert_element_type3A_38, %gather3A_36 : vector<16xf32>
    %jit3A_40 = arith.constant 1 : i32
    %jit3A_41 = arith.constant 0 : i32
    %broadcast_in_dim3A_42 = vector.broadcast %jit3A_40 : i32 to vector<16xi32>
    %broadcast_in_dim3A_43 = vector.broadcast %jit3A_41 : i32 to vector<16xi32>
    %select_n3A_44 = arith.select %gt3A_39, %broadcast_in_dim3A_42, %broadcast_in_dim3A_43 : vector<16xi1>, vector<16xi32>
    %sub3A_45 = arith.subi %convert_element_type3A_37, %select_n3A_44 : vector<16xi32>
    %broadcast_in_dim3A_46 = arith.constant 2 : i32
    %broadcast_in_dim3A_47 = vector.broadcast %broadcast_in_dim3A_46 : i32 to vector<16xi32>
    %gather3A_48 = tpu.vector_load_idx %arg5[%iota3A, %broadcast_in_dim3A_47] : memref<20x4xf32, #tpu.memory_space<vmem>>[vector<16xi32>, vector<16xi32>], vector<16xf32>,
    %convert_element_type3A_49 = arith.fptosi %gather3A_48 : vector<16xf32> to vector<16xi32>
    %convert_element_type3A_50 = arith.sitofp %convert_element_type3A_49 : vector<16xi32> to vector<16xf32>
    %gt3A_51 = arith.cmpf ogt, %gather3A_48, %convert_element_type3A_50 : vector<16xf32>
    %jit3A_52 = arith.constant 1 : i32
    %jit3A_53 = arith.constant 0 : i32
    %broadcast_in_dim3A_54 = vector.broadcast %jit3A_52 : i32 to vector<16xi32>
    %broadcast_in_dim3A_55 = vector.broadcast %jit3A_53 : i32 to vector<16xi32>
    %select_n3A_56 = arith.select %gt3A_51, %broadcast_in_dim3A_54, %broadcast_in_dim3A_55 : vector<16xi1>, vector<16xi32>
    %add3A_57 = arith.addi %convert_element_type3A_49, %select_n3A_56 : vector<16xi32>
    %broadcast_in_dim3A_58 = arith.constant 3 : i32
    %broadcast_in_dim3A_59 = vector.broadcast %broadcast_in_dim3A_58 : i32 to vector<16xi32>
    %gather3A_60 = tpu.vector_load_idx %arg5[%iota3A, %broadcast_in_dim3A_59] : memref<20x4xf32, #tpu.memory_space<vmem>>[vector<16xi32>, vector<16xi32>], vector<16xf32>,
    %convert_element_type3A_61 = arith.fptosi %gather3A_60 : vector<16xf32> to vector<16xi32>
    %convert_element_type3A_62 = arith.sitofp %convert_element_type3A_61 : vector<16xi32> to vector<16xf32>
    %gt3A_63 = arith.cmpf ogt, %gather3A_60, %convert_element_type3A_62 : vector<16xf32>
    %jit3A_64 = arith.constant 1 : i32
    %jit3A_65 = arith.constant 0 : i32
    %broadcast_in_dim3A_66 = vector.broadcast %jit3A_64 : i32 to vector<16xi32>
    %broadcast_in_dim3A_67 = vector.broadcast %jit3A_65 : i32 to vector<16xi32>
    %select_n3A_68 = arith.select %gt3A_63, %broadcast_in_dim3A_66, %broadcast_in_dim3A_67 : vector<16xi1>, vector<16xi32>
    %add3A_69 = arith.addi %convert_element_type3A_61, %select_n3A_68 : vector<16xi32>
    %broadcast_in_dim3A_70 = arith.constant 0 : i32
    %broadcast_in_dim3A_71 = vector.broadcast %broadcast_in_dim3A_70 : i32 to vector<16xi32>
    %gather3A_72 = tpu.vector_load_idx %arg5[%select_n3A_22, %broadcast_in_dim3A_71] : memref<20x4xf32, #tpu.memory_space<vmem>>[vector<16xi32>, vector<16xi32>], vector<16xf32>,
    %convert_element_type3A_73 = arith.fptosi %gather3A_72 : vector<16xf32> to vector<16xi32>
    %convert_element_type3A_74 = arith.sitofp %convert_element_type3A_73 : vector<16xi32> to vector<16xf32>
    %gt3A_75 = arith.cmpf ogt, %convert_element_type3A_74, %gather3A_72 : vector<16xf32>
    %jit3A_76 = arith.constant 1 : i32
    %jit3A_77 = arith.constant 0 : i32
    %broadcast_in_dim3A_78 = vector.broadcast %jit3A_76 : i32 to vector<16xi32>
    %broadcast_in_dim3A_79 = vector.broadcast %jit3A_77 : i32 to vector<16xi32>
    %select_n3A_80 = arith.select %gt3A_75, %broadcast_in_dim3A_78, %broadcast_in_dim3A_79 : vector<16xi1>, vector<16xi32>
    %sub3A_81 = arith.subi %convert_element_type3A_73, %select_n3A_80 : vector<16xi32>
    %select_n3A_82 = arith.select %lt3A_25, %sub3A_81, %broadcast_in_dim3A_13 : vector<16xi1>, vector<16xi32>
    %broadcast_in_dim3A_83 = arith.constant 1 : i32
    %broadcast_in_dim3A_84 = vector.broadcast %broadcast_in_dim3A_83 : i32 to vector<16xi32>
    %gather3A_85 = tpu.vector_load_idx %arg5[%select_n3A_22, %broadcast_in_dim3A_84] : memref<20x4xf32, #tpu.memory_space<vmem>>[vector<16xi32>, vector<16xi32>], vector<16xf32>,
    %convert_element_type3A_86 = arith.fptosi %gather3A_85 : vector<16xf32> to vector<16xi32>
    %convert_element_type3A_87 = arith.sitofp %convert_element_type3A_86 : vector<16xi32> to vector<16xf32>
    %gt3A_88 = arith.cmpf ogt, %convert_element_type3A_87, %gather3A_85 : vector<16xf32>
    %jit3A_89 = arith.constant 1 : i32
    %jit3A_90 = arith.constant 0 : i32
    %broadcast_in_dim3A_91 = vector.broadcast %jit3A_89 : i32 to vector<16xi32>
    %broadcast_in_dim3A_92 = vector.broadcast %jit3A_90 : i32 to vector<16xi32>
    %select_n3A_93 = arith.select %gt3A_88, %broadcast_in_dim3A_91, %broadcast_in_dim3A_92 : vector<16xi1>, vector<16xi32>
    %sub3A_94 = arith.subi %convert_element_type3A_86, %select_n3A_93 : vector<16xi32>
    %select_n3A_95 = arith.select %lt3A_25, %sub3A_94, %broadcast_in_dim3A_13 : vector<16xi1>, vector<16xi32>
    %broadcast_in_dim3A_96 = arith.constant 2 : i32
    %broadcast_in_dim3A_97 = vector.broadcast %broadcast_in_dim3A_96 : i32 to vector<16xi32>
    %gather3A_98 = tpu.vector_load_idx %arg5[%select_n3A_22, %broadcast_in_dim3A_97] : memref<20x4xf32, #tpu.memory_space<vmem>>[vector<16xi32>, vector<16xi32>], vector<16xf32>,
    %convert_element_type3A_99 = arith.fptosi %gather3A_98 : vector<16xf32> to vector<16xi32>
    %convert_element_type3A_100 = arith.sitofp %convert_element_type3A_99 : vector<16xi32> to vector<16xf32>
    %gt3A_101 = arith.cmpf ogt, %gather3A_98, %convert_element_type3A_100 : vector<16xf32>
    %jit3A_102 = arith.constant 1 : i32
    %jit3A_103 = arith.constant 0 : i32
    %broadcast_in_dim3A_104 = vector.broadcast %jit3A_102 : i32 to vector<16xi32>
    %broadcast_in_dim3A_105 = vector.broadcast %jit3A_103 : i32 to vector<16xi32>
    %select_n3A_106 = arith.select %gt3A_101, %broadcast_in_dim3A_104, %broadcast_in_dim3A_105 : vector<16xi1>, vector<16xi32>
    %add3A_107 = arith.addi %convert_element_type3A_99, %select_n3A_106 : vector<16xi32>
    %select_n3A_108 = arith.select %lt3A_25, %add3A_107, %broadcast_in_dim3A_13 : vector<16xi1>, vector<16xi32>
    %broadcast_in_dim3A_109 = arith.constant 3 : i32
    %broadcast_in_dim3A_110 = vector.broadcast %broadcast_in_dim3A_109 : i32 to vector<16xi32>
    %gather3A_111 = tpu.vector_load_idx %arg5[%select_n3A_22, %broadcast_in_dim3A_110] : memref<20x4xf32, #tpu.memory_space<vmem>>[vector<16xi32>, vector<16xi32>], vector<16xf32>,
    %convert_element_type3A_112 = arith.fptosi %gather3A_111 : vector<16xf32> to vector<16xi32>
    %convert_element_type3A_113 = arith.sitofp %convert_element_type3A_112 : vector<16xi32> to vector<16xf32>
    %gt3A_114 = arith.cmpf ogt, %gather3A_111, %convert_element_type3A_113 : vector<16xf32>
    %jit3A_115 = arith.constant 1 : i32
    %jit3A_116 = arith.constant 0 : i32
    %broadcast_in_dim3A_117 = vector.broadcast %jit3A_115 : i32 to vector<16xi32>
    %broadcast_in_dim3A_118 = vector.broadcast %jit3A_116 : i32 to vector<16xi32>
    %select_n3A_119 = arith.select %gt3A_114, %broadcast_in_dim3A_117, %broadcast_in_dim3A_118 : vector<16xi1>, vector<16xi32>
    %add3A_120 = arith.addi %convert_element_type3A_112, %select_n3A_119 : vector<16xi32>
    %select_n3A_121 = arith.select %lt3A_25, %add3A_120, %broadcast_in_dim3A_13 : vector<16xi1>, vector<16xi32>
    %broadcast_in_dim3A_122 = arith.constant 0.000000e+00 : f32
    %broadcast_in_dim3A_123 = vector.broadcast %broadcast_in_dim3A_122 : f32 to vector<16xf32>
    %swap3A = arith.constant 0 : index
    %swap3A_124 = tpu.vector_load %arg8[%swap3A] {strides = array<i32>} : memref<16xf32, #tpu.memory_space<vmem>>, vector<16xf32>,
    tpu.vector_store %arg8[%swap3A], %broadcast_in_dim3A_123 {strides = array<i32>} : memref<16xf32, #tpu.memory_space<vmem>>, vector<16xf32>,
    %scan3A = arith.constant 0 : i32
    %scan3A_125 = arith.constant 0 : i32
    %scan3A_126 = arith.constant 16 : i32
    %scan3A_127 = arith.addi %scan3A_125, %scan3A_126 : i32
    %scan3A_128 = arith.constant 1 : i32
    %scan3A_129 = scf.for %scan3A_133 = %scan3A_125 to %scan3A_127 step %scan3A_128 iter_args(%scan3A_134 = %scan3A) -> (i32)  : i32 {
      %mul3A_135 = arith.constant 16 : i32
      %mul3A_136 = arith.muli %scan3A_133, %mul3A_135 : i32
      %add3A_137 = arith.addi %mul3A_12, %mul3A_136 : i32
      %add3A_138 = arith.constant 16 : i32
      %add3A_139 = arith.addi %add3A_137, %add3A_138 : i32
      %sub3A_140 = arith.constant 1 : i32
      %sub3A_141 = arith.subi %add3A_139, %sub3A_140 : i32
      %broadcast_in_dim3A_142 = vector.broadcast %sub3A_141 : i32 to vector<16xi32>
      %broadcast_in_dim3A_143 = vector.broadcast %add3A_137 : i32 to vector<16xi32>
      %le3A = arith.cmpi sle, %sub3A_45, %broadcast_in_dim3A_142 : vector<16xi32>
      %gt3A_144 = arith.cmpi sgt, %add3A_69, %broadcast_in_dim3A_143 : vector<16xi32>
      %and3A_145 = arith.andi %le3A, %gt3A_144 : vector<16xi1>
      %reduce_or3A = arith.constant 1.000000e+00 : f32
      %reduce_or3A_146 = arith.constant 0.000000e+00 : f32
      %reduce_or3A_147 = vector.broadcast %reduce_or3A : f32 to vector<16xf32>
      %reduce_or3A_148 = vector.broadcast %reduce_or3A_146 : f32 to vector<16xf32>
      %reduce_or3A_149 = arith.select %and3A_145, %reduce_or3A_147, %reduce_or3A_148 : vector<16xi1>, vector<16xf32>
      %reduce_or3A_150 = arith.constant true
      %reduce_or3A_151 = vector.broadcast %reduce_or3A_150 : i1 to vector<16xi1>
      %reduce_or3A_152 = tpu.scan <max>, %reduce_or3A_149 masked %reduce_or3A_151 : vector<16xf32>, vector<16xi1> -> vector<16xf32>
      %reduce_or3A_153 = vector.extract %reduce_or3A_152[15] : f32 from vector<16xf32>
      %reduce_or3A_154 = arith.constant 0.000000e+00 : f32
      %reduce_or3A_155 = arith.cmpf ogt, %reduce_or3A_153, %reduce_or3A_154 : f32
      %le3A_156 = arith.cmpi sle, %select_n3A_95, %broadcast_in_dim3A_142 : vector<16xi32>
      %gt3A_157 = arith.cmpi sgt, %select_n3A_121, %broadcast_in_dim3A_143 : vector<16xi32>
      %and3A_158 = arith.andi %le3A_156, %gt3A_157 : vector<16xi1>
      %reduce_or3A_159 = arith.constant 1.000000e+00 : f32
      %reduce_or3A_160 = arith.constant 0.000000e+00 : f32
      %reduce_or3A_161 = vector.broadcast %reduce_or3A_159 : f32 to vector<16xf32>
      %reduce_or3A_162 = vector.broadcast %reduce_or3A_160 : f32 to vector<16xf32>
      %reduce_or3A_163 = arith.select %and3A_158, %reduce_or3A_161, %reduce_or3A_162 : vector<16xi1>, vector<16xf32>
      %reduce_or3A_164 = arith.constant true
      %reduce_or3A_165 = vector.broadcast %reduce_or3A_164 : i1 to vector<16xi1>
      %reduce_or3A_166 = tpu.scan <max>, %reduce_or3A_163 masked %reduce_or3A_165 : vector<16xf32>, vector<16xi1> -> vector<16xf32>
      %reduce_or3A_167 = vector.extract %reduce_or3A_166[15] : f32 from vector<16xf32>
      %reduce_or3A_168 = arith.constant 0.000000e+00 : f32
      %reduce_or3A_169 = arith.cmpf ogt, %reduce_or3A_167, %reduce_or3A_168 : f32
      %or3A = arith.ori %reduce_or3A_155, %reduce_or3A_169 : i1
      %convert_element_type3A_170 = arith.extui %or3A : i1 to i32
      %cond3A = arith.constant 0 : i32
      %cond3A_171 = arith.cmpi ne, %convert_element_type3A_170, %cond3A : i32
      scf.if %cond3A_171 {
        %dma_start3A = arith.constant 0 : i32
        %dma_start3A_173 = tpu.memref_slice %arg2[%arg1, %add3A_137, %dma_start3A] : memref<16x512x512xf32, #tpu.memory_space<hbm>> -> memref<1x16x512xf32, #tpu.memory_space<hbm>>
        %dma_start3A_174 = tpu.memref_squeeze %dma_start3A_173 : memref<1x16x512xf32, #tpu.memory_space<hbm>> -> memref<16x512xf32, #tpu.memory_space<hbm>>
        %dma_start3A_175 = arith.constant 0 : i32
        %dma_start3A_176 = tpu.memref_slice %arg2[%arg1, %add3A_137, %dma_start3A_175] : memref<16x512x512xf32, #tpu.memory_space<hbm>> -> memref<1x16x512xf32, #tpu.memory_space<hbm>>
        %dma_start3A_177 = tpu.memref_squeeze %dma_start3A_176 : memref<1x16x512xf32, #tpu.memory_space<hbm>> -> memref<16x512xf32, #tpu.memory_space<hbm>>
        tpu.enqueue_dma source(%dma_start3A_177 : memref<16x512xf32, #tpu.memory_space<hbm>>) target(%arg6 : memref<16x512xf32, #tpu.memory_space<vmem>>) target_semaphore(%arg9 : memref<!tpu.dma_semaphore, #tpu.memory_space<semaphore_mem>>)
        %dma_wait3A = arith.constant 0 : i32
        %dma_wait3A_178 = tpu.memref_slice %arg2[%arg1, %add3A_137, %dma_wait3A] : memref<16x512x512xf32, #tpu.memory_space<hbm>> -> memref<1x16x512xf32, #tpu.memory_space<hbm>>
        %dma_wait3A_179 = tpu.memref_squeeze %dma_wait3A_178 : memref<1x16x512xf32, #tpu.memory_space<hbm>> -> memref<16x512xf32, #tpu.memory_space<hbm>>
        %dma_wait3A_180 = arith.constant 0 : i32
        %dma_wait3A_181 = tpu.memref_slice %arg2[%arg1, %add3A_137, %dma_wait3A_180] : memref<16x512x512xf32, #tpu.memory_space<hbm>> -> memref<1x16x512xf32, #tpu.memory_space<hbm>>
        %dma_wait3A_182 = tpu.memref_squeeze %dma_wait3A_181 : memref<1x16x512xf32, #tpu.memory_space<hbm>> -> memref<16x512xf32, #tpu.memory_space<hbm>>
        tpu.wait_dma2 semaphore(%arg9 : memref<!tpu.dma_semaphore, #tpu.memory_space<semaphore_mem>>) src(%dma_wait3A_182 : memref<16x512xf32, #tpu.memory_space<hbm>>) dst(%arg6 : memref<16x512xf32, #tpu.memory_space<vmem>>)
        %scan3A_183 = arith.constant 0 : i32
        %scan3A_184 = arith.constant 0 : i32
        %scan3A_185 = arith.constant 16 : i32
        %scan3A_186 = arith.addi %scan3A_184, %scan3A_185 : i32
        %scan3A_187 = arith.constant 1 : i32
        %scan3A_188 = scf.for %scan3A_190 = %scan3A_184 to %scan3A_186 step %scan3A_187 iter_args(%scan3A_191 = %scan3A_183) -> (i32)  : i32 {
          %add3A_192 = arith.addi %add3A_137, %scan3A_190 : i32
          %broadcast_in_dim3A_193 = vector.broadcast %add3A_192 : i32 to vector<16xi32>
          %ge3A = arith.cmpi sge, %broadcast_in_dim3A_193, %sub3A_45 : vector<16xi32>
          %lt3A_194 = arith.cmpi slt, %broadcast_in_dim3A_193, %add3A_69 : vector<16xi32>
          %and3A_195 = arith.andi %ge3A, %lt3A_194 : vector<16xi1>
          %ge3A_196 = arith.cmpi sge, %broadcast_in_dim3A_193, %select_n3A_95 : vector<16xi32>
          %lt3A_197 = arith.cmpi slt, %broadcast_in_dim3A_193, %select_n3A_121 : vector<16xi32>
          %and3A_198 = arith.andi %ge3A_196, %lt3A_197 : vector<16xi1>
          %reduce_or3A_199 = arith.constant 1.000000e+00 : f32
          %reduce_or3A_200 = arith.constant 0.000000e+00 : f32
          %reduce_or3A_201 = vector.broadcast %reduce_or3A_199 : f32 to vector<16xf32>
          %reduce_or3A_202 = vector.broadcast %reduce_or3A_200 : f32 to vector<16xf32>
          %reduce_or3A_203 = arith.select %and3A_195, %reduce_or3A_201, %reduce_or3A_202 : vector<16xi1>, vector<16xf32>
          %reduce_or3A_204 = arith.constant true
          %reduce_or3A_205 = vector.broadcast %reduce_or3A_204 : i1 to vector<16xi1>
          %reduce_or3A_206 = tpu.scan <max>, %reduce_or3A_203 masked %reduce_or3A_205 : vector<16xf32>, vector<16xi1> -> vector<16xf32>
          %reduce_or3A_207 = vector.extract %reduce_or3A_206[15] : f32 from vector<16xf32>
          %reduce_or3A_208 = arith.constant 0.000000e+00 : f32
          %reduce_or3A_209 = arith.cmpf ogt, %reduce_or3A_207, %reduce_or3A_208 : f32
          %reduce_or3A_210 = arith.constant 1.000000e+00 : f32
          %reduce_or3A_211 = arith.constant 0.000000e+00 : f32
          %reduce_or3A_212 = vector.broadcast %reduce_or3A_210 : f32 to vector<16xf32>
          %reduce_or3A_213 = vector.broadcast %reduce_or3A_211 : f32 to vector<16xf32>
          %reduce_or3A_214 = arith.select %and3A_198, %reduce_or3A_212, %reduce_or3A_213 : vector<16xi1>, vector<16xf32>
          %reduce_or3A_215 = arith.constant true
          %reduce_or3A_216 = vector.broadcast %reduce_or3A_215 : i1 to vector<16xi1>
          %reduce_or3A_217 = tpu.scan <max>, %reduce_or3A_214 masked %reduce_or3A_216 : vector<16xf32>, vector<16xi1> -> vector<16xf32>
          %reduce_or3A_218 = vector.extract %reduce_or3A_217[15] : f32 from vector<16xf32>
          %reduce_or3A_219 = arith.constant 0.000000e+00 : f32
          %reduce_or3A_220 = arith.cmpf ogt, %reduce_or3A_218, %reduce_or3A_219 : f32
          %or3A_221 = arith.ori %reduce_or3A_209, %reduce_or3A_220 : i1
          %convert_element_type3A_222 = arith.extui %or3A_221 : i1 to i32
          %cond3A_223 = arith.constant 0 : i32
          %cond3A_224 = arith.cmpi ne, %convert_element_type3A_222, %cond3A_223 : i32
          scf.if %cond3A_224 {
            %eq3A_226 = arith.cmpi eq, %add3A_192, %mul3A_12 : i32
            %eq3A_227 = arith.cmpi eq, %broadcast_in_dim3A_193, %sub3A_45 : vector<16xi32>
            %eq3A_228 = arith.cmpi eq, %broadcast_in_dim3A_193, %add3A_69 : vector<16xi32>
            %or3A_229 = arith.ori %eq3A_227, %eq3A_228 : vector<16xi1>
            %eq3A_230 = arith.cmpi eq, %broadcast_in_dim3A_193, %select_n3A_95 : vector<16xi32>
            %or3A_231 = arith.ori %or3A_229, %eq3A_230 : vector<16xi1>
            %eq3A_232 = arith.cmpi eq, %broadcast_in_dim3A_193, %select_n3A_121 : vector<16xi32>
            %or3A_233 = arith.ori %or3A_231, %eq3A_232 : vector<16xi1>
            %reduce_or3A_234 = arith.constant 1.000000e+00 : f32
            %reduce_or3A_235 = arith.constant 0.000000e+00 : f32
            %reduce_or3A_236 = vector.broadcast %reduce_or3A_234 : f32 to vector<16xf32>
            %reduce_or3A_237 = vector.broadcast %reduce_or3A_235 : f32 to vector<16xf32>
            %reduce_or3A_238 = arith.select %or3A_233, %reduce_or3A_236, %reduce_or3A_237 : vector<16xi1>, vector<16xf32>
            %reduce_or3A_239 = arith.constant true
            %reduce_or3A_240 = vector.broadcast %reduce_or3A_239 : i1 to vector<16xi1>
            %reduce_or3A_241 = tpu.scan <max>, %reduce_or3A_238 masked %reduce_or3A_240 : vector<16xf32>, vector<16xi1> -> vector<16xf32>
            %reduce_or3A_242 = vector.extract %reduce_or3A_241[15] : f32 from vector<16xf32>
            %reduce_or3A_243 = arith.constant 0.000000e+00 : f32
            %reduce_or3A_244 = arith.cmpf ogt, %reduce_or3A_242, %reduce_or3A_243 : f32
            %or3A_245 = arith.ori %eq3A_226, %reduce_or3A_244 : i1
            %convert_element_type3A_246 = arith.extui %or3A_245 : i1 to i32
            %cond3A_247 = arith.constant 0 : i32
            %cond3A_248 = arith.cmpi ne, %convert_element_type3A_246, %cond3A_247 : i32
            scf.if %cond3A_248 {
              %jit3A_476 = arith.constant 0 : i32
              %broadcast_in_dim3A_477 = vector.broadcast %jit3A_476 : i32 to vector<16xi32>
              %select_n3A_478 = arith.select %and3A_195, %sub3A, %broadcast_in_dim3A_477 : vector<16xi1>, vector<16xi32>
              %jit3A_479 = arith.constant 0 : i32
              %broadcast_in_dim3A_480 = vector.broadcast %jit3A_479 : i32 to vector<16xi32>
              %select_n3A_481 = arith.select %and3A_198, %select_n3A_82, %broadcast_in_dim3A_480 : vector<16xi1>, vector<16xi32>
              %jit3A_482 = arith.constant 0 : i32
              %broadcast_in_dim3A_483 = vector.broadcast %jit3A_482 : i32 to vector<16xi32>
              %select_n3A_484 = arith.select %and3A_195, %add3A_57, %broadcast_in_dim3A_483 : vector<16xi1>, vector<16xi32>
              %jit3A_485 = arith.constant 0 : i32
              %broadcast_in_dim3A_486 = vector.broadcast %jit3A_485 : i32 to vector<16xi32>
              %select_n3A_487 = arith.select %and3A_198, %select_n3A_108, %broadcast_in_dim3A_486 : vector<16xi1>, vector<16xi32>
              %slice3A = vector.extract_strided_slice %select_n3A_478 {offsets = [0], sizes = [1], strides = [1]} : vector<16xi32> to vector<1xi32>
              %squeeze3A = vector.extract %slice3A[0] : i32 from vector<1xi32>
              %slice3A_488 = vector.extract_strided_slice %select_n3A_484 {offsets = [0], sizes = [1], strides = [1]} : vector<16xi32> to vector<1xi32>
              %squeeze3A_489 = vector.extract %slice3A_488[0] : i32 from vector<1xi32>
              %slice3A_490 = vector.extract_strided_slice %select_n3A_478 {offsets = [1], sizes = [1], strides = [1]} : vector<16xi32> to vector<1xi32>
              %squeeze3A_491 = vector.extract %slice3A_490[0] : i32 from vector<1xi32>
              %slice3A_492 = vector.extract_strided_slice %select_n3A_484 {offsets = [1], sizes = [1], strides = [1]} : vector<16xi32> to vector<1xi32>
              %squeeze3A_493 = vector.extract %slice3A_492[0] : i32 from vector<1xi32>
              %slice3A_494 = vector.extract_strided_slice %select_n3A_478 {offsets = [2], sizes = [1], strides = [1]} : vector<16xi32> to vector<1xi32>
              %squeeze3A_495 = vector.extract %slice3A_494[0] : i32 from vector<1xi32>
              %slice3A_496 = vector.extract_strided_slice %select_n3A_484 {offsets = [2], sizes = [1], strides = [1]} : vector<16xi32> to vector<1xi32>
              %squeeze3A_497 = vector.extract %slice3A_496[0] : i32 from vector<1xi32>
              %slice3A_498 = vector.extract_strided_slice %select_n3A_478 {offsets = [3], sizes = [1], strides = [1]} : vector<16xi32> to vector<1xi32>
              %squeeze3A_499 = vector.extract %slice3A_498[0] : i32 from vector<1xi32>
              %slice3A_500 = vector.extract_strided_slice %select_n3A_484 {offsets = [3], sizes = [1], strides = [1]} : vector<16xi32> to vector<1xi32>
              %squeeze3A_501 = vector.extract %slice3A_500[0] : i32 from vector<1xi32>
              %slice3A_502 = vector.extract_strided_slice %select_n3A_478 {offsets = [4], sizes = [1], strides = [1]} : vector<16xi32> to vector<1xi32>
              %squeeze3A_503 = vector.extract %slice3A_502[0] : i32 from vector<1xi32>
              %slice3A_504 = vector.extract_strided_slice %select_n3A_484 {offsets = [4], sizes = [1], strides = [1]} : vector<16xi32> to vector<1xi32>
              %squeeze3A_505 = vector.extract %slice3A_504[0] : i32 from vector<1xi32>
              %slice3A_506 = vector.extract_strided_slice %select_n3A_478 {offsets = [5], sizes = [1], strides = [1]} : vector<16xi32> to vector<1xi32>
              %squeeze3A_507 = vector.extract %slice3A_506[0] : i32 from vector<1xi32>
              %slice3A_508 = vector.extract_strided_slice %select_n3A_484 {offsets = [5], sizes = [1], strides = [1]} : vector<16xi32> to vector<1xi32>
              %squeeze3A_509 = vector.extract %slice3A_508[0] : i32 from vector<1xi32>
              %slice3A_510 = vector.extract_strided_slice %select_n3A_478 {offsets = [6], sizes = [1], strides = [1]} : vector<16xi32> to vector<1xi32>
              %squeeze3A_511 = vector.extract %slice3A_510[0] : i32 from vector<1xi32>
              %slice3A_512 = vector.extract_strided_slice %select_n3A_484 {offsets = [6], sizes = [1], strides = [1]} : vector<16xi32> to vector<1xi32>
              %squeeze3A_513 = vector.extract %slice3A_512[0] : i32 from vector<1xi32>
              %slice3A_514 = vector.extract_strided_slice %select_n3A_478 {offsets = [7], sizes = [1], strides = [1]} : vector<16xi32> to vector<1xi32>
              %squeeze3A_515 = vector.extract %slice3A_514[0] : i32 from vector<1xi32>
              %slice3A_516 = vector.extract_strided_slice %select_n3A_484 {offsets = [7], sizes = [1], strides = [1]} : vector<16xi32> to vector<1xi32>
              %squeeze3A_517 = vector.extract %slice3A_516[0] : i32 from vector<1xi32>
              %slice3A_518 = vector.extract_strided_slice %select_n3A_478 {offsets = [8], sizes = [1], strides = [1]} : vector<16xi32> to vector<1xi32>
              %squeeze3A_519 = vector.extract %slice3A_518[0] : i32 from vector<1xi32>
              %slice3A_520 = vector.extract_strided_slice %select_n3A_484 {offsets = [8], sizes = [1], strides = [1]} : vector<16xi32> to vector<1xi32>
              %squeeze3A_521 = vector.extract %slice3A_520[0] : i32 from vector<1xi32>
              %slice3A_522 = vector.extract_strided_slice %select_n3A_478 {offsets = [9], sizes = [1], strides = [1]} : vector<16xi32> to vector<1xi32>
              %squeeze3A_523 = vector.extract %slice3A_522[0] : i32 from vector<1xi32>
              %slice3A_524 = vector.extract_strided_slice %select_n3A_484 {offsets = [9], sizes = [1], strides = [1]} : vector<16xi32> to vector<1xi32>
              %squeeze3A_525 = vector.extract %slice3A_524[0] : i32 from vector<1xi32>
              %slice3A_526 = vector.extract_strided_slice %select_n3A_478 {offsets = [10], sizes = [1], strides = [1]} : vector<16xi32> to vector<1xi32>
              %squeeze3A_527 = vector.extract %slice3A_526[0] : i32 from vector<1xi32>
              %slice3A_528 = vector.extract_strided_slice %select_n3A_484 {offsets = [10], sizes = [1], strides = [1]} : vector<16xi32> to vector<1xi32>
              %squeeze3A_529 = vector.extract %slice3A_528[0] : i32 from vector<1xi32>
              %slice3A_530 = vector.extract_strided_slice %select_n3A_478 {offsets = [11], sizes = [1], strides = [1]} : vector<16xi32> to vector<1xi32>
              %squeeze3A_531 = vector.extract %slice3A_530[0] : i32 from vector<1xi32>
              %slice3A_532 = vector.extract_strided_slice %select_n3A_484 {offsets = [11], sizes = [1], strides = [1]} : vector<16xi32> to vector<1xi32>
              %squeeze3A_533 = vector.extract %slice3A_532[0] : i32 from vector<1xi32>
              %slice3A_534 = vector.extract_strided_slice %select_n3A_478 {offsets = [12], sizes = [1], strides = [1]} : vector<16xi32> to vector<1xi32>
              %squeeze3A_535 = vector.extract %slice3A_534[0] : i32 from vector<1xi32>
              %slice3A_536 = vector.extract_strided_slice %select_n3A_484 {offsets = [12], sizes = [1], strides = [1]} : vector<16xi32> to vector<1xi32>
              %squeeze3A_537 = vector.extract %slice3A_536[0] : i32 from vector<1xi32>
              %slice3A_538 = vector.extract_strided_slice %select_n3A_478 {offsets = [13], sizes = [1], strides = [1]} : vector<16xi32> to vector<1xi32>
              %squeeze3A_539 = vector.extract %slice3A_538[0] : i32 from vector<1xi32>
              %slice3A_540 = vector.extract_strided_slice %select_n3A_484 {offsets = [13], sizes = [1], strides = [1]} : vector<16xi32> to vector<1xi32>
              %squeeze3A_541 = vector.extract %slice3A_540[0] : i32 from vector<1xi32>
              %slice3A_542 = vector.extract_strided_slice %select_n3A_478 {offsets = [14], sizes = [1], strides = [1]} : vector<16xi32> to vector<1xi32>
              %squeeze3A_543 = vector.extract %slice3A_542[0] : i32 from vector<1xi32>
              %slice3A_544 = vector.extract_strided_slice %select_n3A_484 {offsets = [14], sizes = [1], strides = [1]} : vector<16xi32> to vector<1xi32>
              %squeeze3A_545 = vector.extract %slice3A_544[0] : i32 from vector<1xi32>
              %slice3A_546 = vector.extract_strided_slice %select_n3A_478 {offsets = [15], sizes = [1], strides = [1]} : vector<16xi32> to vector<1xi32>
              %squeeze3A_547 = vector.extract %slice3A_546[0] : i32 from vector<1xi32>
              %slice3A_548 = vector.extract_strided_slice %select_n3A_484 {offsets = [15], sizes = [1], strides = [1]} : vector<16xi32> to vector<1xi32>
              %squeeze3A_549 = vector.extract %slice3A_548[0] : i32 from vector<1xi32>
              %slice3A_550 = vector.extract_strided_slice %select_n3A_481 {offsets = [0], sizes = [1], strides = [1]} : vector<16xi32> to vector<1xi32>
              %squeeze3A_551 = vector.extract %slice3A_550[0] : i32 from vector<1xi32>
              %slice3A_552 = vector.extract_strided_slice %select_n3A_487 {offsets = [0], sizes = [1], strides = [1]} : vector<16xi32> to vector<1xi32>
              %squeeze3A_553 = vector.extract %slice3A_552[0] : i32 from vector<1xi32>
              %slice3A_554 = vector.extract_strided_slice %select_n3A_481 {offsets = [1], sizes = [1], strides = [1]} : vector<16xi32> to vector<1xi32>
              %squeeze3A_555 = vector.extract %slice3A_554[0] : i32 from vector<1xi32>
              %slice3A_556 = vector.extract_strided_slice %select_n3A_487 {offsets = [1], sizes = [1], strides = [1]} : vector<16xi32> to vector<1xi32>
              %squeeze3A_557 = vector.extract %slice3A_556[0] : i32 from vector<1xi32>
              %slice3A_558 = vector.extract_strided_slice %select_n3A_481 {offsets = [2], sizes = [1], strides = [1]} : vector<16xi32> to vector<1xi32>
              %squeeze3A_559 = vector.extract %slice3A_558[0] : i32 from vector<1xi32>
              %slice3A_560 = vector.extract_strided_slice %select_n3A_487 {offsets = [2], sizes = [1], strides = [1]} : vector<16xi32> to vector<1xi32>
              %squeeze3A_561 = vector.extract %slice3A_560[0] : i32 from vector<1xi32>
              %slice3A_562 = vector.extract_strided_slice %select_n3A_481 {offsets = [3], sizes = [1], strides = [1]} : vector<16xi32> to vector<1xi32>
              %squeeze3A_563 = vector.extract %slice3A_562[0] : i32 from vector<1xi32>
              %slice3A_564 = vector.extract_strided_slice %select_n3A_487 {offsets = [3], sizes = [1], strides = [1]} : vector<16xi32> to vector<1xi32>
              %squeeze3A_565 = vector.extract %slice3A_564[0] : i32 from vector<1xi32>
              %scan3A_566 = arith.constant 0 : i32
              %scan3A_567 = arith.constant 0 : i32
              %scan3A_568 = arith.constant 32 : i32
              %scan3A_569 = arith.addi %scan3A_567, %scan3A_568 : i32
              %scan3A_570 = arith.constant 1 : i32
              %scan3A_571 = scf.for %scan3A_573 = %scan3A_567 to %scan3A_569 step %scan3A_570 iter_args(%scan3A_574 = %scan3A_566) -> (i32)  : i32 {
                %mul3A_575 = arith.constant 16 : i32
                %mul3A_576 = arith.muli %scan3A_573, %mul3A_575 : i32
                %add3A_577 = vector.broadcast %mul3A_576 : i32 to vector<16xi32>
                %add3A_578 = arith.addi %iota3A, %add3A_577 : vector<16xi32>
                %broadcast_in_dim3A_579 = arith.constant false
                %broadcast_in_dim3A_580 = vector.broadcast %broadcast_in_dim3A_579 : i1 to vector<16xi1>
                %ge3A_581 = vector.broadcast %squeeze3A : i32 to vector<16xi32>
                %ge3A_582 = arith.cmpi sge, %add3A_578, %ge3A_581 : vector<16xi32>
                %lt3A_583 = vector.broadcast %squeeze3A_489 : i32 to vector<16xi32>
                %lt3A_584 = arith.cmpi slt, %add3A_578, %lt3A_583 : vector<16xi32>
                %and3A_585 = arith.andi %ge3A_582, %lt3A_584 : vector<16xi1>
                %or3A_586 = arith.ori %broadcast_in_dim3A_580, %and3A_585 : vector<16xi1>
                %ge3A_587 = vector.broadcast %squeeze3A_491 : i32 to vector<16xi32>
                %ge3A_588 = arith.cmpi sge, %add3A_578, %ge3A_587 : vector<16xi32>
                %lt3A_589 = vector.broadcast %squeeze3A_493 : i32 to vector<16xi32>
                %lt3A_590 = arith.cmpi slt, %add3A_578, %lt3A_589 : vector<16xi32>
                %and3A_591 = arith.andi %ge3A_588, %lt3A_590 : vector<16xi1>
                %or3A_592 = arith.ori %or3A_586, %and3A_591 : vector<16xi1>
                %ge3A_593 = vector.broadcast %squeeze3A_495 : i32 to vector<16xi32>
                %ge3A_594 = arith.cmpi sge, %add3A_578, %ge3A_593 : vector<16xi32>
                %lt3A_595 = vector.broadcast %squeeze3A_497 : i32 to vector<16xi32>
                %lt3A_596 = arith.cmpi slt, %add3A_578, %lt3A_595 : vector<16xi32>
                %and3A_597 = arith.andi %ge3A_594, %lt3A_596 : vector<16xi1>
                %or3A_598 = arith.ori %or3A_592, %and3A_597 : vector<16xi1>
                %ge3A_599 = vector.broadcast %squeeze3A_499 : i32 to vector<16xi32>
                %ge3A_600 = arith.cmpi sge, %add3A_578, %ge3A_599 : vector<16xi32>
                %lt3A_601 = vector.broadcast %squeeze3A_501 : i32 to vector<16xi32>
                %lt3A_602 = arith.cmpi slt, %add3A_578, %lt3A_601 : vector<16xi32>
                %and3A_603 = arith.andi %ge3A_600, %lt3A_602 : vector<16xi1>
                %or3A_604 = arith.ori %or3A_598, %and3A_603 : vector<16xi1>
                %ge3A_605 = vector.broadcast %squeeze3A_503 : i32 to vector<16xi32>
                %ge3A_606 = arith.cmpi sge, %add3A_578, %ge3A_605 : vector<16xi32>
                %lt3A_607 = vector.broadcast %squeeze3A_505 : i32 to vector<16xi32>
                %lt3A_608 = arith.cmpi slt, %add3A_578, %lt3A_607 : vector<16xi32>
                %and3A_609 = arith.andi %ge3A_606, %lt3A_608 : vector<16xi1>
                %or3A_610 = arith.ori %or3A_604, %and3A_609 : vector<16xi1>
                %ge3A_611 = vector.broadcast %squeeze3A_507 : i32 to vector<16xi32>
                %ge3A_612 = arith.cmpi sge, %add3A_578, %ge3A_611 : vector<16xi32>
                %lt3A_613 = vector.broadcast %squeeze3A_509 : i32 to vector<16xi32>
                %lt3A_614 = arith.cmpi slt, %add3A_578, %lt3A_613 : vector<16xi32>
                %and3A_615 = arith.andi %ge3A_612, %lt3A_614 : vector<16xi1>
                %or3A_616 = arith.ori %or3A_610, %and3A_615 : vector<16xi1>
                %ge3A_617 = vector.broadcast %squeeze3A_511 : i32 to vector<16xi32>
                %ge3A_618 = arith.cmpi sge, %add3A_578, %ge3A_617 : vector<16xi32>
                %lt3A_619 = vector.broadcast %squeeze3A_513 : i32 to vector<16xi32>
                %lt3A_620 = arith.cmpi slt, %add3A_578, %lt3A_619 : vector<16xi32>
                %and3A_621 = arith.andi %ge3A_618, %lt3A_620 : vector<16xi1>
                %or3A_622 = arith.ori %or3A_616, %and3A_621 : vector<16xi1>
                %ge3A_623 = vector.broadcast %squeeze3A_515 : i32 to vector<16xi32>
                %ge3A_624 = arith.cmpi sge, %add3A_578, %ge3A_623 : vector<16xi32>
                %lt3A_625 = vector.broadcast %squeeze3A_517 : i32 to vector<16xi32>
                %lt3A_626 = arith.cmpi slt, %add3A_578, %lt3A_625 : vector<16xi32>
                %and3A_627 = arith.andi %ge3A_624, %lt3A_626 : vector<16xi1>
                %or3A_628 = arith.ori %or3A_622, %and3A_627 : vector<16xi1>
                %ge3A_629 = vector.broadcast %squeeze3A_519 : i32 to vector<16xi32>
                %ge3A_630 = arith.cmpi sge, %add3A_578, %ge3A_629 : vector<16xi32>
                %lt3A_631 = vector.broadcast %squeeze3A_521 : i32 to vector<16xi32>
                %lt3A_632 = arith.cmpi slt, %add3A_578, %lt3A_631 : vector<16xi32>
                %and3A_633 = arith.andi %ge3A_630, %lt3A_632 : vector<16xi1>
                %or3A_634 = arith.ori %or3A_628, %and3A_633 : vector<16xi1>
                %ge3A_635 = vector.broadcast %squeeze3A_523 : i32 to vector<16xi32>
                %ge3A_636 = arith.cmpi sge, %add3A_578, %ge3A_635 : vector<16xi32>
                %lt3A_637 = vector.broadcast %squeeze3A_525 : i32 to vector<16xi32>
                %lt3A_638 = arith.cmpi slt, %add3A_578, %lt3A_637 : vector<16xi32>
                %and3A_639 = arith.andi %ge3A_636, %lt3A_638 : vector<16xi1>
                %or3A_640 = arith.ori %or3A_634, %and3A_639 : vector<16xi1>
                %ge3A_641 = vector.broadcast %squeeze3A_527 : i32 to vector<16xi32>
                %ge3A_642 = arith.cmpi sge, %add3A_578, %ge3A_641 : vector<16xi32>
                %lt3A_643 = vector.broadcast %squeeze3A_529 : i32 to vector<16xi32>
                %lt3A_644 = arith.cmpi slt, %add3A_578, %lt3A_643 : vector<16xi32>
                %and3A_645 = arith.andi %ge3A_642, %lt3A_644 : vector<16xi1>
                %or3A_646 = arith.ori %or3A_640, %and3A_645 : vector<16xi1>
                %ge3A_647 = vector.broadcast %squeeze3A_531 : i32 to vector<16xi32>
                %ge3A_648 = arith.cmpi sge, %add3A_578, %ge3A_647 : vector<16xi32>
                %lt3A_649 = vector.broadcast %squeeze3A_533 : i32 to vector<16xi32>
                %lt3A_650 = arith.cmpi slt, %add3A_578, %lt3A_649 : vector<16xi32>
                %and3A_651 = arith.andi %ge3A_648, %lt3A_650 : vector<16xi1>
                %or3A_652 = arith.ori %or3A_646, %and3A_651 : vector<16xi1>
                %ge3A_653 = vector.broadcast %squeeze3A_535 : i32 to vector<16xi32>
                %ge3A_654 = arith.cmpi sge, %add3A_578, %ge3A_653 : vector<16xi32>
                %lt3A_655 = vector.broadcast %squeeze3A_537 : i32 to vector<16xi32>
                %lt3A_656 = arith.cmpi slt, %add3A_578, %lt3A_655 : vector<16xi32>
                %and3A_657 = arith.andi %ge3A_654, %lt3A_656 : vector<16xi1>
                %or3A_658 = arith.ori %or3A_652, %and3A_657 : vector<16xi1>
                %ge3A_659 = vector.broadcast %squeeze3A_539 : i32 to vector<16xi32>
                %ge3A_660 = arith.cmpi sge, %add3A_578, %ge3A_659 : vector<16xi32>
                %lt3A_661 = vector.broadcast %squeeze3A_541 : i32 to vector<16xi32>
                %lt3A_662 = arith.cmpi slt, %add3A_578, %lt3A_661 : vector<16xi32>
                %and3A_663 = arith.andi %ge3A_660, %lt3A_662 : vector<16xi1>
                %or3A_664 = arith.ori %or3A_658, %and3A_663 : vector<16xi1>
                %ge3A_665 = vector.broadcast %squeeze3A_543 : i32 to vector<16xi32>
                %ge3A_666 = arith.cmpi sge, %add3A_578, %ge3A_665 : vector<16xi32>
                %lt3A_667 = vector.broadcast %squeeze3A_545 : i32 to vector<16xi32>
                %lt3A_668 = arith.cmpi slt, %add3A_578, %lt3A_667 : vector<16xi32>
                %and3A_669 = arith.andi %ge3A_666, %lt3A_668 : vector<16xi1>
                %or3A_670 = arith.ori %or3A_664, %and3A_669 : vector<16xi1>
                %ge3A_671 = vector.broadcast %squeeze3A_547 : i32 to vector<16xi32>
                %ge3A_672 = arith.cmpi sge, %add3A_578, %ge3A_671 : vector<16xi32>
                %lt3A_673 = vector.broadcast %squeeze3A_549 : i32 to vector<16xi32>
                %lt3A_674 = arith.cmpi slt, %add3A_578, %lt3A_673 : vector<16xi32>
                %and3A_675 = arith.andi %ge3A_672, %lt3A_674 : vector<16xi1>
                %or3A_676 = arith.ori %or3A_670, %and3A_675 : vector<16xi1>
                %ge3A_677 = vector.broadcast %squeeze3A_551 : i32 to vector<16xi32>
                %ge3A_678 = arith.cmpi sge, %add3A_578, %ge3A_677 : vector<16xi32>
                %lt3A_679 = vector.broadcast %squeeze3A_553 : i32 to vector<16xi32>
                %lt3A_680 = arith.cmpi slt, %add3A_578, %lt3A_679 : vector<16xi32>
                %and3A_681 = arith.andi %ge3A_678, %lt3A_680 : vector<16xi1>
                %or3A_682 = arith.ori %or3A_676, %and3A_681 : vector<16xi1>
                %ge3A_683 = vector.broadcast %squeeze3A_555 : i32 to vector<16xi32>
                %ge3A_684 = arith.cmpi sge, %add3A_578, %ge3A_683 : vector<16xi32>
                %lt3A_685 = vector.broadcast %squeeze3A_557 : i32 to vector<16xi32>
                %lt3A_686 = arith.cmpi slt, %add3A_578, %lt3A_685 : vector<16xi32>
                %and3A_687 = arith.andi %ge3A_684, %lt3A_686 : vector<16xi1>
                %or3A_688 = arith.ori %or3A_682, %and3A_687 : vector<16xi1>
                %ge3A_689 = vector.broadcast %squeeze3A_559 : i32 to vector<16xi32>
                %ge3A_690 = arith.cmpi sge, %add3A_578, %ge3A_689 : vector<16xi32>
                %lt3A_691 = vector.broadcast %squeeze3A_561 : i32 to vector<16xi32>
                %lt3A_692 = arith.cmpi slt, %add3A_578, %lt3A_691 : vector<16xi32>
                %and3A_693 = arith.andi %ge3A_690, %lt3A_692 : vector<16xi1>
                %or3A_694 = arith.ori %or3A_688, %and3A_693 : vector<16xi1>
                %ge3A_695 = vector.broadcast %squeeze3A_563 : i32 to vector<16xi32>
                %ge3A_696 = arith.cmpi sge, %add3A_578, %ge3A_695 : vector<16xi32>
                %lt3A_697 = vector.broadcast %squeeze3A_565 : i32 to vector<16xi32>
                %lt3A_698 = arith.cmpi slt, %add3A_578, %lt3A_697 : vector<16xi32>
                %and3A_699 = arith.andi %ge3A_696, %lt3A_698 : vector<16xi1>
                %or3A_700 = arith.ori %or3A_694, %and3A_699 : vector<16xi1>
                %jit3A_701 = arith.constant 1.200000e+01 : f32
                %jit3A_702 = arith.constant 0.000000e+00 : f32
                %broadcast_in_dim3A_703 = vector.broadcast %jit3A_701 : f32 to vector<16xf32>
                %broadcast_in_dim3A_704 = vector.broadcast %jit3A_702 : f32 to vector<16xf32>
                %select_n3A_705 = arith.select %or3A_700, %broadcast_in_dim3A_703, %broadcast_in_dim3A_704 : vector<16xi1>, vector<16xf32>
                %mul3A_706 = arith.constant 16 : i32
                %mul3A_707 = arith.muli %scan3A_573, %mul3A_706 : i32
                %swap3A_708 = arith.index_cast %mul3A_707 : i32 to index
                %swap3A_709 = tpu.vector_load %arg7[%swap3A_708] {strides = array<i32>} : memref<512xf32, #tpu.memory_space<vmem>>, vector<16xf32>,
                tpu.vector_store %arg7[%swap3A_708], %select_n3A_705 {strides = array<i32>} : memref<512xf32, #tpu.memory_space<vmem>>, vector<16xf32>,
                %scan3A_710 = arith.constant 0 : i32
                scf.yield %scan3A_710 : i32
              }
              %scan3A_572 = arith.constant 32 : i32
            } else {
            }
            %get3A = arith.index_cast %scan3A_190 : i32 to index
            %get3A_249 = arith.constant 0 : index
            %get3A_250 = tpu.vector_load %arg6[%get3A, %get3A_249] {strides = array<i32>} : memref<16x512xf32, #tpu.memory_space<vmem>>, vector<16xf32>,
            %get3A_251 = arith.constant 0 : index
            %get3A_252 = tpu.vector_load %arg7[%get3A_251] {strides = array<i32>} : memref<512xf32, #tpu.memory_space<vmem>>, vector<16xf32>,
            %mul3A_253 = arith.mulf %get3A_250, %get3A_252 : vector<16xf32>
            %get3A_254 = arith.index_cast %scan3A_190 : i32 to index
            %get3A_255 = arith.constant 16 : index
            %get3A_256 = tpu.vector_load %arg6[%get3A_254, %get3A_255] {strides = array<i32>} : memref<16x512xf32, #tpu.memory_space<vmem>>, vector<16xf32>,
            %get3A_257 = arith.constant 16 : index
            %get3A_258 = tpu.vector_load %arg7[%get3A_257] {strides = array<i32>} : memref<512xf32, #tpu.memory_space<vmem>>, vector<16xf32>,
            %mul3A_259 = arith.mulf %get3A_256, %get3A_258 : vector<16xf32>
            %get3A_260 = arith.index_cast %scan3A_190 : i32 to index
            %get3A_261 = arith.constant 32 : index
            %get3A_262 = tpu.vector_load %arg6[%get3A_260, %get3A_261] {strides = array<i32>} : memref<16x512xf32, #tpu.memory_space<vmem>>, vector<16xf32>,
            %get3A_263 = arith.constant 32 : index
            %get3A_264 = tpu.vector_load %arg7[%get3A_263] {strides = array<i32>} : memref<512xf32, #tpu.memory_space<vmem>>, vector<16xf32>,
            %mul3A_265 = arith.mulf %get3A_262, %get3A_264 : vector<16xf32>
            %get3A_266 = arith.index_cast %scan3A_190 : i32 to index
            %get3A_267 = arith.constant 48 : index
            %get3A_268 = tpu.vector_load %arg6[%get3A_266, %get3A_267] {strides = array<i32>} : memref<16x512xf32, #tpu.memory_space<vmem>>, vector<16xf32>,
            %get3A_269 = arith.constant 48 : index
            %get3A_270 = tpu.vector_load %arg7[%get3A_269] {strides = array<i32>} : memref<512xf32, #tpu.memory_space<vmem>>, vector<16xf32>,
            %mul3A_271 = arith.mulf %get3A_268, %get3A_270 : vector<16xf32>
            %get3A_272 = arith.index_cast %scan3A_190 : i32 to index
            %get3A_273 = arith.constant 64 : index
            %get3A_274 = tpu.vector_load %arg6[%get3A_272, %get3A_273] {strides = array<i32>} : memref<16x512xf32, #tpu.memory_space<vmem>>, vector<16xf32>,
            %get3A_275 = arith.constant 64 : index
            %get3A_276 = tpu.vector_load %arg7[%get3A_275] {strides = array<i32>} : memref<512xf32, #tpu.memory_space<vmem>>, vector<16xf32>,
            %mul3A_277 = arith.mulf %get3A_274, %get3A_276 : vector<16xf32>
            %get3A_278 = arith.index_cast %scan3A_190 : i32 to index
            %get3A_279 = arith.constant 80 : index
            %get3A_280 = tpu.vector_load %arg6[%get3A_278, %get3A_279] {strides = array<i32>} : memref<16x512xf32, #tpu.memory_space<vmem>>, vector<16xf32>,
            %get3A_281 = arith.constant 80 : index
            %get3A_282 = tpu.vector_load %arg7[%get3A_281] {strides = array<i32>} : memref<512xf32, #tpu.memory_space<vmem>>, vector<16xf32>,
            %mul3A_283 = arith.mulf %get3A_280, %get3A_282 : vector<16xf32>
            %get3A_284 = arith.index_cast %scan3A_190 : i32 to index
            %get3A_285 = arith.constant 96 : index
            %get3A_286 = tpu.vector_load %arg6[%get3A_284, %get3A_285] {strides = array<i32>} : memref<16x512xf32, #tpu.memory_space<vmem>>, vector<16xf32>,
            %get3A_287 = arith.constant 96 : index
            %get3A_288 = tpu.vector_load %arg7[%get3A_287] {strides = array<i32>} : memref<512xf32, #tpu.memory_space<vmem>>, vector<16xf32>,
            %mul3A_289 = arith.mulf %get3A_286, %get3A_288 : vector<16xf32>
            %get3A_290 = arith.index_cast %scan3A_190 : i32 to index
            %get3A_291 = arith.constant 112 : index
            %get3A_292 = tpu.vector_load %arg6[%get3A_290, %get3A_291] {strides = array<i32>} : memref<16x512xf32, #tpu.memory_space<vmem>>, vector<16xf32>,
            %get3A_293 = arith.constant 112 : index
            %get3A_294 = tpu.vector_load %arg7[%get3A_293] {strides = array<i32>} : memref<512xf32, #tpu.memory_space<vmem>>, vector<16xf32>,
            %mul3A_295 = arith.mulf %get3A_292, %get3A_294 : vector<16xf32>
            %get3A_296 = arith.index_cast %scan3A_190 : i32 to index
            %get3A_297 = arith.constant 128 : index
            %get3A_298 = tpu.vector_load %arg6[%get3A_296, %get3A_297] {strides = array<i32>} : memref<16x512xf32, #tpu.memory_space<vmem>>, vector<16xf32>,
            %get3A_299 = arith.constant 128 : index
            %get3A_300 = tpu.vector_load %arg7[%get3A_299] {strides = array<i32>} : memref<512xf32, #tpu.memory_space<vmem>>, vector<16xf32>,
            %mul3A_301 = arith.mulf %get3A_298, %get3A_300 : vector<16xf32>
            %get3A_302 = arith.index_cast %scan3A_190 : i32 to index
            %get3A_303 = arith.constant 144 : index
            %get3A_304 = tpu.vector_load %arg6[%get3A_302, %get3A_303] {strides = array<i32>} : memref<16x512xf32, #tpu.memory_space<vmem>>, vector<16xf32>,
            %get3A_305 = arith.constant 144 : index
            %get3A_306 = tpu.vector_load %arg7[%get3A_305] {strides = array<i32>} : memref<512xf32, #tpu.memory_space<vmem>>, vector<16xf32>,
            %mul3A_307 = arith.mulf %get3A_304, %get3A_306 : vector<16xf32>
            %get3A_308 = arith.index_cast %scan3A_190 : i32 to index
            %get3A_309 = arith.constant 160 : index
            %get3A_310 = tpu.vector_load %arg6[%get3A_308, %get3A_309] {strides = array<i32>} : memref<16x512xf32, #tpu.memory_space<vmem>>, vector<16xf32>,
            %get3A_311 = arith.constant 160 : index
            %get3A_312 = tpu.vector_load %arg7[%get3A_311] {strides = array<i32>} : memref<512xf32, #tpu.memory_space<vmem>>, vector<16xf32>,
            %mul3A_313 = arith.mulf %get3A_310, %get3A_312 : vector<16xf32>
            %get3A_314 = arith.index_cast %scan3A_190 : i32 to index
            %get3A_315 = arith.constant 176 : index
            %get3A_316 = tpu.vector_load %arg6[%get3A_314, %get3A_315] {strides = array<i32>} : memref<16x512xf32, #tpu.memory_space<vmem>>, vector<16xf32>,
            %get3A_317 = arith.constant 176 : index
            %get3A_318 = tpu.vector_load %arg7[%get3A_317] {strides = array<i32>} : memref<512xf32, #tpu.memory_space<vmem>>, vector<16xf32>,
            %mul3A_319 = arith.mulf %get3A_316, %get3A_318 : vector<16xf32>
            %get3A_320 = arith.index_cast %scan3A_190 : i32 to index
            %get3A_321 = arith.constant 192 : index
            %get3A_322 = tpu.vector_load %arg6[%get3A_320, %get3A_321] {strides = array<i32>} : memref<16x512xf32, #tpu.memory_space<vmem>>, vector<16xf32>,
            %get3A_323 = arith.constant 192 : index
            %get3A_324 = tpu.vector_load %arg7[%get3A_323] {strides = array<i32>} : memref<512xf32, #tpu.memory_space<vmem>>, vector<16xf32>,
            %mul3A_325 = arith.mulf %get3A_322, %get3A_324 : vector<16xf32>
            %get3A_326 = arith.index_cast %scan3A_190 : i32 to index
            %get3A_327 = arith.constant 208 : index
            %get3A_328 = tpu.vector_load %arg6[%get3A_326, %get3A_327] {strides = array<i32>} : memref<16x512xf32, #tpu.memory_space<vmem>>, vector<16xf32>,
            %get3A_329 = arith.constant 208 : index
            %get3A_330 = tpu.vector_load %arg7[%get3A_329] {strides = array<i32>} : memref<512xf32, #tpu.memory_space<vmem>>, vector<16xf32>,
            %mul3A_331 = arith.mulf %get3A_328, %get3A_330 : vector<16xf32>
            %get3A_332 = arith.index_cast %scan3A_190 : i32 to index
            %get3A_333 = arith.constant 224 : index
            %get3A_334 = tpu.vector_load %arg6[%get3A_332, %get3A_333] {strides = array<i32>} : memref<16x512xf32, #tpu.memory_space<vmem>>, vector<16xf32>,
            %get3A_335 = arith.constant 224 : index
            %get3A_336 = tpu.vector_load %arg7[%get3A_335] {strides = array<i32>} : memref<512xf32, #tpu.memory_space<vmem>>, vector<16xf32>,
            %mul3A_337 = arith.mulf %get3A_334, %get3A_336 : vector<16xf32>
            %get3A_338 = arith.index_cast %scan3A_190 : i32 to index
            %get3A_339 = arith.constant 240 : index
            %get3A_340 = tpu.vector_load %arg6[%get3A_338, %get3A_339] {strides = array<i32>} : memref<16x512xf32, #tpu.memory_space<vmem>>, vector<16xf32>,
            %get3A_341 = arith.constant 240 : index
            %get3A_342 = tpu.vector_load %arg7[%get3A_341] {strides = array<i32>} : memref<512xf32, #tpu.memory_space<vmem>>, vector<16xf32>,
            %mul3A_343 = arith.mulf %get3A_340, %get3A_342 : vector<16xf32>
            %get3A_344 = arith.index_cast %scan3A_190 : i32 to index
            %get3A_345 = arith.constant 256 : index
            %get3A_346 = tpu.vector_load %arg6[%get3A_344, %get3A_345] {strides = array<i32>} : memref<16x512xf32, #tpu.memory_space<vmem>>, vector<16xf32>,
            %get3A_347 = arith.constant 256 : index
            %get3A_348 = tpu.vector_load %arg7[%get3A_347] {strides = array<i32>} : memref<512xf32, #tpu.memory_space<vmem>>, vector<16xf32>,
            %mul3A_349 = arith.mulf %get3A_346, %get3A_348 : vector<16xf32>
            %get3A_350 = arith.index_cast %scan3A_190 : i32 to index
            %get3A_351 = arith.constant 272 : index
            %get3A_352 = tpu.vector_load %arg6[%get3A_350, %get3A_351] {strides = array<i32>} : memref<16x512xf32, #tpu.memory_space<vmem>>, vector<16xf32>,
            %get3A_353 = arith.constant 272 : index
            %get3A_354 = tpu.vector_load %arg7[%get3A_353] {strides = array<i32>} : memref<512xf32, #tpu.memory_space<vmem>>, vector<16xf32>,
            %mul3A_355 = arith.mulf %get3A_352, %get3A_354 : vector<16xf32>
            %get3A_356 = arith.index_cast %scan3A_190 : i32 to index
            %get3A_357 = arith.constant 288 : index
            %get3A_358 = tpu.vector_load %arg6[%get3A_356, %get3A_357] {strides = array<i32>} : memref<16x512xf32, #tpu.memory_space<vmem>>, vector<16xf32>,
            %get3A_359 = arith.constant 288 : index
            %get3A_360 = tpu.vector_load %arg7[%get3A_359] {strides = array<i32>} : memref<512xf32, #tpu.memory_space<vmem>>, vector<16xf32>,
            %mul3A_361 = arith.mulf %get3A_358, %get3A_360 : vector<16xf32>
            %get3A_362 = arith.index_cast %scan3A_190 : i32 to index
            %get3A_363 = arith.constant 304 : index
            %get3A_364 = tpu.vector_load %arg6[%get3A_362, %get3A_363] {strides = array<i32>} : memref<16x512xf32, #tpu.memory_space<vmem>>, vector<16xf32>,
            %get3A_365 = arith.constant 304 : index
            %get3A_366 = tpu.vector_load %arg7[%get3A_365] {strides = array<i32>} : memref<512xf32, #tpu.memory_space<vmem>>, vector<16xf32>,
            %mul3A_367 = arith.mulf %get3A_364, %get3A_366 : vector<16xf32>
            %get3A_368 = arith.index_cast %scan3A_190 : i32 to index
            %get3A_369 = arith.constant 320 : index
            %get3A_370 = tpu.vector_load %arg6[%get3A_368, %get3A_369] {strides = array<i32>} : memref<16x512xf32, #tpu.memory_space<vmem>>, vector<16xf32>,
            %get3A_371 = arith.constant 320 : index
            %get3A_372 = tpu.vector_load %arg7[%get3A_371] {strides = array<i32>} : memref<512xf32, #tpu.memory_space<vmem>>, vector<16xf32>,
            %mul3A_373 = arith.mulf %get3A_370, %get3A_372 : vector<16xf32>
            %get3A_374 = arith.index_cast %scan3A_190 : i32 to index
            %get3A_375 = arith.constant 336 : index
            %get3A_376 = tpu.vector_load %arg6[%get3A_374, %get3A_375] {strides = array<i32>} : memref<16x512xf32, #tpu.memory_space<vmem>>, vector<16xf32>,
            %get3A_377 = arith.constant 336 : index
            %get3A_378 = tpu.vector_load %arg7[%get3A_377] {strides = array<i32>} : memref<512xf32, #tpu.memory_space<vmem>>, vector<16xf32>,
            %mul3A_379 = arith.mulf %get3A_376, %get3A_378 : vector<16xf32>
            %get3A_380 = arith.index_cast %scan3A_190 : i32 to index
            %get3A_381 = arith.constant 352 : index
            %get3A_382 = tpu.vector_load %arg6[%get3A_380, %get3A_381] {strides = array<i32>} : memref<16x512xf32, #tpu.memory_space<vmem>>, vector<16xf32>,
            %get3A_383 = arith.constant 352 : index
            %get3A_384 = tpu.vector_load %arg7[%get3A_383] {strides = array<i32>} : memref<512xf32, #tpu.memory_space<vmem>>, vector<16xf32>,
            %mul3A_385 = arith.mulf %get3A_382, %get3A_384 : vector<16xf32>
            %get3A_386 = arith.index_cast %scan3A_190 : i32 to index
            %get3A_387 = arith.constant 368 : index
            %get3A_388 = tpu.vector_load %arg6[%get3A_386, %get3A_387] {strides = array<i32>} : memref<16x512xf32, #tpu.memory_space<vmem>>, vector<16xf32>,
            %get3A_389 = arith.constant 368 : index
            %get3A_390 = tpu.vector_load %arg7[%get3A_389] {strides = array<i32>} : memref<512xf32, #tpu.memory_space<vmem>>, vector<16xf32>,
            %mul3A_391 = arith.mulf %get3A_388, %get3A_390 : vector<16xf32>
            %get3A_392 = arith.index_cast %scan3A_190 : i32 to index
            %get3A_393 = arith.constant 384 : index
            %get3A_394 = tpu.vector_load %arg6[%get3A_392, %get3A_393] {strides = array<i32>} : memref<16x512xf32, #tpu.memory_space<vmem>>, vector<16xf32>,
            %get3A_395 = arith.constant 384 : index
            %get3A_396 = tpu.vector_load %arg7[%get3A_395] {strides = array<i32>} : memref<512xf32, #tpu.memory_space<vmem>>, vector<16xf32>,
            %mul3A_397 = arith.mulf %get3A_394, %get3A_396 : vector<16xf32>
            %get3A_398 = arith.index_cast %scan3A_190 : i32 to index
            %get3A_399 = arith.constant 400 : index
            %get3A_400 = tpu.vector_load %arg6[%get3A_398, %get3A_399] {strides = array<i32>} : memref<16x512xf32, #tpu.memory_space<vmem>>, vector<16xf32>,
            %get3A_401 = arith.constant 400 : index
            %get3A_402 = tpu.vector_load %arg7[%get3A_401] {strides = array<i32>} : memref<512xf32, #tpu.memory_space<vmem>>, vector<16xf32>,
            %mul3A_403 = arith.mulf %get3A_400, %get3A_402 : vector<16xf32>
            %get3A_404 = arith.index_cast %scan3A_190 : i32 to index
            %get3A_405 = arith.constant 416 : index
            %get3A_406 = tpu.vector_load %arg6[%get3A_404, %get3A_405] {strides = array<i32>} : memref<16x512xf32, #tpu.memory_space<vmem>>, vector<16xf32>,
            %get3A_407 = arith.constant 416 : index
            %get3A_408 = tpu.vector_load %arg7[%get3A_407] {strides = array<i32>} : memref<512xf32, #tpu.memory_space<vmem>>, vector<16xf32>,
            %mul3A_409 = arith.mulf %get3A_406, %get3A_408 : vector<16xf32>
            %get3A_410 = arith.index_cast %scan3A_190 : i32 to index
            %get3A_411 = arith.constant 432 : index
            %get3A_412 = tpu.vector_load %arg6[%get3A_410, %get3A_411] {strides = array<i32>} : memref<16x512xf32, #tpu.memory_space<vmem>>, vector<16xf32>,
            %get3A_413 = arith.constant 432 : index
            %get3A_414 = tpu.vector_load %arg7[%get3A_413] {strides = array<i32>} : memref<512xf32, #tpu.memory_space<vmem>>, vector<16xf32>,
            %mul3A_415 = arith.mulf %get3A_412, %get3A_414 : vector<16xf32>
            %get3A_416 = arith.index_cast %scan3A_190 : i32 to index
            %get3A_417 = arith.constant 448 : index
            %get3A_418 = tpu.vector_load %arg6[%get3A_416, %get3A_417] {strides = array<i32>} : memref<16x512xf32, #tpu.memory_space<vmem>>, vector<16xf32>,
            %get3A_419 = arith.constant 448 : index
            %get3A_420 = tpu.vector_load %arg7[%get3A_419] {strides = array<i32>} : memref<512xf32, #tpu.memory_space<vmem>>, vector<16xf32>,
            %mul3A_421 = arith.mulf %get3A_418, %get3A_420 : vector<16xf32>
            %get3A_422 = arith.index_cast %scan3A_190 : i32 to index
            %get3A_423 = arith.constant 464 : index
            %get3A_424 = tpu.vector_load %arg6[%get3A_422, %get3A_423] {strides = array<i32>} : memref<16x512xf32, #tpu.memory_space<vmem>>, vector<16xf32>,
            %get3A_425 = arith.constant 464 : index
            %get3A_426 = tpu.vector_load %arg7[%get3A_425] {strides = array<i32>} : memref<512xf32, #tpu.memory_space<vmem>>, vector<16xf32>,
            %mul3A_427 = arith.mulf %get3A_424, %get3A_426 : vector<16xf32>
            %get3A_428 = arith.index_cast %scan3A_190 : i32 to index
            %get3A_429 = arith.constant 480 : index
            %get3A_430 = tpu.vector_load %arg6[%get3A_428, %get3A_429] {strides = array<i32>} : memref<16x512xf32, #tpu.memory_space<vmem>>, vector<16xf32>,
            %get3A_431 = arith.constant 480 : index
            %get3A_432 = tpu.vector_load %arg7[%get3A_431] {strides = array<i32>} : memref<512xf32, #tpu.memory_space<vmem>>, vector<16xf32>,
            %mul3A_433 = arith.mulf %get3A_430, %get3A_432 : vector<16xf32>
            %get3A_434 = arith.index_cast %scan3A_190 : i32 to index
            %get3A_435 = arith.constant 496 : index
            %get3A_436 = tpu.vector_load %arg6[%get3A_434, %get3A_435] {strides = array<i32>} : memref<16x512xf32, #tpu.memory_space<vmem>>, vector<16xf32>,
            %get3A_437 = arith.constant 496 : index
            %get3A_438 = tpu.vector_load %arg7[%get3A_437] {strides = array<i32>} : memref<512xf32, #tpu.memory_space<vmem>>, vector<16xf32>,
            %mul3A_439 = arith.mulf %get3A_436, %get3A_438 : vector<16xf32>
            %add3A_440 = arith.addf %mul3A_253, %mul3A_259 : vector<16xf32>
            %add3A_441 = arith.addf %mul3A_265, %mul3A_271 : vector<16xf32>
            %add3A_442 = arith.addf %mul3A_277, %mul3A_283 : vector<16xf32>
            %add3A_443 = arith.addf %mul3A_289, %mul3A_295 : vector<16xf32>
            %add3A_444 = arith.addf %mul3A_301, %mul3A_307 : vector<16xf32>
            %add3A_445 = arith.addf %mul3A_313, %mul3A_319 : vector<16xf32>
            %add3A_446 = arith.addf %mul3A_325, %mul3A_331 : vector<16xf32>
            %add3A_447 = arith.addf %mul3A_337, %mul3A_343 : vector<16xf32>
            %add3A_448 = arith.addf %mul3A_349, %mul3A_355 : vector<16xf32>
            %add3A_449 = arith.addf %mul3A_361, %mul3A_367 : vector<16xf32>
            %add3A_450 = arith.addf %mul3A_373, %mul3A_379 : vector<16xf32>
            %add3A_451 = arith.addf %mul3A_385, %mul3A_391 : vector<16xf32>
            %add3A_452 = arith.addf %mul3A_397, %mul3A_403 : vector<16xf32>
            %add3A_453 = arith.addf %mul3A_409, %mul3A_415 : vector<16xf32>
            %add3A_454 = arith.addf %mul3A_421, %mul3A_427 : vector<16xf32>
            %add3A_455 = arith.addf %mul3A_433, %mul3A_439 : vector<16xf32>
            %add3A_456 = arith.addf %add3A_440, %add3A_441 : vector<16xf32>
            %add3A_457 = arith.addf %add3A_442, %add3A_443 : vector<16xf32>
            %add3A_458 = arith.addf %add3A_444, %add3A_445 : vector<16xf32>
            %add3A_459 = arith.addf %add3A_446, %add3A_447 : vector<16xf32>
            %add3A_460 = arith.addf %add3A_448, %add3A_449 : vector<16xf32>
            %add3A_461 = arith.addf %add3A_450, %add3A_451 : vector<16xf32>
            %add3A_462 = arith.addf %add3A_452, %add3A_453 : vector<16xf32>
            %add3A_463 = arith.addf %add3A_454, %add3A_455 : vector<16xf32>
            %add3A_464 = arith.addf %add3A_456, %add3A_457 : vector<16xf32>
            %add3A_465 = arith.addf %add3A_458, %add3A_459 : vector<16xf32>
            %add3A_466 = arith.addf %add3A_460, %add3A_461 : vector<16xf32>
            %add3A_467 = arith.addf %add3A_462, %add3A_463 : vector<16xf32>
            %add3A_468 = arith.addf %add3A_464, %add3A_465 : vector<16xf32>
            %add3A_469 = arith.addf %add3A_466, %add3A_467 : vector<16xf32>
            %add3A_470 = arith.addf %add3A_468, %add3A_469 : vector<16xf32>
            %get3A_471 = arith.constant 0 : index
            %get3A_472 = tpu.vector_load %arg8[%get3A_471] {strides = array<i32>} : memref<16xf32, #tpu.memory_space<vmem>>, vector<16xf32>,
            %add3A_473 = arith.addf %get3A_472, %add3A_470 : vector<16xf32>
            %swap3A_474 = arith.constant 0 : index
            %swap3A_475 = tpu.vector_load %arg8[%swap3A_474] {strides = array<i32>} : memref<16xf32, #tpu.memory_space<vmem>>, vector<16xf32>,
            tpu.vector_store %arg8[%swap3A_474], %add3A_473 {strides = array<i32>} : memref<16xf32, #tpu.memory_space<vmem>>, vector<16xf32>,
          } else {
          }
          %scan3A_225 = arith.constant 0 : i32
          scf.yield %scan3A_225 : i32
        }
        %scan3A_189 = arith.constant 16 : i32
      } else {
      }
      %scan3A_172 = arith.constant 0 : i32
      scf.yield %scan3A_172 : i32
    }
    %scan3A_130 = arith.constant 16 : i32
    %mul3A_131 = arith.constant 16 : i32
    %mul3A_132 = arith.muli %add3A, %mul3A_131 : i32
    "tpu.region"() ({
      %run_scoped3A = tpu.sem_alloc : memref<!tpu.dma_semaphore, #tpu.memory_space<semaphore_mem>>
      %dma_start3A = arith.constant 0 : i32
      %dma_start3A_133 = tpu.memref_slice %arg8[%dma_start3A] : memref<16xf32, #tpu.memory_space<vmem>> -> memref<16xf32, #tpu.memory_space<vmem>>
      %dma_start3A_134 = tpu.memref_slice %arg4[%mul3A_132] : memref<512xf32, #tpu.memory_space<hbm>> -> memref<16xf32, #tpu.memory_space<hbm>>
      %dma_start3A_135 = tpu.memref_slice %arg4[%mul3A_132] : memref<512xf32, #tpu.memory_space<hbm>> -> memref<16xf32, #tpu.memory_space<hbm>>
      %dma_start3A_136 = arith.constant 0 : i32
      %dma_start3A_137 = tpu.memref_slice %arg8[%dma_start3A_136] : memref<16xf32, #tpu.memory_space<vmem>> -> memref<16xf32, #tpu.memory_space<vmem>>
      tpu.enqueue_dma source(%dma_start3A_137 : memref<16xf32, #tpu.memory_space<vmem>>) target(%dma_start3A_135 : memref<16xf32, #tpu.memory_space<hbm>>) target_semaphore(%run_scoped3A : memref<!tpu.dma_semaphore, #tpu.memory_space<semaphore_mem>>)
      %dma_wait3A = arith.constant 0 : i32
      %dma_wait3A_138 = tpu.memref_slice %arg8[%dma_wait3A] : memref<16xf32, #tpu.memory_space<vmem>> -> memref<16xf32, #tpu.memory_space<vmem>>
      %dma_wait3A_139 = tpu.memref_slice %arg4[%mul3A_132] : memref<512xf32, #tpu.memory_space<hbm>> -> memref<16xf32, #tpu.memory_space<hbm>>
      %dma_wait3A_140 = tpu.memref_slice %arg4[%mul3A_132] : memref<512xf32, #tpu.memory_space<hbm>> -> memref<16xf32, #tpu.memory_space<hbm>>
      %dma_wait3A_141 = arith.constant 0 : i32
      %dma_wait3A_142 = tpu.memref_slice %arg8[%dma_wait3A_141] : memref<16xf32, #tpu.memory_space<vmem>> -> memref<16xf32, #tpu.memory_space<vmem>>
      tpu.wait_dma2 semaphore(%run_scoped3A : memref<!tpu.dma_semaphore, #tpu.memory_space<semaphore_mem>>) src(%dma_wait3A_142 : memref<16xf32, #tpu.memory_space<vmem>>) dst(%dma_wait3A_140 : memref<16xf32, #tpu.memory_space<hbm>>)
      tpu.yield
    }) : () -> ()
    return
  }
}

module attributes {stable_mosaic.version = 14 : i64} {
  func.func @_dense_block_sum(%arg0: i32, %arg1: memref<4x512x512xf32, #tpu.memory_space<vmem>>, %arg2: memref<8x128xf32, #tpu.memory_space<vmem>>) attributes {dimension_semantics = [#tpu.dimension_semantics<arbitrary>], iteration_bounds = array<i64: 4>, scalar_prefetch = 0 : i64, scratch_operands = 0 : i64, tpu.core_type = #tpu.core_type<tc>, window_params = [{transform_indices = @transform_0, window_bounds = array<i64: 4, 512, 512>}, {pipeline_mode = #tpu.pipeline_mode<synchronous>, transform_indices = @transform_1, window_bounds = array<i64: 8, 128>}]} {
    %eq3A = arith.constant 0 : i32
    %eq3A_0 = arith.cmpi eq, %arg0, %eq3A : i32
    %convert_element_type3A = arith.extui %eq3A_0 : i1 to i32
    %cond3A = arith.constant 0 : i32
    %cond3A_1 = arith.cmpi ne, %convert_element_type3A, %cond3A : i32
    scf.if %cond3A_1 {
      %broadcast_in_dim3A_2119 = arith.constant 0.000000e+00 : f32
      %broadcast_in_dim3A_2120 = vector.broadcast %broadcast_in_dim3A_2119 : f32 to vector<8x128xf32>
      %swap3A_2121 = arith.constant 0 : index
      %swap3A_2122 = arith.constant 0 : index
      %swap3A_2123 = vector.load %arg2[%swap3A_2121, %swap3A_2122] : memref<8x128xf32, #tpu.memory_space<vmem>>, vector<8x128xf32>
      tpu.vector_store %arg2[%swap3A_2121, %swap3A_2122], %broadcast_in_dim3A_2120 {strides = array<i32>} : memref<8x128xf32, #tpu.memory_space<vmem>>, vector<8x128xf32>,
    } else {
    }
    %broadcast_in_dim3A = arith.constant 0.000000e+00 : f32
    %broadcast_in_dim3A_2 = vector.broadcast %broadcast_in_dim3A : f32 to vector<8x128xf32>
    %broadcast_in_dim3A_3 = arith.constant 0.000000e+00 : f32
    %broadcast_in_dim3A_4 = vector.broadcast %broadcast_in_dim3A_3 : f32 to vector<8x128xf32>
    %broadcast_in_dim3A_5 = arith.constant 0.000000e+00 : f32
    %broadcast_in_dim3A_6 = vector.broadcast %broadcast_in_dim3A_5 : f32 to vector<8x128xf32>
    %broadcast_in_dim3A_7 = arith.constant 0.000000e+00 : f32
    %broadcast_in_dim3A_8 = vector.broadcast %broadcast_in_dim3A_7 : f32 to vector<8x128xf32>
    %broadcast_in_dim3A_9 = arith.constant 0.000000e+00 : f32
    %broadcast_in_dim3A_10 = vector.broadcast %broadcast_in_dim3A_9 : f32 to vector<8x128xf32>
    %broadcast_in_dim3A_11 = arith.constant 0.000000e+00 : f32
    %broadcast_in_dim3A_12 = vector.broadcast %broadcast_in_dim3A_11 : f32 to vector<8x128xf32>
    %broadcast_in_dim3A_13 = arith.constant 0.000000e+00 : f32
    %broadcast_in_dim3A_14 = vector.broadcast %broadcast_in_dim3A_13 : f32 to vector<8x128xf32>
    %broadcast_in_dim3A_15 = arith.constant 0.000000e+00 : f32
    %broadcast_in_dim3A_16 = vector.broadcast %broadcast_in_dim3A_15 : f32 to vector<8x128xf32>
    %broadcast_in_dim3A_17 = arith.constant 0.000000e+00 : f32
    %broadcast_in_dim3A_18 = vector.broadcast %broadcast_in_dim3A_17 : f32 to vector<8x128xf32>
    %broadcast_in_dim3A_19 = arith.constant 0.000000e+00 : f32
    %broadcast_in_dim3A_20 = vector.broadcast %broadcast_in_dim3A_19 : f32 to vector<8x128xf32>
    %broadcast_in_dim3A_21 = arith.constant 0.000000e+00 : f32
    %broadcast_in_dim3A_22 = vector.broadcast %broadcast_in_dim3A_21 : f32 to vector<8x128xf32>
    %broadcast_in_dim3A_23 = arith.constant 0.000000e+00 : f32
    %broadcast_in_dim3A_24 = vector.broadcast %broadcast_in_dim3A_23 : f32 to vector<8x128xf32>
    %broadcast_in_dim3A_25 = arith.constant 0.000000e+00 : f32
    %broadcast_in_dim3A_26 = vector.broadcast %broadcast_in_dim3A_25 : f32 to vector<8x128xf32>
    %broadcast_in_dim3A_27 = arith.constant 0.000000e+00 : f32
    %broadcast_in_dim3A_28 = vector.broadcast %broadcast_in_dim3A_27 : f32 to vector<8x128xf32>
    %broadcast_in_dim3A_29 = arith.constant 0.000000e+00 : f32
    %broadcast_in_dim3A_30 = vector.broadcast %broadcast_in_dim3A_29 : f32 to vector<8x128xf32>
    %broadcast_in_dim3A_31 = arith.constant 0.000000e+00 : f32
    %broadcast_in_dim3A_32 = vector.broadcast %broadcast_in_dim3A_31 : f32 to vector<8x128xf32>
    %get3A = arith.constant 0 : index
    %get3A_33 = arith.constant 0 : index
    %get3A_34 = arith.constant 0 : index
    %get3A_35 = vector.load %arg1[%get3A, %get3A_33, %get3A_34] : memref<4x512x512xf32, #tpu.memory_space<vmem>>, vector<1x512x512xf32>
    %get3A_36 = vector.shape_cast %get3A_35 : vector<1x512x512xf32> to vector<512x512xf32>
    %slice3A = vector.extract_strided_slice %get3A_36 {offsets = [0, 0], sizes = [8, 128], strides = [1, 1]} : vector<512x512xf32> to vector<8x128xf32>
    %add3A = arith.addf %broadcast_in_dim3A_2, %slice3A : vector<8x128xf32>
    %slice3A_37 = vector.extract_strided_slice %get3A_36 {offsets = [0, 128], sizes = [8, 128], strides = [1, 1]} : vector<512x512xf32> to vector<8x128xf32>
    %add3A_38 = arith.addf %broadcast_in_dim3A_4, %slice3A_37 : vector<8x128xf32>
    %slice3A_39 = vector.extract_strided_slice %get3A_36 {offsets = [0, 256], sizes = [8, 128], strides = [1, 1]} : vector<512x512xf32> to vector<8x128xf32>
    %add3A_40 = arith.addf %broadcast_in_dim3A_6, %slice3A_39 : vector<8x128xf32>
    %slice3A_41 = vector.extract_strided_slice %get3A_36 {offsets = [0, 384], sizes = [8, 128], strides = [1, 1]} : vector<512x512xf32> to vector<8x128xf32>
    %add3A_42 = arith.addf %broadcast_in_dim3A_8, %slice3A_41 : vector<8x128xf32>
    %slice3A_43 = vector.extract_strided_slice %get3A_36 {offsets = [8, 0], sizes = [8, 128], strides = [1, 1]} : vector<512x512xf32> to vector<8x128xf32>
    %add3A_44 = arith.addf %broadcast_in_dim3A_10, %slice3A_43 : vector<8x128xf32>
    %slice3A_45 = vector.extract_strided_slice %get3A_36 {offsets = [8, 128], sizes = [8, 128], strides = [1, 1]} : vector<512x512xf32> to vector<8x128xf32>
    %add3A_46 = arith.addf %broadcast_in_dim3A_12, %slice3A_45 : vector<8x128xf32>
    %slice3A_47 = vector.extract_strided_slice %get3A_36 {offsets = [8, 256], sizes = [8, 128], strides = [1, 1]} : vector<512x512xf32> to vector<8x128xf32>
    %add3A_48 = arith.addf %broadcast_in_dim3A_14, %slice3A_47 : vector<8x128xf32>
    %slice3A_49 = vector.extract_strided_slice %get3A_36 {offsets = [8, 384], sizes = [8, 128], strides = [1, 1]} : vector<512x512xf32> to vector<8x128xf32>
    %add3A_50 = arith.addf %broadcast_in_dim3A_16, %slice3A_49 : vector<8x128xf32>
    %slice3A_51 = vector.extract_strided_slice %get3A_36 {offsets = [16, 0], sizes = [8, 128], strides = [1, 1]} : vector<512x512xf32> to vector<8x128xf32>
    %add3A_52 = arith.addf %broadcast_in_dim3A_18, %slice3A_51 : vector<8x128xf32>
    %slice3A_53 = vector.extract_strided_slice %get3A_36 {offsets = [16, 128], sizes = [8, 128], strides = [1, 1]} : vector<512x512xf32> to vector<8x128xf32>
    %add3A_54 = arith.addf %broadcast_in_dim3A_20, %slice3A_53 : vector<8x128xf32>
    %slice3A_55 = vector.extract_strided_slice %get3A_36 {offsets = [16, 256], sizes = [8, 128], strides = [1, 1]} : vector<512x512xf32> to vector<8x128xf32>
    %add3A_56 = arith.addf %broadcast_in_dim3A_22, %slice3A_55 : vector<8x128xf32>
    %slice3A_57 = vector.extract_strided_slice %get3A_36 {offsets = [16, 384], sizes = [8, 128], strides = [1, 1]} : vector<512x512xf32> to vector<8x128xf32>
    %add3A_58 = arith.addf %broadcast_in_dim3A_24, %slice3A_57 : vector<8x128xf32>
    %slice3A_59 = vector.extract_strided_slice %get3A_36 {offsets = [24, 0], sizes = [8, 128], strides = [1, 1]} : vector<512x512xf32> to vector<8x128xf32>
    %add3A_60 = arith.addf %broadcast_in_dim3A_26, %slice3A_59 : vector<8x128xf32>
    %slice3A_61 = vector.extract_strided_slice %get3A_36 {offsets = [24, 128], sizes = [8, 128], strides = [1, 1]} : vector<512x512xf32> to vector<8x128xf32>
    %add3A_62 = arith.addf %broadcast_in_dim3A_28, %slice3A_61 : vector<8x128xf32>
    %slice3A_63 = vector.extract_strided_slice %get3A_36 {offsets = [24, 256], sizes = [8, 128], strides = [1, 1]} : vector<512x512xf32> to vector<8x128xf32>
    %add3A_64 = arith.addf %broadcast_in_dim3A_30, %slice3A_63 : vector<8x128xf32>
    %slice3A_65 = vector.extract_strided_slice %get3A_36 {offsets = [24, 384], sizes = [8, 128], strides = [1, 1]} : vector<512x512xf32> to vector<8x128xf32>
    %add3A_66 = arith.addf %broadcast_in_dim3A_32, %slice3A_65 : vector<8x128xf32>
    %slice3A_67 = vector.extract_strided_slice %get3A_36 {offsets = [32, 0], sizes = [8, 128], strides = [1, 1]} : vector<512x512xf32> to vector<8x128xf32>
    %add3A_68 = arith.addf %add3A, %slice3A_67 : vector<8x128xf32>
    %slice3A_69 = vector.extract_strided_slice %get3A_36 {offsets = [32, 128], sizes = [8, 128], strides = [1, 1]} : vector<512x512xf32> to vector<8x128xf32>
    %add3A_70 = arith.addf %add3A_38, %slice3A_69 : vector<8x128xf32>
    %slice3A_71 = vector.extract_strided_slice %get3A_36 {offsets = [32, 256], sizes = [8, 128], strides = [1, 1]} : vector<512x512xf32> to vector<8x128xf32>
    %add3A_72 = arith.addf %add3A_40, %slice3A_71 : vector<8x128xf32>
    %slice3A_73 = vector.extract_strided_slice %get3A_36 {offsets = [32, 384], sizes = [8, 128], strides = [1, 1]} : vector<512x512xf32> to vector<8x128xf32>
    %add3A_74 = arith.addf %add3A_42, %slice3A_73 : vector<8x128xf32>
    %slice3A_75 = vector.extract_strided_slice %get3A_36 {offsets = [40, 0], sizes = [8, 128], strides = [1, 1]} : vector<512x512xf32> to vector<8x128xf32>
    %add3A_76 = arith.addf %add3A_44, %slice3A_75 : vector<8x128xf32>
    %slice3A_77 = vector.extract_strided_slice %get3A_36 {offsets = [40, 128], sizes = [8, 128], strides = [1, 1]} : vector<512x512xf32> to vector<8x128xf32>
    %add3A_78 = arith.addf %add3A_46, %slice3A_77 : vector<8x128xf32>
    %slice3A_79 = vector.extract_strided_slice %get3A_36 {offsets = [40, 256], sizes = [8, 128], strides = [1, 1]} : vector<512x512xf32> to vector<8x128xf32>
    %add3A_80 = arith.addf %add3A_48, %slice3A_79 : vector<8x128xf32>
    %slice3A_81 = vector.extract_strided_slice %get3A_36 {offsets = [40, 384], sizes = [8, 128], strides = [1, 1]} : vector<512x512xf32> to vector<8x128xf32>
    %add3A_82 = arith.addf %add3A_50, %slice3A_81 : vector<8x128xf32>
    %slice3A_83 = vector.extract_strided_slice %get3A_36 {offsets = [48, 0], sizes = [8, 128], strides = [1, 1]} : vector<512x512xf32> to vector<8x128xf32>
    %add3A_84 = arith.addf %add3A_52, %slice3A_83 : vector<8x128xf32>
    %slice3A_85 = vector.extract_strided_slice %get3A_36 {offsets = [48, 128], sizes = [8, 128], strides = [1, 1]} : vector<512x512xf32> to vector<8x128xf32>
    %add3A_86 = arith.addf %add3A_54, %slice3A_85 : vector<8x128xf32>
    %slice3A_87 = vector.extract_strided_slice %get3A_36 {offsets = [48, 256], sizes = [8, 128], strides = [1, 1]} : vector<512x512xf32> to vector<8x128xf32>
    %add3A_88 = arith.addf %add3A_56, %slice3A_87 : vector<8x128xf32>
    %slice3A_89 = vector.extract_strided_slice %get3A_36 {offsets = [48, 384], sizes = [8, 128], strides = [1, 1]} : vector<512x512xf32> to vector<8x128xf32>
    %add3A_90 = arith.addf %add3A_58, %slice3A_89 : vector<8x128xf32>
    %slice3A_91 = vector.extract_strided_slice %get3A_36 {offsets = [56, 0], sizes = [8, 128], strides = [1, 1]} : vector<512x512xf32> to vector<8x128xf32>
    %add3A_92 = arith.addf %add3A_60, %slice3A_91 : vector<8x128xf32>
    %slice3A_93 = vector.extract_strided_slice %get3A_36 {offsets = [56, 128], sizes = [8, 128], strides = [1, 1]} : vector<512x512xf32> to vector<8x128xf32>
    %add3A_94 = arith.addf %add3A_62, %slice3A_93 : vector<8x128xf32>
    %slice3A_95 = vector.extract_strided_slice %get3A_36 {offsets = [56, 256], sizes = [8, 128], strides = [1, 1]} : vector<512x512xf32> to vector<8x128xf32>
    %add3A_96 = arith.addf %add3A_64, %slice3A_95 : vector<8x128xf32>
    %slice3A_97 = vector.extract_strided_slice %get3A_36 {offsets = [56, 384], sizes = [8, 128], strides = [1, 1]} : vector<512x512xf32> to vector<8x128xf32>
    %add3A_98 = arith.addf %add3A_66, %slice3A_97 : vector<8x128xf32>
    %slice3A_99 = vector.extract_strided_slice %get3A_36 {offsets = [64, 0], sizes = [8, 128], strides = [1, 1]} : vector<512x512xf32> to vector<8x128xf32>
    %add3A_100 = arith.addf %add3A_68, %slice3A_99 : vector<8x128xf32>
    %slice3A_101 = vector.extract_strided_slice %get3A_36 {offsets = [64, 128], sizes = [8, 128], strides = [1, 1]} : vector<512x512xf32> to vector<8x128xf32>
    %add3A_102 = arith.addf %add3A_70, %slice3A_101 : vector<8x128xf32>
    %slice3A_103 = vector.extract_strided_slice %get3A_36 {offsets = [64, 256], sizes = [8, 128], strides = [1, 1]} : vector<512x512xf32> to vector<8x128xf32>
    %add3A_104 = arith.addf %add3A_72, %slice3A_103 : vector<8x128xf32>
    %slice3A_105 = vector.extract_strided_slice %get3A_36 {offsets = [64, 384], sizes = [8, 128], strides = [1, 1]} : vector<512x512xf32> to vector<8x128xf32>
    %add3A_106 = arith.addf %add3A_74, %slice3A_105 : vector<8x128xf32>
    %slice3A_107 = vector.extract_strided_slice %get3A_36 {offsets = [72, 0], sizes = [8, 128], strides = [1, 1]} : vector<512x512xf32> to vector<8x128xf32>
    %add3A_108 = arith.addf %add3A_76, %slice3A_107 : vector<8x128xf32>
    %slice3A_109 = vector.extract_strided_slice %get3A_36 {offsets = [72, 128], sizes = [8, 128], strides = [1, 1]} : vector<512x512xf32> to vector<8x128xf32>
    %add3A_110 = arith.addf %add3A_78, %slice3A_109 : vector<8x128xf32>
    %slice3A_111 = vector.extract_strided_slice %get3A_36 {offsets = [72, 256], sizes = [8, 128], strides = [1, 1]} : vector<512x512xf32> to vector<8x128xf32>
    %add3A_112 = arith.addf %add3A_80, %slice3A_111 : vector<8x128xf32>
    %slice3A_113 = vector.extract_strided_slice %get3A_36 {offsets = [72, 384], sizes = [8, 128], strides = [1, 1]} : vector<512x512xf32> to vector<8x128xf32>
    %add3A_114 = arith.addf %add3A_82, %slice3A_113 : vector<8x128xf32>
    %slice3A_115 = vector.extract_strided_slice %get3A_36 {offsets = [80, 0], sizes = [8, 128], strides = [1, 1]} : vector<512x512xf32> to vector<8x128xf32>
    %add3A_116 = arith.addf %add3A_84, %slice3A_115 : vector<8x128xf32>
    %slice3A_117 = vector.extract_strided_slice %get3A_36 {offsets = [80, 128], sizes = [8, 128], strides = [1, 1]} : vector<512x512xf32> to vector<8x128xf32>
    %add3A_118 = arith.addf %add3A_86, %slice3A_117 : vector<8x128xf32>
    %slice3A_119 = vector.extract_strided_slice %get3A_36 {offsets = [80, 256], sizes = [8, 128], strides = [1, 1]} : vector<512x512xf32> to vector<8x128xf32>
    %add3A_120 = arith.addf %add3A_88, %slice3A_119 : vector<8x128xf32>
    %slice3A_121 = vector.extract_strided_slice %get3A_36 {offsets = [80, 384], sizes = [8, 128], strides = [1, 1]} : vector<512x512xf32> to vector<8x128xf32>
    %add3A_122 = arith.addf %add3A_90, %slice3A_121 : vector<8x128xf32>
    %slice3A_123 = vector.extract_strided_slice %get3A_36 {offsets = [88, 0], sizes = [8, 128], strides = [1, 1]} : vector<512x512xf32> to vector<8x128xf32>
    %add3A_124 = arith.addf %add3A_92, %slice3A_123 : vector<8x128xf32>
    %slice3A_125 = vector.extract_strided_slice %get3A_36 {offsets = [88, 128], sizes = [8, 128], strides = [1, 1]} : vector<512x512xf32> to vector<8x128xf32>
    %add3A_126 = arith.addf %add3A_94, %slice3A_125 : vector<8x128xf32>
    %slice3A_127 = vector.extract_strided_slice %get3A_36 {offsets = [88, 256], sizes = [8, 128], strides = [1, 1]} : vector<512x512xf32> to vector<8x128xf32>
    %add3A_128 = arith.addf %add3A_96, %slice3A_127 : vector<8x128xf32>
    %slice3A_129 = vector.extract_strided_slice %get3A_36 {offsets = [88, 384], sizes = [8, 128], strides = [1, 1]} : vector<512x512xf32> to vector<8x128xf32>
    %add3A_130 = arith.addf %add3A_98, %slice3A_129 : vector<8x128xf32>
    %slice3A_131 = vector.extract_strided_slice %get3A_36 {offsets = [96, 0], sizes = [8, 128], strides = [1, 1]} : vector<512x512xf32> to vector<8x128xf32>
    %add3A_132 = arith.addf %add3A_100, %slice3A_131 : vector<8x128xf32>
    %slice3A_133 = vector.extract_strided_slice %get3A_36 {offsets = [96, 128], sizes = [8, 128], strides = [1, 1]} : vector<512x512xf32> to vector<8x128xf32>
    %add3A_134 = arith.addf %add3A_102, %slice3A_133 : vector<8x128xf32>
    %slice3A_135 = vector.extract_strided_slice %get3A_36 {offsets = [96, 256], sizes = [8, 128], strides = [1, 1]} : vector<512x512xf32> to vector<8x128xf32>
    %add3A_136 = arith.addf %add3A_104, %slice3A_135 : vector<8x128xf32>
    %slice3A_137 = vector.extract_strided_slice %get3A_36 {offsets = [96, 384], sizes = [8, 128], strides = [1, 1]} : vector<512x512xf32> to vector<8x128xf32>
    %add3A_138 = arith.addf %add3A_106, %slice3A_137 : vector<8x128xf32>
    %slice3A_139 = vector.extract_strided_slice %get3A_36 {offsets = [104, 0], sizes = [8, 128], strides = [1, 1]} : vector<512x512xf32> to vector<8x128xf32>
    %add3A_140 = arith.addf %add3A_108, %slice3A_139 : vector<8x128xf32>
    %slice3A_141 = vector.extract_strided_slice %get3A_36 {offsets = [104, 128], sizes = [8, 128], strides = [1, 1]} : vector<512x512xf32> to vector<8x128xf32>
    %add3A_142 = arith.addf %add3A_110, %slice3A_141 : vector<8x128xf32>
    %slice3A_143 = vector.extract_strided_slice %get3A_36 {offsets = [104, 256], sizes = [8, 128], strides = [1, 1]} : vector<512x512xf32> to vector<8x128xf32>
    %add3A_144 = arith.addf %add3A_112, %slice3A_143 : vector<8x128xf32>
    %slice3A_145 = vector.extract_strided_slice %get3A_36 {offsets = [104, 384], sizes = [8, 128], strides = [1, 1]} : vector<512x512xf32> to vector<8x128xf32>
    %add3A_146 = arith.addf %add3A_114, %slice3A_145 : vector<8x128xf32>
    %slice3A_147 = vector.extract_strided_slice %get3A_36 {offsets = [112, 0], sizes = [8, 128], strides = [1, 1]} : vector<512x512xf32> to vector<8x128xf32>
    %add3A_148 = arith.addf %add3A_116, %slice3A_147 : vector<8x128xf32>
    %slice3A_149 = vector.extract_strided_slice %get3A_36 {offsets = [112, 128], sizes = [8, 128], strides = [1, 1]} : vector<512x512xf32> to vector<8x128xf32>
    %add3A_150 = arith.addf %add3A_118, %slice3A_149 : vector<8x128xf32>
    %slice3A_151 = vector.extract_strided_slice %get3A_36 {offsets = [112, 256], sizes = [8, 128], strides = [1, 1]} : vector<512x512xf32> to vector<8x128xf32>
    %add3A_152 = arith.addf %add3A_120, %slice3A_151 : vector<8x128xf32>
    %slice3A_153 = vector.extract_strided_slice %get3A_36 {offsets = [112, 384], sizes = [8, 128], strides = [1, 1]} : vector<512x512xf32> to vector<8x128xf32>
    %add3A_154 = arith.addf %add3A_122, %slice3A_153 : vector<8x128xf32>
    %slice3A_155 = vector.extract_strided_slice %get3A_36 {offsets = [120, 0], sizes = [8, 128], strides = [1, 1]} : vector<512x512xf32> to vector<8x128xf32>
    %add3A_156 = arith.addf %add3A_124, %slice3A_155 : vector<8x128xf32>
    %slice3A_157 = vector.extract_strided_slice %get3A_36 {offsets = [120, 128], sizes = [8, 128], strides = [1, 1]} : vector<512x512xf32> to vector<8x128xf32>
    %add3A_158 = arith.addf %add3A_126, %slice3A_157 : vector<8x128xf32>
    %slice3A_159 = vector.extract_strided_slice %get3A_36 {offsets = [120, 256], sizes = [8, 128], strides = [1, 1]} : vector<512x512xf32> to vector<8x128xf32>
    %add3A_160 = arith.addf %add3A_128, %slice3A_159 : vector<8x128xf32>
    %slice3A_161 = vector.extract_strided_slice %get3A_36 {offsets = [120, 384], sizes = [8, 128], strides = [1, 1]} : vector<512x512xf32> to vector<8x128xf32>
    %add3A_162 = arith.addf %add3A_130, %slice3A_161 : vector<8x128xf32>
    %slice3A_163 = vector.extract_strided_slice %get3A_36 {offsets = [128, 0], sizes = [8, 128], strides = [1, 1]} : vector<512x512xf32> to vector<8x128xf32>
    %add3A_164 = arith.addf %add3A_132, %slice3A_163 : vector<8x128xf32>
    %slice3A_165 = vector.extract_strided_slice %get3A_36 {offsets = [128, 128], sizes = [8, 128], strides = [1, 1]} : vector<512x512xf32> to vector<8x128xf32>
    %add3A_166 = arith.addf %add3A_134, %slice3A_165 : vector<8x128xf32>
    %slice3A_167 = vector.extract_strided_slice %get3A_36 {offsets = [128, 256], sizes = [8, 128], strides = [1, 1]} : vector<512x512xf32> to vector<8x128xf32>
    %add3A_168 = arith.addf %add3A_136, %slice3A_167 : vector<8x128xf32>
    %slice3A_169 = vector.extract_strided_slice %get3A_36 {offsets = [128, 384], sizes = [8, 128], strides = [1, 1]} : vector<512x512xf32> to vector<8x128xf32>
    %add3A_170 = arith.addf %add3A_138, %slice3A_169 : vector<8x128xf32>
    %slice3A_171 = vector.extract_strided_slice %get3A_36 {offsets = [136, 0], sizes = [8, 128], strides = [1, 1]} : vector<512x512xf32> to vector<8x128xf32>
    %add3A_172 = arith.addf %add3A_140, %slice3A_171 : vector<8x128xf32>
    %slice3A_173 = vector.extract_strided_slice %get3A_36 {offsets = [136, 128], sizes = [8, 128], strides = [1, 1]} : vector<512x512xf32> to vector<8x128xf32>
    %add3A_174 = arith.addf %add3A_142, %slice3A_173 : vector<8x128xf32>
    %slice3A_175 = vector.extract_strided_slice %get3A_36 {offsets = [136, 256], sizes = [8, 128], strides = [1, 1]} : vector<512x512xf32> to vector<8x128xf32>
    %add3A_176 = arith.addf %add3A_144, %slice3A_175 : vector<8x128xf32>
    %slice3A_177 = vector.extract_strided_slice %get3A_36 {offsets = [136, 384], sizes = [8, 128], strides = [1, 1]} : vector<512x512xf32> to vector<8x128xf32>
    %add3A_178 = arith.addf %add3A_146, %slice3A_177 : vector<8x128xf32>
    %slice3A_179 = vector.extract_strided_slice %get3A_36 {offsets = [144, 0], sizes = [8, 128], strides = [1, 1]} : vector<512x512xf32> to vector<8x128xf32>
    %add3A_180 = arith.addf %add3A_148, %slice3A_179 : vector<8x128xf32>
    %slice3A_181 = vector.extract_strided_slice %get3A_36 {offsets = [144, 128], sizes = [8, 128], strides = [1, 1]} : vector<512x512xf32> to vector<8x128xf32>
    %add3A_182 = arith.addf %add3A_150, %slice3A_181 : vector<8x128xf32>
    %slice3A_183 = vector.extract_strided_slice %get3A_36 {offsets = [144, 256], sizes = [8, 128], strides = [1, 1]} : vector<512x512xf32> to vector<8x128xf32>
    %add3A_184 = arith.addf %add3A_152, %slice3A_183 : vector<8x128xf32>
    %slice3A_185 = vector.extract_strided_slice %get3A_36 {offsets = [144, 384], sizes = [8, 128], strides = [1, 1]} : vector<512x512xf32> to vector<8x128xf32>
    %add3A_186 = arith.addf %add3A_154, %slice3A_185 : vector<8x128xf32>
    %slice3A_187 = vector.extract_strided_slice %get3A_36 {offsets = [152, 0], sizes = [8, 128], strides = [1, 1]} : vector<512x512xf32> to vector<8x128xf32>
    %add3A_188 = arith.addf %add3A_156, %slice3A_187 : vector<8x128xf32>
    %slice3A_189 = vector.extract_strided_slice %get3A_36 {offsets = [152, 128], sizes = [8, 128], strides = [1, 1]} : vector<512x512xf32> to vector<8x128xf32>
    %add3A_190 = arith.addf %add3A_158, %slice3A_189 : vector<8x128xf32>
    %slice3A_191 = vector.extract_strided_slice %get3A_36 {offsets = [152, 256], sizes = [8, 128], strides = [1, 1]} : vector<512x512xf32> to vector<8x128xf32>
    %add3A_192 = arith.addf %add3A_160, %slice3A_191 : vector<8x128xf32>
    %slice3A_193 = vector.extract_strided_slice %get3A_36 {offsets = [152, 384], sizes = [8, 128], strides = [1, 1]} : vector<512x512xf32> to vector<8x128xf32>
    %add3A_194 = arith.addf %add3A_162, %slice3A_193 : vector<8x128xf32>
    %slice3A_195 = vector.extract_strided_slice %get3A_36 {offsets = [160, 0], sizes = [8, 128], strides = [1, 1]} : vector<512x512xf32> to vector<8x128xf32>
    %add3A_196 = arith.addf %add3A_164, %slice3A_195 : vector<8x128xf32>
    %slice3A_197 = vector.extract_strided_slice %get3A_36 {offsets = [160, 128], sizes = [8, 128], strides = [1, 1]} : vector<512x512xf32> to vector<8x128xf32>
    %add3A_198 = arith.addf %add3A_166, %slice3A_197 : vector<8x128xf32>
    %slice3A_199 = vector.extract_strided_slice %get3A_36 {offsets = [160, 256], sizes = [8, 128], strides = [1, 1]} : vector<512x512xf32> to vector<8x128xf32>
    %add3A_200 = arith.addf %add3A_168, %slice3A_199 : vector<8x128xf32>
    %slice3A_201 = vector.extract_strided_slice %get3A_36 {offsets = [160, 384], sizes = [8, 128], strides = [1, 1]} : vector<512x512xf32> to vector<8x128xf32>
    %add3A_202 = arith.addf %add3A_170, %slice3A_201 : vector<8x128xf32>
    %slice3A_203 = vector.extract_strided_slice %get3A_36 {offsets = [168, 0], sizes = [8, 128], strides = [1, 1]} : vector<512x512xf32> to vector<8x128xf32>
    %add3A_204 = arith.addf %add3A_172, %slice3A_203 : vector<8x128xf32>
    %slice3A_205 = vector.extract_strided_slice %get3A_36 {offsets = [168, 128], sizes = [8, 128], strides = [1, 1]} : vector<512x512xf32> to vector<8x128xf32>
    %add3A_206 = arith.addf %add3A_174, %slice3A_205 : vector<8x128xf32>
    %slice3A_207 = vector.extract_strided_slice %get3A_36 {offsets = [168, 256], sizes = [8, 128], strides = [1, 1]} : vector<512x512xf32> to vector<8x128xf32>
    %add3A_208 = arith.addf %add3A_176, %slice3A_207 : vector<8x128xf32>
    %slice3A_209 = vector.extract_strided_slice %get3A_36 {offsets = [168, 384], sizes = [8, 128], strides = [1, 1]} : vector<512x512xf32> to vector<8x128xf32>
    %add3A_210 = arith.addf %add3A_178, %slice3A_209 : vector<8x128xf32>
    %slice3A_211 = vector.extract_strided_slice %get3A_36 {offsets = [176, 0], sizes = [8, 128], strides = [1, 1]} : vector<512x512xf32> to vector<8x128xf32>
    %add3A_212 = arith.addf %add3A_180, %slice3A_211 : vector<8x128xf32>
    %slice3A_213 = vector.extract_strided_slice %get3A_36 {offsets = [176, 128], sizes = [8, 128], strides = [1, 1]} : vector<512x512xf32> to vector<8x128xf32>
    %add3A_214 = arith.addf %add3A_182, %slice3A_213 : vector<8x128xf32>
    %slice3A_215 = vector.extract_strided_slice %get3A_36 {offsets = [176, 256], sizes = [8, 128], strides = [1, 1]} : vector<512x512xf32> to vector<8x128xf32>
    %add3A_216 = arith.addf %add3A_184, %slice3A_215 : vector<8x128xf32>
    %slice3A_217 = vector.extract_strided_slice %get3A_36 {offsets = [176, 384], sizes = [8, 128], strides = [1, 1]} : vector<512x512xf32> to vector<8x128xf32>
    %add3A_218 = arith.addf %add3A_186, %slice3A_217 : vector<8x128xf32>
    %slice3A_219 = vector.extract_strided_slice %get3A_36 {offsets = [184, 0], sizes = [8, 128], strides = [1, 1]} : vector<512x512xf32> to vector<8x128xf32>
    %add3A_220 = arith.addf %add3A_188, %slice3A_219 : vector<8x128xf32>
    %slice3A_221 = vector.extract_strided_slice %get3A_36 {offsets = [184, 128], sizes = [8, 128], strides = [1, 1]} : vector<512x512xf32> to vector<8x128xf32>
    %add3A_222 = arith.addf %add3A_190, %slice3A_221 : vector<8x128xf32>
    %slice3A_223 = vector.extract_strided_slice %get3A_36 {offsets = [184, 256], sizes = [8, 128], strides = [1, 1]} : vector<512x512xf32> to vector<8x128xf32>
    %add3A_224 = arith.addf %add3A_192, %slice3A_223 : vector<8x128xf32>
    %slice3A_225 = vector.extract_strided_slice %get3A_36 {offsets = [184, 384], sizes = [8, 128], strides = [1, 1]} : vector<512x512xf32> to vector<8x128xf32>
    %add3A_226 = arith.addf %add3A_194, %slice3A_225 : vector<8x128xf32>
    %slice3A_227 = vector.extract_strided_slice %get3A_36 {offsets = [192, 0], sizes = [8, 128], strides = [1, 1]} : vector<512x512xf32> to vector<8x128xf32>
    %add3A_228 = arith.addf %add3A_196, %slice3A_227 : vector<8x128xf32>
    %slice3A_229 = vector.extract_strided_slice %get3A_36 {offsets = [192, 128], sizes = [8, 128], strides = [1, 1]} : vector<512x512xf32> to vector<8x128xf32>
    %add3A_230 = arith.addf %add3A_198, %slice3A_229 : vector<8x128xf32>
    %slice3A_231 = vector.extract_strided_slice %get3A_36 {offsets = [192, 256], sizes = [8, 128], strides = [1, 1]} : vector<512x512xf32> to vector<8x128xf32>
    %add3A_232 = arith.addf %add3A_200, %slice3A_231 : vector<8x128xf32>
    %slice3A_233 = vector.extract_strided_slice %get3A_36 {offsets = [192, 384], sizes = [8, 128], strides = [1, 1]} : vector<512x512xf32> to vector<8x128xf32>
    %add3A_234 = arith.addf %add3A_202, %slice3A_233 : vector<8x128xf32>
    %slice3A_235 = vector.extract_strided_slice %get3A_36 {offsets = [200, 0], sizes = [8, 128], strides = [1, 1]} : vector<512x512xf32> to vector<8x128xf32>
    %add3A_236 = arith.addf %add3A_204, %slice3A_235 : vector<8x128xf32>
    %slice3A_237 = vector.extract_strided_slice %get3A_36 {offsets = [200, 128], sizes = [8, 128], strides = [1, 1]} : vector<512x512xf32> to vector<8x128xf32>
    %add3A_238 = arith.addf %add3A_206, %slice3A_237 : vector<8x128xf32>
    %slice3A_239 = vector.extract_strided_slice %get3A_36 {offsets = [200, 256], sizes = [8, 128], strides = [1, 1]} : vector<512x512xf32> to vector<8x128xf32>
    %add3A_240 = arith.addf %add3A_208, %slice3A_239 : vector<8x128xf32>
    %slice3A_241 = vector.extract_strided_slice %get3A_36 {offsets = [200, 384], sizes = [8, 128], strides = [1, 1]} : vector<512x512xf32> to vector<8x128xf32>
    %add3A_242 = arith.addf %add3A_210, %slice3A_241 : vector<8x128xf32>
    %slice3A_243 = vector.extract_strided_slice %get3A_36 {offsets = [208, 0], sizes = [8, 128], strides = [1, 1]} : vector<512x512xf32> to vector<8x128xf32>
    %add3A_244 = arith.addf %add3A_212, %slice3A_243 : vector<8x128xf32>
    %slice3A_245 = vector.extract_strided_slice %get3A_36 {offsets = [208, 128], sizes = [8, 128], strides = [1, 1]} : vector<512x512xf32> to vector<8x128xf32>
    %add3A_246 = arith.addf %add3A_214, %slice3A_245 : vector<8x128xf32>
    %slice3A_247 = vector.extract_strided_slice %get3A_36 {offsets = [208, 256], sizes = [8, 128], strides = [1, 1]} : vector<512x512xf32> to vector<8x128xf32>
    %add3A_248 = arith.addf %add3A_216, %slice3A_247 : vector<8x128xf32>
    %slice3A_249 = vector.extract_strided_slice %get3A_36 {offsets = [208, 384], sizes = [8, 128], strides = [1, 1]} : vector<512x512xf32> to vector<8x128xf32>
    %add3A_250 = arith.addf %add3A_218, %slice3A_249 : vector<8x128xf32>
    %slice3A_251 = vector.extract_strided_slice %get3A_36 {offsets = [216, 0], sizes = [8, 128], strides = [1, 1]} : vector<512x512xf32> to vector<8x128xf32>
    %add3A_252 = arith.addf %add3A_220, %slice3A_251 : vector<8x128xf32>
    %slice3A_253 = vector.extract_strided_slice %get3A_36 {offsets = [216, 128], sizes = [8, 128], strides = [1, 1]} : vector<512x512xf32> to vector<8x128xf32>
    %add3A_254 = arith.addf %add3A_222, %slice3A_253 : vector<8x128xf32>
    %slice3A_255 = vector.extract_strided_slice %get3A_36 {offsets = [216, 256], sizes = [8, 128], strides = [1, 1]} : vector<512x512xf32> to vector<8x128xf32>
    %add3A_256 = arith.addf %add3A_224, %slice3A_255 : vector<8x128xf32>
    %slice3A_257 = vector.extract_strided_slice %get3A_36 {offsets = [216, 384], sizes = [8, 128], strides = [1, 1]} : vector<512x512xf32> to vector<8x128xf32>
    %add3A_258 = arith.addf %add3A_226, %slice3A_257 : vector<8x128xf32>
    %slice3A_259 = vector.extract_strided_slice %get3A_36 {offsets = [224, 0], sizes = [8, 128], strides = [1, 1]} : vector<512x512xf32> to vector<8x128xf32>
    %add3A_260 = arith.addf %add3A_228, %slice3A_259 : vector<8x128xf32>
    %slice3A_261 = vector.extract_strided_slice %get3A_36 {offsets = [224, 128], sizes = [8, 128], strides = [1, 1]} : vector<512x512xf32> to vector<8x128xf32>
    %add3A_262 = arith.addf %add3A_230, %slice3A_261 : vector<8x128xf32>
    %slice3A_263 = vector.extract_strided_slice %get3A_36 {offsets = [224, 256], sizes = [8, 128], strides = [1, 1]} : vector<512x512xf32> to vector<8x128xf32>
    %add3A_264 = arith.addf %add3A_232, %slice3A_263 : vector<8x128xf32>
    %slice3A_265 = vector.extract_strided_slice %get3A_36 {offsets = [224, 384], sizes = [8, 128], strides = [1, 1]} : vector<512x512xf32> to vector<8x128xf32>
    %add3A_266 = arith.addf %add3A_234, %slice3A_265 : vector<8x128xf32>
    %slice3A_267 = vector.extract_strided_slice %get3A_36 {offsets = [232, 0], sizes = [8, 128], strides = [1, 1]} : vector<512x512xf32> to vector<8x128xf32>
    %add3A_268 = arith.addf %add3A_236, %slice3A_267 : vector<8x128xf32>
    %slice3A_269 = vector.extract_strided_slice %get3A_36 {offsets = [232, 128], sizes = [8, 128], strides = [1, 1]} : vector<512x512xf32> to vector<8x128xf32>
    %add3A_270 = arith.addf %add3A_238, %slice3A_269 : vector<8x128xf32>
    %slice3A_271 = vector.extract_strided_slice %get3A_36 {offsets = [232, 256], sizes = [8, 128], strides = [1, 1]} : vector<512x512xf32> to vector<8x128xf32>
    %add3A_272 = arith.addf %add3A_240, %slice3A_271 : vector<8x128xf32>
    %slice3A_273 = vector.extract_strided_slice %get3A_36 {offsets = [232, 384], sizes = [8, 128], strides = [1, 1]} : vector<512x512xf32> to vector<8x128xf32>
    %add3A_274 = arith.addf %add3A_242, %slice3A_273 : vector<8x128xf32>
    %slice3A_275 = vector.extract_strided_slice %get3A_36 {offsets = [240, 0], sizes = [8, 128], strides = [1, 1]} : vector<512x512xf32> to vector<8x128xf32>
    %add3A_276 = arith.addf %add3A_244, %slice3A_275 : vector<8x128xf32>
    %slice3A_277 = vector.extract_strided_slice %get3A_36 {offsets = [240, 128], sizes = [8, 128], strides = [1, 1]} : vector<512x512xf32> to vector<8x128xf32>
    %add3A_278 = arith.addf %add3A_246, %slice3A_277 : vector<8x128xf32>
    %slice3A_279 = vector.extract_strided_slice %get3A_36 {offsets = [240, 256], sizes = [8, 128], strides = [1, 1]} : vector<512x512xf32> to vector<8x128xf32>
    %add3A_280 = arith.addf %add3A_248, %slice3A_279 : vector<8x128xf32>
    %slice3A_281 = vector.extract_strided_slice %get3A_36 {offsets = [240, 384], sizes = [8, 128], strides = [1, 1]} : vector<512x512xf32> to vector<8x128xf32>
    %add3A_282 = arith.addf %add3A_250, %slice3A_281 : vector<8x128xf32>
    %slice3A_283 = vector.extract_strided_slice %get3A_36 {offsets = [248, 0], sizes = [8, 128], strides = [1, 1]} : vector<512x512xf32> to vector<8x128xf32>
    %add3A_284 = arith.addf %add3A_252, %slice3A_283 : vector<8x128xf32>
    %slice3A_285 = vector.extract_strided_slice %get3A_36 {offsets = [248, 128], sizes = [8, 128], strides = [1, 1]} : vector<512x512xf32> to vector<8x128xf32>
    %add3A_286 = arith.addf %add3A_254, %slice3A_285 : vector<8x128xf32>
    %slice3A_287 = vector.extract_strided_slice %get3A_36 {offsets = [248, 256], sizes = [8, 128], strides = [1, 1]} : vector<512x512xf32> to vector<8x128xf32>
    %add3A_288 = arith.addf %add3A_256, %slice3A_287 : vector<8x128xf32>
    %slice3A_289 = vector.extract_strided_slice %get3A_36 {offsets = [248, 384], sizes = [8, 128], strides = [1, 1]} : vector<512x512xf32> to vector<8x128xf32>
    %add3A_290 = arith.addf %add3A_258, %slice3A_289 : vector<8x128xf32>
    %slice3A_291 = vector.extract_strided_slice %get3A_36 {offsets = [256, 0], sizes = [8, 128], strides = [1, 1]} : vector<512x512xf32> to vector<8x128xf32>
    %add3A_292 = arith.addf %add3A_260, %slice3A_291 : vector<8x128xf32>
    %slice3A_293 = vector.extract_strided_slice %get3A_36 {offsets = [256, 128], sizes = [8, 128], strides = [1, 1]} : vector<512x512xf32> to vector<8x128xf32>
    %add3A_294 = arith.addf %add3A_262, %slice3A_293 : vector<8x128xf32>
    %slice3A_295 = vector.extract_strided_slice %get3A_36 {offsets = [256, 256], sizes = [8, 128], strides = [1, 1]} : vector<512x512xf32> to vector<8x128xf32>
    %add3A_296 = arith.addf %add3A_264, %slice3A_295 : vector<8x128xf32>
    %slice3A_297 = vector.extract_strided_slice %get3A_36 {offsets = [256, 384], sizes = [8, 128], strides = [1, 1]} : vector<512x512xf32> to vector<8x128xf32>
    %add3A_298 = arith.addf %add3A_266, %slice3A_297 : vector<8x128xf32>
    %slice3A_299 = vector.extract_strided_slice %get3A_36 {offsets = [264, 0], sizes = [8, 128], strides = [1, 1]} : vector<512x512xf32> to vector<8x128xf32>
    %add3A_300 = arith.addf %add3A_268, %slice3A_299 : vector<8x128xf32>
    %slice3A_301 = vector.extract_strided_slice %get3A_36 {offsets = [264, 128], sizes = [8, 128], strides = [1, 1]} : vector<512x512xf32> to vector<8x128xf32>
    %add3A_302 = arith.addf %add3A_270, %slice3A_301 : vector<8x128xf32>
    %slice3A_303 = vector.extract_strided_slice %get3A_36 {offsets = [264, 256], sizes = [8, 128], strides = [1, 1]} : vector<512x512xf32> to vector<8x128xf32>
    %add3A_304 = arith.addf %add3A_272, %slice3A_303 : vector<8x128xf32>
    %slice3A_305 = vector.extract_strided_slice %get3A_36 {offsets = [264, 384], sizes = [8, 128], strides = [1, 1]} : vector<512x512xf32> to vector<8x128xf32>
    %add3A_306 = arith.addf %add3A_274, %slice3A_305 : vector<8x128xf32>
    %slice3A_307 = vector.extract_strided_slice %get3A_36 {offsets = [272, 0], sizes = [8, 128], strides = [1, 1]} : vector<512x512xf32> to vector<8x128xf32>
    %add3A_308 = arith.addf %add3A_276, %slice3A_307 : vector<8x128xf32>
    %slice3A_309 = vector.extract_strided_slice %get3A_36 {offsets = [272, 128], sizes = [8, 128], strides = [1, 1]} : vector<512x512xf32> to vector<8x128xf32>
    %add3A_310 = arith.addf %add3A_278, %slice3A_309 : vector<8x128xf32>
    %slice3A_311 = vector.extract_strided_slice %get3A_36 {offsets = [272, 256], sizes = [8, 128], strides = [1, 1]} : vector<512x512xf32> to vector<8x128xf32>
    %add3A_312 = arith.addf %add3A_280, %slice3A_311 : vector<8x128xf32>
    %slice3A_313 = vector.extract_strided_slice %get3A_36 {offsets = [272, 384], sizes = [8, 128], strides = [1, 1]} : vector<512x512xf32> to vector<8x128xf32>
    %add3A_314 = arith.addf %add3A_282, %slice3A_313 : vector<8x128xf32>
    %slice3A_315 = vector.extract_strided_slice %get3A_36 {offsets = [280, 0], sizes = [8, 128], strides = [1, 1]} : vector<512x512xf32> to vector<8x128xf32>
    %add3A_316 = arith.addf %add3A_284, %slice3A_315 : vector<8x128xf32>
    %slice3A_317 = vector.extract_strided_slice %get3A_36 {offsets = [280, 128], sizes = [8, 128], strides = [1, 1]} : vector<512x512xf32> to vector<8x128xf32>
    %add3A_318 = arith.addf %add3A_286, %slice3A_317 : vector<8x128xf32>
    %slice3A_319 = vector.extract_strided_slice %get3A_36 {offsets = [280, 256], sizes = [8, 128], strides = [1, 1]} : vector<512x512xf32> to vector<8x128xf32>
    %add3A_320 = arith.addf %add3A_288, %slice3A_319 : vector<8x128xf32>
    %slice3A_321 = vector.extract_strided_slice %get3A_36 {offsets = [280, 384], sizes = [8, 128], strides = [1, 1]} : vector<512x512xf32> to vector<8x128xf32>
    %add3A_322 = arith.addf %add3A_290, %slice3A_321 : vector<8x128xf32>
    %slice3A_323 = vector.extract_strided_slice %get3A_36 {offsets = [288, 0], sizes = [8, 128], strides = [1, 1]} : vector<512x512xf32> to vector<8x128xf32>
    %add3A_324 = arith.addf %add3A_292, %slice3A_323 : vector<8x128xf32>
    %slice3A_325 = vector.extract_strided_slice %get3A_36 {offsets = [288, 128], sizes = [8, 128], strides = [1, 1]} : vector<512x512xf32> to vector<8x128xf32>
    %add3A_326 = arith.addf %add3A_294, %slice3A_325 : vector<8x128xf32>
    %slice3A_327 = vector.extract_strided_slice %get3A_36 {offsets = [288, 256], sizes = [8, 128], strides = [1, 1]} : vector<512x512xf32> to vector<8x128xf32>
    %add3A_328 = arith.addf %add3A_296, %slice3A_327 : vector<8x128xf32>
    %slice3A_329 = vector.extract_strided_slice %get3A_36 {offsets = [288, 384], sizes = [8, 128], strides = [1, 1]} : vector<512x512xf32> to vector<8x128xf32>
    %add3A_330 = arith.addf %add3A_298, %slice3A_329 : vector<8x128xf32>
    %slice3A_331 = vector.extract_strided_slice %get3A_36 {offsets = [296, 0], sizes = [8, 128], strides = [1, 1]} : vector<512x512xf32> to vector<8x128xf32>
    %add3A_332 = arith.addf %add3A_300, %slice3A_331 : vector<8x128xf32>
    %slice3A_333 = vector.extract_strided_slice %get3A_36 {offsets = [296, 128], sizes = [8, 128], strides = [1, 1]} : vector<512x512xf32> to vector<8x128xf32>
    %add3A_334 = arith.addf %add3A_302, %slice3A_333 : vector<8x128xf32>
    %slice3A_335 = vector.extract_strided_slice %get3A_36 {offsets = [296, 256], sizes = [8, 128], strides = [1, 1]} : vector<512x512xf32> to vector<8x128xf32>
    %add3A_336 = arith.addf %add3A_304, %slice3A_335 : vector<8x128xf32>
    %slice3A_337 = vector.extract_strided_slice %get3A_36 {offsets = [296, 384], sizes = [8, 128], strides = [1, 1]} : vector<512x512xf32> to vector<8x128xf32>
    %add3A_338 = arith.addf %add3A_306, %slice3A_337 : vector<8x128xf32>
    %slice3A_339 = vector.extract_strided_slice %get3A_36 {offsets = [304, 0], sizes = [8, 128], strides = [1, 1]} : vector<512x512xf32> to vector<8x128xf32>
    %add3A_340 = arith.addf %add3A_308, %slice3A_339 : vector<8x128xf32>
    %slice3A_341 = vector.extract_strided_slice %get3A_36 {offsets = [304, 128], sizes = [8, 128], strides = [1, 1]} : vector<512x512xf32> to vector<8x128xf32>
    %add3A_342 = arith.addf %add3A_310, %slice3A_341 : vector<8x128xf32>
    %slice3A_343 = vector.extract_strided_slice %get3A_36 {offsets = [304, 256], sizes = [8, 128], strides = [1, 1]} : vector<512x512xf32> to vector<8x128xf32>
    %add3A_344 = arith.addf %add3A_312, %slice3A_343 : vector<8x128xf32>
    %slice3A_345 = vector.extract_strided_slice %get3A_36 {offsets = [304, 384], sizes = [8, 128], strides = [1, 1]} : vector<512x512xf32> to vector<8x128xf32>
    %add3A_346 = arith.addf %add3A_314, %slice3A_345 : vector<8x128xf32>
    %slice3A_347 = vector.extract_strided_slice %get3A_36 {offsets = [312, 0], sizes = [8, 128], strides = [1, 1]} : vector<512x512xf32> to vector<8x128xf32>
    %add3A_348 = arith.addf %add3A_316, %slice3A_347 : vector<8x128xf32>
    %slice3A_349 = vector.extract_strided_slice %get3A_36 {offsets = [312, 128], sizes = [8, 128], strides = [1, 1]} : vector<512x512xf32> to vector<8x128xf32>
    %add3A_350 = arith.addf %add3A_318, %slice3A_349 : vector<8x128xf32>
    %slice3A_351 = vector.extract_strided_slice %get3A_36 {offsets = [312, 256], sizes = [8, 128], strides = [1, 1]} : vector<512x512xf32> to vector<8x128xf32>
    %add3A_352 = arith.addf %add3A_320, %slice3A_351 : vector<8x128xf32>
    %slice3A_353 = vector.extract_strided_slice %get3A_36 {offsets = [312, 384], sizes = [8, 128], strides = [1, 1]} : vector<512x512xf32> to vector<8x128xf32>
    %add3A_354 = arith.addf %add3A_322, %slice3A_353 : vector<8x128xf32>
    %slice3A_355 = vector.extract_strided_slice %get3A_36 {offsets = [320, 0], sizes = [8, 128], strides = [1, 1]} : vector<512x512xf32> to vector<8x128xf32>
    %add3A_356 = arith.addf %add3A_324, %slice3A_355 : vector<8x128xf32>
    %slice3A_357 = vector.extract_strided_slice %get3A_36 {offsets = [320, 128], sizes = [8, 128], strides = [1, 1]} : vector<512x512xf32> to vector<8x128xf32>
    %add3A_358 = arith.addf %add3A_326, %slice3A_357 : vector<8x128xf32>
    %slice3A_359 = vector.extract_strided_slice %get3A_36 {offsets = [320, 256], sizes = [8, 128], strides = [1, 1]} : vector<512x512xf32> to vector<8x128xf32>
    %add3A_360 = arith.addf %add3A_328, %slice3A_359 : vector<8x128xf32>
    %slice3A_361 = vector.extract_strided_slice %get3A_36 {offsets = [320, 384], sizes = [8, 128], strides = [1, 1]} : vector<512x512xf32> to vector<8x128xf32>
    %add3A_362 = arith.addf %add3A_330, %slice3A_361 : vector<8x128xf32>
    %slice3A_363 = vector.extract_strided_slice %get3A_36 {offsets = [328, 0], sizes = [8, 128], strides = [1, 1]} : vector<512x512xf32> to vector<8x128xf32>
    %add3A_364 = arith.addf %add3A_332, %slice3A_363 : vector<8x128xf32>
    %slice3A_365 = vector.extract_strided_slice %get3A_36 {offsets = [328, 128], sizes = [8, 128], strides = [1, 1]} : vector<512x512xf32> to vector<8x128xf32>
    %add3A_366 = arith.addf %add3A_334, %slice3A_365 : vector<8x128xf32>
    %slice3A_367 = vector.extract_strided_slice %get3A_36 {offsets = [328, 256], sizes = [8, 128], strides = [1, 1]} : vector<512x512xf32> to vector<8x128xf32>
    %add3A_368 = arith.addf %add3A_336, %slice3A_367 : vector<8x128xf32>
    %slice3A_369 = vector.extract_strided_slice %get3A_36 {offsets = [328, 384], sizes = [8, 128], strides = [1, 1]} : vector<512x512xf32> to vector<8x128xf32>
    %add3A_370 = arith.addf %add3A_338, %slice3A_369 : vector<8x128xf32>
    %slice3A_371 = vector.extract_strided_slice %get3A_36 {offsets = [336, 0], sizes = [8, 128], strides = [1, 1]} : vector<512x512xf32> to vector<8x128xf32>
    %add3A_372 = arith.addf %add3A_340, %slice3A_371 : vector<8x128xf32>
    %slice3A_373 = vector.extract_strided_slice %get3A_36 {offsets = [336, 128], sizes = [8, 128], strides = [1, 1]} : vector<512x512xf32> to vector<8x128xf32>
    %add3A_374 = arith.addf %add3A_342, %slice3A_373 : vector<8x128xf32>
    %slice3A_375 = vector.extract_strided_slice %get3A_36 {offsets = [336, 256], sizes = [8, 128], strides = [1, 1]} : vector<512x512xf32> to vector<8x128xf32>
    %add3A_376 = arith.addf %add3A_344, %slice3A_375 : vector<8x128xf32>
    %slice3A_377 = vector.extract_strided_slice %get3A_36 {offsets = [336, 384], sizes = [8, 128], strides = [1, 1]} : vector<512x512xf32> to vector<8x128xf32>
    %add3A_378 = arith.addf %add3A_346, %slice3A_377 : vector<8x128xf32>
    %slice3A_379 = vector.extract_strided_slice %get3A_36 {offsets = [344, 0], sizes = [8, 128], strides = [1, 1]} : vector<512x512xf32> to vector<8x128xf32>
    %add3A_380 = arith.addf %add3A_348, %slice3A_379 : vector<8x128xf32>
    %slice3A_381 = vector.extract_strided_slice %get3A_36 {offsets = [344, 128], sizes = [8, 128], strides = [1, 1]} : vector<512x512xf32> to vector<8x128xf32>
    %add3A_382 = arith.addf %add3A_350, %slice3A_381 : vector<8x128xf32>
    %slice3A_383 = vector.extract_strided_slice %get3A_36 {offsets = [344, 256], sizes = [8, 128], strides = [1, 1]} : vector<512x512xf32> to vector<8x128xf32>
    %add3A_384 = arith.addf %add3A_352, %slice3A_383 : vector<8x128xf32>
    %slice3A_385 = vector.extract_strided_slice %get3A_36 {offsets = [344, 384], sizes = [8, 128], strides = [1, 1]} : vector<512x512xf32> to vector<8x128xf32>
    %add3A_386 = arith.addf %add3A_354, %slice3A_385 : vector<8x128xf32>
    %slice3A_387 = vector.extract_strided_slice %get3A_36 {offsets = [352, 0], sizes = [8, 128], strides = [1, 1]} : vector<512x512xf32> to vector<8x128xf32>
    %add3A_388 = arith.addf %add3A_356, %slice3A_387 : vector<8x128xf32>
    %slice3A_389 = vector.extract_strided_slice %get3A_36 {offsets = [352, 128], sizes = [8, 128], strides = [1, 1]} : vector<512x512xf32> to vector<8x128xf32>
    %add3A_390 = arith.addf %add3A_358, %slice3A_389 : vector<8x128xf32>
    %slice3A_391 = vector.extract_strided_slice %get3A_36 {offsets = [352, 256], sizes = [8, 128], strides = [1, 1]} : vector<512x512xf32> to vector<8x128xf32>
    %add3A_392 = arith.addf %add3A_360, %slice3A_391 : vector<8x128xf32>
    %slice3A_393 = vector.extract_strided_slice %get3A_36 {offsets = [352, 384], sizes = [8, 128], strides = [1, 1]} : vector<512x512xf32> to vector<8x128xf32>
    %add3A_394 = arith.addf %add3A_362, %slice3A_393 : vector<8x128xf32>
    %slice3A_395 = vector.extract_strided_slice %get3A_36 {offsets = [360, 0], sizes = [8, 128], strides = [1, 1]} : vector<512x512xf32> to vector<8x128xf32>
    %add3A_396 = arith.addf %add3A_364, %slice3A_395 : vector<8x128xf32>
    %slice3A_397 = vector.extract_strided_slice %get3A_36 {offsets = [360, 128], sizes = [8, 128], strides = [1, 1]} : vector<512x512xf32> to vector<8x128xf32>
    %add3A_398 = arith.addf %add3A_366, %slice3A_397 : vector<8x128xf32>
    %slice3A_399 = vector.extract_strided_slice %get3A_36 {offsets = [360, 256], sizes = [8, 128], strides = [1, 1]} : vector<512x512xf32> to vector<8x128xf32>
    %add3A_400 = arith.addf %add3A_368, %slice3A_399 : vector<8x128xf32>
    %slice3A_401 = vector.extract_strided_slice %get3A_36 {offsets = [360, 384], sizes = [8, 128], strides = [1, 1]} : vector<512x512xf32> to vector<8x128xf32>
    %add3A_402 = arith.addf %add3A_370, %slice3A_401 : vector<8x128xf32>
    %slice3A_403 = vector.extract_strided_slice %get3A_36 {offsets = [368, 0], sizes = [8, 128], strides = [1, 1]} : vector<512x512xf32> to vector<8x128xf32>
    %add3A_404 = arith.addf %add3A_372, %slice3A_403 : vector<8x128xf32>
    %slice3A_405 = vector.extract_strided_slice %get3A_36 {offsets = [368, 128], sizes = [8, 128], strides = [1, 1]} : vector<512x512xf32> to vector<8x128xf32>
    %add3A_406 = arith.addf %add3A_374, %slice3A_405 : vector<8x128xf32>
    %slice3A_407 = vector.extract_strided_slice %get3A_36 {offsets = [368, 256], sizes = [8, 128], strides = [1, 1]} : vector<512x512xf32> to vector<8x128xf32>
    %add3A_408 = arith.addf %add3A_376, %slice3A_407 : vector<8x128xf32>
    %slice3A_409 = vector.extract_strided_slice %get3A_36 {offsets = [368, 384], sizes = [8, 128], strides = [1, 1]} : vector<512x512xf32> to vector<8x128xf32>
    %add3A_410 = arith.addf %add3A_378, %slice3A_409 : vector<8x128xf32>
    %slice3A_411 = vector.extract_strided_slice %get3A_36 {offsets = [376, 0], sizes = [8, 128], strides = [1, 1]} : vector<512x512xf32> to vector<8x128xf32>
    %add3A_412 = arith.addf %add3A_380, %slice3A_411 : vector<8x128xf32>
    %slice3A_413 = vector.extract_strided_slice %get3A_36 {offsets = [376, 128], sizes = [8, 128], strides = [1, 1]} : vector<512x512xf32> to vector<8x128xf32>
    %add3A_414 = arith.addf %add3A_382, %slice3A_413 : vector<8x128xf32>
    %slice3A_415 = vector.extract_strided_slice %get3A_36 {offsets = [376, 256], sizes = [8, 128], strides = [1, 1]} : vector<512x512xf32> to vector<8x128xf32>
    %add3A_416 = arith.addf %add3A_384, %slice3A_415 : vector<8x128xf32>
    %slice3A_417 = vector.extract_strided_slice %get3A_36 {offsets = [376, 384], sizes = [8, 128], strides = [1, 1]} : vector<512x512xf32> to vector<8x128xf32>
    %add3A_418 = arith.addf %add3A_386, %slice3A_417 : vector<8x128xf32>
    %slice3A_419 = vector.extract_strided_slice %get3A_36 {offsets = [384, 0], sizes = [8, 128], strides = [1, 1]} : vector<512x512xf32> to vector<8x128xf32>
    %add3A_420 = arith.addf %add3A_388, %slice3A_419 : vector<8x128xf32>
    %slice3A_421 = vector.extract_strided_slice %get3A_36 {offsets = [384, 128], sizes = [8, 128], strides = [1, 1]} : vector<512x512xf32> to vector<8x128xf32>
    %add3A_422 = arith.addf %add3A_390, %slice3A_421 : vector<8x128xf32>
    %slice3A_423 = vector.extract_strided_slice %get3A_36 {offsets = [384, 256], sizes = [8, 128], strides = [1, 1]} : vector<512x512xf32> to vector<8x128xf32>
    %add3A_424 = arith.addf %add3A_392, %slice3A_423 : vector<8x128xf32>
    %slice3A_425 = vector.extract_strided_slice %get3A_36 {offsets = [384, 384], sizes = [8, 128], strides = [1, 1]} : vector<512x512xf32> to vector<8x128xf32>
    %add3A_426 = arith.addf %add3A_394, %slice3A_425 : vector<8x128xf32>
    %slice3A_427 = vector.extract_strided_slice %get3A_36 {offsets = [392, 0], sizes = [8, 128], strides = [1, 1]} : vector<512x512xf32> to vector<8x128xf32>
    %add3A_428 = arith.addf %add3A_396, %slice3A_427 : vector<8x128xf32>
    %slice3A_429 = vector.extract_strided_slice %get3A_36 {offsets = [392, 128], sizes = [8, 128], strides = [1, 1]} : vector<512x512xf32> to vector<8x128xf32>
    %add3A_430 = arith.addf %add3A_398, %slice3A_429 : vector<8x128xf32>
    %slice3A_431 = vector.extract_strided_slice %get3A_36 {offsets = [392, 256], sizes = [8, 128], strides = [1, 1]} : vector<512x512xf32> to vector<8x128xf32>
    %add3A_432 = arith.addf %add3A_400, %slice3A_431 : vector<8x128xf32>
    %slice3A_433 = vector.extract_strided_slice %get3A_36 {offsets = [392, 384], sizes = [8, 128], strides = [1, 1]} : vector<512x512xf32> to vector<8x128xf32>
    %add3A_434 = arith.addf %add3A_402, %slice3A_433 : vector<8x128xf32>
    %slice3A_435 = vector.extract_strided_slice %get3A_36 {offsets = [400, 0], sizes = [8, 128], strides = [1, 1]} : vector<512x512xf32> to vector<8x128xf32>
    %add3A_436 = arith.addf %add3A_404, %slice3A_435 : vector<8x128xf32>
    %slice3A_437 = vector.extract_strided_slice %get3A_36 {offsets = [400, 128], sizes = [8, 128], strides = [1, 1]} : vector<512x512xf32> to vector<8x128xf32>
    %add3A_438 = arith.addf %add3A_406, %slice3A_437 : vector<8x128xf32>
    %slice3A_439 = vector.extract_strided_slice %get3A_36 {offsets = [400, 256], sizes = [8, 128], strides = [1, 1]} : vector<512x512xf32> to vector<8x128xf32>
    %add3A_440 = arith.addf %add3A_408, %slice3A_439 : vector<8x128xf32>
    %slice3A_441 = vector.extract_strided_slice %get3A_36 {offsets = [400, 384], sizes = [8, 128], strides = [1, 1]} : vector<512x512xf32> to vector<8x128xf32>
    %add3A_442 = arith.addf %add3A_410, %slice3A_441 : vector<8x128xf32>
    %slice3A_443 = vector.extract_strided_slice %get3A_36 {offsets = [408, 0], sizes = [8, 128], strides = [1, 1]} : vector<512x512xf32> to vector<8x128xf32>
    %add3A_444 = arith.addf %add3A_412, %slice3A_443 : vector<8x128xf32>
    %slice3A_445 = vector.extract_strided_slice %get3A_36 {offsets = [408, 128], sizes = [8, 128], strides = [1, 1]} : vector<512x512xf32> to vector<8x128xf32>
    %add3A_446 = arith.addf %add3A_414, %slice3A_445 : vector<8x128xf32>
    %slice3A_447 = vector.extract_strided_slice %get3A_36 {offsets = [408, 256], sizes = [8, 128], strides = [1, 1]} : vector<512x512xf32> to vector<8x128xf32>
    %add3A_448 = arith.addf %add3A_416, %slice3A_447 : vector<8x128xf32>
    %slice3A_449 = vector.extract_strided_slice %get3A_36 {offsets = [408, 384], sizes = [8, 128], strides = [1, 1]} : vector<512x512xf32> to vector<8x128xf32>
    %add3A_450 = arith.addf %add3A_418, %slice3A_449 : vector<8x128xf32>
    %slice3A_451 = vector.extract_strided_slice %get3A_36 {offsets = [416, 0], sizes = [8, 128], strides = [1, 1]} : vector<512x512xf32> to vector<8x128xf32>
    %add3A_452 = arith.addf %add3A_420, %slice3A_451 : vector<8x128xf32>
    %slice3A_453 = vector.extract_strided_slice %get3A_36 {offsets = [416, 128], sizes = [8, 128], strides = [1, 1]} : vector<512x512xf32> to vector<8x128xf32>
    %add3A_454 = arith.addf %add3A_422, %slice3A_453 : vector<8x128xf32>
    %slice3A_455 = vector.extract_strided_slice %get3A_36 {offsets = [416, 256], sizes = [8, 128], strides = [1, 1]} : vector<512x512xf32> to vector<8x128xf32>
    %add3A_456 = arith.addf %add3A_424, %slice3A_455 : vector<8x128xf32>
    %slice3A_457 = vector.extract_strided_slice %get3A_36 {offsets = [416, 384], sizes = [8, 128], strides = [1, 1]} : vector<512x512xf32> to vector<8x128xf32>
    %add3A_458 = arith.addf %add3A_426, %slice3A_457 : vector<8x128xf32>
    %slice3A_459 = vector.extract_strided_slice %get3A_36 {offsets = [424, 0], sizes = [8, 128], strides = [1, 1]} : vector<512x512xf32> to vector<8x128xf32>
    %add3A_460 = arith.addf %add3A_428, %slice3A_459 : vector<8x128xf32>
    %slice3A_461 = vector.extract_strided_slice %get3A_36 {offsets = [424, 128], sizes = [8, 128], strides = [1, 1]} : vector<512x512xf32> to vector<8x128xf32>
    %add3A_462 = arith.addf %add3A_430, %slice3A_461 : vector<8x128xf32>
    %slice3A_463 = vector.extract_strided_slice %get3A_36 {offsets = [424, 256], sizes = [8, 128], strides = [1, 1]} : vector<512x512xf32> to vector<8x128xf32>
    %add3A_464 = arith.addf %add3A_432, %slice3A_463 : vector<8x128xf32>
    %slice3A_465 = vector.extract_strided_slice %get3A_36 {offsets = [424, 384], sizes = [8, 128], strides = [1, 1]} : vector<512x512xf32> to vector<8x128xf32>
    %add3A_466 = arith.addf %add3A_434, %slice3A_465 : vector<8x128xf32>
    %slice3A_467 = vector.extract_strided_slice %get3A_36 {offsets = [432, 0], sizes = [8, 128], strides = [1, 1]} : vector<512x512xf32> to vector<8x128xf32>
    %add3A_468 = arith.addf %add3A_436, %slice3A_467 : vector<8x128xf32>
    %slice3A_469 = vector.extract_strided_slice %get3A_36 {offsets = [432, 128], sizes = [8, 128], strides = [1, 1]} : vector<512x512xf32> to vector<8x128xf32>
    %add3A_470 = arith.addf %add3A_438, %slice3A_469 : vector<8x128xf32>
    %slice3A_471 = vector.extract_strided_slice %get3A_36 {offsets = [432, 256], sizes = [8, 128], strides = [1, 1]} : vector<512x512xf32> to vector<8x128xf32>
    %add3A_472 = arith.addf %add3A_440, %slice3A_471 : vector<8x128xf32>
    %slice3A_473 = vector.extract_strided_slice %get3A_36 {offsets = [432, 384], sizes = [8, 128], strides = [1, 1]} : vector<512x512xf32> to vector<8x128xf32>
    %add3A_474 = arith.addf %add3A_442, %slice3A_473 : vector<8x128xf32>
    %slice3A_475 = vector.extract_strided_slice %get3A_36 {offsets = [440, 0], sizes = [8, 128], strides = [1, 1]} : vector<512x512xf32> to vector<8x128xf32>
    %add3A_476 = arith.addf %add3A_444, %slice3A_475 : vector<8x128xf32>
    %slice3A_477 = vector.extract_strided_slice %get3A_36 {offsets = [440, 128], sizes = [8, 128], strides = [1, 1]} : vector<512x512xf32> to vector<8x128xf32>
    %add3A_478 = arith.addf %add3A_446, %slice3A_477 : vector<8x128xf32>
    %slice3A_479 = vector.extract_strided_slice %get3A_36 {offsets = [440, 256], sizes = [8, 128], strides = [1, 1]} : vector<512x512xf32> to vector<8x128xf32>
    %add3A_480 = arith.addf %add3A_448, %slice3A_479 : vector<8x128xf32>
    %slice3A_481 = vector.extract_strided_slice %get3A_36 {offsets = [440, 384], sizes = [8, 128], strides = [1, 1]} : vector<512x512xf32> to vector<8x128xf32>
    %add3A_482 = arith.addf %add3A_450, %slice3A_481 : vector<8x128xf32>
    %slice3A_483 = vector.extract_strided_slice %get3A_36 {offsets = [448, 0], sizes = [8, 128], strides = [1, 1]} : vector<512x512xf32> to vector<8x128xf32>
    %add3A_484 = arith.addf %add3A_452, %slice3A_483 : vector<8x128xf32>
    %slice3A_485 = vector.extract_strided_slice %get3A_36 {offsets = [448, 128], sizes = [8, 128], strides = [1, 1]} : vector<512x512xf32> to vector<8x128xf32>
    %add3A_486 = arith.addf %add3A_454, %slice3A_485 : vector<8x128xf32>
    %slice3A_487 = vector.extract_strided_slice %get3A_36 {offsets = [448, 256], sizes = [8, 128], strides = [1, 1]} : vector<512x512xf32> to vector<8x128xf32>
    %add3A_488 = arith.addf %add3A_456, %slice3A_487 : vector<8x128xf32>
    %slice3A_489 = vector.extract_strided_slice %get3A_36 {offsets = [448, 384], sizes = [8, 128], strides = [1, 1]} : vector<512x512xf32> to vector<8x128xf32>
    %add3A_490 = arith.addf %add3A_458, %slice3A_489 : vector<8x128xf32>
    %slice3A_491 = vector.extract_strided_slice %get3A_36 {offsets = [456, 0], sizes = [8, 128], strides = [1, 1]} : vector<512x512xf32> to vector<8x128xf32>
    %add3A_492 = arith.addf %add3A_460, %slice3A_491 : vector<8x128xf32>
    %slice3A_493 = vector.extract_strided_slice %get3A_36 {offsets = [456, 128], sizes = [8, 128], strides = [1, 1]} : vector<512x512xf32> to vector<8x128xf32>
    %add3A_494 = arith.addf %add3A_462, %slice3A_493 : vector<8x128xf32>
    %slice3A_495 = vector.extract_strided_slice %get3A_36 {offsets = [456, 256], sizes = [8, 128], strides = [1, 1]} : vector<512x512xf32> to vector<8x128xf32>
    %add3A_496 = arith.addf %add3A_464, %slice3A_495 : vector<8x128xf32>
    %slice3A_497 = vector.extract_strided_slice %get3A_36 {offsets = [456, 384], sizes = [8, 128], strides = [1, 1]} : vector<512x512xf32> to vector<8x128xf32>
    %add3A_498 = arith.addf %add3A_466, %slice3A_497 : vector<8x128xf32>
    %slice3A_499 = vector.extract_strided_slice %get3A_36 {offsets = [464, 0], sizes = [8, 128], strides = [1, 1]} : vector<512x512xf32> to vector<8x128xf32>
    %add3A_500 = arith.addf %add3A_468, %slice3A_499 : vector<8x128xf32>
    %slice3A_501 = vector.extract_strided_slice %get3A_36 {offsets = [464, 128], sizes = [8, 128], strides = [1, 1]} : vector<512x512xf32> to vector<8x128xf32>
    %add3A_502 = arith.addf %add3A_470, %slice3A_501 : vector<8x128xf32>
    %slice3A_503 = vector.extract_strided_slice %get3A_36 {offsets = [464, 256], sizes = [8, 128], strides = [1, 1]} : vector<512x512xf32> to vector<8x128xf32>
    %add3A_504 = arith.addf %add3A_472, %slice3A_503 : vector<8x128xf32>
    %slice3A_505 = vector.extract_strided_slice %get3A_36 {offsets = [464, 384], sizes = [8, 128], strides = [1, 1]} : vector<512x512xf32> to vector<8x128xf32>
    %add3A_506 = arith.addf %add3A_474, %slice3A_505 : vector<8x128xf32>
    %slice3A_507 = vector.extract_strided_slice %get3A_36 {offsets = [472, 0], sizes = [8, 128], strides = [1, 1]} : vector<512x512xf32> to vector<8x128xf32>
    %add3A_508 = arith.addf %add3A_476, %slice3A_507 : vector<8x128xf32>
    %slice3A_509 = vector.extract_strided_slice %get3A_36 {offsets = [472, 128], sizes = [8, 128], strides = [1, 1]} : vector<512x512xf32> to vector<8x128xf32>
    %add3A_510 = arith.addf %add3A_478, %slice3A_509 : vector<8x128xf32>
    %slice3A_511 = vector.extract_strided_slice %get3A_36 {offsets = [472, 256], sizes = [8, 128], strides = [1, 1]} : vector<512x512xf32> to vector<8x128xf32>
    %add3A_512 = arith.addf %add3A_480, %slice3A_511 : vector<8x128xf32>
    %slice3A_513 = vector.extract_strided_slice %get3A_36 {offsets = [472, 384], sizes = [8, 128], strides = [1, 1]} : vector<512x512xf32> to vector<8x128xf32>
    %add3A_514 = arith.addf %add3A_482, %slice3A_513 : vector<8x128xf32>
    %slice3A_515 = vector.extract_strided_slice %get3A_36 {offsets = [480, 0], sizes = [8, 128], strides = [1, 1]} : vector<512x512xf32> to vector<8x128xf32>
    %add3A_516 = arith.addf %add3A_484, %slice3A_515 : vector<8x128xf32>
    %slice3A_517 = vector.extract_strided_slice %get3A_36 {offsets = [480, 128], sizes = [8, 128], strides = [1, 1]} : vector<512x512xf32> to vector<8x128xf32>
    %add3A_518 = arith.addf %add3A_486, %slice3A_517 : vector<8x128xf32>
    %slice3A_519 = vector.extract_strided_slice %get3A_36 {offsets = [480, 256], sizes = [8, 128], strides = [1, 1]} : vector<512x512xf32> to vector<8x128xf32>
    %add3A_520 = arith.addf %add3A_488, %slice3A_519 : vector<8x128xf32>
    %slice3A_521 = vector.extract_strided_slice %get3A_36 {offsets = [480, 384], sizes = [8, 128], strides = [1, 1]} : vector<512x512xf32> to vector<8x128xf32>
    %add3A_522 = arith.addf %add3A_490, %slice3A_521 : vector<8x128xf32>
    %slice3A_523 = vector.extract_strided_slice %get3A_36 {offsets = [488, 0], sizes = [8, 128], strides = [1, 1]} : vector<512x512xf32> to vector<8x128xf32>
    %add3A_524 = arith.addf %add3A_492, %slice3A_523 : vector<8x128xf32>
    %slice3A_525 = vector.extract_strided_slice %get3A_36 {offsets = [488, 128], sizes = [8, 128], strides = [1, 1]} : vector<512x512xf32> to vector<8x128xf32>
    %add3A_526 = arith.addf %add3A_494, %slice3A_525 : vector<8x128xf32>
    %slice3A_527 = vector.extract_strided_slice %get3A_36 {offsets = [488, 256], sizes = [8, 128], strides = [1, 1]} : vector<512x512xf32> to vector<8x128xf32>
    %add3A_528 = arith.addf %add3A_496, %slice3A_527 : vector<8x128xf32>
    %slice3A_529 = vector.extract_strided_slice %get3A_36 {offsets = [488, 384], sizes = [8, 128], strides = [1, 1]} : vector<512x512xf32> to vector<8x128xf32>
    %add3A_530 = arith.addf %add3A_498, %slice3A_529 : vector<8x128xf32>
    %slice3A_531 = vector.extract_strided_slice %get3A_36 {offsets = [496, 0], sizes = [8, 128], strides = [1, 1]} : vector<512x512xf32> to vector<8x128xf32>
    %add3A_532 = arith.addf %add3A_500, %slice3A_531 : vector<8x128xf32>
    %slice3A_533 = vector.extract_strided_slice %get3A_36 {offsets = [496, 128], sizes = [8, 128], strides = [1, 1]} : vector<512x512xf32> to vector<8x128xf32>
    %add3A_534 = arith.addf %add3A_502, %slice3A_533 : vector<8x128xf32>
    %slice3A_535 = vector.extract_strided_slice %get3A_36 {offsets = [496, 256], sizes = [8, 128], strides = [1, 1]} : vector<512x512xf32> to vector<8x128xf32>
    %add3A_536 = arith.addf %add3A_504, %slice3A_535 : vector<8x128xf32>
    %slice3A_537 = vector.extract_strided_slice %get3A_36 {offsets = [496, 384], sizes = [8, 128], strides = [1, 1]} : vector<512x512xf32> to vector<8x128xf32>
    %add3A_538 = arith.addf %add3A_506, %slice3A_537 : vector<8x128xf32>
    %slice3A_539 = vector.extract_strided_slice %get3A_36 {offsets = [504, 0], sizes = [8, 128], strides = [1, 1]} : vector<512x512xf32> to vector<8x128xf32>
    %add3A_540 = arith.addf %add3A_508, %slice3A_539 : vector<8x128xf32>
    %slice3A_541 = vector.extract_strided_slice %get3A_36 {offsets = [504, 128], sizes = [8, 128], strides = [1, 1]} : vector<512x512xf32> to vector<8x128xf32>
    %add3A_542 = arith.addf %add3A_510, %slice3A_541 : vector<8x128xf32>
    %slice3A_543 = vector.extract_strided_slice %get3A_36 {offsets = [504, 256], sizes = [8, 128], strides = [1, 1]} : vector<512x512xf32> to vector<8x128xf32>
    %add3A_544 = arith.addf %add3A_512, %slice3A_543 : vector<8x128xf32>
    %slice3A_545 = vector.extract_strided_slice %get3A_36 {offsets = [504, 384], sizes = [8, 128], strides = [1, 1]} : vector<512x512xf32> to vector<8x128xf32>
    %add3A_546 = arith.addf %add3A_514, %slice3A_545 : vector<8x128xf32>
    %get3A_547 = arith.constant 1 : index
    %get3A_548 = arith.constant 0 : index
    %get3A_549 = arith.constant 0 : index
    %get3A_550 = vector.load %arg1[%get3A_547, %get3A_548, %get3A_549] : memref<4x512x512xf32, #tpu.memory_space<vmem>>, vector<1x512x512xf32>
    %get3A_551 = vector.shape_cast %get3A_550 : vector<1x512x512xf32> to vector<512x512xf32>
    %slice3A_552 = vector.extract_strided_slice %get3A_551 {offsets = [0, 0], sizes = [8, 128], strides = [1, 1]} : vector<512x512xf32> to vector<8x128xf32>
    %add3A_553 = arith.addf %add3A_516, %slice3A_552 : vector<8x128xf32>
    %slice3A_554 = vector.extract_strided_slice %get3A_551 {offsets = [0, 128], sizes = [8, 128], strides = [1, 1]} : vector<512x512xf32> to vector<8x128xf32>
    %add3A_555 = arith.addf %add3A_518, %slice3A_554 : vector<8x128xf32>
    %slice3A_556 = vector.extract_strided_slice %get3A_551 {offsets = [0, 256], sizes = [8, 128], strides = [1, 1]} : vector<512x512xf32> to vector<8x128xf32>
    %add3A_557 = arith.addf %add3A_520, %slice3A_556 : vector<8x128xf32>
    %slice3A_558 = vector.extract_strided_slice %get3A_551 {offsets = [0, 384], sizes = [8, 128], strides = [1, 1]} : vector<512x512xf32> to vector<8x128xf32>
    %add3A_559 = arith.addf %add3A_522, %slice3A_558 : vector<8x128xf32>
    %slice3A_560 = vector.extract_strided_slice %get3A_551 {offsets = [8, 0], sizes = [8, 128], strides = [1, 1]} : vector<512x512xf32> to vector<8x128xf32>
    %add3A_561 = arith.addf %add3A_524, %slice3A_560 : vector<8x128xf32>
    %slice3A_562 = vector.extract_strided_slice %get3A_551 {offsets = [8, 128], sizes = [8, 128], strides = [1, 1]} : vector<512x512xf32> to vector<8x128xf32>
    %add3A_563 = arith.addf %add3A_526, %slice3A_562 : vector<8x128xf32>
    %slice3A_564 = vector.extract_strided_slice %get3A_551 {offsets = [8, 256], sizes = [8, 128], strides = [1, 1]} : vector<512x512xf32> to vector<8x128xf32>
    %add3A_565 = arith.addf %add3A_528, %slice3A_564 : vector<8x128xf32>
    %slice3A_566 = vector.extract_strided_slice %get3A_551 {offsets = [8, 384], sizes = [8, 128], strides = [1, 1]} : vector<512x512xf32> to vector<8x128xf32>
    %add3A_567 = arith.addf %add3A_530, %slice3A_566 : vector<8x128xf32>
    %slice3A_568 = vector.extract_strided_slice %get3A_551 {offsets = [16, 0], sizes = [8, 128], strides = [1, 1]} : vector<512x512xf32> to vector<8x128xf32>
    %add3A_569 = arith.addf %add3A_532, %slice3A_568 : vector<8x128xf32>
    %slice3A_570 = vector.extract_strided_slice %get3A_551 {offsets = [16, 128], sizes = [8, 128], strides = [1, 1]} : vector<512x512xf32> to vector<8x128xf32>
    %add3A_571 = arith.addf %add3A_534, %slice3A_570 : vector<8x128xf32>
    %slice3A_572 = vector.extract_strided_slice %get3A_551 {offsets = [16, 256], sizes = [8, 128], strides = [1, 1]} : vector<512x512xf32> to vector<8x128xf32>
    %add3A_573 = arith.addf %add3A_536, %slice3A_572 : vector<8x128xf32>
    %slice3A_574 = vector.extract_strided_slice %get3A_551 {offsets = [16, 384], sizes = [8, 128], strides = [1, 1]} : vector<512x512xf32> to vector<8x128xf32>
    %add3A_575 = arith.addf %add3A_538, %slice3A_574 : vector<8x128xf32>
    %slice3A_576 = vector.extract_strided_slice %get3A_551 {offsets = [24, 0], sizes = [8, 128], strides = [1, 1]} : vector<512x512xf32> to vector<8x128xf32>
    %add3A_577 = arith.addf %add3A_540, %slice3A_576 : vector<8x128xf32>
    %slice3A_578 = vector.extract_strided_slice %get3A_551 {offsets = [24, 128], sizes = [8, 128], strides = [1, 1]} : vector<512x512xf32> to vector<8x128xf32>
    %add3A_579 = arith.addf %add3A_542, %slice3A_578 : vector<8x128xf32>
    %slice3A_580 = vector.extract_strided_slice %get3A_551 {offsets = [24, 256], sizes = [8, 128], strides = [1, 1]} : vector<512x512xf32> to vector<8x128xf32>
    %add3A_581 = arith.addf %add3A_544, %slice3A_580 : vector<8x128xf32>
    %slice3A_582 = vector.extract_strided_slice %get3A_551 {offsets = [24, 384], sizes = [8, 128], strides = [1, 1]} : vector<512x512xf32> to vector<8x128xf32>
    %add3A_583 = arith.addf %add3A_546, %slice3A_582 : vector<8x128xf32>
    %slice3A_584 = vector.extract_strided_slice %get3A_551 {offsets = [32, 0], sizes = [8, 128], strides = [1, 1]} : vector<512x512xf32> to vector<8x128xf32>
    %add3A_585 = arith.addf %add3A_553, %slice3A_584 : vector<8x128xf32>
    %slice3A_586 = vector.extract_strided_slice %get3A_551 {offsets = [32, 128], sizes = [8, 128], strides = [1, 1]} : vector<512x512xf32> to vector<8x128xf32>
    %add3A_587 = arith.addf %add3A_555, %slice3A_586 : vector<8x128xf32>
    %slice3A_588 = vector.extract_strided_slice %get3A_551 {offsets = [32, 256], sizes = [8, 128], strides = [1, 1]} : vector<512x512xf32> to vector<8x128xf32>
    %add3A_589 = arith.addf %add3A_557, %slice3A_588 : vector<8x128xf32>
    %slice3A_590 = vector.extract_strided_slice %get3A_551 {offsets = [32, 384], sizes = [8, 128], strides = [1, 1]} : vector<512x512xf32> to vector<8x128xf32>
    %add3A_591 = arith.addf %add3A_559, %slice3A_590 : vector<8x128xf32>
    %slice3A_592 = vector.extract_strided_slice %get3A_551 {offsets = [40, 0], sizes = [8, 128], strides = [1, 1]} : vector<512x512xf32> to vector<8x128xf32>
    %add3A_593 = arith.addf %add3A_561, %slice3A_592 : vector<8x128xf32>
    %slice3A_594 = vector.extract_strided_slice %get3A_551 {offsets = [40, 128], sizes = [8, 128], strides = [1, 1]} : vector<512x512xf32> to vector<8x128xf32>
    %add3A_595 = arith.addf %add3A_563, %slice3A_594 : vector<8x128xf32>
    %slice3A_596 = vector.extract_strided_slice %get3A_551 {offsets = [40, 256], sizes = [8, 128], strides = [1, 1]} : vector<512x512xf32> to vector<8x128xf32>
    %add3A_597 = arith.addf %add3A_565, %slice3A_596 : vector<8x128xf32>
    %slice3A_598 = vector.extract_strided_slice %get3A_551 {offsets = [40, 384], sizes = [8, 128], strides = [1, 1]} : vector<512x512xf32> to vector<8x128xf32>
    %add3A_599 = arith.addf %add3A_567, %slice3A_598 : vector<8x128xf32>
    %slice3A_600 = vector.extract_strided_slice %get3A_551 {offsets = [48, 0], sizes = [8, 128], strides = [1, 1]} : vector<512x512xf32> to vector<8x128xf32>
    %add3A_601 = arith.addf %add3A_569, %slice3A_600 : vector<8x128xf32>
    %slice3A_602 = vector.extract_strided_slice %get3A_551 {offsets = [48, 128], sizes = [8, 128], strides = [1, 1]} : vector<512x512xf32> to vector<8x128xf32>
    %add3A_603 = arith.addf %add3A_571, %slice3A_602 : vector<8x128xf32>
    %slice3A_604 = vector.extract_strided_slice %get3A_551 {offsets = [48, 256], sizes = [8, 128], strides = [1, 1]} : vector<512x512xf32> to vector<8x128xf32>
    %add3A_605 = arith.addf %add3A_573, %slice3A_604 : vector<8x128xf32>
    %slice3A_606 = vector.extract_strided_slice %get3A_551 {offsets = [48, 384], sizes = [8, 128], strides = [1, 1]} : vector<512x512xf32> to vector<8x128xf32>
    %add3A_607 = arith.addf %add3A_575, %slice3A_606 : vector<8x128xf32>
    %slice3A_608 = vector.extract_strided_slice %get3A_551 {offsets = [56, 0], sizes = [8, 128], strides = [1, 1]} : vector<512x512xf32> to vector<8x128xf32>
    %add3A_609 = arith.addf %add3A_577, %slice3A_608 : vector<8x128xf32>
    %slice3A_610 = vector.extract_strided_slice %get3A_551 {offsets = [56, 128], sizes = [8, 128], strides = [1, 1]} : vector<512x512xf32> to vector<8x128xf32>
    %add3A_611 = arith.addf %add3A_579, %slice3A_610 : vector<8x128xf32>
    %slice3A_612 = vector.extract_strided_slice %get3A_551 {offsets = [56, 256], sizes = [8, 128], strides = [1, 1]} : vector<512x512xf32> to vector<8x128xf32>
    %add3A_613 = arith.addf %add3A_581, %slice3A_612 : vector<8x128xf32>
    %slice3A_614 = vector.extract_strided_slice %get3A_551 {offsets = [56, 384], sizes = [8, 128], strides = [1, 1]} : vector<512x512xf32> to vector<8x128xf32>
    %add3A_615 = arith.addf %add3A_583, %slice3A_614 : vector<8x128xf32>
    %slice3A_616 = vector.extract_strided_slice %get3A_551 {offsets = [64, 0], sizes = [8, 128], strides = [1, 1]} : vector<512x512xf32> to vector<8x128xf32>
    %add3A_617 = arith.addf %add3A_585, %slice3A_616 : vector<8x128xf32>
    %slice3A_618 = vector.extract_strided_slice %get3A_551 {offsets = [64, 128], sizes = [8, 128], strides = [1, 1]} : vector<512x512xf32> to vector<8x128xf32>
    %add3A_619 = arith.addf %add3A_587, %slice3A_618 : vector<8x128xf32>
    %slice3A_620 = vector.extract_strided_slice %get3A_551 {offsets = [64, 256], sizes = [8, 128], strides = [1, 1]} : vector<512x512xf32> to vector<8x128xf32>
    %add3A_621 = arith.addf %add3A_589, %slice3A_620 : vector<8x128xf32>
    %slice3A_622 = vector.extract_strided_slice %get3A_551 {offsets = [64, 384], sizes = [8, 128], strides = [1, 1]} : vector<512x512xf32> to vector<8x128xf32>
    %add3A_623 = arith.addf %add3A_591, %slice3A_622 : vector<8x128xf32>
    %slice3A_624 = vector.extract_strided_slice %get3A_551 {offsets = [72, 0], sizes = [8, 128], strides = [1, 1]} : vector<512x512xf32> to vector<8x128xf32>
    %add3A_625 = arith.addf %add3A_593, %slice3A_624 : vector<8x128xf32>
    %slice3A_626 = vector.extract_strided_slice %get3A_551 {offsets = [72, 128], sizes = [8, 128], strides = [1, 1]} : vector<512x512xf32> to vector<8x128xf32>
    %add3A_627 = arith.addf %add3A_595, %slice3A_626 : vector<8x128xf32>
    %slice3A_628 = vector.extract_strided_slice %get3A_551 {offsets = [72, 256], sizes = [8, 128], strides = [1, 1]} : vector<512x512xf32> to vector<8x128xf32>
    %add3A_629 = arith.addf %add3A_597, %slice3A_628 : vector<8x128xf32>
    %slice3A_630 = vector.extract_strided_slice %get3A_551 {offsets = [72, 384], sizes = [8, 128], strides = [1, 1]} : vector<512x512xf32> to vector<8x128xf32>
    %add3A_631 = arith.addf %add3A_599, %slice3A_630 : vector<8x128xf32>
    %slice3A_632 = vector.extract_strided_slice %get3A_551 {offsets = [80, 0], sizes = [8, 128], strides = [1, 1]} : vector<512x512xf32> to vector<8x128xf32>
    %add3A_633 = arith.addf %add3A_601, %slice3A_632 : vector<8x128xf32>
    %slice3A_634 = vector.extract_strided_slice %get3A_551 {offsets = [80, 128], sizes = [8, 128], strides = [1, 1]} : vector<512x512xf32> to vector<8x128xf32>
    %add3A_635 = arith.addf %add3A_603, %slice3A_634 : vector<8x128xf32>
    %slice3A_636 = vector.extract_strided_slice %get3A_551 {offsets = [80, 256], sizes = [8, 128], strides = [1, 1]} : vector<512x512xf32> to vector<8x128xf32>
    %add3A_637 = arith.addf %add3A_605, %slice3A_636 : vector<8x128xf32>
    %slice3A_638 = vector.extract_strided_slice %get3A_551 {offsets = [80, 384], sizes = [8, 128], strides = [1, 1]} : vector<512x512xf32> to vector<8x128xf32>
    %add3A_639 = arith.addf %add3A_607, %slice3A_638 : vector<8x128xf32>
    %slice3A_640 = vector.extract_strided_slice %get3A_551 {offsets = [88, 0], sizes = [8, 128], strides = [1, 1]} : vector<512x512xf32> to vector<8x128xf32>
    %add3A_641 = arith.addf %add3A_609, %slice3A_640 : vector<8x128xf32>
    %slice3A_642 = vector.extract_strided_slice %get3A_551 {offsets = [88, 128], sizes = [8, 128], strides = [1, 1]} : vector<512x512xf32> to vector<8x128xf32>
    %add3A_643 = arith.addf %add3A_611, %slice3A_642 : vector<8x128xf32>
    %slice3A_644 = vector.extract_strided_slice %get3A_551 {offsets = [88, 256], sizes = [8, 128], strides = [1, 1]} : vector<512x512xf32> to vector<8x128xf32>
    %add3A_645 = arith.addf %add3A_613, %slice3A_644 : vector<8x128xf32>
    %slice3A_646 = vector.extract_strided_slice %get3A_551 {offsets = [88, 384], sizes = [8, 128], strides = [1, 1]} : vector<512x512xf32> to vector<8x128xf32>
    %add3A_647 = arith.addf %add3A_615, %slice3A_646 : vector<8x128xf32>
    %slice3A_648 = vector.extract_strided_slice %get3A_551 {offsets = [96, 0], sizes = [8, 128], strides = [1, 1]} : vector<512x512xf32> to vector<8x128xf32>
    %add3A_649 = arith.addf %add3A_617, %slice3A_648 : vector<8x128xf32>
    %slice3A_650 = vector.extract_strided_slice %get3A_551 {offsets = [96, 128], sizes = [8, 128], strides = [1, 1]} : vector<512x512xf32> to vector<8x128xf32>
    %add3A_651 = arith.addf %add3A_619, %slice3A_650 : vector<8x128xf32>
    %slice3A_652 = vector.extract_strided_slice %get3A_551 {offsets = [96, 256], sizes = [8, 128], strides = [1, 1]} : vector<512x512xf32> to vector<8x128xf32>
    %add3A_653 = arith.addf %add3A_621, %slice3A_652 : vector<8x128xf32>
    %slice3A_654 = vector.extract_strided_slice %get3A_551 {offsets = [96, 384], sizes = [8, 128], strides = [1, 1]} : vector<512x512xf32> to vector<8x128xf32>
    %add3A_655 = arith.addf %add3A_623, %slice3A_654 : vector<8x128xf32>
    %slice3A_656 = vector.extract_strided_slice %get3A_551 {offsets = [104, 0], sizes = [8, 128], strides = [1, 1]} : vector<512x512xf32> to vector<8x128xf32>
    %add3A_657 = arith.addf %add3A_625, %slice3A_656 : vector<8x128xf32>
    %slice3A_658 = vector.extract_strided_slice %get3A_551 {offsets = [104, 128], sizes = [8, 128], strides = [1, 1]} : vector<512x512xf32> to vector<8x128xf32>
    %add3A_659 = arith.addf %add3A_627, %slice3A_658 : vector<8x128xf32>
    %slice3A_660 = vector.extract_strided_slice %get3A_551 {offsets = [104, 256], sizes = [8, 128], strides = [1, 1]} : vector<512x512xf32> to vector<8x128xf32>
    %add3A_661 = arith.addf %add3A_629, %slice3A_660 : vector<8x128xf32>
    %slice3A_662 = vector.extract_strided_slice %get3A_551 {offsets = [104, 384], sizes = [8, 128], strides = [1, 1]} : vector<512x512xf32> to vector<8x128xf32>
    %add3A_663 = arith.addf %add3A_631, %slice3A_662 : vector<8x128xf32>
    %slice3A_664 = vector.extract_strided_slice %get3A_551 {offsets = [112, 0], sizes = [8, 128], strides = [1, 1]} : vector<512x512xf32> to vector<8x128xf32>
    %add3A_665 = arith.addf %add3A_633, %slice3A_664 : vector<8x128xf32>
    %slice3A_666 = vector.extract_strided_slice %get3A_551 {offsets = [112, 128], sizes = [8, 128], strides = [1, 1]} : vector<512x512xf32> to vector<8x128xf32>
    %add3A_667 = arith.addf %add3A_635, %slice3A_666 : vector<8x128xf32>
    %slice3A_668 = vector.extract_strided_slice %get3A_551 {offsets = [112, 256], sizes = [8, 128], strides = [1, 1]} : vector<512x512xf32> to vector<8x128xf32>
    %add3A_669 = arith.addf %add3A_637, %slice3A_668 : vector<8x128xf32>
    %slice3A_670 = vector.extract_strided_slice %get3A_551 {offsets = [112, 384], sizes = [8, 128], strides = [1, 1]} : vector<512x512xf32> to vector<8x128xf32>
    %add3A_671 = arith.addf %add3A_639, %slice3A_670 : vector<8x128xf32>
    %slice3A_672 = vector.extract_strided_slice %get3A_551 {offsets = [120, 0], sizes = [8, 128], strides = [1, 1]} : vector<512x512xf32> to vector<8x128xf32>
    %add3A_673 = arith.addf %add3A_641, %slice3A_672 : vector<8x128xf32>
    %slice3A_674 = vector.extract_strided_slice %get3A_551 {offsets = [120, 128], sizes = [8, 128], strides = [1, 1]} : vector<512x512xf32> to vector<8x128xf32>
    %add3A_675 = arith.addf %add3A_643, %slice3A_674 : vector<8x128xf32>
    %slice3A_676 = vector.extract_strided_slice %get3A_551 {offsets = [120, 256], sizes = [8, 128], strides = [1, 1]} : vector<512x512xf32> to vector<8x128xf32>
    %add3A_677 = arith.addf %add3A_645, %slice3A_676 : vector<8x128xf32>
    %slice3A_678 = vector.extract_strided_slice %get3A_551 {offsets = [120, 384], sizes = [8, 128], strides = [1, 1]} : vector<512x512xf32> to vector<8x128xf32>
    %add3A_679 = arith.addf %add3A_647, %slice3A_678 : vector<8x128xf32>
    %slice3A_680 = vector.extract_strided_slice %get3A_551 {offsets = [128, 0], sizes = [8, 128], strides = [1, 1]} : vector<512x512xf32> to vector<8x128xf32>
    %add3A_681 = arith.addf %add3A_649, %slice3A_680 : vector<8x128xf32>
    %slice3A_682 = vector.extract_strided_slice %get3A_551 {offsets = [128, 128], sizes = [8, 128], strides = [1, 1]} : vector<512x512xf32> to vector<8x128xf32>
    %add3A_683 = arith.addf %add3A_651, %slice3A_682 : vector<8x128xf32>
    %slice3A_684 = vector.extract_strided_slice %get3A_551 {offsets = [128, 256], sizes = [8, 128], strides = [1, 1]} : vector<512x512xf32> to vector<8x128xf32>
    %add3A_685 = arith.addf %add3A_653, %slice3A_684 : vector<8x128xf32>
    %slice3A_686 = vector.extract_strided_slice %get3A_551 {offsets = [128, 384], sizes = [8, 128], strides = [1, 1]} : vector<512x512xf32> to vector<8x128xf32>
    %add3A_687 = arith.addf %add3A_655, %slice3A_686 : vector<8x128xf32>
    %slice3A_688 = vector.extract_strided_slice %get3A_551 {offsets = [136, 0], sizes = [8, 128], strides = [1, 1]} : vector<512x512xf32> to vector<8x128xf32>
    %add3A_689 = arith.addf %add3A_657, %slice3A_688 : vector<8x128xf32>
    %slice3A_690 = vector.extract_strided_slice %get3A_551 {offsets = [136, 128], sizes = [8, 128], strides = [1, 1]} : vector<512x512xf32> to vector<8x128xf32>
    %add3A_691 = arith.addf %add3A_659, %slice3A_690 : vector<8x128xf32>
    %slice3A_692 = vector.extract_strided_slice %get3A_551 {offsets = [136, 256], sizes = [8, 128], strides = [1, 1]} : vector<512x512xf32> to vector<8x128xf32>
    %add3A_693 = arith.addf %add3A_661, %slice3A_692 : vector<8x128xf32>
    %slice3A_694 = vector.extract_strided_slice %get3A_551 {offsets = [136, 384], sizes = [8, 128], strides = [1, 1]} : vector<512x512xf32> to vector<8x128xf32>
    %add3A_695 = arith.addf %add3A_663, %slice3A_694 : vector<8x128xf32>
    %slice3A_696 = vector.extract_strided_slice %get3A_551 {offsets = [144, 0], sizes = [8, 128], strides = [1, 1]} : vector<512x512xf32> to vector<8x128xf32>
    %add3A_697 = arith.addf %add3A_665, %slice3A_696 : vector<8x128xf32>
    %slice3A_698 = vector.extract_strided_slice %get3A_551 {offsets = [144, 128], sizes = [8, 128], strides = [1, 1]} : vector<512x512xf32> to vector<8x128xf32>
    %add3A_699 = arith.addf %add3A_667, %slice3A_698 : vector<8x128xf32>
    %slice3A_700 = vector.extract_strided_slice %get3A_551 {offsets = [144, 256], sizes = [8, 128], strides = [1, 1]} : vector<512x512xf32> to vector<8x128xf32>
    %add3A_701 = arith.addf %add3A_669, %slice3A_700 : vector<8x128xf32>
    %slice3A_702 = vector.extract_strided_slice %get3A_551 {offsets = [144, 384], sizes = [8, 128], strides = [1, 1]} : vector<512x512xf32> to vector<8x128xf32>
    %add3A_703 = arith.addf %add3A_671, %slice3A_702 : vector<8x128xf32>
    %slice3A_704 = vector.extract_strided_slice %get3A_551 {offsets = [152, 0], sizes = [8, 128], strides = [1, 1]} : vector<512x512xf32> to vector<8x128xf32>
    %add3A_705 = arith.addf %add3A_673, %slice3A_704 : vector<8x128xf32>
    %slice3A_706 = vector.extract_strided_slice %get3A_551 {offsets = [152, 128], sizes = [8, 128], strides = [1, 1]} : vector<512x512xf32> to vector<8x128xf32>
    %add3A_707 = arith.addf %add3A_675, %slice3A_706 : vector<8x128xf32>
    %slice3A_708 = vector.extract_strided_slice %get3A_551 {offsets = [152, 256], sizes = [8, 128], strides = [1, 1]} : vector<512x512xf32> to vector<8x128xf32>
    %add3A_709 = arith.addf %add3A_677, %slice3A_708 : vector<8x128xf32>
    %slice3A_710 = vector.extract_strided_slice %get3A_551 {offsets = [152, 384], sizes = [8, 128], strides = [1, 1]} : vector<512x512xf32> to vector<8x128xf32>
    %add3A_711 = arith.addf %add3A_679, %slice3A_710 : vector<8x128xf32>
    %slice3A_712 = vector.extract_strided_slice %get3A_551 {offsets = [160, 0], sizes = [8, 128], strides = [1, 1]} : vector<512x512xf32> to vector<8x128xf32>
    %add3A_713 = arith.addf %add3A_681, %slice3A_712 : vector<8x128xf32>
    %slice3A_714 = vector.extract_strided_slice %get3A_551 {offsets = [160, 128], sizes = [8, 128], strides = [1, 1]} : vector<512x512xf32> to vector<8x128xf32>
    %add3A_715 = arith.addf %add3A_683, %slice3A_714 : vector<8x128xf32>
    %slice3A_716 = vector.extract_strided_slice %get3A_551 {offsets = [160, 256], sizes = [8, 128], strides = [1, 1]} : vector<512x512xf32> to vector<8x128xf32>
    %add3A_717 = arith.addf %add3A_685, %slice3A_716 : vector<8x128xf32>
    %slice3A_718 = vector.extract_strided_slice %get3A_551 {offsets = [160, 384], sizes = [8, 128], strides = [1, 1]} : vector<512x512xf32> to vector<8x128xf32>
    %add3A_719 = arith.addf %add3A_687, %slice3A_718 : vector<8x128xf32>
    %slice3A_720 = vector.extract_strided_slice %get3A_551 {offsets = [168, 0], sizes = [8, 128], strides = [1, 1]} : vector<512x512xf32> to vector<8x128xf32>
    %add3A_721 = arith.addf %add3A_689, %slice3A_720 : vector<8x128xf32>
    %slice3A_722 = vector.extract_strided_slice %get3A_551 {offsets = [168, 128], sizes = [8, 128], strides = [1, 1]} : vector<512x512xf32> to vector<8x128xf32>
    %add3A_723 = arith.addf %add3A_691, %slice3A_722 : vector<8x128xf32>
    %slice3A_724 = vector.extract_strided_slice %get3A_551 {offsets = [168, 256], sizes = [8, 128], strides = [1, 1]} : vector<512x512xf32> to vector<8x128xf32>
    %add3A_725 = arith.addf %add3A_693, %slice3A_724 : vector<8x128xf32>
    %slice3A_726 = vector.extract_strided_slice %get3A_551 {offsets = [168, 384], sizes = [8, 128], strides = [1, 1]} : vector<512x512xf32> to vector<8x128xf32>
    %add3A_727 = arith.addf %add3A_695, %slice3A_726 : vector<8x128xf32>
    %slice3A_728 = vector.extract_strided_slice %get3A_551 {offsets = [176, 0], sizes = [8, 128], strides = [1, 1]} : vector<512x512xf32> to vector<8x128xf32>
    %add3A_729 = arith.addf %add3A_697, %slice3A_728 : vector<8x128xf32>
    %slice3A_730 = vector.extract_strided_slice %get3A_551 {offsets = [176, 128], sizes = [8, 128], strides = [1, 1]} : vector<512x512xf32> to vector<8x128xf32>
    %add3A_731 = arith.addf %add3A_699, %slice3A_730 : vector<8x128xf32>
    %slice3A_732 = vector.extract_strided_slice %get3A_551 {offsets = [176, 256], sizes = [8, 128], strides = [1, 1]} : vector<512x512xf32> to vector<8x128xf32>
    %add3A_733 = arith.addf %add3A_701, %slice3A_732 : vector<8x128xf32>
    %slice3A_734 = vector.extract_strided_slice %get3A_551 {offsets = [176, 384], sizes = [8, 128], strides = [1, 1]} : vector<512x512xf32> to vector<8x128xf32>
    %add3A_735 = arith.addf %add3A_703, %slice3A_734 : vector<8x128xf32>
    %slice3A_736 = vector.extract_strided_slice %get3A_551 {offsets = [184, 0], sizes = [8, 128], strides = [1, 1]} : vector<512x512xf32> to vector<8x128xf32>
    %add3A_737 = arith.addf %add3A_705, %slice3A_736 : vector<8x128xf32>
    %slice3A_738 = vector.extract_strided_slice %get3A_551 {offsets = [184, 128], sizes = [8, 128], strides = [1, 1]} : vector<512x512xf32> to vector<8x128xf32>
    %add3A_739 = arith.addf %add3A_707, %slice3A_738 : vector<8x128xf32>
    %slice3A_740 = vector.extract_strided_slice %get3A_551 {offsets = [184, 256], sizes = [8, 128], strides = [1, 1]} : vector<512x512xf32> to vector<8x128xf32>
    %add3A_741 = arith.addf %add3A_709, %slice3A_740 : vector<8x128xf32>
    %slice3A_742 = vector.extract_strided_slice %get3A_551 {offsets = [184, 384], sizes = [8, 128], strides = [1, 1]} : vector<512x512xf32> to vector<8x128xf32>
    %add3A_743 = arith.addf %add3A_711, %slice3A_742 : vector<8x128xf32>
    %slice3A_744 = vector.extract_strided_slice %get3A_551 {offsets = [192, 0], sizes = [8, 128], strides = [1, 1]} : vector<512x512xf32> to vector<8x128xf32>
    %add3A_745 = arith.addf %add3A_713, %slice3A_744 : vector<8x128xf32>
    %slice3A_746 = vector.extract_strided_slice %get3A_551 {offsets = [192, 128], sizes = [8, 128], strides = [1, 1]} : vector<512x512xf32> to vector<8x128xf32>
    %add3A_747 = arith.addf %add3A_715, %slice3A_746 : vector<8x128xf32>
    %slice3A_748 = vector.extract_strided_slice %get3A_551 {offsets = [192, 256], sizes = [8, 128], strides = [1, 1]} : vector<512x512xf32> to vector<8x128xf32>
    %add3A_749 = arith.addf %add3A_717, %slice3A_748 : vector<8x128xf32>
    %slice3A_750 = vector.extract_strided_slice %get3A_551 {offsets = [192, 384], sizes = [8, 128], strides = [1, 1]} : vector<512x512xf32> to vector<8x128xf32>
    %add3A_751 = arith.addf %add3A_719, %slice3A_750 : vector<8x128xf32>
    %slice3A_752 = vector.extract_strided_slice %get3A_551 {offsets = [200, 0], sizes = [8, 128], strides = [1, 1]} : vector<512x512xf32> to vector<8x128xf32>
    %add3A_753 = arith.addf %add3A_721, %slice3A_752 : vector<8x128xf32>
    %slice3A_754 = vector.extract_strided_slice %get3A_551 {offsets = [200, 128], sizes = [8, 128], strides = [1, 1]} : vector<512x512xf32> to vector<8x128xf32>
    %add3A_755 = arith.addf %add3A_723, %slice3A_754 : vector<8x128xf32>
    %slice3A_756 = vector.extract_strided_slice %get3A_551 {offsets = [200, 256], sizes = [8, 128], strides = [1, 1]} : vector<512x512xf32> to vector<8x128xf32>
    %add3A_757 = arith.addf %add3A_725, %slice3A_756 : vector<8x128xf32>
    %slice3A_758 = vector.extract_strided_slice %get3A_551 {offsets = [200, 384], sizes = [8, 128], strides = [1, 1]} : vector<512x512xf32> to vector<8x128xf32>
    %add3A_759 = arith.addf %add3A_727, %slice3A_758 : vector<8x128xf32>
    %slice3A_760 = vector.extract_strided_slice %get3A_551 {offsets = [208, 0], sizes = [8, 128], strides = [1, 1]} : vector<512x512xf32> to vector<8x128xf32>
    %add3A_761 = arith.addf %add3A_729, %slice3A_760 : vector<8x128xf32>
    %slice3A_762 = vector.extract_strided_slice %get3A_551 {offsets = [208, 128], sizes = [8, 128], strides = [1, 1]} : vector<512x512xf32> to vector<8x128xf32>
    %add3A_763 = arith.addf %add3A_731, %slice3A_762 : vector<8x128xf32>
    %slice3A_764 = vector.extract_strided_slice %get3A_551 {offsets = [208, 256], sizes = [8, 128], strides = [1, 1]} : vector<512x512xf32> to vector<8x128xf32>
    %add3A_765 = arith.addf %add3A_733, %slice3A_764 : vector<8x128xf32>
    %slice3A_766 = vector.extract_strided_slice %get3A_551 {offsets = [208, 384], sizes = [8, 128], strides = [1, 1]} : vector<512x512xf32> to vector<8x128xf32>
    %add3A_767 = arith.addf %add3A_735, %slice3A_766 : vector<8x128xf32>
    %slice3A_768 = vector.extract_strided_slice %get3A_551 {offsets = [216, 0], sizes = [8, 128], strides = [1, 1]} : vector<512x512xf32> to vector<8x128xf32>
    %add3A_769 = arith.addf %add3A_737, %slice3A_768 : vector<8x128xf32>
    %slice3A_770 = vector.extract_strided_slice %get3A_551 {offsets = [216, 128], sizes = [8, 128], strides = [1, 1]} : vector<512x512xf32> to vector<8x128xf32>
    %add3A_771 = arith.addf %add3A_739, %slice3A_770 : vector<8x128xf32>
    %slice3A_772 = vector.extract_strided_slice %get3A_551 {offsets = [216, 256], sizes = [8, 128], strides = [1, 1]} : vector<512x512xf32> to vector<8x128xf32>
    %add3A_773 = arith.addf %add3A_741, %slice3A_772 : vector<8x128xf32>
    %slice3A_774 = vector.extract_strided_slice %get3A_551 {offsets = [216, 384], sizes = [8, 128], strides = [1, 1]} : vector<512x512xf32> to vector<8x128xf32>
    %add3A_775 = arith.addf %add3A_743, %slice3A_774 : vector<8x128xf32>
    %slice3A_776 = vector.extract_strided_slice %get3A_551 {offsets = [224, 0], sizes = [8, 128], strides = [1, 1]} : vector<512x512xf32> to vector<8x128xf32>
    %add3A_777 = arith.addf %add3A_745, %slice3A_776 : vector<8x128xf32>
    %slice3A_778 = vector.extract_strided_slice %get3A_551 {offsets = [224, 128], sizes = [8, 128], strides = [1, 1]} : vector<512x512xf32> to vector<8x128xf32>
    %add3A_779 = arith.addf %add3A_747, %slice3A_778 : vector<8x128xf32>
    %slice3A_780 = vector.extract_strided_slice %get3A_551 {offsets = [224, 256], sizes = [8, 128], strides = [1, 1]} : vector<512x512xf32> to vector<8x128xf32>
    %add3A_781 = arith.addf %add3A_749, %slice3A_780 : vector<8x128xf32>
    %slice3A_782 = vector.extract_strided_slice %get3A_551 {offsets = [224, 384], sizes = [8, 128], strides = [1, 1]} : vector<512x512xf32> to vector<8x128xf32>
    %add3A_783 = arith.addf %add3A_751, %slice3A_782 : vector<8x128xf32>
    %slice3A_784 = vector.extract_strided_slice %get3A_551 {offsets = [232, 0], sizes = [8, 128], strides = [1, 1]} : vector<512x512xf32> to vector<8x128xf32>
    %add3A_785 = arith.addf %add3A_753, %slice3A_784 : vector<8x128xf32>
    %slice3A_786 = vector.extract_strided_slice %get3A_551 {offsets = [232, 128], sizes = [8, 128], strides = [1, 1]} : vector<512x512xf32> to vector<8x128xf32>
    %add3A_787 = arith.addf %add3A_755, %slice3A_786 : vector<8x128xf32>
    %slice3A_788 = vector.extract_strided_slice %get3A_551 {offsets = [232, 256], sizes = [8, 128], strides = [1, 1]} : vector<512x512xf32> to vector<8x128xf32>
    %add3A_789 = arith.addf %add3A_757, %slice3A_788 : vector<8x128xf32>
    %slice3A_790 = vector.extract_strided_slice %get3A_551 {offsets = [232, 384], sizes = [8, 128], strides = [1, 1]} : vector<512x512xf32> to vector<8x128xf32>
    %add3A_791 = arith.addf %add3A_759, %slice3A_790 : vector<8x128xf32>
    %slice3A_792 = vector.extract_strided_slice %get3A_551 {offsets = [240, 0], sizes = [8, 128], strides = [1, 1]} : vector<512x512xf32> to vector<8x128xf32>
    %add3A_793 = arith.addf %add3A_761, %slice3A_792 : vector<8x128xf32>
    %slice3A_794 = vector.extract_strided_slice %get3A_551 {offsets = [240, 128], sizes = [8, 128], strides = [1, 1]} : vector<512x512xf32> to vector<8x128xf32>
    %add3A_795 = arith.addf %add3A_763, %slice3A_794 : vector<8x128xf32>
    %slice3A_796 = vector.extract_strided_slice %get3A_551 {offsets = [240, 256], sizes = [8, 128], strides = [1, 1]} : vector<512x512xf32> to vector<8x128xf32>
    %add3A_797 = arith.addf %add3A_765, %slice3A_796 : vector<8x128xf32>
    %slice3A_798 = vector.extract_strided_slice %get3A_551 {offsets = [240, 384], sizes = [8, 128], strides = [1, 1]} : vector<512x512xf32> to vector<8x128xf32>
    %add3A_799 = arith.addf %add3A_767, %slice3A_798 : vector<8x128xf32>
    %slice3A_800 = vector.extract_strided_slice %get3A_551 {offsets = [248, 0], sizes = [8, 128], strides = [1, 1]} : vector<512x512xf32> to vector<8x128xf32>
    %add3A_801 = arith.addf %add3A_769, %slice3A_800 : vector<8x128xf32>
    %slice3A_802 = vector.extract_strided_slice %get3A_551 {offsets = [248, 128], sizes = [8, 128], strides = [1, 1]} : vector<512x512xf32> to vector<8x128xf32>
    %add3A_803 = arith.addf %add3A_771, %slice3A_802 : vector<8x128xf32>
    %slice3A_804 = vector.extract_strided_slice %get3A_551 {offsets = [248, 256], sizes = [8, 128], strides = [1, 1]} : vector<512x512xf32> to vector<8x128xf32>
    %add3A_805 = arith.addf %add3A_773, %slice3A_804 : vector<8x128xf32>
    %slice3A_806 = vector.extract_strided_slice %get3A_551 {offsets = [248, 384], sizes = [8, 128], strides = [1, 1]} : vector<512x512xf32> to vector<8x128xf32>
    %add3A_807 = arith.addf %add3A_775, %slice3A_806 : vector<8x128xf32>
    %slice3A_808 = vector.extract_strided_slice %get3A_551 {offsets = [256, 0], sizes = [8, 128], strides = [1, 1]} : vector<512x512xf32> to vector<8x128xf32>
    %add3A_809 = arith.addf %add3A_777, %slice3A_808 : vector<8x128xf32>
    %slice3A_810 = vector.extract_strided_slice %get3A_551 {offsets = [256, 128], sizes = [8, 128], strides = [1, 1]} : vector<512x512xf32> to vector<8x128xf32>
    %add3A_811 = arith.addf %add3A_779, %slice3A_810 : vector<8x128xf32>
    %slice3A_812 = vector.extract_strided_slice %get3A_551 {offsets = [256, 256], sizes = [8, 128], strides = [1, 1]} : vector<512x512xf32> to vector<8x128xf32>
    %add3A_813 = arith.addf %add3A_781, %slice3A_812 : vector<8x128xf32>
    %slice3A_814 = vector.extract_strided_slice %get3A_551 {offsets = [256, 384], sizes = [8, 128], strides = [1, 1]} : vector<512x512xf32> to vector<8x128xf32>
    %add3A_815 = arith.addf %add3A_783, %slice3A_814 : vector<8x128xf32>
    %slice3A_816 = vector.extract_strided_slice %get3A_551 {offsets = [264, 0], sizes = [8, 128], strides = [1, 1]} : vector<512x512xf32> to vector<8x128xf32>
    %add3A_817 = arith.addf %add3A_785, %slice3A_816 : vector<8x128xf32>
    %slice3A_818 = vector.extract_strided_slice %get3A_551 {offsets = [264, 128], sizes = [8, 128], strides = [1, 1]} : vector<512x512xf32> to vector<8x128xf32>
    %add3A_819 = arith.addf %add3A_787, %slice3A_818 : vector<8x128xf32>
    %slice3A_820 = vector.extract_strided_slice %get3A_551 {offsets = [264, 256], sizes = [8, 128], strides = [1, 1]} : vector<512x512xf32> to vector<8x128xf32>
    %add3A_821 = arith.addf %add3A_789, %slice3A_820 : vector<8x128xf32>
    %slice3A_822 = vector.extract_strided_slice %get3A_551 {offsets = [264, 384], sizes = [8, 128], strides = [1, 1]} : vector<512x512xf32> to vector<8x128xf32>
    %add3A_823 = arith.addf %add3A_791, %slice3A_822 : vector<8x128xf32>
    %slice3A_824 = vector.extract_strided_slice %get3A_551 {offsets = [272, 0], sizes = [8, 128], strides = [1, 1]} : vector<512x512xf32> to vector<8x128xf32>
    %add3A_825 = arith.addf %add3A_793, %slice3A_824 : vector<8x128xf32>
    %slice3A_826 = vector.extract_strided_slice %get3A_551 {offsets = [272, 128], sizes = [8, 128], strides = [1, 1]} : vector<512x512xf32> to vector<8x128xf32>
    %add3A_827 = arith.addf %add3A_795, %slice3A_826 : vector<8x128xf32>
    %slice3A_828 = vector.extract_strided_slice %get3A_551 {offsets = [272, 256], sizes = [8, 128], strides = [1, 1]} : vector<512x512xf32> to vector<8x128xf32>
    %add3A_829 = arith.addf %add3A_797, %slice3A_828 : vector<8x128xf32>
    %slice3A_830 = vector.extract_strided_slice %get3A_551 {offsets = [272, 384], sizes = [8, 128], strides = [1, 1]} : vector<512x512xf32> to vector<8x128xf32>
    %add3A_831 = arith.addf %add3A_799, %slice3A_830 : vector<8x128xf32>
    %slice3A_832 = vector.extract_strided_slice %get3A_551 {offsets = [280, 0], sizes = [8, 128], strides = [1, 1]} : vector<512x512xf32> to vector<8x128xf32>
    %add3A_833 = arith.addf %add3A_801, %slice3A_832 : vector<8x128xf32>
    %slice3A_834 = vector.extract_strided_slice %get3A_551 {offsets = [280, 128], sizes = [8, 128], strides = [1, 1]} : vector<512x512xf32> to vector<8x128xf32>
    %add3A_835 = arith.addf %add3A_803, %slice3A_834 : vector<8x128xf32>
    %slice3A_836 = vector.extract_strided_slice %get3A_551 {offsets = [280, 256], sizes = [8, 128], strides = [1, 1]} : vector<512x512xf32> to vector<8x128xf32>
    %add3A_837 = arith.addf %add3A_805, %slice3A_836 : vector<8x128xf32>
    %slice3A_838 = vector.extract_strided_slice %get3A_551 {offsets = [280, 384], sizes = [8, 128], strides = [1, 1]} : vector<512x512xf32> to vector<8x128xf32>
    %add3A_839 = arith.addf %add3A_807, %slice3A_838 : vector<8x128xf32>
    %slice3A_840 = vector.extract_strided_slice %get3A_551 {offsets = [288, 0], sizes = [8, 128], strides = [1, 1]} : vector<512x512xf32> to vector<8x128xf32>
    %add3A_841 = arith.addf %add3A_809, %slice3A_840 : vector<8x128xf32>
    %slice3A_842 = vector.extract_strided_slice %get3A_551 {offsets = [288, 128], sizes = [8, 128], strides = [1, 1]} : vector<512x512xf32> to vector<8x128xf32>
    %add3A_843 = arith.addf %add3A_811, %slice3A_842 : vector<8x128xf32>
    %slice3A_844 = vector.extract_strided_slice %get3A_551 {offsets = [288, 256], sizes = [8, 128], strides = [1, 1]} : vector<512x512xf32> to vector<8x128xf32>
    %add3A_845 = arith.addf %add3A_813, %slice3A_844 : vector<8x128xf32>
    %slice3A_846 = vector.extract_strided_slice %get3A_551 {offsets = [288, 384], sizes = [8, 128], strides = [1, 1]} : vector<512x512xf32> to vector<8x128xf32>
    %add3A_847 = arith.addf %add3A_815, %slice3A_846 : vector<8x128xf32>
    %slice3A_848 = vector.extract_strided_slice %get3A_551 {offsets = [296, 0], sizes = [8, 128], strides = [1, 1]} : vector<512x512xf32> to vector<8x128xf32>
    %add3A_849 = arith.addf %add3A_817, %slice3A_848 : vector<8x128xf32>
    %slice3A_850 = vector.extract_strided_slice %get3A_551 {offsets = [296, 128], sizes = [8, 128], strides = [1, 1]} : vector<512x512xf32> to vector<8x128xf32>
    %add3A_851 = arith.addf %add3A_819, %slice3A_850 : vector<8x128xf32>
    %slice3A_852 = vector.extract_strided_slice %get3A_551 {offsets = [296, 256], sizes = [8, 128], strides = [1, 1]} : vector<512x512xf32> to vector<8x128xf32>
    %add3A_853 = arith.addf %add3A_821, %slice3A_852 : vector<8x128xf32>
    %slice3A_854 = vector.extract_strided_slice %get3A_551 {offsets = [296, 384], sizes = [8, 128], strides = [1, 1]} : vector<512x512xf32> to vector<8x128xf32>
    %add3A_855 = arith.addf %add3A_823, %slice3A_854 : vector<8x128xf32>
    %slice3A_856 = vector.extract_strided_slice %get3A_551 {offsets = [304, 0], sizes = [8, 128], strides = [1, 1]} : vector<512x512xf32> to vector<8x128xf32>
    %add3A_857 = arith.addf %add3A_825, %slice3A_856 : vector<8x128xf32>
    %slice3A_858 = vector.extract_strided_slice %get3A_551 {offsets = [304, 128], sizes = [8, 128], strides = [1, 1]} : vector<512x512xf32> to vector<8x128xf32>
    %add3A_859 = arith.addf %add3A_827, %slice3A_858 : vector<8x128xf32>
    %slice3A_860 = vector.extract_strided_slice %get3A_551 {offsets = [304, 256], sizes = [8, 128], strides = [1, 1]} : vector<512x512xf32> to vector<8x128xf32>
    %add3A_861 = arith.addf %add3A_829, %slice3A_860 : vector<8x128xf32>
    %slice3A_862 = vector.extract_strided_slice %get3A_551 {offsets = [304, 384], sizes = [8, 128], strides = [1, 1]} : vector<512x512xf32> to vector<8x128xf32>
    %add3A_863 = arith.addf %add3A_831, %slice3A_862 : vector<8x128xf32>
    %slice3A_864 = vector.extract_strided_slice %get3A_551 {offsets = [312, 0], sizes = [8, 128], strides = [1, 1]} : vector<512x512xf32> to vector<8x128xf32>
    %add3A_865 = arith.addf %add3A_833, %slice3A_864 : vector<8x128xf32>
    %slice3A_866 = vector.extract_strided_slice %get3A_551 {offsets = [312, 128], sizes = [8, 128], strides = [1, 1]} : vector<512x512xf32> to vector<8x128xf32>
    %add3A_867 = arith.addf %add3A_835, %slice3A_866 : vector<8x128xf32>
    %slice3A_868 = vector.extract_strided_slice %get3A_551 {offsets = [312, 256], sizes = [8, 128], strides = [1, 1]} : vector<512x512xf32> to vector<8x128xf32>
    %add3A_869 = arith.addf %add3A_837, %slice3A_868 : vector<8x128xf32>
    %slice3A_870 = vector.extract_strided_slice %get3A_551 {offsets = [312, 384], sizes = [8, 128], strides = [1, 1]} : vector<512x512xf32> to vector<8x128xf32>
    %add3A_871 = arith.addf %add3A_839, %slice3A_870 : vector<8x128xf32>
    %slice3A_872 = vector.extract_strided_slice %get3A_551 {offsets = [320, 0], sizes = [8, 128], strides = [1, 1]} : vector<512x512xf32> to vector<8x128xf32>
    %add3A_873 = arith.addf %add3A_841, %slice3A_872 : vector<8x128xf32>
    %slice3A_874 = vector.extract_strided_slice %get3A_551 {offsets = [320, 128], sizes = [8, 128], strides = [1, 1]} : vector<512x512xf32> to vector<8x128xf32>
    %add3A_875 = arith.addf %add3A_843, %slice3A_874 : vector<8x128xf32>
    %slice3A_876 = vector.extract_strided_slice %get3A_551 {offsets = [320, 256], sizes = [8, 128], strides = [1, 1]} : vector<512x512xf32> to vector<8x128xf32>
    %add3A_877 = arith.addf %add3A_845, %slice3A_876 : vector<8x128xf32>
    %slice3A_878 = vector.extract_strided_slice %get3A_551 {offsets = [320, 384], sizes = [8, 128], strides = [1, 1]} : vector<512x512xf32> to vector<8x128xf32>
    %add3A_879 = arith.addf %add3A_847, %slice3A_878 : vector<8x128xf32>
    %slice3A_880 = vector.extract_strided_slice %get3A_551 {offsets = [328, 0], sizes = [8, 128], strides = [1, 1]} : vector<512x512xf32> to vector<8x128xf32>
    %add3A_881 = arith.addf %add3A_849, %slice3A_880 : vector<8x128xf32>
    %slice3A_882 = vector.extract_strided_slice %get3A_551 {offsets = [328, 128], sizes = [8, 128], strides = [1, 1]} : vector<512x512xf32> to vector<8x128xf32>
    %add3A_883 = arith.addf %add3A_851, %slice3A_882 : vector<8x128xf32>
    %slice3A_884 = vector.extract_strided_slice %get3A_551 {offsets = [328, 256], sizes = [8, 128], strides = [1, 1]} : vector<512x512xf32> to vector<8x128xf32>
    %add3A_885 = arith.addf %add3A_853, %slice3A_884 : vector<8x128xf32>
    %slice3A_886 = vector.extract_strided_slice %get3A_551 {offsets = [328, 384], sizes = [8, 128], strides = [1, 1]} : vector<512x512xf32> to vector<8x128xf32>
    %add3A_887 = arith.addf %add3A_855, %slice3A_886 : vector<8x128xf32>
    %slice3A_888 = vector.extract_strided_slice %get3A_551 {offsets = [336, 0], sizes = [8, 128], strides = [1, 1]} : vector<512x512xf32> to vector<8x128xf32>
    %add3A_889 = arith.addf %add3A_857, %slice3A_888 : vector<8x128xf32>
    %slice3A_890 = vector.extract_strided_slice %get3A_551 {offsets = [336, 128], sizes = [8, 128], strides = [1, 1]} : vector<512x512xf32> to vector<8x128xf32>
    %add3A_891 = arith.addf %add3A_859, %slice3A_890 : vector<8x128xf32>
    %slice3A_892 = vector.extract_strided_slice %get3A_551 {offsets = [336, 256], sizes = [8, 128], strides = [1, 1]} : vector<512x512xf32> to vector<8x128xf32>
    %add3A_893 = arith.addf %add3A_861, %slice3A_892 : vector<8x128xf32>
    %slice3A_894 = vector.extract_strided_slice %get3A_551 {offsets = [336, 384], sizes = [8, 128], strides = [1, 1]} : vector<512x512xf32> to vector<8x128xf32>
    %add3A_895 = arith.addf %add3A_863, %slice3A_894 : vector<8x128xf32>
    %slice3A_896 = vector.extract_strided_slice %get3A_551 {offsets = [344, 0], sizes = [8, 128], strides = [1, 1]} : vector<512x512xf32> to vector<8x128xf32>
    %add3A_897 = arith.addf %add3A_865, %slice3A_896 : vector<8x128xf32>
    %slice3A_898 = vector.extract_strided_slice %get3A_551 {offsets = [344, 128], sizes = [8, 128], strides = [1, 1]} : vector<512x512xf32> to vector<8x128xf32>
    %add3A_899 = arith.addf %add3A_867, %slice3A_898 : vector<8x128xf32>
    %slice3A_900 = vector.extract_strided_slice %get3A_551 {offsets = [344, 256], sizes = [8, 128], strides = [1, 1]} : vector<512x512xf32> to vector<8x128xf32>
    %add3A_901 = arith.addf %add3A_869, %slice3A_900 : vector<8x128xf32>
    %slice3A_902 = vector.extract_strided_slice %get3A_551 {offsets = [344, 384], sizes = [8, 128], strides = [1, 1]} : vector<512x512xf32> to vector<8x128xf32>
    %add3A_903 = arith.addf %add3A_871, %slice3A_902 : vector<8x128xf32>
    %slice3A_904 = vector.extract_strided_slice %get3A_551 {offsets = [352, 0], sizes = [8, 128], strides = [1, 1]} : vector<512x512xf32> to vector<8x128xf32>
    %add3A_905 = arith.addf %add3A_873, %slice3A_904 : vector<8x128xf32>
    %slice3A_906 = vector.extract_strided_slice %get3A_551 {offsets = [352, 128], sizes = [8, 128], strides = [1, 1]} : vector<512x512xf32> to vector<8x128xf32>
    %add3A_907 = arith.addf %add3A_875, %slice3A_906 : vector<8x128xf32>
    %slice3A_908 = vector.extract_strided_slice %get3A_551 {offsets = [352, 256], sizes = [8, 128], strides = [1, 1]} : vector<512x512xf32> to vector<8x128xf32>
    %add3A_909 = arith.addf %add3A_877, %slice3A_908 : vector<8x128xf32>
    %slice3A_910 = vector.extract_strided_slice %get3A_551 {offsets = [352, 384], sizes = [8, 128], strides = [1, 1]} : vector<512x512xf32> to vector<8x128xf32>
    %add3A_911 = arith.addf %add3A_879, %slice3A_910 : vector<8x128xf32>
    %slice3A_912 = vector.extract_strided_slice %get3A_551 {offsets = [360, 0], sizes = [8, 128], strides = [1, 1]} : vector<512x512xf32> to vector<8x128xf32>
    %add3A_913 = arith.addf %add3A_881, %slice3A_912 : vector<8x128xf32>
    %slice3A_914 = vector.extract_strided_slice %get3A_551 {offsets = [360, 128], sizes = [8, 128], strides = [1, 1]} : vector<512x512xf32> to vector<8x128xf32>
    %add3A_915 = arith.addf %add3A_883, %slice3A_914 : vector<8x128xf32>
    %slice3A_916 = vector.extract_strided_slice %get3A_551 {offsets = [360, 256], sizes = [8, 128], strides = [1, 1]} : vector<512x512xf32> to vector<8x128xf32>
    %add3A_917 = arith.addf %add3A_885, %slice3A_916 : vector<8x128xf32>
    %slice3A_918 = vector.extract_strided_slice %get3A_551 {offsets = [360, 384], sizes = [8, 128], strides = [1, 1]} : vector<512x512xf32> to vector<8x128xf32>
    %add3A_919 = arith.addf %add3A_887, %slice3A_918 : vector<8x128xf32>
    %slice3A_920 = vector.extract_strided_slice %get3A_551 {offsets = [368, 0], sizes = [8, 128], strides = [1, 1]} : vector<512x512xf32> to vector<8x128xf32>
    %add3A_921 = arith.addf %add3A_889, %slice3A_920 : vector<8x128xf32>
    %slice3A_922 = vector.extract_strided_slice %get3A_551 {offsets = [368, 128], sizes = [8, 128], strides = [1, 1]} : vector<512x512xf32> to vector<8x128xf32>
    %add3A_923 = arith.addf %add3A_891, %slice3A_922 : vector<8x128xf32>
    %slice3A_924 = vector.extract_strided_slice %get3A_551 {offsets = [368, 256], sizes = [8, 128], strides = [1, 1]} : vector<512x512xf32> to vector<8x128xf32>
    %add3A_925 = arith.addf %add3A_893, %slice3A_924 : vector<8x128xf32>
    %slice3A_926 = vector.extract_strided_slice %get3A_551 {offsets = [368, 384], sizes = [8, 128], strides = [1, 1]} : vector<512x512xf32> to vector<8x128xf32>
    %add3A_927 = arith.addf %add3A_895, %slice3A_926 : vector<8x128xf32>
    %slice3A_928 = vector.extract_strided_slice %get3A_551 {offsets = [376, 0], sizes = [8, 128], strides = [1, 1]} : vector<512x512xf32> to vector<8x128xf32>
    %add3A_929 = arith.addf %add3A_897, %slice3A_928 : vector<8x128xf32>
    %slice3A_930 = vector.extract_strided_slice %get3A_551 {offsets = [376, 128], sizes = [8, 128], strides = [1, 1]} : vector<512x512xf32> to vector<8x128xf32>
    %add3A_931 = arith.addf %add3A_899, %slice3A_930 : vector<8x128xf32>
    %slice3A_932 = vector.extract_strided_slice %get3A_551 {offsets = [376, 256], sizes = [8, 128], strides = [1, 1]} : vector<512x512xf32> to vector<8x128xf32>
    %add3A_933 = arith.addf %add3A_901, %slice3A_932 : vector<8x128xf32>
    %slice3A_934 = vector.extract_strided_slice %get3A_551 {offsets = [376, 384], sizes = [8, 128], strides = [1, 1]} : vector<512x512xf32> to vector<8x128xf32>
    %add3A_935 = arith.addf %add3A_903, %slice3A_934 : vector<8x128xf32>
    %slice3A_936 = vector.extract_strided_slice %get3A_551 {offsets = [384, 0], sizes = [8, 128], strides = [1, 1]} : vector<512x512xf32> to vector<8x128xf32>
    %add3A_937 = arith.addf %add3A_905, %slice3A_936 : vector<8x128xf32>
    %slice3A_938 = vector.extract_strided_slice %get3A_551 {offsets = [384, 128], sizes = [8, 128], strides = [1, 1]} : vector<512x512xf32> to vector<8x128xf32>
    %add3A_939 = arith.addf %add3A_907, %slice3A_938 : vector<8x128xf32>
    %slice3A_940 = vector.extract_strided_slice %get3A_551 {offsets = [384, 256], sizes = [8, 128], strides = [1, 1]} : vector<512x512xf32> to vector<8x128xf32>
    %add3A_941 = arith.addf %add3A_909, %slice3A_940 : vector<8x128xf32>
    %slice3A_942 = vector.extract_strided_slice %get3A_551 {offsets = [384, 384], sizes = [8, 128], strides = [1, 1]} : vector<512x512xf32> to vector<8x128xf32>
    %add3A_943 = arith.addf %add3A_911, %slice3A_942 : vector<8x128xf32>
    %slice3A_944 = vector.extract_strided_slice %get3A_551 {offsets = [392, 0], sizes = [8, 128], strides = [1, 1]} : vector<512x512xf32> to vector<8x128xf32>
    %add3A_945 = arith.addf %add3A_913, %slice3A_944 : vector<8x128xf32>
    %slice3A_946 = vector.extract_strided_slice %get3A_551 {offsets = [392, 128], sizes = [8, 128], strides = [1, 1]} : vector<512x512xf32> to vector<8x128xf32>
    %add3A_947 = arith.addf %add3A_915, %slice3A_946 : vector<8x128xf32>
    %slice3A_948 = vector.extract_strided_slice %get3A_551 {offsets = [392, 256], sizes = [8, 128], strides = [1, 1]} : vector<512x512xf32> to vector<8x128xf32>
    %add3A_949 = arith.addf %add3A_917, %slice3A_948 : vector<8x128xf32>
    %slice3A_950 = vector.extract_strided_slice %get3A_551 {offsets = [392, 384], sizes = [8, 128], strides = [1, 1]} : vector<512x512xf32> to vector<8x128xf32>
    %add3A_951 = arith.addf %add3A_919, %slice3A_950 : vector<8x128xf32>
    %slice3A_952 = vector.extract_strided_slice %get3A_551 {offsets = [400, 0], sizes = [8, 128], strides = [1, 1]} : vector<512x512xf32> to vector<8x128xf32>
    %add3A_953 = arith.addf %add3A_921, %slice3A_952 : vector<8x128xf32>
    %slice3A_954 = vector.extract_strided_slice %get3A_551 {offsets = [400, 128], sizes = [8, 128], strides = [1, 1]} : vector<512x512xf32> to vector<8x128xf32>
    %add3A_955 = arith.addf %add3A_923, %slice3A_954 : vector<8x128xf32>
    %slice3A_956 = vector.extract_strided_slice %get3A_551 {offsets = [400, 256], sizes = [8, 128], strides = [1, 1]} : vector<512x512xf32> to vector<8x128xf32>
    %add3A_957 = arith.addf %add3A_925, %slice3A_956 : vector<8x128xf32>
    %slice3A_958 = vector.extract_strided_slice %get3A_551 {offsets = [400, 384], sizes = [8, 128], strides = [1, 1]} : vector<512x512xf32> to vector<8x128xf32>
    %add3A_959 = arith.addf %add3A_927, %slice3A_958 : vector<8x128xf32>
    %slice3A_960 = vector.extract_strided_slice %get3A_551 {offsets = [408, 0], sizes = [8, 128], strides = [1, 1]} : vector<512x512xf32> to vector<8x128xf32>
    %add3A_961 = arith.addf %add3A_929, %slice3A_960 : vector<8x128xf32>
    %slice3A_962 = vector.extract_strided_slice %get3A_551 {offsets = [408, 128], sizes = [8, 128], strides = [1, 1]} : vector<512x512xf32> to vector<8x128xf32>
    %add3A_963 = arith.addf %add3A_931, %slice3A_962 : vector<8x128xf32>
    %slice3A_964 = vector.extract_strided_slice %get3A_551 {offsets = [408, 256], sizes = [8, 128], strides = [1, 1]} : vector<512x512xf32> to vector<8x128xf32>
    %add3A_965 = arith.addf %add3A_933, %slice3A_964 : vector<8x128xf32>
    %slice3A_966 = vector.extract_strided_slice %get3A_551 {offsets = [408, 384], sizes = [8, 128], strides = [1, 1]} : vector<512x512xf32> to vector<8x128xf32>
    %add3A_967 = arith.addf %add3A_935, %slice3A_966 : vector<8x128xf32>
    %slice3A_968 = vector.extract_strided_slice %get3A_551 {offsets = [416, 0], sizes = [8, 128], strides = [1, 1]} : vector<512x512xf32> to vector<8x128xf32>
    %add3A_969 = arith.addf %add3A_937, %slice3A_968 : vector<8x128xf32>
    %slice3A_970 = vector.extract_strided_slice %get3A_551 {offsets = [416, 128], sizes = [8, 128], strides = [1, 1]} : vector<512x512xf32> to vector<8x128xf32>
    %add3A_971 = arith.addf %add3A_939, %slice3A_970 : vector<8x128xf32>
    %slice3A_972 = vector.extract_strided_slice %get3A_551 {offsets = [416, 256], sizes = [8, 128], strides = [1, 1]} : vector<512x512xf32> to vector<8x128xf32>
    %add3A_973 = arith.addf %add3A_941, %slice3A_972 : vector<8x128xf32>
    %slice3A_974 = vector.extract_strided_slice %get3A_551 {offsets = [416, 384], sizes = [8, 128], strides = [1, 1]} : vector<512x512xf32> to vector<8x128xf32>
    %add3A_975 = arith.addf %add3A_943, %slice3A_974 : vector<8x128xf32>
    %slice3A_976 = vector.extract_strided_slice %get3A_551 {offsets = [424, 0], sizes = [8, 128], strides = [1, 1]} : vector<512x512xf32> to vector<8x128xf32>
    %add3A_977 = arith.addf %add3A_945, %slice3A_976 : vector<8x128xf32>
    %slice3A_978 = vector.extract_strided_slice %get3A_551 {offsets = [424, 128], sizes = [8, 128], strides = [1, 1]} : vector<512x512xf32> to vector<8x128xf32>
    %add3A_979 = arith.addf %add3A_947, %slice3A_978 : vector<8x128xf32>
    %slice3A_980 = vector.extract_strided_slice %get3A_551 {offsets = [424, 256], sizes = [8, 128], strides = [1, 1]} : vector<512x512xf32> to vector<8x128xf32>
    %add3A_981 = arith.addf %add3A_949, %slice3A_980 : vector<8x128xf32>
    %slice3A_982 = vector.extract_strided_slice %get3A_551 {offsets = [424, 384], sizes = [8, 128], strides = [1, 1]} : vector<512x512xf32> to vector<8x128xf32>
    %add3A_983 = arith.addf %add3A_951, %slice3A_982 : vector<8x128xf32>
    %slice3A_984 = vector.extract_strided_slice %get3A_551 {offsets = [432, 0], sizes = [8, 128], strides = [1, 1]} : vector<512x512xf32> to vector<8x128xf32>
    %add3A_985 = arith.addf %add3A_953, %slice3A_984 : vector<8x128xf32>
    %slice3A_986 = vector.extract_strided_slice %get3A_551 {offsets = [432, 128], sizes = [8, 128], strides = [1, 1]} : vector<512x512xf32> to vector<8x128xf32>
    %add3A_987 = arith.addf %add3A_955, %slice3A_986 : vector<8x128xf32>
    %slice3A_988 = vector.extract_strided_slice %get3A_551 {offsets = [432, 256], sizes = [8, 128], strides = [1, 1]} : vector<512x512xf32> to vector<8x128xf32>
    %add3A_989 = arith.addf %add3A_957, %slice3A_988 : vector<8x128xf32>
    %slice3A_990 = vector.extract_strided_slice %get3A_551 {offsets = [432, 384], sizes = [8, 128], strides = [1, 1]} : vector<512x512xf32> to vector<8x128xf32>
    %add3A_991 = arith.addf %add3A_959, %slice3A_990 : vector<8x128xf32>
    %slice3A_992 = vector.extract_strided_slice %get3A_551 {offsets = [440, 0], sizes = [8, 128], strides = [1, 1]} : vector<512x512xf32> to vector<8x128xf32>
    %add3A_993 = arith.addf %add3A_961, %slice3A_992 : vector<8x128xf32>
    %slice3A_994 = vector.extract_strided_slice %get3A_551 {offsets = [440, 128], sizes = [8, 128], strides = [1, 1]} : vector<512x512xf32> to vector<8x128xf32>
    %add3A_995 = arith.addf %add3A_963, %slice3A_994 : vector<8x128xf32>
    %slice3A_996 = vector.extract_strided_slice %get3A_551 {offsets = [440, 256], sizes = [8, 128], strides = [1, 1]} : vector<512x512xf32> to vector<8x128xf32>
    %add3A_997 = arith.addf %add3A_965, %slice3A_996 : vector<8x128xf32>
    %slice3A_998 = vector.extract_strided_slice %get3A_551 {offsets = [440, 384], sizes = [8, 128], strides = [1, 1]} : vector<512x512xf32> to vector<8x128xf32>
    %add3A_999 = arith.addf %add3A_967, %slice3A_998 : vector<8x128xf32>
    %slice3A_1000 = vector.extract_strided_slice %get3A_551 {offsets = [448, 0], sizes = [8, 128], strides = [1, 1]} : vector<512x512xf32> to vector<8x128xf32>
    %add3A_1001 = arith.addf %add3A_969, %slice3A_1000 : vector<8x128xf32>
    %slice3A_1002 = vector.extract_strided_slice %get3A_551 {offsets = [448, 128], sizes = [8, 128], strides = [1, 1]} : vector<512x512xf32> to vector<8x128xf32>
    %add3A_1003 = arith.addf %add3A_971, %slice3A_1002 : vector<8x128xf32>
    %slice3A_1004 = vector.extract_strided_slice %get3A_551 {offsets = [448, 256], sizes = [8, 128], strides = [1, 1]} : vector<512x512xf32> to vector<8x128xf32>
    %add3A_1005 = arith.addf %add3A_973, %slice3A_1004 : vector<8x128xf32>
    %slice3A_1006 = vector.extract_strided_slice %get3A_551 {offsets = [448, 384], sizes = [8, 128], strides = [1, 1]} : vector<512x512xf32> to vector<8x128xf32>
    %add3A_1007 = arith.addf %add3A_975, %slice3A_1006 : vector<8x128xf32>
    %slice3A_1008 = vector.extract_strided_slice %get3A_551 {offsets = [456, 0], sizes = [8, 128], strides = [1, 1]} : vector<512x512xf32> to vector<8x128xf32>
    %add3A_1009 = arith.addf %add3A_977, %slice3A_1008 : vector<8x128xf32>
    %slice3A_1010 = vector.extract_strided_slice %get3A_551 {offsets = [456, 128], sizes = [8, 128], strides = [1, 1]} : vector<512x512xf32> to vector<8x128xf32>
    %add3A_1011 = arith.addf %add3A_979, %slice3A_1010 : vector<8x128xf32>
    %slice3A_1012 = vector.extract_strided_slice %get3A_551 {offsets = [456, 256], sizes = [8, 128], strides = [1, 1]} : vector<512x512xf32> to vector<8x128xf32>
    %add3A_1013 = arith.addf %add3A_981, %slice3A_1012 : vector<8x128xf32>
    %slice3A_1014 = vector.extract_strided_slice %get3A_551 {offsets = [456, 384], sizes = [8, 128], strides = [1, 1]} : vector<512x512xf32> to vector<8x128xf32>
    %add3A_1015 = arith.addf %add3A_983, %slice3A_1014 : vector<8x128xf32>
    %slice3A_1016 = vector.extract_strided_slice %get3A_551 {offsets = [464, 0], sizes = [8, 128], strides = [1, 1]} : vector<512x512xf32> to vector<8x128xf32>
    %add3A_1017 = arith.addf %add3A_985, %slice3A_1016 : vector<8x128xf32>
    %slice3A_1018 = vector.extract_strided_slice %get3A_551 {offsets = [464, 128], sizes = [8, 128], strides = [1, 1]} : vector<512x512xf32> to vector<8x128xf32>
    %add3A_1019 = arith.addf %add3A_987, %slice3A_1018 : vector<8x128xf32>
    %slice3A_1020 = vector.extract_strided_slice %get3A_551 {offsets = [464, 256], sizes = [8, 128], strides = [1, 1]} : vector<512x512xf32> to vector<8x128xf32>
    %add3A_1021 = arith.addf %add3A_989, %slice3A_1020 : vector<8x128xf32>
    %slice3A_1022 = vector.extract_strided_slice %get3A_551 {offsets = [464, 384], sizes = [8, 128], strides = [1, 1]} : vector<512x512xf32> to vector<8x128xf32>
    %add3A_1023 = arith.addf %add3A_991, %slice3A_1022 : vector<8x128xf32>
    %slice3A_1024 = vector.extract_strided_slice %get3A_551 {offsets = [472, 0], sizes = [8, 128], strides = [1, 1]} : vector<512x512xf32> to vector<8x128xf32>
    %add3A_1025 = arith.addf %add3A_993, %slice3A_1024 : vector<8x128xf32>
    %slice3A_1026 = vector.extract_strided_slice %get3A_551 {offsets = [472, 128], sizes = [8, 128], strides = [1, 1]} : vector<512x512xf32> to vector<8x128xf32>
    %add3A_1027 = arith.addf %add3A_995, %slice3A_1026 : vector<8x128xf32>
    %slice3A_1028 = vector.extract_strided_slice %get3A_551 {offsets = [472, 256], sizes = [8, 128], strides = [1, 1]} : vector<512x512xf32> to vector<8x128xf32>
    %add3A_1029 = arith.addf %add3A_997, %slice3A_1028 : vector<8x128xf32>
    %slice3A_1030 = vector.extract_strided_slice %get3A_551 {offsets = [472, 384], sizes = [8, 128], strides = [1, 1]} : vector<512x512xf32> to vector<8x128xf32>
    %add3A_1031 = arith.addf %add3A_999, %slice3A_1030 : vector<8x128xf32>
    %slice3A_1032 = vector.extract_strided_slice %get3A_551 {offsets = [480, 0], sizes = [8, 128], strides = [1, 1]} : vector<512x512xf32> to vector<8x128xf32>
    %add3A_1033 = arith.addf %add3A_1001, %slice3A_1032 : vector<8x128xf32>
    %slice3A_1034 = vector.extract_strided_slice %get3A_551 {offsets = [480, 128], sizes = [8, 128], strides = [1, 1]} : vector<512x512xf32> to vector<8x128xf32>
    %add3A_1035 = arith.addf %add3A_1003, %slice3A_1034 : vector<8x128xf32>
    %slice3A_1036 = vector.extract_strided_slice %get3A_551 {offsets = [480, 256], sizes = [8, 128], strides = [1, 1]} : vector<512x512xf32> to vector<8x128xf32>
    %add3A_1037 = arith.addf %add3A_1005, %slice3A_1036 : vector<8x128xf32>
    %slice3A_1038 = vector.extract_strided_slice %get3A_551 {offsets = [480, 384], sizes = [8, 128], strides = [1, 1]} : vector<512x512xf32> to vector<8x128xf32>
    %add3A_1039 = arith.addf %add3A_1007, %slice3A_1038 : vector<8x128xf32>
    %slice3A_1040 = vector.extract_strided_slice %get3A_551 {offsets = [488, 0], sizes = [8, 128], strides = [1, 1]} : vector<512x512xf32> to vector<8x128xf32>
    %add3A_1041 = arith.addf %add3A_1009, %slice3A_1040 : vector<8x128xf32>
    %slice3A_1042 = vector.extract_strided_slice %get3A_551 {offsets = [488, 128], sizes = [8, 128], strides = [1, 1]} : vector<512x512xf32> to vector<8x128xf32>
    %add3A_1043 = arith.addf %add3A_1011, %slice3A_1042 : vector<8x128xf32>
    %slice3A_1044 = vector.extract_strided_slice %get3A_551 {offsets = [488, 256], sizes = [8, 128], strides = [1, 1]} : vector<512x512xf32> to vector<8x128xf32>
    %add3A_1045 = arith.addf %add3A_1013, %slice3A_1044 : vector<8x128xf32>
    %slice3A_1046 = vector.extract_strided_slice %get3A_551 {offsets = [488, 384], sizes = [8, 128], strides = [1, 1]} : vector<512x512xf32> to vector<8x128xf32>
    %add3A_1047 = arith.addf %add3A_1015, %slice3A_1046 : vector<8x128xf32>
    %slice3A_1048 = vector.extract_strided_slice %get3A_551 {offsets = [496, 0], sizes = [8, 128], strides = [1, 1]} : vector<512x512xf32> to vector<8x128xf32>
    %add3A_1049 = arith.addf %add3A_1017, %slice3A_1048 : vector<8x128xf32>
    %slice3A_1050 = vector.extract_strided_slice %get3A_551 {offsets = [496, 128], sizes = [8, 128], strides = [1, 1]} : vector<512x512xf32> to vector<8x128xf32>
    %add3A_1051 = arith.addf %add3A_1019, %slice3A_1050 : vector<8x128xf32>
    %slice3A_1052 = vector.extract_strided_slice %get3A_551 {offsets = [496, 256], sizes = [8, 128], strides = [1, 1]} : vector<512x512xf32> to vector<8x128xf32>
    %add3A_1053 = arith.addf %add3A_1021, %slice3A_1052 : vector<8x128xf32>
    %slice3A_1054 = vector.extract_strided_slice %get3A_551 {offsets = [496, 384], sizes = [8, 128], strides = [1, 1]} : vector<512x512xf32> to vector<8x128xf32>
    %add3A_1055 = arith.addf %add3A_1023, %slice3A_1054 : vector<8x128xf32>
    %slice3A_1056 = vector.extract_strided_slice %get3A_551 {offsets = [504, 0], sizes = [8, 128], strides = [1, 1]} : vector<512x512xf32> to vector<8x128xf32>
    %add3A_1057 = arith.addf %add3A_1025, %slice3A_1056 : vector<8x128xf32>
    %slice3A_1058 = vector.extract_strided_slice %get3A_551 {offsets = [504, 128], sizes = [8, 128], strides = [1, 1]} : vector<512x512xf32> to vector<8x128xf32>
    %add3A_1059 = arith.addf %add3A_1027, %slice3A_1058 : vector<8x128xf32>
    %slice3A_1060 = vector.extract_strided_slice %get3A_551 {offsets = [504, 256], sizes = [8, 128], strides = [1, 1]} : vector<512x512xf32> to vector<8x128xf32>
    %add3A_1061 = arith.addf %add3A_1029, %slice3A_1060 : vector<8x128xf32>
    %slice3A_1062 = vector.extract_strided_slice %get3A_551 {offsets = [504, 384], sizes = [8, 128], strides = [1, 1]} : vector<512x512xf32> to vector<8x128xf32>
    %add3A_1063 = arith.addf %add3A_1031, %slice3A_1062 : vector<8x128xf32>
    %get3A_1064 = arith.constant 2 : index
    %get3A_1065 = arith.constant 0 : index
    %get3A_1066 = arith.constant 0 : index
    %get3A_1067 = vector.load %arg1[%get3A_1064, %get3A_1065, %get3A_1066] : memref<4x512x512xf32, #tpu.memory_space<vmem>>, vector<1x512x512xf32>
    %get3A_1068 = vector.shape_cast %get3A_1067 : vector<1x512x512xf32> to vector<512x512xf32>
    %slice3A_1069 = vector.extract_strided_slice %get3A_1068 {offsets = [0, 0], sizes = [8, 128], strides = [1, 1]} : vector<512x512xf32> to vector<8x128xf32>
    %add3A_1070 = arith.addf %add3A_1033, %slice3A_1069 : vector<8x128xf32>
    %slice3A_1071 = vector.extract_strided_slice %get3A_1068 {offsets = [0, 128], sizes = [8, 128], strides = [1, 1]} : vector<512x512xf32> to vector<8x128xf32>
    %add3A_1072 = arith.addf %add3A_1035, %slice3A_1071 : vector<8x128xf32>
    %slice3A_1073 = vector.extract_strided_slice %get3A_1068 {offsets = [0, 256], sizes = [8, 128], strides = [1, 1]} : vector<512x512xf32> to vector<8x128xf32>
    %add3A_1074 = arith.addf %add3A_1037, %slice3A_1073 : vector<8x128xf32>
    %slice3A_1075 = vector.extract_strided_slice %get3A_1068 {offsets = [0, 384], sizes = [8, 128], strides = [1, 1]} : vector<512x512xf32> to vector<8x128xf32>
    %add3A_1076 = arith.addf %add3A_1039, %slice3A_1075 : vector<8x128xf32>
    %slice3A_1077 = vector.extract_strided_slice %get3A_1068 {offsets = [8, 0], sizes = [8, 128], strides = [1, 1]} : vector<512x512xf32> to vector<8x128xf32>
    %add3A_1078 = arith.addf %add3A_1041, %slice3A_1077 : vector<8x128xf32>
    %slice3A_1079 = vector.extract_strided_slice %get3A_1068 {offsets = [8, 128], sizes = [8, 128], strides = [1, 1]} : vector<512x512xf32> to vector<8x128xf32>
    %add3A_1080 = arith.addf %add3A_1043, %slice3A_1079 : vector<8x128xf32>
    %slice3A_1081 = vector.extract_strided_slice %get3A_1068 {offsets = [8, 256], sizes = [8, 128], strides = [1, 1]} : vector<512x512xf32> to vector<8x128xf32>
    %add3A_1082 = arith.addf %add3A_1045, %slice3A_1081 : vector<8x128xf32>
    %slice3A_1083 = vector.extract_strided_slice %get3A_1068 {offsets = [8, 384], sizes = [8, 128], strides = [1, 1]} : vector<512x512xf32> to vector<8x128xf32>
    %add3A_1084 = arith.addf %add3A_1047, %slice3A_1083 : vector<8x128xf32>
    %slice3A_1085 = vector.extract_strided_slice %get3A_1068 {offsets = [16, 0], sizes = [8, 128], strides = [1, 1]} : vector<512x512xf32> to vector<8x128xf32>
    %add3A_1086 = arith.addf %add3A_1049, %slice3A_1085 : vector<8x128xf32>
    %slice3A_1087 = vector.extract_strided_slice %get3A_1068 {offsets = [16, 128], sizes = [8, 128], strides = [1, 1]} : vector<512x512xf32> to vector<8x128xf32>
    %add3A_1088 = arith.addf %add3A_1051, %slice3A_1087 : vector<8x128xf32>
    %slice3A_1089 = vector.extract_strided_slice %get3A_1068 {offsets = [16, 256], sizes = [8, 128], strides = [1, 1]} : vector<512x512xf32> to vector<8x128xf32>
    %add3A_1090 = arith.addf %add3A_1053, %slice3A_1089 : vector<8x128xf32>
    %slice3A_1091 = vector.extract_strided_slice %get3A_1068 {offsets = [16, 384], sizes = [8, 128], strides = [1, 1]} : vector<512x512xf32> to vector<8x128xf32>
    %add3A_1092 = arith.addf %add3A_1055, %slice3A_1091 : vector<8x128xf32>
    %slice3A_1093 = vector.extract_strided_slice %get3A_1068 {offsets = [24, 0], sizes = [8, 128], strides = [1, 1]} : vector<512x512xf32> to vector<8x128xf32>
    %add3A_1094 = arith.addf %add3A_1057, %slice3A_1093 : vector<8x128xf32>
    %slice3A_1095 = vector.extract_strided_slice %get3A_1068 {offsets = [24, 128], sizes = [8, 128], strides = [1, 1]} : vector<512x512xf32> to vector<8x128xf32>
    %add3A_1096 = arith.addf %add3A_1059, %slice3A_1095 : vector<8x128xf32>
    %slice3A_1097 = vector.extract_strided_slice %get3A_1068 {offsets = [24, 256], sizes = [8, 128], strides = [1, 1]} : vector<512x512xf32> to vector<8x128xf32>
    %add3A_1098 = arith.addf %add3A_1061, %slice3A_1097 : vector<8x128xf32>
    %slice3A_1099 = vector.extract_strided_slice %get3A_1068 {offsets = [24, 384], sizes = [8, 128], strides = [1, 1]} : vector<512x512xf32> to vector<8x128xf32>
    %add3A_1100 = arith.addf %add3A_1063, %slice3A_1099 : vector<8x128xf32>
    %slice3A_1101 = vector.extract_strided_slice %get3A_1068 {offsets = [32, 0], sizes = [8, 128], strides = [1, 1]} : vector<512x512xf32> to vector<8x128xf32>
    %add3A_1102 = arith.addf %add3A_1070, %slice3A_1101 : vector<8x128xf32>
    %slice3A_1103 = vector.extract_strided_slice %get3A_1068 {offsets = [32, 128], sizes = [8, 128], strides = [1, 1]} : vector<512x512xf32> to vector<8x128xf32>
    %add3A_1104 = arith.addf %add3A_1072, %slice3A_1103 : vector<8x128xf32>
    %slice3A_1105 = vector.extract_strided_slice %get3A_1068 {offsets = [32, 256], sizes = [8, 128], strides = [1, 1]} : vector<512x512xf32> to vector<8x128xf32>
    %add3A_1106 = arith.addf %add3A_1074, %slice3A_1105 : vector<8x128xf32>
    %slice3A_1107 = vector.extract_strided_slice %get3A_1068 {offsets = [32, 384], sizes = [8, 128], strides = [1, 1]} : vector<512x512xf32> to vector<8x128xf32>
    %add3A_1108 = arith.addf %add3A_1076, %slice3A_1107 : vector<8x128xf32>
    %slice3A_1109 = vector.extract_strided_slice %get3A_1068 {offsets = [40, 0], sizes = [8, 128], strides = [1, 1]} : vector<512x512xf32> to vector<8x128xf32>
    %add3A_1110 = arith.addf %add3A_1078, %slice3A_1109 : vector<8x128xf32>
    %slice3A_1111 = vector.extract_strided_slice %get3A_1068 {offsets = [40, 128], sizes = [8, 128], strides = [1, 1]} : vector<512x512xf32> to vector<8x128xf32>
    %add3A_1112 = arith.addf %add3A_1080, %slice3A_1111 : vector<8x128xf32>
    %slice3A_1113 = vector.extract_strided_slice %get3A_1068 {offsets = [40, 256], sizes = [8, 128], strides = [1, 1]} : vector<512x512xf32> to vector<8x128xf32>
    %add3A_1114 = arith.addf %add3A_1082, %slice3A_1113 : vector<8x128xf32>
    %slice3A_1115 = vector.extract_strided_slice %get3A_1068 {offsets = [40, 384], sizes = [8, 128], strides = [1, 1]} : vector<512x512xf32> to vector<8x128xf32>
    %add3A_1116 = arith.addf %add3A_1084, %slice3A_1115 : vector<8x128xf32>
    %slice3A_1117 = vector.extract_strided_slice %get3A_1068 {offsets = [48, 0], sizes = [8, 128], strides = [1, 1]} : vector<512x512xf32> to vector<8x128xf32>
    %add3A_1118 = arith.addf %add3A_1086, %slice3A_1117 : vector<8x128xf32>
    %slice3A_1119 = vector.extract_strided_slice %get3A_1068 {offsets = [48, 128], sizes = [8, 128], strides = [1, 1]} : vector<512x512xf32> to vector<8x128xf32>
    %add3A_1120 = arith.addf %add3A_1088, %slice3A_1119 : vector<8x128xf32>
    %slice3A_1121 = vector.extract_strided_slice %get3A_1068 {offsets = [48, 256], sizes = [8, 128], strides = [1, 1]} : vector<512x512xf32> to vector<8x128xf32>
    %add3A_1122 = arith.addf %add3A_1090, %slice3A_1121 : vector<8x128xf32>
    %slice3A_1123 = vector.extract_strided_slice %get3A_1068 {offsets = [48, 384], sizes = [8, 128], strides = [1, 1]} : vector<512x512xf32> to vector<8x128xf32>
    %add3A_1124 = arith.addf %add3A_1092, %slice3A_1123 : vector<8x128xf32>
    %slice3A_1125 = vector.extract_strided_slice %get3A_1068 {offsets = [56, 0], sizes = [8, 128], strides = [1, 1]} : vector<512x512xf32> to vector<8x128xf32>
    %add3A_1126 = arith.addf %add3A_1094, %slice3A_1125 : vector<8x128xf32>
    %slice3A_1127 = vector.extract_strided_slice %get3A_1068 {offsets = [56, 128], sizes = [8, 128], strides = [1, 1]} : vector<512x512xf32> to vector<8x128xf32>
    %add3A_1128 = arith.addf %add3A_1096, %slice3A_1127 : vector<8x128xf32>
    %slice3A_1129 = vector.extract_strided_slice %get3A_1068 {offsets = [56, 256], sizes = [8, 128], strides = [1, 1]} : vector<512x512xf32> to vector<8x128xf32>
    %add3A_1130 = arith.addf %add3A_1098, %slice3A_1129 : vector<8x128xf32>
    %slice3A_1131 = vector.extract_strided_slice %get3A_1068 {offsets = [56, 384], sizes = [8, 128], strides = [1, 1]} : vector<512x512xf32> to vector<8x128xf32>
    %add3A_1132 = arith.addf %add3A_1100, %slice3A_1131 : vector<8x128xf32>
    %slice3A_1133 = vector.extract_strided_slice %get3A_1068 {offsets = [64, 0], sizes = [8, 128], strides = [1, 1]} : vector<512x512xf32> to vector<8x128xf32>
    %add3A_1134 = arith.addf %add3A_1102, %slice3A_1133 : vector<8x128xf32>
    %slice3A_1135 = vector.extract_strided_slice %get3A_1068 {offsets = [64, 128], sizes = [8, 128], strides = [1, 1]} : vector<512x512xf32> to vector<8x128xf32>
    %add3A_1136 = arith.addf %add3A_1104, %slice3A_1135 : vector<8x128xf32>
    %slice3A_1137 = vector.extract_strided_slice %get3A_1068 {offsets = [64, 256], sizes = [8, 128], strides = [1, 1]} : vector<512x512xf32> to vector<8x128xf32>
    %add3A_1138 = arith.addf %add3A_1106, %slice3A_1137 : vector<8x128xf32>
    %slice3A_1139 = vector.extract_strided_slice %get3A_1068 {offsets = [64, 384], sizes = [8, 128], strides = [1, 1]} : vector<512x512xf32> to vector<8x128xf32>
    %add3A_1140 = arith.addf %add3A_1108, %slice3A_1139 : vector<8x128xf32>
    %slice3A_1141 = vector.extract_strided_slice %get3A_1068 {offsets = [72, 0], sizes = [8, 128], strides = [1, 1]} : vector<512x512xf32> to vector<8x128xf32>
    %add3A_1142 = arith.addf %add3A_1110, %slice3A_1141 : vector<8x128xf32>
    %slice3A_1143 = vector.extract_strided_slice %get3A_1068 {offsets = [72, 128], sizes = [8, 128], strides = [1, 1]} : vector<512x512xf32> to vector<8x128xf32>
    %add3A_1144 = arith.addf %add3A_1112, %slice3A_1143 : vector<8x128xf32>
    %slice3A_1145 = vector.extract_strided_slice %get3A_1068 {offsets = [72, 256], sizes = [8, 128], strides = [1, 1]} : vector<512x512xf32> to vector<8x128xf32>
    %add3A_1146 = arith.addf %add3A_1114, %slice3A_1145 : vector<8x128xf32>
    %slice3A_1147 = vector.extract_strided_slice %get3A_1068 {offsets = [72, 384], sizes = [8, 128], strides = [1, 1]} : vector<512x512xf32> to vector<8x128xf32>
    %add3A_1148 = arith.addf %add3A_1116, %slice3A_1147 : vector<8x128xf32>
    %slice3A_1149 = vector.extract_strided_slice %get3A_1068 {offsets = [80, 0], sizes = [8, 128], strides = [1, 1]} : vector<512x512xf32> to vector<8x128xf32>
    %add3A_1150 = arith.addf %add3A_1118, %slice3A_1149 : vector<8x128xf32>
    %slice3A_1151 = vector.extract_strided_slice %get3A_1068 {offsets = [80, 128], sizes = [8, 128], strides = [1, 1]} : vector<512x512xf32> to vector<8x128xf32>
    %add3A_1152 = arith.addf %add3A_1120, %slice3A_1151 : vector<8x128xf32>
    %slice3A_1153 = vector.extract_strided_slice %get3A_1068 {offsets = [80, 256], sizes = [8, 128], strides = [1, 1]} : vector<512x512xf32> to vector<8x128xf32>
    %add3A_1154 = arith.addf %add3A_1122, %slice3A_1153 : vector<8x128xf32>
    %slice3A_1155 = vector.extract_strided_slice %get3A_1068 {offsets = [80, 384], sizes = [8, 128], strides = [1, 1]} : vector<512x512xf32> to vector<8x128xf32>
    %add3A_1156 = arith.addf %add3A_1124, %slice3A_1155 : vector<8x128xf32>
    %slice3A_1157 = vector.extract_strided_slice %get3A_1068 {offsets = [88, 0], sizes = [8, 128], strides = [1, 1]} : vector<512x512xf32> to vector<8x128xf32>
    %add3A_1158 = arith.addf %add3A_1126, %slice3A_1157 : vector<8x128xf32>
    %slice3A_1159 = vector.extract_strided_slice %get3A_1068 {offsets = [88, 128], sizes = [8, 128], strides = [1, 1]} : vector<512x512xf32> to vector<8x128xf32>
    %add3A_1160 = arith.addf %add3A_1128, %slice3A_1159 : vector<8x128xf32>
    %slice3A_1161 = vector.extract_strided_slice %get3A_1068 {offsets = [88, 256], sizes = [8, 128], strides = [1, 1]} : vector<512x512xf32> to vector<8x128xf32>
    %add3A_1162 = arith.addf %add3A_1130, %slice3A_1161 : vector<8x128xf32>
    %slice3A_1163 = vector.extract_strided_slice %get3A_1068 {offsets = [88, 384], sizes = [8, 128], strides = [1, 1]} : vector<512x512xf32> to vector<8x128xf32>
    %add3A_1164 = arith.addf %add3A_1132, %slice3A_1163 : vector<8x128xf32>
    %slice3A_1165 = vector.extract_strided_slice %get3A_1068 {offsets = [96, 0], sizes = [8, 128], strides = [1, 1]} : vector<512x512xf32> to vector<8x128xf32>
    %add3A_1166 = arith.addf %add3A_1134, %slice3A_1165 : vector<8x128xf32>
    %slice3A_1167 = vector.extract_strided_slice %get3A_1068 {offsets = [96, 128], sizes = [8, 128], strides = [1, 1]} : vector<512x512xf32> to vector<8x128xf32>
    %add3A_1168 = arith.addf %add3A_1136, %slice3A_1167 : vector<8x128xf32>
    %slice3A_1169 = vector.extract_strided_slice %get3A_1068 {offsets = [96, 256], sizes = [8, 128], strides = [1, 1]} : vector<512x512xf32> to vector<8x128xf32>
    %add3A_1170 = arith.addf %add3A_1138, %slice3A_1169 : vector<8x128xf32>
    %slice3A_1171 = vector.extract_strided_slice %get3A_1068 {offsets = [96, 384], sizes = [8, 128], strides = [1, 1]} : vector<512x512xf32> to vector<8x128xf32>
    %add3A_1172 = arith.addf %add3A_1140, %slice3A_1171 : vector<8x128xf32>
    %slice3A_1173 = vector.extract_strided_slice %get3A_1068 {offsets = [104, 0], sizes = [8, 128], strides = [1, 1]} : vector<512x512xf32> to vector<8x128xf32>
    %add3A_1174 = arith.addf %add3A_1142, %slice3A_1173 : vector<8x128xf32>
    %slice3A_1175 = vector.extract_strided_slice %get3A_1068 {offsets = [104, 128], sizes = [8, 128], strides = [1, 1]} : vector<512x512xf32> to vector<8x128xf32>
    %add3A_1176 = arith.addf %add3A_1144, %slice3A_1175 : vector<8x128xf32>
    %slice3A_1177 = vector.extract_strided_slice %get3A_1068 {offsets = [104, 256], sizes = [8, 128], strides = [1, 1]} : vector<512x512xf32> to vector<8x128xf32>
    %add3A_1178 = arith.addf %add3A_1146, %slice3A_1177 : vector<8x128xf32>
    %slice3A_1179 = vector.extract_strided_slice %get3A_1068 {offsets = [104, 384], sizes = [8, 128], strides = [1, 1]} : vector<512x512xf32> to vector<8x128xf32>
    %add3A_1180 = arith.addf %add3A_1148, %slice3A_1179 : vector<8x128xf32>
    %slice3A_1181 = vector.extract_strided_slice %get3A_1068 {offsets = [112, 0], sizes = [8, 128], strides = [1, 1]} : vector<512x512xf32> to vector<8x128xf32>
    %add3A_1182 = arith.addf %add3A_1150, %slice3A_1181 : vector<8x128xf32>
    %slice3A_1183 = vector.extract_strided_slice %get3A_1068 {offsets = [112, 128], sizes = [8, 128], strides = [1, 1]} : vector<512x512xf32> to vector<8x128xf32>
    %add3A_1184 = arith.addf %add3A_1152, %slice3A_1183 : vector<8x128xf32>
    %slice3A_1185 = vector.extract_strided_slice %get3A_1068 {offsets = [112, 256], sizes = [8, 128], strides = [1, 1]} : vector<512x512xf32> to vector<8x128xf32>
    %add3A_1186 = arith.addf %add3A_1154, %slice3A_1185 : vector<8x128xf32>
    %slice3A_1187 = vector.extract_strided_slice %get3A_1068 {offsets = [112, 384], sizes = [8, 128], strides = [1, 1]} : vector<512x512xf32> to vector<8x128xf32>
    %add3A_1188 = arith.addf %add3A_1156, %slice3A_1187 : vector<8x128xf32>
    %slice3A_1189 = vector.extract_strided_slice %get3A_1068 {offsets = [120, 0], sizes = [8, 128], strides = [1, 1]} : vector<512x512xf32> to vector<8x128xf32>
    %add3A_1190 = arith.addf %add3A_1158, %slice3A_1189 : vector<8x128xf32>
    %slice3A_1191 = vector.extract_strided_slice %get3A_1068 {offsets = [120, 128], sizes = [8, 128], strides = [1, 1]} : vector<512x512xf32> to vector<8x128xf32>
    %add3A_1192 = arith.addf %add3A_1160, %slice3A_1191 : vector<8x128xf32>
    %slice3A_1193 = vector.extract_strided_slice %get3A_1068 {offsets = [120, 256], sizes = [8, 128], strides = [1, 1]} : vector<512x512xf32> to vector<8x128xf32>
    %add3A_1194 = arith.addf %add3A_1162, %slice3A_1193 : vector<8x128xf32>
    %slice3A_1195 = vector.extract_strided_slice %get3A_1068 {offsets = [120, 384], sizes = [8, 128], strides = [1, 1]} : vector<512x512xf32> to vector<8x128xf32>
    %add3A_1196 = arith.addf %add3A_1164, %slice3A_1195 : vector<8x128xf32>
    %slice3A_1197 = vector.extract_strided_slice %get3A_1068 {offsets = [128, 0], sizes = [8, 128], strides = [1, 1]} : vector<512x512xf32> to vector<8x128xf32>
    %add3A_1198 = arith.addf %add3A_1166, %slice3A_1197 : vector<8x128xf32>
    %slice3A_1199 = vector.extract_strided_slice %get3A_1068 {offsets = [128, 128], sizes = [8, 128], strides = [1, 1]} : vector<512x512xf32> to vector<8x128xf32>
    %add3A_1200 = arith.addf %add3A_1168, %slice3A_1199 : vector<8x128xf32>
    %slice3A_1201 = vector.extract_strided_slice %get3A_1068 {offsets = [128, 256], sizes = [8, 128], strides = [1, 1]} : vector<512x512xf32> to vector<8x128xf32>
    %add3A_1202 = arith.addf %add3A_1170, %slice3A_1201 : vector<8x128xf32>
    %slice3A_1203 = vector.extract_strided_slice %get3A_1068 {offsets = [128, 384], sizes = [8, 128], strides = [1, 1]} : vector<512x512xf32> to vector<8x128xf32>
    %add3A_1204 = arith.addf %add3A_1172, %slice3A_1203 : vector<8x128xf32>
    %slice3A_1205 = vector.extract_strided_slice %get3A_1068 {offsets = [136, 0], sizes = [8, 128], strides = [1, 1]} : vector<512x512xf32> to vector<8x128xf32>
    %add3A_1206 = arith.addf %add3A_1174, %slice3A_1205 : vector<8x128xf32>
    %slice3A_1207 = vector.extract_strided_slice %get3A_1068 {offsets = [136, 128], sizes = [8, 128], strides = [1, 1]} : vector<512x512xf32> to vector<8x128xf32>
    %add3A_1208 = arith.addf %add3A_1176, %slice3A_1207 : vector<8x128xf32>
    %slice3A_1209 = vector.extract_strided_slice %get3A_1068 {offsets = [136, 256], sizes = [8, 128], strides = [1, 1]} : vector<512x512xf32> to vector<8x128xf32>
    %add3A_1210 = arith.addf %add3A_1178, %slice3A_1209 : vector<8x128xf32>
    %slice3A_1211 = vector.extract_strided_slice %get3A_1068 {offsets = [136, 384], sizes = [8, 128], strides = [1, 1]} : vector<512x512xf32> to vector<8x128xf32>
    %add3A_1212 = arith.addf %add3A_1180, %slice3A_1211 : vector<8x128xf32>
    %slice3A_1213 = vector.extract_strided_slice %get3A_1068 {offsets = [144, 0], sizes = [8, 128], strides = [1, 1]} : vector<512x512xf32> to vector<8x128xf32>
    %add3A_1214 = arith.addf %add3A_1182, %slice3A_1213 : vector<8x128xf32>
    %slice3A_1215 = vector.extract_strided_slice %get3A_1068 {offsets = [144, 128], sizes = [8, 128], strides = [1, 1]} : vector<512x512xf32> to vector<8x128xf32>
    %add3A_1216 = arith.addf %add3A_1184, %slice3A_1215 : vector<8x128xf32>
    %slice3A_1217 = vector.extract_strided_slice %get3A_1068 {offsets = [144, 256], sizes = [8, 128], strides = [1, 1]} : vector<512x512xf32> to vector<8x128xf32>
    %add3A_1218 = arith.addf %add3A_1186, %slice3A_1217 : vector<8x128xf32>
    %slice3A_1219 = vector.extract_strided_slice %get3A_1068 {offsets = [144, 384], sizes = [8, 128], strides = [1, 1]} : vector<512x512xf32> to vector<8x128xf32>
    %add3A_1220 = arith.addf %add3A_1188, %slice3A_1219 : vector<8x128xf32>
    %slice3A_1221 = vector.extract_strided_slice %get3A_1068 {offsets = [152, 0], sizes = [8, 128], strides = [1, 1]} : vector<512x512xf32> to vector<8x128xf32>
    %add3A_1222 = arith.addf %add3A_1190, %slice3A_1221 : vector<8x128xf32>
    %slice3A_1223 = vector.extract_strided_slice %get3A_1068 {offsets = [152, 128], sizes = [8, 128], strides = [1, 1]} : vector<512x512xf32> to vector<8x128xf32>
    %add3A_1224 = arith.addf %add3A_1192, %slice3A_1223 : vector<8x128xf32>
    %slice3A_1225 = vector.extract_strided_slice %get3A_1068 {offsets = [152, 256], sizes = [8, 128], strides = [1, 1]} : vector<512x512xf32> to vector<8x128xf32>
    %add3A_1226 = arith.addf %add3A_1194, %slice3A_1225 : vector<8x128xf32>
    %slice3A_1227 = vector.extract_strided_slice %get3A_1068 {offsets = [152, 384], sizes = [8, 128], strides = [1, 1]} : vector<512x512xf32> to vector<8x128xf32>
    %add3A_1228 = arith.addf %add3A_1196, %slice3A_1227 : vector<8x128xf32>
    %slice3A_1229 = vector.extract_strided_slice %get3A_1068 {offsets = [160, 0], sizes = [8, 128], strides = [1, 1]} : vector<512x512xf32> to vector<8x128xf32>
    %add3A_1230 = arith.addf %add3A_1198, %slice3A_1229 : vector<8x128xf32>
    %slice3A_1231 = vector.extract_strided_slice %get3A_1068 {offsets = [160, 128], sizes = [8, 128], strides = [1, 1]} : vector<512x512xf32> to vector<8x128xf32>
    %add3A_1232 = arith.addf %add3A_1200, %slice3A_1231 : vector<8x128xf32>
    %slice3A_1233 = vector.extract_strided_slice %get3A_1068 {offsets = [160, 256], sizes = [8, 128], strides = [1, 1]} : vector<512x512xf32> to vector<8x128xf32>
    %add3A_1234 = arith.addf %add3A_1202, %slice3A_1233 : vector<8x128xf32>
    %slice3A_1235 = vector.extract_strided_slice %get3A_1068 {offsets = [160, 384], sizes = [8, 128], strides = [1, 1]} : vector<512x512xf32> to vector<8x128xf32>
    %add3A_1236 = arith.addf %add3A_1204, %slice3A_1235 : vector<8x128xf32>
    %slice3A_1237 = vector.extract_strided_slice %get3A_1068 {offsets = [168, 0], sizes = [8, 128], strides = [1, 1]} : vector<512x512xf32> to vector<8x128xf32>
    %add3A_1238 = arith.addf %add3A_1206, %slice3A_1237 : vector<8x128xf32>
    %slice3A_1239 = vector.extract_strided_slice %get3A_1068 {offsets = [168, 128], sizes = [8, 128], strides = [1, 1]} : vector<512x512xf32> to vector<8x128xf32>
    %add3A_1240 = arith.addf %add3A_1208, %slice3A_1239 : vector<8x128xf32>
    %slice3A_1241 = vector.extract_strided_slice %get3A_1068 {offsets = [168, 256], sizes = [8, 128], strides = [1, 1]} : vector<512x512xf32> to vector<8x128xf32>
    %add3A_1242 = arith.addf %add3A_1210, %slice3A_1241 : vector<8x128xf32>
    %slice3A_1243 = vector.extract_strided_slice %get3A_1068 {offsets = [168, 384], sizes = [8, 128], strides = [1, 1]} : vector<512x512xf32> to vector<8x128xf32>
    %add3A_1244 = arith.addf %add3A_1212, %slice3A_1243 : vector<8x128xf32>
    %slice3A_1245 = vector.extract_strided_slice %get3A_1068 {offsets = [176, 0], sizes = [8, 128], strides = [1, 1]} : vector<512x512xf32> to vector<8x128xf32>
    %add3A_1246 = arith.addf %add3A_1214, %slice3A_1245 : vector<8x128xf32>
    %slice3A_1247 = vector.extract_strided_slice %get3A_1068 {offsets = [176, 128], sizes = [8, 128], strides = [1, 1]} : vector<512x512xf32> to vector<8x128xf32>
    %add3A_1248 = arith.addf %add3A_1216, %slice3A_1247 : vector<8x128xf32>
    %slice3A_1249 = vector.extract_strided_slice %get3A_1068 {offsets = [176, 256], sizes = [8, 128], strides = [1, 1]} : vector<512x512xf32> to vector<8x128xf32>
    %add3A_1250 = arith.addf %add3A_1218, %slice3A_1249 : vector<8x128xf32>
    %slice3A_1251 = vector.extract_strided_slice %get3A_1068 {offsets = [176, 384], sizes = [8, 128], strides = [1, 1]} : vector<512x512xf32> to vector<8x128xf32>
    %add3A_1252 = arith.addf %add3A_1220, %slice3A_1251 : vector<8x128xf32>
    %slice3A_1253 = vector.extract_strided_slice %get3A_1068 {offsets = [184, 0], sizes = [8, 128], strides = [1, 1]} : vector<512x512xf32> to vector<8x128xf32>
    %add3A_1254 = arith.addf %add3A_1222, %slice3A_1253 : vector<8x128xf32>
    %slice3A_1255 = vector.extract_strided_slice %get3A_1068 {offsets = [184, 128], sizes = [8, 128], strides = [1, 1]} : vector<512x512xf32> to vector<8x128xf32>
    %add3A_1256 = arith.addf %add3A_1224, %slice3A_1255 : vector<8x128xf32>
    %slice3A_1257 = vector.extract_strided_slice %get3A_1068 {offsets = [184, 256], sizes = [8, 128], strides = [1, 1]} : vector<512x512xf32> to vector<8x128xf32>
    %add3A_1258 = arith.addf %add3A_1226, %slice3A_1257 : vector<8x128xf32>
    %slice3A_1259 = vector.extract_strided_slice %get3A_1068 {offsets = [184, 384], sizes = [8, 128], strides = [1, 1]} : vector<512x512xf32> to vector<8x128xf32>
    %add3A_1260 = arith.addf %add3A_1228, %slice3A_1259 : vector<8x128xf32>
    %slice3A_1261 = vector.extract_strided_slice %get3A_1068 {offsets = [192, 0], sizes = [8, 128], strides = [1, 1]} : vector<512x512xf32> to vector<8x128xf32>
    %add3A_1262 = arith.addf %add3A_1230, %slice3A_1261 : vector<8x128xf32>
    %slice3A_1263 = vector.extract_strided_slice %get3A_1068 {offsets = [192, 128], sizes = [8, 128], strides = [1, 1]} : vector<512x512xf32> to vector<8x128xf32>
    %add3A_1264 = arith.addf %add3A_1232, %slice3A_1263 : vector<8x128xf32>
    %slice3A_1265 = vector.extract_strided_slice %get3A_1068 {offsets = [192, 256], sizes = [8, 128], strides = [1, 1]} : vector<512x512xf32> to vector<8x128xf32>
    %add3A_1266 = arith.addf %add3A_1234, %slice3A_1265 : vector<8x128xf32>
    %slice3A_1267 = vector.extract_strided_slice %get3A_1068 {offsets = [192, 384], sizes = [8, 128], strides = [1, 1]} : vector<512x512xf32> to vector<8x128xf32>
    %add3A_1268 = arith.addf %add3A_1236, %slice3A_1267 : vector<8x128xf32>
    %slice3A_1269 = vector.extract_strided_slice %get3A_1068 {offsets = [200, 0], sizes = [8, 128], strides = [1, 1]} : vector<512x512xf32> to vector<8x128xf32>
    %add3A_1270 = arith.addf %add3A_1238, %slice3A_1269 : vector<8x128xf32>
    %slice3A_1271 = vector.extract_strided_slice %get3A_1068 {offsets = [200, 128], sizes = [8, 128], strides = [1, 1]} : vector<512x512xf32> to vector<8x128xf32>
    %add3A_1272 = arith.addf %add3A_1240, %slice3A_1271 : vector<8x128xf32>
    %slice3A_1273 = vector.extract_strided_slice %get3A_1068 {offsets = [200, 256], sizes = [8, 128], strides = [1, 1]} : vector<512x512xf32> to vector<8x128xf32>
    %add3A_1274 = arith.addf %add3A_1242, %slice3A_1273 : vector<8x128xf32>
    %slice3A_1275 = vector.extract_strided_slice %get3A_1068 {offsets = [200, 384], sizes = [8, 128], strides = [1, 1]} : vector<512x512xf32> to vector<8x128xf32>
    %add3A_1276 = arith.addf %add3A_1244, %slice3A_1275 : vector<8x128xf32>
    %slice3A_1277 = vector.extract_strided_slice %get3A_1068 {offsets = [208, 0], sizes = [8, 128], strides = [1, 1]} : vector<512x512xf32> to vector<8x128xf32>
    %add3A_1278 = arith.addf %add3A_1246, %slice3A_1277 : vector<8x128xf32>
    %slice3A_1279 = vector.extract_strided_slice %get3A_1068 {offsets = [208, 128], sizes = [8, 128], strides = [1, 1]} : vector<512x512xf32> to vector<8x128xf32>
    %add3A_1280 = arith.addf %add3A_1248, %slice3A_1279 : vector<8x128xf32>
    %slice3A_1281 = vector.extract_strided_slice %get3A_1068 {offsets = [208, 256], sizes = [8, 128], strides = [1, 1]} : vector<512x512xf32> to vector<8x128xf32>
    %add3A_1282 = arith.addf %add3A_1250, %slice3A_1281 : vector<8x128xf32>
    %slice3A_1283 = vector.extract_strided_slice %get3A_1068 {offsets = [208, 384], sizes = [8, 128], strides = [1, 1]} : vector<512x512xf32> to vector<8x128xf32>
    %add3A_1284 = arith.addf %add3A_1252, %slice3A_1283 : vector<8x128xf32>
    %slice3A_1285 = vector.extract_strided_slice %get3A_1068 {offsets = [216, 0], sizes = [8, 128], strides = [1, 1]} : vector<512x512xf32> to vector<8x128xf32>
    %add3A_1286 = arith.addf %add3A_1254, %slice3A_1285 : vector<8x128xf32>
    %slice3A_1287 = vector.extract_strided_slice %get3A_1068 {offsets = [216, 128], sizes = [8, 128], strides = [1, 1]} : vector<512x512xf32> to vector<8x128xf32>
    %add3A_1288 = arith.addf %add3A_1256, %slice3A_1287 : vector<8x128xf32>
    %slice3A_1289 = vector.extract_strided_slice %get3A_1068 {offsets = [216, 256], sizes = [8, 128], strides = [1, 1]} : vector<512x512xf32> to vector<8x128xf32>
    %add3A_1290 = arith.addf %add3A_1258, %slice3A_1289 : vector<8x128xf32>
    %slice3A_1291 = vector.extract_strided_slice %get3A_1068 {offsets = [216, 384], sizes = [8, 128], strides = [1, 1]} : vector<512x512xf32> to vector<8x128xf32>
    %add3A_1292 = arith.addf %add3A_1260, %slice3A_1291 : vector<8x128xf32>
    %slice3A_1293 = vector.extract_strided_slice %get3A_1068 {offsets = [224, 0], sizes = [8, 128], strides = [1, 1]} : vector<512x512xf32> to vector<8x128xf32>
    %add3A_1294 = arith.addf %add3A_1262, %slice3A_1293 : vector<8x128xf32>
    %slice3A_1295 = vector.extract_strided_slice %get3A_1068 {offsets = [224, 128], sizes = [8, 128], strides = [1, 1]} : vector<512x512xf32> to vector<8x128xf32>
    %add3A_1296 = arith.addf %add3A_1264, %slice3A_1295 : vector<8x128xf32>
    %slice3A_1297 = vector.extract_strided_slice %get3A_1068 {offsets = [224, 256], sizes = [8, 128], strides = [1, 1]} : vector<512x512xf32> to vector<8x128xf32>
    %add3A_1298 = arith.addf %add3A_1266, %slice3A_1297 : vector<8x128xf32>
    %slice3A_1299 = vector.extract_strided_slice %get3A_1068 {offsets = [224, 384], sizes = [8, 128], strides = [1, 1]} : vector<512x512xf32> to vector<8x128xf32>
    %add3A_1300 = arith.addf %add3A_1268, %slice3A_1299 : vector<8x128xf32>
    %slice3A_1301 = vector.extract_strided_slice %get3A_1068 {offsets = [232, 0], sizes = [8, 128], strides = [1, 1]} : vector<512x512xf32> to vector<8x128xf32>
    %add3A_1302 = arith.addf %add3A_1270, %slice3A_1301 : vector<8x128xf32>
    %slice3A_1303 = vector.extract_strided_slice %get3A_1068 {offsets = [232, 128], sizes = [8, 128], strides = [1, 1]} : vector<512x512xf32> to vector<8x128xf32>
    %add3A_1304 = arith.addf %add3A_1272, %slice3A_1303 : vector<8x128xf32>
    %slice3A_1305 = vector.extract_strided_slice %get3A_1068 {offsets = [232, 256], sizes = [8, 128], strides = [1, 1]} : vector<512x512xf32> to vector<8x128xf32>
    %add3A_1306 = arith.addf %add3A_1274, %slice3A_1305 : vector<8x128xf32>
    %slice3A_1307 = vector.extract_strided_slice %get3A_1068 {offsets = [232, 384], sizes = [8, 128], strides = [1, 1]} : vector<512x512xf32> to vector<8x128xf32>
    %add3A_1308 = arith.addf %add3A_1276, %slice3A_1307 : vector<8x128xf32>
    %slice3A_1309 = vector.extract_strided_slice %get3A_1068 {offsets = [240, 0], sizes = [8, 128], strides = [1, 1]} : vector<512x512xf32> to vector<8x128xf32>
    %add3A_1310 = arith.addf %add3A_1278, %slice3A_1309 : vector<8x128xf32>
    %slice3A_1311 = vector.extract_strided_slice %get3A_1068 {offsets = [240, 128], sizes = [8, 128], strides = [1, 1]} : vector<512x512xf32> to vector<8x128xf32>
    %add3A_1312 = arith.addf %add3A_1280, %slice3A_1311 : vector<8x128xf32>
    %slice3A_1313 = vector.extract_strided_slice %get3A_1068 {offsets = [240, 256], sizes = [8, 128], strides = [1, 1]} : vector<512x512xf32> to vector<8x128xf32>
    %add3A_1314 = arith.addf %add3A_1282, %slice3A_1313 : vector<8x128xf32>
    %slice3A_1315 = vector.extract_strided_slice %get3A_1068 {offsets = [240, 384], sizes = [8, 128], strides = [1, 1]} : vector<512x512xf32> to vector<8x128xf32>
    %add3A_1316 = arith.addf %add3A_1284, %slice3A_1315 : vector<8x128xf32>
    %slice3A_1317 = vector.extract_strided_slice %get3A_1068 {offsets = [248, 0], sizes = [8, 128], strides = [1, 1]} : vector<512x512xf32> to vector<8x128xf32>
    %add3A_1318 = arith.addf %add3A_1286, %slice3A_1317 : vector<8x128xf32>
    %slice3A_1319 = vector.extract_strided_slice %get3A_1068 {offsets = [248, 128], sizes = [8, 128], strides = [1, 1]} : vector<512x512xf32> to vector<8x128xf32>
    %add3A_1320 = arith.addf %add3A_1288, %slice3A_1319 : vector<8x128xf32>
    %slice3A_1321 = vector.extract_strided_slice %get3A_1068 {offsets = [248, 256], sizes = [8, 128], strides = [1, 1]} : vector<512x512xf32> to vector<8x128xf32>
    %add3A_1322 = arith.addf %add3A_1290, %slice3A_1321 : vector<8x128xf32>
    %slice3A_1323 = vector.extract_strided_slice %get3A_1068 {offsets = [248, 384], sizes = [8, 128], strides = [1, 1]} : vector<512x512xf32> to vector<8x128xf32>
    %add3A_1324 = arith.addf %add3A_1292, %slice3A_1323 : vector<8x128xf32>
    %slice3A_1325 = vector.extract_strided_slice %get3A_1068 {offsets = [256, 0], sizes = [8, 128], strides = [1, 1]} : vector<512x512xf32> to vector<8x128xf32>
    %add3A_1326 = arith.addf %add3A_1294, %slice3A_1325 : vector<8x128xf32>
    %slice3A_1327 = vector.extract_strided_slice %get3A_1068 {offsets = [256, 128], sizes = [8, 128], strides = [1, 1]} : vector<512x512xf32> to vector<8x128xf32>
    %add3A_1328 = arith.addf %add3A_1296, %slice3A_1327 : vector<8x128xf32>
    %slice3A_1329 = vector.extract_strided_slice %get3A_1068 {offsets = [256, 256], sizes = [8, 128], strides = [1, 1]} : vector<512x512xf32> to vector<8x128xf32>
    %add3A_1330 = arith.addf %add3A_1298, %slice3A_1329 : vector<8x128xf32>
    %slice3A_1331 = vector.extract_strided_slice %get3A_1068 {offsets = [256, 384], sizes = [8, 128], strides = [1, 1]} : vector<512x512xf32> to vector<8x128xf32>
    %add3A_1332 = arith.addf %add3A_1300, %slice3A_1331 : vector<8x128xf32>
    %slice3A_1333 = vector.extract_strided_slice %get3A_1068 {offsets = [264, 0], sizes = [8, 128], strides = [1, 1]} : vector<512x512xf32> to vector<8x128xf32>
    %add3A_1334 = arith.addf %add3A_1302, %slice3A_1333 : vector<8x128xf32>
    %slice3A_1335 = vector.extract_strided_slice %get3A_1068 {offsets = [264, 128], sizes = [8, 128], strides = [1, 1]} : vector<512x512xf32> to vector<8x128xf32>
    %add3A_1336 = arith.addf %add3A_1304, %slice3A_1335 : vector<8x128xf32>
    %slice3A_1337 = vector.extract_strided_slice %get3A_1068 {offsets = [264, 256], sizes = [8, 128], strides = [1, 1]} : vector<512x512xf32> to vector<8x128xf32>
    %add3A_1338 = arith.addf %add3A_1306, %slice3A_1337 : vector<8x128xf32>
    %slice3A_1339 = vector.extract_strided_slice %get3A_1068 {offsets = [264, 384], sizes = [8, 128], strides = [1, 1]} : vector<512x512xf32> to vector<8x128xf32>
    %add3A_1340 = arith.addf %add3A_1308, %slice3A_1339 : vector<8x128xf32>
    %slice3A_1341 = vector.extract_strided_slice %get3A_1068 {offsets = [272, 0], sizes = [8, 128], strides = [1, 1]} : vector<512x512xf32> to vector<8x128xf32>
    %add3A_1342 = arith.addf %add3A_1310, %slice3A_1341 : vector<8x128xf32>
    %slice3A_1343 = vector.extract_strided_slice %get3A_1068 {offsets = [272, 128], sizes = [8, 128], strides = [1, 1]} : vector<512x512xf32> to vector<8x128xf32>
    %add3A_1344 = arith.addf %add3A_1312, %slice3A_1343 : vector<8x128xf32>
    %slice3A_1345 = vector.extract_strided_slice %get3A_1068 {offsets = [272, 256], sizes = [8, 128], strides = [1, 1]} : vector<512x512xf32> to vector<8x128xf32>
    %add3A_1346 = arith.addf %add3A_1314, %slice3A_1345 : vector<8x128xf32>
    %slice3A_1347 = vector.extract_strided_slice %get3A_1068 {offsets = [272, 384], sizes = [8, 128], strides = [1, 1]} : vector<512x512xf32> to vector<8x128xf32>
    %add3A_1348 = arith.addf %add3A_1316, %slice3A_1347 : vector<8x128xf32>
    %slice3A_1349 = vector.extract_strided_slice %get3A_1068 {offsets = [280, 0], sizes = [8, 128], strides = [1, 1]} : vector<512x512xf32> to vector<8x128xf32>
    %add3A_1350 = arith.addf %add3A_1318, %slice3A_1349 : vector<8x128xf32>
    %slice3A_1351 = vector.extract_strided_slice %get3A_1068 {offsets = [280, 128], sizes = [8, 128], strides = [1, 1]} : vector<512x512xf32> to vector<8x128xf32>
    %add3A_1352 = arith.addf %add3A_1320, %slice3A_1351 : vector<8x128xf32>
    %slice3A_1353 = vector.extract_strided_slice %get3A_1068 {offsets = [280, 256], sizes = [8, 128], strides = [1, 1]} : vector<512x512xf32> to vector<8x128xf32>
    %add3A_1354 = arith.addf %add3A_1322, %slice3A_1353 : vector<8x128xf32>
    %slice3A_1355 = vector.extract_strided_slice %get3A_1068 {offsets = [280, 384], sizes = [8, 128], strides = [1, 1]} : vector<512x512xf32> to vector<8x128xf32>
    %add3A_1356 = arith.addf %add3A_1324, %slice3A_1355 : vector<8x128xf32>
    %slice3A_1357 = vector.extract_strided_slice %get3A_1068 {offsets = [288, 0], sizes = [8, 128], strides = [1, 1]} : vector<512x512xf32> to vector<8x128xf32>
    %add3A_1358 = arith.addf %add3A_1326, %slice3A_1357 : vector<8x128xf32>
    %slice3A_1359 = vector.extract_strided_slice %get3A_1068 {offsets = [288, 128], sizes = [8, 128], strides = [1, 1]} : vector<512x512xf32> to vector<8x128xf32>
    %add3A_1360 = arith.addf %add3A_1328, %slice3A_1359 : vector<8x128xf32>
    %slice3A_1361 = vector.extract_strided_slice %get3A_1068 {offsets = [288, 256], sizes = [8, 128], strides = [1, 1]} : vector<512x512xf32> to vector<8x128xf32>
    %add3A_1362 = arith.addf %add3A_1330, %slice3A_1361 : vector<8x128xf32>
    %slice3A_1363 = vector.extract_strided_slice %get3A_1068 {offsets = [288, 384], sizes = [8, 128], strides = [1, 1]} : vector<512x512xf32> to vector<8x128xf32>
    %add3A_1364 = arith.addf %add3A_1332, %slice3A_1363 : vector<8x128xf32>
    %slice3A_1365 = vector.extract_strided_slice %get3A_1068 {offsets = [296, 0], sizes = [8, 128], strides = [1, 1]} : vector<512x512xf32> to vector<8x128xf32>
    %add3A_1366 = arith.addf %add3A_1334, %slice3A_1365 : vector<8x128xf32>
    %slice3A_1367 = vector.extract_strided_slice %get3A_1068 {offsets = [296, 128], sizes = [8, 128], strides = [1, 1]} : vector<512x512xf32> to vector<8x128xf32>
    %add3A_1368 = arith.addf %add3A_1336, %slice3A_1367 : vector<8x128xf32>
    %slice3A_1369 = vector.extract_strided_slice %get3A_1068 {offsets = [296, 256], sizes = [8, 128], strides = [1, 1]} : vector<512x512xf32> to vector<8x128xf32>
    %add3A_1370 = arith.addf %add3A_1338, %slice3A_1369 : vector<8x128xf32>
    %slice3A_1371 = vector.extract_strided_slice %get3A_1068 {offsets = [296, 384], sizes = [8, 128], strides = [1, 1]} : vector<512x512xf32> to vector<8x128xf32>
    %add3A_1372 = arith.addf %add3A_1340, %slice3A_1371 : vector<8x128xf32>
    %slice3A_1373 = vector.extract_strided_slice %get3A_1068 {offsets = [304, 0], sizes = [8, 128], strides = [1, 1]} : vector<512x512xf32> to vector<8x128xf32>
    %add3A_1374 = arith.addf %add3A_1342, %slice3A_1373 : vector<8x128xf32>
    %slice3A_1375 = vector.extract_strided_slice %get3A_1068 {offsets = [304, 128], sizes = [8, 128], strides = [1, 1]} : vector<512x512xf32> to vector<8x128xf32>
    %add3A_1376 = arith.addf %add3A_1344, %slice3A_1375 : vector<8x128xf32>
    %slice3A_1377 = vector.extract_strided_slice %get3A_1068 {offsets = [304, 256], sizes = [8, 128], strides = [1, 1]} : vector<512x512xf32> to vector<8x128xf32>
    %add3A_1378 = arith.addf %add3A_1346, %slice3A_1377 : vector<8x128xf32>
    %slice3A_1379 = vector.extract_strided_slice %get3A_1068 {offsets = [304, 384], sizes = [8, 128], strides = [1, 1]} : vector<512x512xf32> to vector<8x128xf32>
    %add3A_1380 = arith.addf %add3A_1348, %slice3A_1379 : vector<8x128xf32>
    %slice3A_1381 = vector.extract_strided_slice %get3A_1068 {offsets = [312, 0], sizes = [8, 128], strides = [1, 1]} : vector<512x512xf32> to vector<8x128xf32>
    %add3A_1382 = arith.addf %add3A_1350, %slice3A_1381 : vector<8x128xf32>
    %slice3A_1383 = vector.extract_strided_slice %get3A_1068 {offsets = [312, 128], sizes = [8, 128], strides = [1, 1]} : vector<512x512xf32> to vector<8x128xf32>
    %add3A_1384 = arith.addf %add3A_1352, %slice3A_1383 : vector<8x128xf32>
    %slice3A_1385 = vector.extract_strided_slice %get3A_1068 {offsets = [312, 256], sizes = [8, 128], strides = [1, 1]} : vector<512x512xf32> to vector<8x128xf32>
    %add3A_1386 = arith.addf %add3A_1354, %slice3A_1385 : vector<8x128xf32>
    %slice3A_1387 = vector.extract_strided_slice %get3A_1068 {offsets = [312, 384], sizes = [8, 128], strides = [1, 1]} : vector<512x512xf32> to vector<8x128xf32>
    %add3A_1388 = arith.addf %add3A_1356, %slice3A_1387 : vector<8x128xf32>
    %slice3A_1389 = vector.extract_strided_slice %get3A_1068 {offsets = [320, 0], sizes = [8, 128], strides = [1, 1]} : vector<512x512xf32> to vector<8x128xf32>
    %add3A_1390 = arith.addf %add3A_1358, %slice3A_1389 : vector<8x128xf32>
    %slice3A_1391 = vector.extract_strided_slice %get3A_1068 {offsets = [320, 128], sizes = [8, 128], strides = [1, 1]} : vector<512x512xf32> to vector<8x128xf32>
    %add3A_1392 = arith.addf %add3A_1360, %slice3A_1391 : vector<8x128xf32>
    %slice3A_1393 = vector.extract_strided_slice %get3A_1068 {offsets = [320, 256], sizes = [8, 128], strides = [1, 1]} : vector<512x512xf32> to vector<8x128xf32>
    %add3A_1394 = arith.addf %add3A_1362, %slice3A_1393 : vector<8x128xf32>
    %slice3A_1395 = vector.extract_strided_slice %get3A_1068 {offsets = [320, 384], sizes = [8, 128], strides = [1, 1]} : vector<512x512xf32> to vector<8x128xf32>
    %add3A_1396 = arith.addf %add3A_1364, %slice3A_1395 : vector<8x128xf32>
    %slice3A_1397 = vector.extract_strided_slice %get3A_1068 {offsets = [328, 0], sizes = [8, 128], strides = [1, 1]} : vector<512x512xf32> to vector<8x128xf32>
    %add3A_1398 = arith.addf %add3A_1366, %slice3A_1397 : vector<8x128xf32>
    %slice3A_1399 = vector.extract_strided_slice %get3A_1068 {offsets = [328, 128], sizes = [8, 128], strides = [1, 1]} : vector<512x512xf32> to vector<8x128xf32>
    %add3A_1400 = arith.addf %add3A_1368, %slice3A_1399 : vector<8x128xf32>
    %slice3A_1401 = vector.extract_strided_slice %get3A_1068 {offsets = [328, 256], sizes = [8, 128], strides = [1, 1]} : vector<512x512xf32> to vector<8x128xf32>
    %add3A_1402 = arith.addf %add3A_1370, %slice3A_1401 : vector<8x128xf32>
    %slice3A_1403 = vector.extract_strided_slice %get3A_1068 {offsets = [328, 384], sizes = [8, 128], strides = [1, 1]} : vector<512x512xf32> to vector<8x128xf32>
    %add3A_1404 = arith.addf %add3A_1372, %slice3A_1403 : vector<8x128xf32>
    %slice3A_1405 = vector.extract_strided_slice %get3A_1068 {offsets = [336, 0], sizes = [8, 128], strides = [1, 1]} : vector<512x512xf32> to vector<8x128xf32>
    %add3A_1406 = arith.addf %add3A_1374, %slice3A_1405 : vector<8x128xf32>
    %slice3A_1407 = vector.extract_strided_slice %get3A_1068 {offsets = [336, 128], sizes = [8, 128], strides = [1, 1]} : vector<512x512xf32> to vector<8x128xf32>
    %add3A_1408 = arith.addf %add3A_1376, %slice3A_1407 : vector<8x128xf32>
    %slice3A_1409 = vector.extract_strided_slice %get3A_1068 {offsets = [336, 256], sizes = [8, 128], strides = [1, 1]} : vector<512x512xf32> to vector<8x128xf32>
    %add3A_1410 = arith.addf %add3A_1378, %slice3A_1409 : vector<8x128xf32>
    %slice3A_1411 = vector.extract_strided_slice %get3A_1068 {offsets = [336, 384], sizes = [8, 128], strides = [1, 1]} : vector<512x512xf32> to vector<8x128xf32>
    %add3A_1412 = arith.addf %add3A_1380, %slice3A_1411 : vector<8x128xf32>
    %slice3A_1413 = vector.extract_strided_slice %get3A_1068 {offsets = [344, 0], sizes = [8, 128], strides = [1, 1]} : vector<512x512xf32> to vector<8x128xf32>
    %add3A_1414 = arith.addf %add3A_1382, %slice3A_1413 : vector<8x128xf32>
    %slice3A_1415 = vector.extract_strided_slice %get3A_1068 {offsets = [344, 128], sizes = [8, 128], strides = [1, 1]} : vector<512x512xf32> to vector<8x128xf32>
    %add3A_1416 = arith.addf %add3A_1384, %slice3A_1415 : vector<8x128xf32>
    %slice3A_1417 = vector.extract_strided_slice %get3A_1068 {offsets = [344, 256], sizes = [8, 128], strides = [1, 1]} : vector<512x512xf32> to vector<8x128xf32>
    %add3A_1418 = arith.addf %add3A_1386, %slice3A_1417 : vector<8x128xf32>
    %slice3A_1419 = vector.extract_strided_slice %get3A_1068 {offsets = [344, 384], sizes = [8, 128], strides = [1, 1]} : vector<512x512xf32> to vector<8x128xf32>
    %add3A_1420 = arith.addf %add3A_1388, %slice3A_1419 : vector<8x128xf32>
    %slice3A_1421 = vector.extract_strided_slice %get3A_1068 {offsets = [352, 0], sizes = [8, 128], strides = [1, 1]} : vector<512x512xf32> to vector<8x128xf32>
    %add3A_1422 = arith.addf %add3A_1390, %slice3A_1421 : vector<8x128xf32>
    %slice3A_1423 = vector.extract_strided_slice %get3A_1068 {offsets = [352, 128], sizes = [8, 128], strides = [1, 1]} : vector<512x512xf32> to vector<8x128xf32>
    %add3A_1424 = arith.addf %add3A_1392, %slice3A_1423 : vector<8x128xf32>
    %slice3A_1425 = vector.extract_strided_slice %get3A_1068 {offsets = [352, 256], sizes = [8, 128], strides = [1, 1]} : vector<512x512xf32> to vector<8x128xf32>
    %add3A_1426 = arith.addf %add3A_1394, %slice3A_1425 : vector<8x128xf32>
    %slice3A_1427 = vector.extract_strided_slice %get3A_1068 {offsets = [352, 384], sizes = [8, 128], strides = [1, 1]} : vector<512x512xf32> to vector<8x128xf32>
    %add3A_1428 = arith.addf %add3A_1396, %slice3A_1427 : vector<8x128xf32>
    %slice3A_1429 = vector.extract_strided_slice %get3A_1068 {offsets = [360, 0], sizes = [8, 128], strides = [1, 1]} : vector<512x512xf32> to vector<8x128xf32>
    %add3A_1430 = arith.addf %add3A_1398, %slice3A_1429 : vector<8x128xf32>
    %slice3A_1431 = vector.extract_strided_slice %get3A_1068 {offsets = [360, 128], sizes = [8, 128], strides = [1, 1]} : vector<512x512xf32> to vector<8x128xf32>
    %add3A_1432 = arith.addf %add3A_1400, %slice3A_1431 : vector<8x128xf32>
    %slice3A_1433 = vector.extract_strided_slice %get3A_1068 {offsets = [360, 256], sizes = [8, 128], strides = [1, 1]} : vector<512x512xf32> to vector<8x128xf32>
    %add3A_1434 = arith.addf %add3A_1402, %slice3A_1433 : vector<8x128xf32>
    %slice3A_1435 = vector.extract_strided_slice %get3A_1068 {offsets = [360, 384], sizes = [8, 128], strides = [1, 1]} : vector<512x512xf32> to vector<8x128xf32>
    %add3A_1436 = arith.addf %add3A_1404, %slice3A_1435 : vector<8x128xf32>
    %slice3A_1437 = vector.extract_strided_slice %get3A_1068 {offsets = [368, 0], sizes = [8, 128], strides = [1, 1]} : vector<512x512xf32> to vector<8x128xf32>
    %add3A_1438 = arith.addf %add3A_1406, %slice3A_1437 : vector<8x128xf32>
    %slice3A_1439 = vector.extract_strided_slice %get3A_1068 {offsets = [368, 128], sizes = [8, 128], strides = [1, 1]} : vector<512x512xf32> to vector<8x128xf32>
    %add3A_1440 = arith.addf %add3A_1408, %slice3A_1439 : vector<8x128xf32>
    %slice3A_1441 = vector.extract_strided_slice %get3A_1068 {offsets = [368, 256], sizes = [8, 128], strides = [1, 1]} : vector<512x512xf32> to vector<8x128xf32>
    %add3A_1442 = arith.addf %add3A_1410, %slice3A_1441 : vector<8x128xf32>
    %slice3A_1443 = vector.extract_strided_slice %get3A_1068 {offsets = [368, 384], sizes = [8, 128], strides = [1, 1]} : vector<512x512xf32> to vector<8x128xf32>
    %add3A_1444 = arith.addf %add3A_1412, %slice3A_1443 : vector<8x128xf32>
    %slice3A_1445 = vector.extract_strided_slice %get3A_1068 {offsets = [376, 0], sizes = [8, 128], strides = [1, 1]} : vector<512x512xf32> to vector<8x128xf32>
    %add3A_1446 = arith.addf %add3A_1414, %slice3A_1445 : vector<8x128xf32>
    %slice3A_1447 = vector.extract_strided_slice %get3A_1068 {offsets = [376, 128], sizes = [8, 128], strides = [1, 1]} : vector<512x512xf32> to vector<8x128xf32>
    %add3A_1448 = arith.addf %add3A_1416, %slice3A_1447 : vector<8x128xf32>
    %slice3A_1449 = vector.extract_strided_slice %get3A_1068 {offsets = [376, 256], sizes = [8, 128], strides = [1, 1]} : vector<512x512xf32> to vector<8x128xf32>
    %add3A_1450 = arith.addf %add3A_1418, %slice3A_1449 : vector<8x128xf32>
    %slice3A_1451 = vector.extract_strided_slice %get3A_1068 {offsets = [376, 384], sizes = [8, 128], strides = [1, 1]} : vector<512x512xf32> to vector<8x128xf32>
    %add3A_1452 = arith.addf %add3A_1420, %slice3A_1451 : vector<8x128xf32>
    %slice3A_1453 = vector.extract_strided_slice %get3A_1068 {offsets = [384, 0], sizes = [8, 128], strides = [1, 1]} : vector<512x512xf32> to vector<8x128xf32>
    %add3A_1454 = arith.addf %add3A_1422, %slice3A_1453 : vector<8x128xf32>
    %slice3A_1455 = vector.extract_strided_slice %get3A_1068 {offsets = [384, 128], sizes = [8, 128], strides = [1, 1]} : vector<512x512xf32> to vector<8x128xf32>
    %add3A_1456 = arith.addf %add3A_1424, %slice3A_1455 : vector<8x128xf32>
    %slice3A_1457 = vector.extract_strided_slice %get3A_1068 {offsets = [384, 256], sizes = [8, 128], strides = [1, 1]} : vector<512x512xf32> to vector<8x128xf32>
    %add3A_1458 = arith.addf %add3A_1426, %slice3A_1457 : vector<8x128xf32>
    %slice3A_1459 = vector.extract_strided_slice %get3A_1068 {offsets = [384, 384], sizes = [8, 128], strides = [1, 1]} : vector<512x512xf32> to vector<8x128xf32>
    %add3A_1460 = arith.addf %add3A_1428, %slice3A_1459 : vector<8x128xf32>
    %slice3A_1461 = vector.extract_strided_slice %get3A_1068 {offsets = [392, 0], sizes = [8, 128], strides = [1, 1]} : vector<512x512xf32> to vector<8x128xf32>
    %add3A_1462 = arith.addf %add3A_1430, %slice3A_1461 : vector<8x128xf32>
    %slice3A_1463 = vector.extract_strided_slice %get3A_1068 {offsets = [392, 128], sizes = [8, 128], strides = [1, 1]} : vector<512x512xf32> to vector<8x128xf32>
    %add3A_1464 = arith.addf %add3A_1432, %slice3A_1463 : vector<8x128xf32>
    %slice3A_1465 = vector.extract_strided_slice %get3A_1068 {offsets = [392, 256], sizes = [8, 128], strides = [1, 1]} : vector<512x512xf32> to vector<8x128xf32>
    %add3A_1466 = arith.addf %add3A_1434, %slice3A_1465 : vector<8x128xf32>
    %slice3A_1467 = vector.extract_strided_slice %get3A_1068 {offsets = [392, 384], sizes = [8, 128], strides = [1, 1]} : vector<512x512xf32> to vector<8x128xf32>
    %add3A_1468 = arith.addf %add3A_1436, %slice3A_1467 : vector<8x128xf32>
    %slice3A_1469 = vector.extract_strided_slice %get3A_1068 {offsets = [400, 0], sizes = [8, 128], strides = [1, 1]} : vector<512x512xf32> to vector<8x128xf32>
    %add3A_1470 = arith.addf %add3A_1438, %slice3A_1469 : vector<8x128xf32>
    %slice3A_1471 = vector.extract_strided_slice %get3A_1068 {offsets = [400, 128], sizes = [8, 128], strides = [1, 1]} : vector<512x512xf32> to vector<8x128xf32>
    %add3A_1472 = arith.addf %add3A_1440, %slice3A_1471 : vector<8x128xf32>
    %slice3A_1473 = vector.extract_strided_slice %get3A_1068 {offsets = [400, 256], sizes = [8, 128], strides = [1, 1]} : vector<512x512xf32> to vector<8x128xf32>
    %add3A_1474 = arith.addf %add3A_1442, %slice3A_1473 : vector<8x128xf32>
    %slice3A_1475 = vector.extract_strided_slice %get3A_1068 {offsets = [400, 384], sizes = [8, 128], strides = [1, 1]} : vector<512x512xf32> to vector<8x128xf32>
    %add3A_1476 = arith.addf %add3A_1444, %slice3A_1475 : vector<8x128xf32>
    %slice3A_1477 = vector.extract_strided_slice %get3A_1068 {offsets = [408, 0], sizes = [8, 128], strides = [1, 1]} : vector<512x512xf32> to vector<8x128xf32>
    %add3A_1478 = arith.addf %add3A_1446, %slice3A_1477 : vector<8x128xf32>
    %slice3A_1479 = vector.extract_strided_slice %get3A_1068 {offsets = [408, 128], sizes = [8, 128], strides = [1, 1]} : vector<512x512xf32> to vector<8x128xf32>
    %add3A_1480 = arith.addf %add3A_1448, %slice3A_1479 : vector<8x128xf32>
    %slice3A_1481 = vector.extract_strided_slice %get3A_1068 {offsets = [408, 256], sizes = [8, 128], strides = [1, 1]} : vector<512x512xf32> to vector<8x128xf32>
    %add3A_1482 = arith.addf %add3A_1450, %slice3A_1481 : vector<8x128xf32>
    %slice3A_1483 = vector.extract_strided_slice %get3A_1068 {offsets = [408, 384], sizes = [8, 128], strides = [1, 1]} : vector<512x512xf32> to vector<8x128xf32>
    %add3A_1484 = arith.addf %add3A_1452, %slice3A_1483 : vector<8x128xf32>
    %slice3A_1485 = vector.extract_strided_slice %get3A_1068 {offsets = [416, 0], sizes = [8, 128], strides = [1, 1]} : vector<512x512xf32> to vector<8x128xf32>
    %add3A_1486 = arith.addf %add3A_1454, %slice3A_1485 : vector<8x128xf32>
    %slice3A_1487 = vector.extract_strided_slice %get3A_1068 {offsets = [416, 128], sizes = [8, 128], strides = [1, 1]} : vector<512x512xf32> to vector<8x128xf32>
    %add3A_1488 = arith.addf %add3A_1456, %slice3A_1487 : vector<8x128xf32>
    %slice3A_1489 = vector.extract_strided_slice %get3A_1068 {offsets = [416, 256], sizes = [8, 128], strides = [1, 1]} : vector<512x512xf32> to vector<8x128xf32>
    %add3A_1490 = arith.addf %add3A_1458, %slice3A_1489 : vector<8x128xf32>
    %slice3A_1491 = vector.extract_strided_slice %get3A_1068 {offsets = [416, 384], sizes = [8, 128], strides = [1, 1]} : vector<512x512xf32> to vector<8x128xf32>
    %add3A_1492 = arith.addf %add3A_1460, %slice3A_1491 : vector<8x128xf32>
    %slice3A_1493 = vector.extract_strided_slice %get3A_1068 {offsets = [424, 0], sizes = [8, 128], strides = [1, 1]} : vector<512x512xf32> to vector<8x128xf32>
    %add3A_1494 = arith.addf %add3A_1462, %slice3A_1493 : vector<8x128xf32>
    %slice3A_1495 = vector.extract_strided_slice %get3A_1068 {offsets = [424, 128], sizes = [8, 128], strides = [1, 1]} : vector<512x512xf32> to vector<8x128xf32>
    %add3A_1496 = arith.addf %add3A_1464, %slice3A_1495 : vector<8x128xf32>
    %slice3A_1497 = vector.extract_strided_slice %get3A_1068 {offsets = [424, 256], sizes = [8, 128], strides = [1, 1]} : vector<512x512xf32> to vector<8x128xf32>
    %add3A_1498 = arith.addf %add3A_1466, %slice3A_1497 : vector<8x128xf32>
    %slice3A_1499 = vector.extract_strided_slice %get3A_1068 {offsets = [424, 384], sizes = [8, 128], strides = [1, 1]} : vector<512x512xf32> to vector<8x128xf32>
    %add3A_1500 = arith.addf %add3A_1468, %slice3A_1499 : vector<8x128xf32>
    %slice3A_1501 = vector.extract_strided_slice %get3A_1068 {offsets = [432, 0], sizes = [8, 128], strides = [1, 1]} : vector<512x512xf32> to vector<8x128xf32>
    %add3A_1502 = arith.addf %add3A_1470, %slice3A_1501 : vector<8x128xf32>
    %slice3A_1503 = vector.extract_strided_slice %get3A_1068 {offsets = [432, 128], sizes = [8, 128], strides = [1, 1]} : vector<512x512xf32> to vector<8x128xf32>
    %add3A_1504 = arith.addf %add3A_1472, %slice3A_1503 : vector<8x128xf32>
    %slice3A_1505 = vector.extract_strided_slice %get3A_1068 {offsets = [432, 256], sizes = [8, 128], strides = [1, 1]} : vector<512x512xf32> to vector<8x128xf32>
    %add3A_1506 = arith.addf %add3A_1474, %slice3A_1505 : vector<8x128xf32>
    %slice3A_1507 = vector.extract_strided_slice %get3A_1068 {offsets = [432, 384], sizes = [8, 128], strides = [1, 1]} : vector<512x512xf32> to vector<8x128xf32>
    %add3A_1508 = arith.addf %add3A_1476, %slice3A_1507 : vector<8x128xf32>
    %slice3A_1509 = vector.extract_strided_slice %get3A_1068 {offsets = [440, 0], sizes = [8, 128], strides = [1, 1]} : vector<512x512xf32> to vector<8x128xf32>
    %add3A_1510 = arith.addf %add3A_1478, %slice3A_1509 : vector<8x128xf32>
    %slice3A_1511 = vector.extract_strided_slice %get3A_1068 {offsets = [440, 128], sizes = [8, 128], strides = [1, 1]} : vector<512x512xf32> to vector<8x128xf32>
    %add3A_1512 = arith.addf %add3A_1480, %slice3A_1511 : vector<8x128xf32>
    %slice3A_1513 = vector.extract_strided_slice %get3A_1068 {offsets = [440, 256], sizes = [8, 128], strides = [1, 1]} : vector<512x512xf32> to vector<8x128xf32>
    %add3A_1514 = arith.addf %add3A_1482, %slice3A_1513 : vector<8x128xf32>
    %slice3A_1515 = vector.extract_strided_slice %get3A_1068 {offsets = [440, 384], sizes = [8, 128], strides = [1, 1]} : vector<512x512xf32> to vector<8x128xf32>
    %add3A_1516 = arith.addf %add3A_1484, %slice3A_1515 : vector<8x128xf32>
    %slice3A_1517 = vector.extract_strided_slice %get3A_1068 {offsets = [448, 0], sizes = [8, 128], strides = [1, 1]} : vector<512x512xf32> to vector<8x128xf32>
    %add3A_1518 = arith.addf %add3A_1486, %slice3A_1517 : vector<8x128xf32>
    %slice3A_1519 = vector.extract_strided_slice %get3A_1068 {offsets = [448, 128], sizes = [8, 128], strides = [1, 1]} : vector<512x512xf32> to vector<8x128xf32>
    %add3A_1520 = arith.addf %add3A_1488, %slice3A_1519 : vector<8x128xf32>
    %slice3A_1521 = vector.extract_strided_slice %get3A_1068 {offsets = [448, 256], sizes = [8, 128], strides = [1, 1]} : vector<512x512xf32> to vector<8x128xf32>
    %add3A_1522 = arith.addf %add3A_1490, %slice3A_1521 : vector<8x128xf32>
    %slice3A_1523 = vector.extract_strided_slice %get3A_1068 {offsets = [448, 384], sizes = [8, 128], strides = [1, 1]} : vector<512x512xf32> to vector<8x128xf32>
    %add3A_1524 = arith.addf %add3A_1492, %slice3A_1523 : vector<8x128xf32>
    %slice3A_1525 = vector.extract_strided_slice %get3A_1068 {offsets = [456, 0], sizes = [8, 128], strides = [1, 1]} : vector<512x512xf32> to vector<8x128xf32>
    %add3A_1526 = arith.addf %add3A_1494, %slice3A_1525 : vector<8x128xf32>
    %slice3A_1527 = vector.extract_strided_slice %get3A_1068 {offsets = [456, 128], sizes = [8, 128], strides = [1, 1]} : vector<512x512xf32> to vector<8x128xf32>
    %add3A_1528 = arith.addf %add3A_1496, %slice3A_1527 : vector<8x128xf32>
    %slice3A_1529 = vector.extract_strided_slice %get3A_1068 {offsets = [456, 256], sizes = [8, 128], strides = [1, 1]} : vector<512x512xf32> to vector<8x128xf32>
    %add3A_1530 = arith.addf %add3A_1498, %slice3A_1529 : vector<8x128xf32>
    %slice3A_1531 = vector.extract_strided_slice %get3A_1068 {offsets = [456, 384], sizes = [8, 128], strides = [1, 1]} : vector<512x512xf32> to vector<8x128xf32>
    %add3A_1532 = arith.addf %add3A_1500, %slice3A_1531 : vector<8x128xf32>
    %slice3A_1533 = vector.extract_strided_slice %get3A_1068 {offsets = [464, 0], sizes = [8, 128], strides = [1, 1]} : vector<512x512xf32> to vector<8x128xf32>
    %add3A_1534 = arith.addf %add3A_1502, %slice3A_1533 : vector<8x128xf32>
    %slice3A_1535 = vector.extract_strided_slice %get3A_1068 {offsets = [464, 128], sizes = [8, 128], strides = [1, 1]} : vector<512x512xf32> to vector<8x128xf32>
    %add3A_1536 = arith.addf %add3A_1504, %slice3A_1535 : vector<8x128xf32>
    %slice3A_1537 = vector.extract_strided_slice %get3A_1068 {offsets = [464, 256], sizes = [8, 128], strides = [1, 1]} : vector<512x512xf32> to vector<8x128xf32>
    %add3A_1538 = arith.addf %add3A_1506, %slice3A_1537 : vector<8x128xf32>
    %slice3A_1539 = vector.extract_strided_slice %get3A_1068 {offsets = [464, 384], sizes = [8, 128], strides = [1, 1]} : vector<512x512xf32> to vector<8x128xf32>
    %add3A_1540 = arith.addf %add3A_1508, %slice3A_1539 : vector<8x128xf32>
    %slice3A_1541 = vector.extract_strided_slice %get3A_1068 {offsets = [472, 0], sizes = [8, 128], strides = [1, 1]} : vector<512x512xf32> to vector<8x128xf32>
    %add3A_1542 = arith.addf %add3A_1510, %slice3A_1541 : vector<8x128xf32>
    %slice3A_1543 = vector.extract_strided_slice %get3A_1068 {offsets = [472, 128], sizes = [8, 128], strides = [1, 1]} : vector<512x512xf32> to vector<8x128xf32>
    %add3A_1544 = arith.addf %add3A_1512, %slice3A_1543 : vector<8x128xf32>
    %slice3A_1545 = vector.extract_strided_slice %get3A_1068 {offsets = [472, 256], sizes = [8, 128], strides = [1, 1]} : vector<512x512xf32> to vector<8x128xf32>
    %add3A_1546 = arith.addf %add3A_1514, %slice3A_1545 : vector<8x128xf32>
    %slice3A_1547 = vector.extract_strided_slice %get3A_1068 {offsets = [472, 384], sizes = [8, 128], strides = [1, 1]} : vector<512x512xf32> to vector<8x128xf32>
    %add3A_1548 = arith.addf %add3A_1516, %slice3A_1547 : vector<8x128xf32>
    %slice3A_1549 = vector.extract_strided_slice %get3A_1068 {offsets = [480, 0], sizes = [8, 128], strides = [1, 1]} : vector<512x512xf32> to vector<8x128xf32>
    %add3A_1550 = arith.addf %add3A_1518, %slice3A_1549 : vector<8x128xf32>
    %slice3A_1551 = vector.extract_strided_slice %get3A_1068 {offsets = [480, 128], sizes = [8, 128], strides = [1, 1]} : vector<512x512xf32> to vector<8x128xf32>
    %add3A_1552 = arith.addf %add3A_1520, %slice3A_1551 : vector<8x128xf32>
    %slice3A_1553 = vector.extract_strided_slice %get3A_1068 {offsets = [480, 256], sizes = [8, 128], strides = [1, 1]} : vector<512x512xf32> to vector<8x128xf32>
    %add3A_1554 = arith.addf %add3A_1522, %slice3A_1553 : vector<8x128xf32>
    %slice3A_1555 = vector.extract_strided_slice %get3A_1068 {offsets = [480, 384], sizes = [8, 128], strides = [1, 1]} : vector<512x512xf32> to vector<8x128xf32>
    %add3A_1556 = arith.addf %add3A_1524, %slice3A_1555 : vector<8x128xf32>
    %slice3A_1557 = vector.extract_strided_slice %get3A_1068 {offsets = [488, 0], sizes = [8, 128], strides = [1, 1]} : vector<512x512xf32> to vector<8x128xf32>
    %add3A_1558 = arith.addf %add3A_1526, %slice3A_1557 : vector<8x128xf32>
    %slice3A_1559 = vector.extract_strided_slice %get3A_1068 {offsets = [488, 128], sizes = [8, 128], strides = [1, 1]} : vector<512x512xf32> to vector<8x128xf32>
    %add3A_1560 = arith.addf %add3A_1528, %slice3A_1559 : vector<8x128xf32>
    %slice3A_1561 = vector.extract_strided_slice %get3A_1068 {offsets = [488, 256], sizes = [8, 128], strides = [1, 1]} : vector<512x512xf32> to vector<8x128xf32>
    %add3A_1562 = arith.addf %add3A_1530, %slice3A_1561 : vector<8x128xf32>
    %slice3A_1563 = vector.extract_strided_slice %get3A_1068 {offsets = [488, 384], sizes = [8, 128], strides = [1, 1]} : vector<512x512xf32> to vector<8x128xf32>
    %add3A_1564 = arith.addf %add3A_1532, %slice3A_1563 : vector<8x128xf32>
    %slice3A_1565 = vector.extract_strided_slice %get3A_1068 {offsets = [496, 0], sizes = [8, 128], strides = [1, 1]} : vector<512x512xf32> to vector<8x128xf32>
    %add3A_1566 = arith.addf %add3A_1534, %slice3A_1565 : vector<8x128xf32>
    %slice3A_1567 = vector.extract_strided_slice %get3A_1068 {offsets = [496, 128], sizes = [8, 128], strides = [1, 1]} : vector<512x512xf32> to vector<8x128xf32>
    %add3A_1568 = arith.addf %add3A_1536, %slice3A_1567 : vector<8x128xf32>
    %slice3A_1569 = vector.extract_strided_slice %get3A_1068 {offsets = [496, 256], sizes = [8, 128], strides = [1, 1]} : vector<512x512xf32> to vector<8x128xf32>
    %add3A_1570 = arith.addf %add3A_1538, %slice3A_1569 : vector<8x128xf32>
    %slice3A_1571 = vector.extract_strided_slice %get3A_1068 {offsets = [496, 384], sizes = [8, 128], strides = [1, 1]} : vector<512x512xf32> to vector<8x128xf32>
    %add3A_1572 = arith.addf %add3A_1540, %slice3A_1571 : vector<8x128xf32>
    %slice3A_1573 = vector.extract_strided_slice %get3A_1068 {offsets = [504, 0], sizes = [8, 128], strides = [1, 1]} : vector<512x512xf32> to vector<8x128xf32>
    %add3A_1574 = arith.addf %add3A_1542, %slice3A_1573 : vector<8x128xf32>
    %slice3A_1575 = vector.extract_strided_slice %get3A_1068 {offsets = [504, 128], sizes = [8, 128], strides = [1, 1]} : vector<512x512xf32> to vector<8x128xf32>
    %add3A_1576 = arith.addf %add3A_1544, %slice3A_1575 : vector<8x128xf32>
    %slice3A_1577 = vector.extract_strided_slice %get3A_1068 {offsets = [504, 256], sizes = [8, 128], strides = [1, 1]} : vector<512x512xf32> to vector<8x128xf32>
    %add3A_1578 = arith.addf %add3A_1546, %slice3A_1577 : vector<8x128xf32>
    %slice3A_1579 = vector.extract_strided_slice %get3A_1068 {offsets = [504, 384], sizes = [8, 128], strides = [1, 1]} : vector<512x512xf32> to vector<8x128xf32>
    %add3A_1580 = arith.addf %add3A_1548, %slice3A_1579 : vector<8x128xf32>
    %get3A_1581 = arith.constant 3 : index
    %get3A_1582 = arith.constant 0 : index
    %get3A_1583 = arith.constant 0 : index
    %get3A_1584 = vector.load %arg1[%get3A_1581, %get3A_1582, %get3A_1583] : memref<4x512x512xf32, #tpu.memory_space<vmem>>, vector<1x512x512xf32>
    %get3A_1585 = vector.shape_cast %get3A_1584 : vector<1x512x512xf32> to vector<512x512xf32>
    %slice3A_1586 = vector.extract_strided_slice %get3A_1585 {offsets = [0, 0], sizes = [8, 128], strides = [1, 1]} : vector<512x512xf32> to vector<8x128xf32>
    %add3A_1587 = arith.addf %add3A_1550, %slice3A_1586 : vector<8x128xf32>
    %slice3A_1588 = vector.extract_strided_slice %get3A_1585 {offsets = [0, 128], sizes = [8, 128], strides = [1, 1]} : vector<512x512xf32> to vector<8x128xf32>
    %add3A_1589 = arith.addf %add3A_1552, %slice3A_1588 : vector<8x128xf32>
    %slice3A_1590 = vector.extract_strided_slice %get3A_1585 {offsets = [0, 256], sizes = [8, 128], strides = [1, 1]} : vector<512x512xf32> to vector<8x128xf32>
    %add3A_1591 = arith.addf %add3A_1554, %slice3A_1590 : vector<8x128xf32>
    %slice3A_1592 = vector.extract_strided_slice %get3A_1585 {offsets = [0, 384], sizes = [8, 128], strides = [1, 1]} : vector<512x512xf32> to vector<8x128xf32>
    %add3A_1593 = arith.addf %add3A_1556, %slice3A_1592 : vector<8x128xf32>
    %slice3A_1594 = vector.extract_strided_slice %get3A_1585 {offsets = [8, 0], sizes = [8, 128], strides = [1, 1]} : vector<512x512xf32> to vector<8x128xf32>
    %add3A_1595 = arith.addf %add3A_1558, %slice3A_1594 : vector<8x128xf32>
    %slice3A_1596 = vector.extract_strided_slice %get3A_1585 {offsets = [8, 128], sizes = [8, 128], strides = [1, 1]} : vector<512x512xf32> to vector<8x128xf32>
    %add3A_1597 = arith.addf %add3A_1560, %slice3A_1596 : vector<8x128xf32>
    %slice3A_1598 = vector.extract_strided_slice %get3A_1585 {offsets = [8, 256], sizes = [8, 128], strides = [1, 1]} : vector<512x512xf32> to vector<8x128xf32>
    %add3A_1599 = arith.addf %add3A_1562, %slice3A_1598 : vector<8x128xf32>
    %slice3A_1600 = vector.extract_strided_slice %get3A_1585 {offsets = [8, 384], sizes = [8, 128], strides = [1, 1]} : vector<512x512xf32> to vector<8x128xf32>
    %add3A_1601 = arith.addf %add3A_1564, %slice3A_1600 : vector<8x128xf32>
    %slice3A_1602 = vector.extract_strided_slice %get3A_1585 {offsets = [16, 0], sizes = [8, 128], strides = [1, 1]} : vector<512x512xf32> to vector<8x128xf32>
    %add3A_1603 = arith.addf %add3A_1566, %slice3A_1602 : vector<8x128xf32>
    %slice3A_1604 = vector.extract_strided_slice %get3A_1585 {offsets = [16, 128], sizes = [8, 128], strides = [1, 1]} : vector<512x512xf32> to vector<8x128xf32>
    %add3A_1605 = arith.addf %add3A_1568, %slice3A_1604 : vector<8x128xf32>
    %slice3A_1606 = vector.extract_strided_slice %get3A_1585 {offsets = [16, 256], sizes = [8, 128], strides = [1, 1]} : vector<512x512xf32> to vector<8x128xf32>
    %add3A_1607 = arith.addf %add3A_1570, %slice3A_1606 : vector<8x128xf32>
    %slice3A_1608 = vector.extract_strided_slice %get3A_1585 {offsets = [16, 384], sizes = [8, 128], strides = [1, 1]} : vector<512x512xf32> to vector<8x128xf32>
    %add3A_1609 = arith.addf %add3A_1572, %slice3A_1608 : vector<8x128xf32>
    %slice3A_1610 = vector.extract_strided_slice %get3A_1585 {offsets = [24, 0], sizes = [8, 128], strides = [1, 1]} : vector<512x512xf32> to vector<8x128xf32>
    %add3A_1611 = arith.addf %add3A_1574, %slice3A_1610 : vector<8x128xf32>
    %slice3A_1612 = vector.extract_strided_slice %get3A_1585 {offsets = [24, 128], sizes = [8, 128], strides = [1, 1]} : vector<512x512xf32> to vector<8x128xf32>
    %add3A_1613 = arith.addf %add3A_1576, %slice3A_1612 : vector<8x128xf32>
    %slice3A_1614 = vector.extract_strided_slice %get3A_1585 {offsets = [24, 256], sizes = [8, 128], strides = [1, 1]} : vector<512x512xf32> to vector<8x128xf32>
    %add3A_1615 = arith.addf %add3A_1578, %slice3A_1614 : vector<8x128xf32>
    %slice3A_1616 = vector.extract_strided_slice %get3A_1585 {offsets = [24, 384], sizes = [8, 128], strides = [1, 1]} : vector<512x512xf32> to vector<8x128xf32>
    %add3A_1617 = arith.addf %add3A_1580, %slice3A_1616 : vector<8x128xf32>
    %slice3A_1618 = vector.extract_strided_slice %get3A_1585 {offsets = [32, 0], sizes = [8, 128], strides = [1, 1]} : vector<512x512xf32> to vector<8x128xf32>
    %add3A_1619 = arith.addf %add3A_1587, %slice3A_1618 : vector<8x128xf32>
    %slice3A_1620 = vector.extract_strided_slice %get3A_1585 {offsets = [32, 128], sizes = [8, 128], strides = [1, 1]} : vector<512x512xf32> to vector<8x128xf32>
    %add3A_1621 = arith.addf %add3A_1589, %slice3A_1620 : vector<8x128xf32>
    %slice3A_1622 = vector.extract_strided_slice %get3A_1585 {offsets = [32, 256], sizes = [8, 128], strides = [1, 1]} : vector<512x512xf32> to vector<8x128xf32>
    %add3A_1623 = arith.addf %add3A_1591, %slice3A_1622 : vector<8x128xf32>
    %slice3A_1624 = vector.extract_strided_slice %get3A_1585 {offsets = [32, 384], sizes = [8, 128], strides = [1, 1]} : vector<512x512xf32> to vector<8x128xf32>
    %add3A_1625 = arith.addf %add3A_1593, %slice3A_1624 : vector<8x128xf32>
    %slice3A_1626 = vector.extract_strided_slice %get3A_1585 {offsets = [40, 0], sizes = [8, 128], strides = [1, 1]} : vector<512x512xf32> to vector<8x128xf32>
    %add3A_1627 = arith.addf %add3A_1595, %slice3A_1626 : vector<8x128xf32>
    %slice3A_1628 = vector.extract_strided_slice %get3A_1585 {offsets = [40, 128], sizes = [8, 128], strides = [1, 1]} : vector<512x512xf32> to vector<8x128xf32>
    %add3A_1629 = arith.addf %add3A_1597, %slice3A_1628 : vector<8x128xf32>
    %slice3A_1630 = vector.extract_strided_slice %get3A_1585 {offsets = [40, 256], sizes = [8, 128], strides = [1, 1]} : vector<512x512xf32> to vector<8x128xf32>
    %add3A_1631 = arith.addf %add3A_1599, %slice3A_1630 : vector<8x128xf32>
    %slice3A_1632 = vector.extract_strided_slice %get3A_1585 {offsets = [40, 384], sizes = [8, 128], strides = [1, 1]} : vector<512x512xf32> to vector<8x128xf32>
    %add3A_1633 = arith.addf %add3A_1601, %slice3A_1632 : vector<8x128xf32>
    %slice3A_1634 = vector.extract_strided_slice %get3A_1585 {offsets = [48, 0], sizes = [8, 128], strides = [1, 1]} : vector<512x512xf32> to vector<8x128xf32>
    %add3A_1635 = arith.addf %add3A_1603, %slice3A_1634 : vector<8x128xf32>
    %slice3A_1636 = vector.extract_strided_slice %get3A_1585 {offsets = [48, 128], sizes = [8, 128], strides = [1, 1]} : vector<512x512xf32> to vector<8x128xf32>
    %add3A_1637 = arith.addf %add3A_1605, %slice3A_1636 : vector<8x128xf32>
    %slice3A_1638 = vector.extract_strided_slice %get3A_1585 {offsets = [48, 256], sizes = [8, 128], strides = [1, 1]} : vector<512x512xf32> to vector<8x128xf32>
    %add3A_1639 = arith.addf %add3A_1607, %slice3A_1638 : vector<8x128xf32>
    %slice3A_1640 = vector.extract_strided_slice %get3A_1585 {offsets = [48, 384], sizes = [8, 128], strides = [1, 1]} : vector<512x512xf32> to vector<8x128xf32>
    %add3A_1641 = arith.addf %add3A_1609, %slice3A_1640 : vector<8x128xf32>
    %slice3A_1642 = vector.extract_strided_slice %get3A_1585 {offsets = [56, 0], sizes = [8, 128], strides = [1, 1]} : vector<512x512xf32> to vector<8x128xf32>
    %add3A_1643 = arith.addf %add3A_1611, %slice3A_1642 : vector<8x128xf32>
    %slice3A_1644 = vector.extract_strided_slice %get3A_1585 {offsets = [56, 128], sizes = [8, 128], strides = [1, 1]} : vector<512x512xf32> to vector<8x128xf32>
    %add3A_1645 = arith.addf %add3A_1613, %slice3A_1644 : vector<8x128xf32>
    %slice3A_1646 = vector.extract_strided_slice %get3A_1585 {offsets = [56, 256], sizes = [8, 128], strides = [1, 1]} : vector<512x512xf32> to vector<8x128xf32>
    %add3A_1647 = arith.addf %add3A_1615, %slice3A_1646 : vector<8x128xf32>
    %slice3A_1648 = vector.extract_strided_slice %get3A_1585 {offsets = [56, 384], sizes = [8, 128], strides = [1, 1]} : vector<512x512xf32> to vector<8x128xf32>
    %add3A_1649 = arith.addf %add3A_1617, %slice3A_1648 : vector<8x128xf32>
    %slice3A_1650 = vector.extract_strided_slice %get3A_1585 {offsets = [64, 0], sizes = [8, 128], strides = [1, 1]} : vector<512x512xf32> to vector<8x128xf32>
    %add3A_1651 = arith.addf %add3A_1619, %slice3A_1650 : vector<8x128xf32>
    %slice3A_1652 = vector.extract_strided_slice %get3A_1585 {offsets = [64, 128], sizes = [8, 128], strides = [1, 1]} : vector<512x512xf32> to vector<8x128xf32>
    %add3A_1653 = arith.addf %add3A_1621, %slice3A_1652 : vector<8x128xf32>
    %slice3A_1654 = vector.extract_strided_slice %get3A_1585 {offsets = [64, 256], sizes = [8, 128], strides = [1, 1]} : vector<512x512xf32> to vector<8x128xf32>
    %add3A_1655 = arith.addf %add3A_1623, %slice3A_1654 : vector<8x128xf32>
    %slice3A_1656 = vector.extract_strided_slice %get3A_1585 {offsets = [64, 384], sizes = [8, 128], strides = [1, 1]} : vector<512x512xf32> to vector<8x128xf32>
    %add3A_1657 = arith.addf %add3A_1625, %slice3A_1656 : vector<8x128xf32>
    %slice3A_1658 = vector.extract_strided_slice %get3A_1585 {offsets = [72, 0], sizes = [8, 128], strides = [1, 1]} : vector<512x512xf32> to vector<8x128xf32>
    %add3A_1659 = arith.addf %add3A_1627, %slice3A_1658 : vector<8x128xf32>
    %slice3A_1660 = vector.extract_strided_slice %get3A_1585 {offsets = [72, 128], sizes = [8, 128], strides = [1, 1]} : vector<512x512xf32> to vector<8x128xf32>
    %add3A_1661 = arith.addf %add3A_1629, %slice3A_1660 : vector<8x128xf32>
    %slice3A_1662 = vector.extract_strided_slice %get3A_1585 {offsets = [72, 256], sizes = [8, 128], strides = [1, 1]} : vector<512x512xf32> to vector<8x128xf32>
    %add3A_1663 = arith.addf %add3A_1631, %slice3A_1662 : vector<8x128xf32>
    %slice3A_1664 = vector.extract_strided_slice %get3A_1585 {offsets = [72, 384], sizes = [8, 128], strides = [1, 1]} : vector<512x512xf32> to vector<8x128xf32>
    %add3A_1665 = arith.addf %add3A_1633, %slice3A_1664 : vector<8x128xf32>
    %slice3A_1666 = vector.extract_strided_slice %get3A_1585 {offsets = [80, 0], sizes = [8, 128], strides = [1, 1]} : vector<512x512xf32> to vector<8x128xf32>
    %add3A_1667 = arith.addf %add3A_1635, %slice3A_1666 : vector<8x128xf32>
    %slice3A_1668 = vector.extract_strided_slice %get3A_1585 {offsets = [80, 128], sizes = [8, 128], strides = [1, 1]} : vector<512x512xf32> to vector<8x128xf32>
    %add3A_1669 = arith.addf %add3A_1637, %slice3A_1668 : vector<8x128xf32>
    %slice3A_1670 = vector.extract_strided_slice %get3A_1585 {offsets = [80, 256], sizes = [8, 128], strides = [1, 1]} : vector<512x512xf32> to vector<8x128xf32>
    %add3A_1671 = arith.addf %add3A_1639, %slice3A_1670 : vector<8x128xf32>
    %slice3A_1672 = vector.extract_strided_slice %get3A_1585 {offsets = [80, 384], sizes = [8, 128], strides = [1, 1]} : vector<512x512xf32> to vector<8x128xf32>
    %add3A_1673 = arith.addf %add3A_1641, %slice3A_1672 : vector<8x128xf32>
    %slice3A_1674 = vector.extract_strided_slice %get3A_1585 {offsets = [88, 0], sizes = [8, 128], strides = [1, 1]} : vector<512x512xf32> to vector<8x128xf32>
    %add3A_1675 = arith.addf %add3A_1643, %slice3A_1674 : vector<8x128xf32>
    %slice3A_1676 = vector.extract_strided_slice %get3A_1585 {offsets = [88, 128], sizes = [8, 128], strides = [1, 1]} : vector<512x512xf32> to vector<8x128xf32>
    %add3A_1677 = arith.addf %add3A_1645, %slice3A_1676 : vector<8x128xf32>
    %slice3A_1678 = vector.extract_strided_slice %get3A_1585 {offsets = [88, 256], sizes = [8, 128], strides = [1, 1]} : vector<512x512xf32> to vector<8x128xf32>
    %add3A_1679 = arith.addf %add3A_1647, %slice3A_1678 : vector<8x128xf32>
    %slice3A_1680 = vector.extract_strided_slice %get3A_1585 {offsets = [88, 384], sizes = [8, 128], strides = [1, 1]} : vector<512x512xf32> to vector<8x128xf32>
    %add3A_1681 = arith.addf %add3A_1649, %slice3A_1680 : vector<8x128xf32>
    %slice3A_1682 = vector.extract_strided_slice %get3A_1585 {offsets = [96, 0], sizes = [8, 128], strides = [1, 1]} : vector<512x512xf32> to vector<8x128xf32>
    %add3A_1683 = arith.addf %add3A_1651, %slice3A_1682 : vector<8x128xf32>
    %slice3A_1684 = vector.extract_strided_slice %get3A_1585 {offsets = [96, 128], sizes = [8, 128], strides = [1, 1]} : vector<512x512xf32> to vector<8x128xf32>
    %add3A_1685 = arith.addf %add3A_1653, %slice3A_1684 : vector<8x128xf32>
    %slice3A_1686 = vector.extract_strided_slice %get3A_1585 {offsets = [96, 256], sizes = [8, 128], strides = [1, 1]} : vector<512x512xf32> to vector<8x128xf32>
    %add3A_1687 = arith.addf %add3A_1655, %slice3A_1686 : vector<8x128xf32>
    %slice3A_1688 = vector.extract_strided_slice %get3A_1585 {offsets = [96, 384], sizes = [8, 128], strides = [1, 1]} : vector<512x512xf32> to vector<8x128xf32>
    %add3A_1689 = arith.addf %add3A_1657, %slice3A_1688 : vector<8x128xf32>
    %slice3A_1690 = vector.extract_strided_slice %get3A_1585 {offsets = [104, 0], sizes = [8, 128], strides = [1, 1]} : vector<512x512xf32> to vector<8x128xf32>
    %add3A_1691 = arith.addf %add3A_1659, %slice3A_1690 : vector<8x128xf32>
    %slice3A_1692 = vector.extract_strided_slice %get3A_1585 {offsets = [104, 128], sizes = [8, 128], strides = [1, 1]} : vector<512x512xf32> to vector<8x128xf32>
    %add3A_1693 = arith.addf %add3A_1661, %slice3A_1692 : vector<8x128xf32>
    %slice3A_1694 = vector.extract_strided_slice %get3A_1585 {offsets = [104, 256], sizes = [8, 128], strides = [1, 1]} : vector<512x512xf32> to vector<8x128xf32>
    %add3A_1695 = arith.addf %add3A_1663, %slice3A_1694 : vector<8x128xf32>
    %slice3A_1696 = vector.extract_strided_slice %get3A_1585 {offsets = [104, 384], sizes = [8, 128], strides = [1, 1]} : vector<512x512xf32> to vector<8x128xf32>
    %add3A_1697 = arith.addf %add3A_1665, %slice3A_1696 : vector<8x128xf32>
    %slice3A_1698 = vector.extract_strided_slice %get3A_1585 {offsets = [112, 0], sizes = [8, 128], strides = [1, 1]} : vector<512x512xf32> to vector<8x128xf32>
    %add3A_1699 = arith.addf %add3A_1667, %slice3A_1698 : vector<8x128xf32>
    %slice3A_1700 = vector.extract_strided_slice %get3A_1585 {offsets = [112, 128], sizes = [8, 128], strides = [1, 1]} : vector<512x512xf32> to vector<8x128xf32>
    %add3A_1701 = arith.addf %add3A_1669, %slice3A_1700 : vector<8x128xf32>
    %slice3A_1702 = vector.extract_strided_slice %get3A_1585 {offsets = [112, 256], sizes = [8, 128], strides = [1, 1]} : vector<512x512xf32> to vector<8x128xf32>
    %add3A_1703 = arith.addf %add3A_1671, %slice3A_1702 : vector<8x128xf32>
    %slice3A_1704 = vector.extract_strided_slice %get3A_1585 {offsets = [112, 384], sizes = [8, 128], strides = [1, 1]} : vector<512x512xf32> to vector<8x128xf32>
    %add3A_1705 = arith.addf %add3A_1673, %slice3A_1704 : vector<8x128xf32>
    %slice3A_1706 = vector.extract_strided_slice %get3A_1585 {offsets = [120, 0], sizes = [8, 128], strides = [1, 1]} : vector<512x512xf32> to vector<8x128xf32>
    %add3A_1707 = arith.addf %add3A_1675, %slice3A_1706 : vector<8x128xf32>
    %slice3A_1708 = vector.extract_strided_slice %get3A_1585 {offsets = [120, 128], sizes = [8, 128], strides = [1, 1]} : vector<512x512xf32> to vector<8x128xf32>
    %add3A_1709 = arith.addf %add3A_1677, %slice3A_1708 : vector<8x128xf32>
    %slice3A_1710 = vector.extract_strided_slice %get3A_1585 {offsets = [120, 256], sizes = [8, 128], strides = [1, 1]} : vector<512x512xf32> to vector<8x128xf32>
    %add3A_1711 = arith.addf %add3A_1679, %slice3A_1710 : vector<8x128xf32>
    %slice3A_1712 = vector.extract_strided_slice %get3A_1585 {offsets = [120, 384], sizes = [8, 128], strides = [1, 1]} : vector<512x512xf32> to vector<8x128xf32>
    %add3A_1713 = arith.addf %add3A_1681, %slice3A_1712 : vector<8x128xf32>
    %slice3A_1714 = vector.extract_strided_slice %get3A_1585 {offsets = [128, 0], sizes = [8, 128], strides = [1, 1]} : vector<512x512xf32> to vector<8x128xf32>
    %add3A_1715 = arith.addf %add3A_1683, %slice3A_1714 : vector<8x128xf32>
    %slice3A_1716 = vector.extract_strided_slice %get3A_1585 {offsets = [128, 128], sizes = [8, 128], strides = [1, 1]} : vector<512x512xf32> to vector<8x128xf32>
    %add3A_1717 = arith.addf %add3A_1685, %slice3A_1716 : vector<8x128xf32>
    %slice3A_1718 = vector.extract_strided_slice %get3A_1585 {offsets = [128, 256], sizes = [8, 128], strides = [1, 1]} : vector<512x512xf32> to vector<8x128xf32>
    %add3A_1719 = arith.addf %add3A_1687, %slice3A_1718 : vector<8x128xf32>
    %slice3A_1720 = vector.extract_strided_slice %get3A_1585 {offsets = [128, 384], sizes = [8, 128], strides = [1, 1]} : vector<512x512xf32> to vector<8x128xf32>
    %add3A_1721 = arith.addf %add3A_1689, %slice3A_1720 : vector<8x128xf32>
    %slice3A_1722 = vector.extract_strided_slice %get3A_1585 {offsets = [136, 0], sizes = [8, 128], strides = [1, 1]} : vector<512x512xf32> to vector<8x128xf32>
    %add3A_1723 = arith.addf %add3A_1691, %slice3A_1722 : vector<8x128xf32>
    %slice3A_1724 = vector.extract_strided_slice %get3A_1585 {offsets = [136, 128], sizes = [8, 128], strides = [1, 1]} : vector<512x512xf32> to vector<8x128xf32>
    %add3A_1725 = arith.addf %add3A_1693, %slice3A_1724 : vector<8x128xf32>
    %slice3A_1726 = vector.extract_strided_slice %get3A_1585 {offsets = [136, 256], sizes = [8, 128], strides = [1, 1]} : vector<512x512xf32> to vector<8x128xf32>
    %add3A_1727 = arith.addf %add3A_1695, %slice3A_1726 : vector<8x128xf32>
    %slice3A_1728 = vector.extract_strided_slice %get3A_1585 {offsets = [136, 384], sizes = [8, 128], strides = [1, 1]} : vector<512x512xf32> to vector<8x128xf32>
    %add3A_1729 = arith.addf %add3A_1697, %slice3A_1728 : vector<8x128xf32>
    %slice3A_1730 = vector.extract_strided_slice %get3A_1585 {offsets = [144, 0], sizes = [8, 128], strides = [1, 1]} : vector<512x512xf32> to vector<8x128xf32>
    %add3A_1731 = arith.addf %add3A_1699, %slice3A_1730 : vector<8x128xf32>
    %slice3A_1732 = vector.extract_strided_slice %get3A_1585 {offsets = [144, 128], sizes = [8, 128], strides = [1, 1]} : vector<512x512xf32> to vector<8x128xf32>
    %add3A_1733 = arith.addf %add3A_1701, %slice3A_1732 : vector<8x128xf32>
    %slice3A_1734 = vector.extract_strided_slice %get3A_1585 {offsets = [144, 256], sizes = [8, 128], strides = [1, 1]} : vector<512x512xf32> to vector<8x128xf32>
    %add3A_1735 = arith.addf %add3A_1703, %slice3A_1734 : vector<8x128xf32>
    %slice3A_1736 = vector.extract_strided_slice %get3A_1585 {offsets = [144, 384], sizes = [8, 128], strides = [1, 1]} : vector<512x512xf32> to vector<8x128xf32>
    %add3A_1737 = arith.addf %add3A_1705, %slice3A_1736 : vector<8x128xf32>
    %slice3A_1738 = vector.extract_strided_slice %get3A_1585 {offsets = [152, 0], sizes = [8, 128], strides = [1, 1]} : vector<512x512xf32> to vector<8x128xf32>
    %add3A_1739 = arith.addf %add3A_1707, %slice3A_1738 : vector<8x128xf32>
    %slice3A_1740 = vector.extract_strided_slice %get3A_1585 {offsets = [152, 128], sizes = [8, 128], strides = [1, 1]} : vector<512x512xf32> to vector<8x128xf32>
    %add3A_1741 = arith.addf %add3A_1709, %slice3A_1740 : vector<8x128xf32>
    %slice3A_1742 = vector.extract_strided_slice %get3A_1585 {offsets = [152, 256], sizes = [8, 128], strides = [1, 1]} : vector<512x512xf32> to vector<8x128xf32>
    %add3A_1743 = arith.addf %add3A_1711, %slice3A_1742 : vector<8x128xf32>
    %slice3A_1744 = vector.extract_strided_slice %get3A_1585 {offsets = [152, 384], sizes = [8, 128], strides = [1, 1]} : vector<512x512xf32> to vector<8x128xf32>
    %add3A_1745 = arith.addf %add3A_1713, %slice3A_1744 : vector<8x128xf32>
    %slice3A_1746 = vector.extract_strided_slice %get3A_1585 {offsets = [160, 0], sizes = [8, 128], strides = [1, 1]} : vector<512x512xf32> to vector<8x128xf32>
    %add3A_1747 = arith.addf %add3A_1715, %slice3A_1746 : vector<8x128xf32>
    %slice3A_1748 = vector.extract_strided_slice %get3A_1585 {offsets = [160, 128], sizes = [8, 128], strides = [1, 1]} : vector<512x512xf32> to vector<8x128xf32>
    %add3A_1749 = arith.addf %add3A_1717, %slice3A_1748 : vector<8x128xf32>
    %slice3A_1750 = vector.extract_strided_slice %get3A_1585 {offsets = [160, 256], sizes = [8, 128], strides = [1, 1]} : vector<512x512xf32> to vector<8x128xf32>
    %add3A_1751 = arith.addf %add3A_1719, %slice3A_1750 : vector<8x128xf32>
    %slice3A_1752 = vector.extract_strided_slice %get3A_1585 {offsets = [160, 384], sizes = [8, 128], strides = [1, 1]} : vector<512x512xf32> to vector<8x128xf32>
    %add3A_1753 = arith.addf %add3A_1721, %slice3A_1752 : vector<8x128xf32>
    %slice3A_1754 = vector.extract_strided_slice %get3A_1585 {offsets = [168, 0], sizes = [8, 128], strides = [1, 1]} : vector<512x512xf32> to vector<8x128xf32>
    %add3A_1755 = arith.addf %add3A_1723, %slice3A_1754 : vector<8x128xf32>
    %slice3A_1756 = vector.extract_strided_slice %get3A_1585 {offsets = [168, 128], sizes = [8, 128], strides = [1, 1]} : vector<512x512xf32> to vector<8x128xf32>
    %add3A_1757 = arith.addf %add3A_1725, %slice3A_1756 : vector<8x128xf32>
    %slice3A_1758 = vector.extract_strided_slice %get3A_1585 {offsets = [168, 256], sizes = [8, 128], strides = [1, 1]} : vector<512x512xf32> to vector<8x128xf32>
    %add3A_1759 = arith.addf %add3A_1727, %slice3A_1758 : vector<8x128xf32>
    %slice3A_1760 = vector.extract_strided_slice %get3A_1585 {offsets = [168, 384], sizes = [8, 128], strides = [1, 1]} : vector<512x512xf32> to vector<8x128xf32>
    %add3A_1761 = arith.addf %add3A_1729, %slice3A_1760 : vector<8x128xf32>
    %slice3A_1762 = vector.extract_strided_slice %get3A_1585 {offsets = [176, 0], sizes = [8, 128], strides = [1, 1]} : vector<512x512xf32> to vector<8x128xf32>
    %add3A_1763 = arith.addf %add3A_1731, %slice3A_1762 : vector<8x128xf32>
    %slice3A_1764 = vector.extract_strided_slice %get3A_1585 {offsets = [176, 128], sizes = [8, 128], strides = [1, 1]} : vector<512x512xf32> to vector<8x128xf32>
    %add3A_1765 = arith.addf %add3A_1733, %slice3A_1764 : vector<8x128xf32>
    %slice3A_1766 = vector.extract_strided_slice %get3A_1585 {offsets = [176, 256], sizes = [8, 128], strides = [1, 1]} : vector<512x512xf32> to vector<8x128xf32>
    %add3A_1767 = arith.addf %add3A_1735, %slice3A_1766 : vector<8x128xf32>
    %slice3A_1768 = vector.extract_strided_slice %get3A_1585 {offsets = [176, 384], sizes = [8, 128], strides = [1, 1]} : vector<512x512xf32> to vector<8x128xf32>
    %add3A_1769 = arith.addf %add3A_1737, %slice3A_1768 : vector<8x128xf32>
    %slice3A_1770 = vector.extract_strided_slice %get3A_1585 {offsets = [184, 0], sizes = [8, 128], strides = [1, 1]} : vector<512x512xf32> to vector<8x128xf32>
    %add3A_1771 = arith.addf %add3A_1739, %slice3A_1770 : vector<8x128xf32>
    %slice3A_1772 = vector.extract_strided_slice %get3A_1585 {offsets = [184, 128], sizes = [8, 128], strides = [1, 1]} : vector<512x512xf32> to vector<8x128xf32>
    %add3A_1773 = arith.addf %add3A_1741, %slice3A_1772 : vector<8x128xf32>
    %slice3A_1774 = vector.extract_strided_slice %get3A_1585 {offsets = [184, 256], sizes = [8, 128], strides = [1, 1]} : vector<512x512xf32> to vector<8x128xf32>
    %add3A_1775 = arith.addf %add3A_1743, %slice3A_1774 : vector<8x128xf32>
    %slice3A_1776 = vector.extract_strided_slice %get3A_1585 {offsets = [184, 384], sizes = [8, 128], strides = [1, 1]} : vector<512x512xf32> to vector<8x128xf32>
    %add3A_1777 = arith.addf %add3A_1745, %slice3A_1776 : vector<8x128xf32>
    %slice3A_1778 = vector.extract_strided_slice %get3A_1585 {offsets = [192, 0], sizes = [8, 128], strides = [1, 1]} : vector<512x512xf32> to vector<8x128xf32>
    %add3A_1779 = arith.addf %add3A_1747, %slice3A_1778 : vector<8x128xf32>
    %slice3A_1780 = vector.extract_strided_slice %get3A_1585 {offsets = [192, 128], sizes = [8, 128], strides = [1, 1]} : vector<512x512xf32> to vector<8x128xf32>
    %add3A_1781 = arith.addf %add3A_1749, %slice3A_1780 : vector<8x128xf32>
    %slice3A_1782 = vector.extract_strided_slice %get3A_1585 {offsets = [192, 256], sizes = [8, 128], strides = [1, 1]} : vector<512x512xf32> to vector<8x128xf32>
    %add3A_1783 = arith.addf %add3A_1751, %slice3A_1782 : vector<8x128xf32>
    %slice3A_1784 = vector.extract_strided_slice %get3A_1585 {offsets = [192, 384], sizes = [8, 128], strides = [1, 1]} : vector<512x512xf32> to vector<8x128xf32>
    %add3A_1785 = arith.addf %add3A_1753, %slice3A_1784 : vector<8x128xf32>
    %slice3A_1786 = vector.extract_strided_slice %get3A_1585 {offsets = [200, 0], sizes = [8, 128], strides = [1, 1]} : vector<512x512xf32> to vector<8x128xf32>
    %add3A_1787 = arith.addf %add3A_1755, %slice3A_1786 : vector<8x128xf32>
    %slice3A_1788 = vector.extract_strided_slice %get3A_1585 {offsets = [200, 128], sizes = [8, 128], strides = [1, 1]} : vector<512x512xf32> to vector<8x128xf32>
    %add3A_1789 = arith.addf %add3A_1757, %slice3A_1788 : vector<8x128xf32>
    %slice3A_1790 = vector.extract_strided_slice %get3A_1585 {offsets = [200, 256], sizes = [8, 128], strides = [1, 1]} : vector<512x512xf32> to vector<8x128xf32>
    %add3A_1791 = arith.addf %add3A_1759, %slice3A_1790 : vector<8x128xf32>
    %slice3A_1792 = vector.extract_strided_slice %get3A_1585 {offsets = [200, 384], sizes = [8, 128], strides = [1, 1]} : vector<512x512xf32> to vector<8x128xf32>
    %add3A_1793 = arith.addf %add3A_1761, %slice3A_1792 : vector<8x128xf32>
    %slice3A_1794 = vector.extract_strided_slice %get3A_1585 {offsets = [208, 0], sizes = [8, 128], strides = [1, 1]} : vector<512x512xf32> to vector<8x128xf32>
    %add3A_1795 = arith.addf %add3A_1763, %slice3A_1794 : vector<8x128xf32>
    %slice3A_1796 = vector.extract_strided_slice %get3A_1585 {offsets = [208, 128], sizes = [8, 128], strides = [1, 1]} : vector<512x512xf32> to vector<8x128xf32>
    %add3A_1797 = arith.addf %add3A_1765, %slice3A_1796 : vector<8x128xf32>
    %slice3A_1798 = vector.extract_strided_slice %get3A_1585 {offsets = [208, 256], sizes = [8, 128], strides = [1, 1]} : vector<512x512xf32> to vector<8x128xf32>
    %add3A_1799 = arith.addf %add3A_1767, %slice3A_1798 : vector<8x128xf32>
    %slice3A_1800 = vector.extract_strided_slice %get3A_1585 {offsets = [208, 384], sizes = [8, 128], strides = [1, 1]} : vector<512x512xf32> to vector<8x128xf32>
    %add3A_1801 = arith.addf %add3A_1769, %slice3A_1800 : vector<8x128xf32>
    %slice3A_1802 = vector.extract_strided_slice %get3A_1585 {offsets = [216, 0], sizes = [8, 128], strides = [1, 1]} : vector<512x512xf32> to vector<8x128xf32>
    %add3A_1803 = arith.addf %add3A_1771, %slice3A_1802 : vector<8x128xf32>
    %slice3A_1804 = vector.extract_strided_slice %get3A_1585 {offsets = [216, 128], sizes = [8, 128], strides = [1, 1]} : vector<512x512xf32> to vector<8x128xf32>
    %add3A_1805 = arith.addf %add3A_1773, %slice3A_1804 : vector<8x128xf32>
    %slice3A_1806 = vector.extract_strided_slice %get3A_1585 {offsets = [216, 256], sizes = [8, 128], strides = [1, 1]} : vector<512x512xf32> to vector<8x128xf32>
    %add3A_1807 = arith.addf %add3A_1775, %slice3A_1806 : vector<8x128xf32>
    %slice3A_1808 = vector.extract_strided_slice %get3A_1585 {offsets = [216, 384], sizes = [8, 128], strides = [1, 1]} : vector<512x512xf32> to vector<8x128xf32>
    %add3A_1809 = arith.addf %add3A_1777, %slice3A_1808 : vector<8x128xf32>
    %slice3A_1810 = vector.extract_strided_slice %get3A_1585 {offsets = [224, 0], sizes = [8, 128], strides = [1, 1]} : vector<512x512xf32> to vector<8x128xf32>
    %add3A_1811 = arith.addf %add3A_1779, %slice3A_1810 : vector<8x128xf32>
    %slice3A_1812 = vector.extract_strided_slice %get3A_1585 {offsets = [224, 128], sizes = [8, 128], strides = [1, 1]} : vector<512x512xf32> to vector<8x128xf32>
    %add3A_1813 = arith.addf %add3A_1781, %slice3A_1812 : vector<8x128xf32>
    %slice3A_1814 = vector.extract_strided_slice %get3A_1585 {offsets = [224, 256], sizes = [8, 128], strides = [1, 1]} : vector<512x512xf32> to vector<8x128xf32>
    %add3A_1815 = arith.addf %add3A_1783, %slice3A_1814 : vector<8x128xf32>
    %slice3A_1816 = vector.extract_strided_slice %get3A_1585 {offsets = [224, 384], sizes = [8, 128], strides = [1, 1]} : vector<512x512xf32> to vector<8x128xf32>
    %add3A_1817 = arith.addf %add3A_1785, %slice3A_1816 : vector<8x128xf32>
    %slice3A_1818 = vector.extract_strided_slice %get3A_1585 {offsets = [232, 0], sizes = [8, 128], strides = [1, 1]} : vector<512x512xf32> to vector<8x128xf32>
    %add3A_1819 = arith.addf %add3A_1787, %slice3A_1818 : vector<8x128xf32>
    %slice3A_1820 = vector.extract_strided_slice %get3A_1585 {offsets = [232, 128], sizes = [8, 128], strides = [1, 1]} : vector<512x512xf32> to vector<8x128xf32>
    %add3A_1821 = arith.addf %add3A_1789, %slice3A_1820 : vector<8x128xf32>
    %slice3A_1822 = vector.extract_strided_slice %get3A_1585 {offsets = [232, 256], sizes = [8, 128], strides = [1, 1]} : vector<512x512xf32> to vector<8x128xf32>
    %add3A_1823 = arith.addf %add3A_1791, %slice3A_1822 : vector<8x128xf32>
    %slice3A_1824 = vector.extract_strided_slice %get3A_1585 {offsets = [232, 384], sizes = [8, 128], strides = [1, 1]} : vector<512x512xf32> to vector<8x128xf32>
    %add3A_1825 = arith.addf %add3A_1793, %slice3A_1824 : vector<8x128xf32>
    %slice3A_1826 = vector.extract_strided_slice %get3A_1585 {offsets = [240, 0], sizes = [8, 128], strides = [1, 1]} : vector<512x512xf32> to vector<8x128xf32>
    %add3A_1827 = arith.addf %add3A_1795, %slice3A_1826 : vector<8x128xf32>
    %slice3A_1828 = vector.extract_strided_slice %get3A_1585 {offsets = [240, 128], sizes = [8, 128], strides = [1, 1]} : vector<512x512xf32> to vector<8x128xf32>
    %add3A_1829 = arith.addf %add3A_1797, %slice3A_1828 : vector<8x128xf32>
    %slice3A_1830 = vector.extract_strided_slice %get3A_1585 {offsets = [240, 256], sizes = [8, 128], strides = [1, 1]} : vector<512x512xf32> to vector<8x128xf32>
    %add3A_1831 = arith.addf %add3A_1799, %slice3A_1830 : vector<8x128xf32>
    %slice3A_1832 = vector.extract_strided_slice %get3A_1585 {offsets = [240, 384], sizes = [8, 128], strides = [1, 1]} : vector<512x512xf32> to vector<8x128xf32>
    %add3A_1833 = arith.addf %add3A_1801, %slice3A_1832 : vector<8x128xf32>
    %slice3A_1834 = vector.extract_strided_slice %get3A_1585 {offsets = [248, 0], sizes = [8, 128], strides = [1, 1]} : vector<512x512xf32> to vector<8x128xf32>
    %add3A_1835 = arith.addf %add3A_1803, %slice3A_1834 : vector<8x128xf32>
    %slice3A_1836 = vector.extract_strided_slice %get3A_1585 {offsets = [248, 128], sizes = [8, 128], strides = [1, 1]} : vector<512x512xf32> to vector<8x128xf32>
    %add3A_1837 = arith.addf %add3A_1805, %slice3A_1836 : vector<8x128xf32>
    %slice3A_1838 = vector.extract_strided_slice %get3A_1585 {offsets = [248, 256], sizes = [8, 128], strides = [1, 1]} : vector<512x512xf32> to vector<8x128xf32>
    %add3A_1839 = arith.addf %add3A_1807, %slice3A_1838 : vector<8x128xf32>
    %slice3A_1840 = vector.extract_strided_slice %get3A_1585 {offsets = [248, 384], sizes = [8, 128], strides = [1, 1]} : vector<512x512xf32> to vector<8x128xf32>
    %add3A_1841 = arith.addf %add3A_1809, %slice3A_1840 : vector<8x128xf32>
    %slice3A_1842 = vector.extract_strided_slice %get3A_1585 {offsets = [256, 0], sizes = [8, 128], strides = [1, 1]} : vector<512x512xf32> to vector<8x128xf32>
    %add3A_1843 = arith.addf %add3A_1811, %slice3A_1842 : vector<8x128xf32>
    %slice3A_1844 = vector.extract_strided_slice %get3A_1585 {offsets = [256, 128], sizes = [8, 128], strides = [1, 1]} : vector<512x512xf32> to vector<8x128xf32>
    %add3A_1845 = arith.addf %add3A_1813, %slice3A_1844 : vector<8x128xf32>
    %slice3A_1846 = vector.extract_strided_slice %get3A_1585 {offsets = [256, 256], sizes = [8, 128], strides = [1, 1]} : vector<512x512xf32> to vector<8x128xf32>
    %add3A_1847 = arith.addf %add3A_1815, %slice3A_1846 : vector<8x128xf32>
    %slice3A_1848 = vector.extract_strided_slice %get3A_1585 {offsets = [256, 384], sizes = [8, 128], strides = [1, 1]} : vector<512x512xf32> to vector<8x128xf32>
    %add3A_1849 = arith.addf %add3A_1817, %slice3A_1848 : vector<8x128xf32>
    %slice3A_1850 = vector.extract_strided_slice %get3A_1585 {offsets = [264, 0], sizes = [8, 128], strides = [1, 1]} : vector<512x512xf32> to vector<8x128xf32>
    %add3A_1851 = arith.addf %add3A_1819, %slice3A_1850 : vector<8x128xf32>
    %slice3A_1852 = vector.extract_strided_slice %get3A_1585 {offsets = [264, 128], sizes = [8, 128], strides = [1, 1]} : vector<512x512xf32> to vector<8x128xf32>
    %add3A_1853 = arith.addf %add3A_1821, %slice3A_1852 : vector<8x128xf32>
    %slice3A_1854 = vector.extract_strided_slice %get3A_1585 {offsets = [264, 256], sizes = [8, 128], strides = [1, 1]} : vector<512x512xf32> to vector<8x128xf32>
    %add3A_1855 = arith.addf %add3A_1823, %slice3A_1854 : vector<8x128xf32>
    %slice3A_1856 = vector.extract_strided_slice %get3A_1585 {offsets = [264, 384], sizes = [8, 128], strides = [1, 1]} : vector<512x512xf32> to vector<8x128xf32>
    %add3A_1857 = arith.addf %add3A_1825, %slice3A_1856 : vector<8x128xf32>
    %slice3A_1858 = vector.extract_strided_slice %get3A_1585 {offsets = [272, 0], sizes = [8, 128], strides = [1, 1]} : vector<512x512xf32> to vector<8x128xf32>
    %add3A_1859 = arith.addf %add3A_1827, %slice3A_1858 : vector<8x128xf32>
    %slice3A_1860 = vector.extract_strided_slice %get3A_1585 {offsets = [272, 128], sizes = [8, 128], strides = [1, 1]} : vector<512x512xf32> to vector<8x128xf32>
    %add3A_1861 = arith.addf %add3A_1829, %slice3A_1860 : vector<8x128xf32>
    %slice3A_1862 = vector.extract_strided_slice %get3A_1585 {offsets = [272, 256], sizes = [8, 128], strides = [1, 1]} : vector<512x512xf32> to vector<8x128xf32>
    %add3A_1863 = arith.addf %add3A_1831, %slice3A_1862 : vector<8x128xf32>
    %slice3A_1864 = vector.extract_strided_slice %get3A_1585 {offsets = [272, 384], sizes = [8, 128], strides = [1, 1]} : vector<512x512xf32> to vector<8x128xf32>
    %add3A_1865 = arith.addf %add3A_1833, %slice3A_1864 : vector<8x128xf32>
    %slice3A_1866 = vector.extract_strided_slice %get3A_1585 {offsets = [280, 0], sizes = [8, 128], strides = [1, 1]} : vector<512x512xf32> to vector<8x128xf32>
    %add3A_1867 = arith.addf %add3A_1835, %slice3A_1866 : vector<8x128xf32>
    %slice3A_1868 = vector.extract_strided_slice %get3A_1585 {offsets = [280, 128], sizes = [8, 128], strides = [1, 1]} : vector<512x512xf32> to vector<8x128xf32>
    %add3A_1869 = arith.addf %add3A_1837, %slice3A_1868 : vector<8x128xf32>
    %slice3A_1870 = vector.extract_strided_slice %get3A_1585 {offsets = [280, 256], sizes = [8, 128], strides = [1, 1]} : vector<512x512xf32> to vector<8x128xf32>
    %add3A_1871 = arith.addf %add3A_1839, %slice3A_1870 : vector<8x128xf32>
    %slice3A_1872 = vector.extract_strided_slice %get3A_1585 {offsets = [280, 384], sizes = [8, 128], strides = [1, 1]} : vector<512x512xf32> to vector<8x128xf32>
    %add3A_1873 = arith.addf %add3A_1841, %slice3A_1872 : vector<8x128xf32>
    %slice3A_1874 = vector.extract_strided_slice %get3A_1585 {offsets = [288, 0], sizes = [8, 128], strides = [1, 1]} : vector<512x512xf32> to vector<8x128xf32>
    %add3A_1875 = arith.addf %add3A_1843, %slice3A_1874 : vector<8x128xf32>
    %slice3A_1876 = vector.extract_strided_slice %get3A_1585 {offsets = [288, 128], sizes = [8, 128], strides = [1, 1]} : vector<512x512xf32> to vector<8x128xf32>
    %add3A_1877 = arith.addf %add3A_1845, %slice3A_1876 : vector<8x128xf32>
    %slice3A_1878 = vector.extract_strided_slice %get3A_1585 {offsets = [288, 256], sizes = [8, 128], strides = [1, 1]} : vector<512x512xf32> to vector<8x128xf32>
    %add3A_1879 = arith.addf %add3A_1847, %slice3A_1878 : vector<8x128xf32>
    %slice3A_1880 = vector.extract_strided_slice %get3A_1585 {offsets = [288, 384], sizes = [8, 128], strides = [1, 1]} : vector<512x512xf32> to vector<8x128xf32>
    %add3A_1881 = arith.addf %add3A_1849, %slice3A_1880 : vector<8x128xf32>
    %slice3A_1882 = vector.extract_strided_slice %get3A_1585 {offsets = [296, 0], sizes = [8, 128], strides = [1, 1]} : vector<512x512xf32> to vector<8x128xf32>
    %add3A_1883 = arith.addf %add3A_1851, %slice3A_1882 : vector<8x128xf32>
    %slice3A_1884 = vector.extract_strided_slice %get3A_1585 {offsets = [296, 128], sizes = [8, 128], strides = [1, 1]} : vector<512x512xf32> to vector<8x128xf32>
    %add3A_1885 = arith.addf %add3A_1853, %slice3A_1884 : vector<8x128xf32>
    %slice3A_1886 = vector.extract_strided_slice %get3A_1585 {offsets = [296, 256], sizes = [8, 128], strides = [1, 1]} : vector<512x512xf32> to vector<8x128xf32>
    %add3A_1887 = arith.addf %add3A_1855, %slice3A_1886 : vector<8x128xf32>
    %slice3A_1888 = vector.extract_strided_slice %get3A_1585 {offsets = [296, 384], sizes = [8, 128], strides = [1, 1]} : vector<512x512xf32> to vector<8x128xf32>
    %add3A_1889 = arith.addf %add3A_1857, %slice3A_1888 : vector<8x128xf32>
    %slice3A_1890 = vector.extract_strided_slice %get3A_1585 {offsets = [304, 0], sizes = [8, 128], strides = [1, 1]} : vector<512x512xf32> to vector<8x128xf32>
    %add3A_1891 = arith.addf %add3A_1859, %slice3A_1890 : vector<8x128xf32>
    %slice3A_1892 = vector.extract_strided_slice %get3A_1585 {offsets = [304, 128], sizes = [8, 128], strides = [1, 1]} : vector<512x512xf32> to vector<8x128xf32>
    %add3A_1893 = arith.addf %add3A_1861, %slice3A_1892 : vector<8x128xf32>
    %slice3A_1894 = vector.extract_strided_slice %get3A_1585 {offsets = [304, 256], sizes = [8, 128], strides = [1, 1]} : vector<512x512xf32> to vector<8x128xf32>
    %add3A_1895 = arith.addf %add3A_1863, %slice3A_1894 : vector<8x128xf32>
    %slice3A_1896 = vector.extract_strided_slice %get3A_1585 {offsets = [304, 384], sizes = [8, 128], strides = [1, 1]} : vector<512x512xf32> to vector<8x128xf32>
    %add3A_1897 = arith.addf %add3A_1865, %slice3A_1896 : vector<8x128xf32>
    %slice3A_1898 = vector.extract_strided_slice %get3A_1585 {offsets = [312, 0], sizes = [8, 128], strides = [1, 1]} : vector<512x512xf32> to vector<8x128xf32>
    %add3A_1899 = arith.addf %add3A_1867, %slice3A_1898 : vector<8x128xf32>
    %slice3A_1900 = vector.extract_strided_slice %get3A_1585 {offsets = [312, 128], sizes = [8, 128], strides = [1, 1]} : vector<512x512xf32> to vector<8x128xf32>
    %add3A_1901 = arith.addf %add3A_1869, %slice3A_1900 : vector<8x128xf32>
    %slice3A_1902 = vector.extract_strided_slice %get3A_1585 {offsets = [312, 256], sizes = [8, 128], strides = [1, 1]} : vector<512x512xf32> to vector<8x128xf32>
    %add3A_1903 = arith.addf %add3A_1871, %slice3A_1902 : vector<8x128xf32>
    %slice3A_1904 = vector.extract_strided_slice %get3A_1585 {offsets = [312, 384], sizes = [8, 128], strides = [1, 1]} : vector<512x512xf32> to vector<8x128xf32>
    %add3A_1905 = arith.addf %add3A_1873, %slice3A_1904 : vector<8x128xf32>
    %slice3A_1906 = vector.extract_strided_slice %get3A_1585 {offsets = [320, 0], sizes = [8, 128], strides = [1, 1]} : vector<512x512xf32> to vector<8x128xf32>
    %add3A_1907 = arith.addf %add3A_1875, %slice3A_1906 : vector<8x128xf32>
    %slice3A_1908 = vector.extract_strided_slice %get3A_1585 {offsets = [320, 128], sizes = [8, 128], strides = [1, 1]} : vector<512x512xf32> to vector<8x128xf32>
    %add3A_1909 = arith.addf %add3A_1877, %slice3A_1908 : vector<8x128xf32>
    %slice3A_1910 = vector.extract_strided_slice %get3A_1585 {offsets = [320, 256], sizes = [8, 128], strides = [1, 1]} : vector<512x512xf32> to vector<8x128xf32>
    %add3A_1911 = arith.addf %add3A_1879, %slice3A_1910 : vector<8x128xf32>
    %slice3A_1912 = vector.extract_strided_slice %get3A_1585 {offsets = [320, 384], sizes = [8, 128], strides = [1, 1]} : vector<512x512xf32> to vector<8x128xf32>
    %add3A_1913 = arith.addf %add3A_1881, %slice3A_1912 : vector<8x128xf32>
    %slice3A_1914 = vector.extract_strided_slice %get3A_1585 {offsets = [328, 0], sizes = [8, 128], strides = [1, 1]} : vector<512x512xf32> to vector<8x128xf32>
    %add3A_1915 = arith.addf %add3A_1883, %slice3A_1914 : vector<8x128xf32>
    %slice3A_1916 = vector.extract_strided_slice %get3A_1585 {offsets = [328, 128], sizes = [8, 128], strides = [1, 1]} : vector<512x512xf32> to vector<8x128xf32>
    %add3A_1917 = arith.addf %add3A_1885, %slice3A_1916 : vector<8x128xf32>
    %slice3A_1918 = vector.extract_strided_slice %get3A_1585 {offsets = [328, 256], sizes = [8, 128], strides = [1, 1]} : vector<512x512xf32> to vector<8x128xf32>
    %add3A_1919 = arith.addf %add3A_1887, %slice3A_1918 : vector<8x128xf32>
    %slice3A_1920 = vector.extract_strided_slice %get3A_1585 {offsets = [328, 384], sizes = [8, 128], strides = [1, 1]} : vector<512x512xf32> to vector<8x128xf32>
    %add3A_1921 = arith.addf %add3A_1889, %slice3A_1920 : vector<8x128xf32>
    %slice3A_1922 = vector.extract_strided_slice %get3A_1585 {offsets = [336, 0], sizes = [8, 128], strides = [1, 1]} : vector<512x512xf32> to vector<8x128xf32>
    %add3A_1923 = arith.addf %add3A_1891, %slice3A_1922 : vector<8x128xf32>
    %slice3A_1924 = vector.extract_strided_slice %get3A_1585 {offsets = [336, 128], sizes = [8, 128], strides = [1, 1]} : vector<512x512xf32> to vector<8x128xf32>
    %add3A_1925 = arith.addf %add3A_1893, %slice3A_1924 : vector<8x128xf32>
    %slice3A_1926 = vector.extract_strided_slice %get3A_1585 {offsets = [336, 256], sizes = [8, 128], strides = [1, 1]} : vector<512x512xf32> to vector<8x128xf32>
    %add3A_1927 = arith.addf %add3A_1895, %slice3A_1926 : vector<8x128xf32>
    %slice3A_1928 = vector.extract_strided_slice %get3A_1585 {offsets = [336, 384], sizes = [8, 128], strides = [1, 1]} : vector<512x512xf32> to vector<8x128xf32>
    %add3A_1929 = arith.addf %add3A_1897, %slice3A_1928 : vector<8x128xf32>
    %slice3A_1930 = vector.extract_strided_slice %get3A_1585 {offsets = [344, 0], sizes = [8, 128], strides = [1, 1]} : vector<512x512xf32> to vector<8x128xf32>
    %add3A_1931 = arith.addf %add3A_1899, %slice3A_1930 : vector<8x128xf32>
    %slice3A_1932 = vector.extract_strided_slice %get3A_1585 {offsets = [344, 128], sizes = [8, 128], strides = [1, 1]} : vector<512x512xf32> to vector<8x128xf32>
    %add3A_1933 = arith.addf %add3A_1901, %slice3A_1932 : vector<8x128xf32>
    %slice3A_1934 = vector.extract_strided_slice %get3A_1585 {offsets = [344, 256], sizes = [8, 128], strides = [1, 1]} : vector<512x512xf32> to vector<8x128xf32>
    %add3A_1935 = arith.addf %add3A_1903, %slice3A_1934 : vector<8x128xf32>
    %slice3A_1936 = vector.extract_strided_slice %get3A_1585 {offsets = [344, 384], sizes = [8, 128], strides = [1, 1]} : vector<512x512xf32> to vector<8x128xf32>
    %add3A_1937 = arith.addf %add3A_1905, %slice3A_1936 : vector<8x128xf32>
    %slice3A_1938 = vector.extract_strided_slice %get3A_1585 {offsets = [352, 0], sizes = [8, 128], strides = [1, 1]} : vector<512x512xf32> to vector<8x128xf32>
    %add3A_1939 = arith.addf %add3A_1907, %slice3A_1938 : vector<8x128xf32>
    %slice3A_1940 = vector.extract_strided_slice %get3A_1585 {offsets = [352, 128], sizes = [8, 128], strides = [1, 1]} : vector<512x512xf32> to vector<8x128xf32>
    %add3A_1941 = arith.addf %add3A_1909, %slice3A_1940 : vector<8x128xf32>
    %slice3A_1942 = vector.extract_strided_slice %get3A_1585 {offsets = [352, 256], sizes = [8, 128], strides = [1, 1]} : vector<512x512xf32> to vector<8x128xf32>
    %add3A_1943 = arith.addf %add3A_1911, %slice3A_1942 : vector<8x128xf32>
    %slice3A_1944 = vector.extract_strided_slice %get3A_1585 {offsets = [352, 384], sizes = [8, 128], strides = [1, 1]} : vector<512x512xf32> to vector<8x128xf32>
    %add3A_1945 = arith.addf %add3A_1913, %slice3A_1944 : vector<8x128xf32>
    %slice3A_1946 = vector.extract_strided_slice %get3A_1585 {offsets = [360, 0], sizes = [8, 128], strides = [1, 1]} : vector<512x512xf32> to vector<8x128xf32>
    %add3A_1947 = arith.addf %add3A_1915, %slice3A_1946 : vector<8x128xf32>
    %slice3A_1948 = vector.extract_strided_slice %get3A_1585 {offsets = [360, 128], sizes = [8, 128], strides = [1, 1]} : vector<512x512xf32> to vector<8x128xf32>
    %add3A_1949 = arith.addf %add3A_1917, %slice3A_1948 : vector<8x128xf32>
    %slice3A_1950 = vector.extract_strided_slice %get3A_1585 {offsets = [360, 256], sizes = [8, 128], strides = [1, 1]} : vector<512x512xf32> to vector<8x128xf32>
    %add3A_1951 = arith.addf %add3A_1919, %slice3A_1950 : vector<8x128xf32>
    %slice3A_1952 = vector.extract_strided_slice %get3A_1585 {offsets = [360, 384], sizes = [8, 128], strides = [1, 1]} : vector<512x512xf32> to vector<8x128xf32>
    %add3A_1953 = arith.addf %add3A_1921, %slice3A_1952 : vector<8x128xf32>
    %slice3A_1954 = vector.extract_strided_slice %get3A_1585 {offsets = [368, 0], sizes = [8, 128], strides = [1, 1]} : vector<512x512xf32> to vector<8x128xf32>
    %add3A_1955 = arith.addf %add3A_1923, %slice3A_1954 : vector<8x128xf32>
    %slice3A_1956 = vector.extract_strided_slice %get3A_1585 {offsets = [368, 128], sizes = [8, 128], strides = [1, 1]} : vector<512x512xf32> to vector<8x128xf32>
    %add3A_1957 = arith.addf %add3A_1925, %slice3A_1956 : vector<8x128xf32>
    %slice3A_1958 = vector.extract_strided_slice %get3A_1585 {offsets = [368, 256], sizes = [8, 128], strides = [1, 1]} : vector<512x512xf32> to vector<8x128xf32>
    %add3A_1959 = arith.addf %add3A_1927, %slice3A_1958 : vector<8x128xf32>
    %slice3A_1960 = vector.extract_strided_slice %get3A_1585 {offsets = [368, 384], sizes = [8, 128], strides = [1, 1]} : vector<512x512xf32> to vector<8x128xf32>
    %add3A_1961 = arith.addf %add3A_1929, %slice3A_1960 : vector<8x128xf32>
    %slice3A_1962 = vector.extract_strided_slice %get3A_1585 {offsets = [376, 0], sizes = [8, 128], strides = [1, 1]} : vector<512x512xf32> to vector<8x128xf32>
    %add3A_1963 = arith.addf %add3A_1931, %slice3A_1962 : vector<8x128xf32>
    %slice3A_1964 = vector.extract_strided_slice %get3A_1585 {offsets = [376, 128], sizes = [8, 128], strides = [1, 1]} : vector<512x512xf32> to vector<8x128xf32>
    %add3A_1965 = arith.addf %add3A_1933, %slice3A_1964 : vector<8x128xf32>
    %slice3A_1966 = vector.extract_strided_slice %get3A_1585 {offsets = [376, 256], sizes = [8, 128], strides = [1, 1]} : vector<512x512xf32> to vector<8x128xf32>
    %add3A_1967 = arith.addf %add3A_1935, %slice3A_1966 : vector<8x128xf32>
    %slice3A_1968 = vector.extract_strided_slice %get3A_1585 {offsets = [376, 384], sizes = [8, 128], strides = [1, 1]} : vector<512x512xf32> to vector<8x128xf32>
    %add3A_1969 = arith.addf %add3A_1937, %slice3A_1968 : vector<8x128xf32>
    %slice3A_1970 = vector.extract_strided_slice %get3A_1585 {offsets = [384, 0], sizes = [8, 128], strides = [1, 1]} : vector<512x512xf32> to vector<8x128xf32>
    %add3A_1971 = arith.addf %add3A_1939, %slice3A_1970 : vector<8x128xf32>
    %slice3A_1972 = vector.extract_strided_slice %get3A_1585 {offsets = [384, 128], sizes = [8, 128], strides = [1, 1]} : vector<512x512xf32> to vector<8x128xf32>
    %add3A_1973 = arith.addf %add3A_1941, %slice3A_1972 : vector<8x128xf32>
    %slice3A_1974 = vector.extract_strided_slice %get3A_1585 {offsets = [384, 256], sizes = [8, 128], strides = [1, 1]} : vector<512x512xf32> to vector<8x128xf32>
    %add3A_1975 = arith.addf %add3A_1943, %slice3A_1974 : vector<8x128xf32>
    %slice3A_1976 = vector.extract_strided_slice %get3A_1585 {offsets = [384, 384], sizes = [8, 128], strides = [1, 1]} : vector<512x512xf32> to vector<8x128xf32>
    %add3A_1977 = arith.addf %add3A_1945, %slice3A_1976 : vector<8x128xf32>
    %slice3A_1978 = vector.extract_strided_slice %get3A_1585 {offsets = [392, 0], sizes = [8, 128], strides = [1, 1]} : vector<512x512xf32> to vector<8x128xf32>
    %add3A_1979 = arith.addf %add3A_1947, %slice3A_1978 : vector<8x128xf32>
    %slice3A_1980 = vector.extract_strided_slice %get3A_1585 {offsets = [392, 128], sizes = [8, 128], strides = [1, 1]} : vector<512x512xf32> to vector<8x128xf32>
    %add3A_1981 = arith.addf %add3A_1949, %slice3A_1980 : vector<8x128xf32>
    %slice3A_1982 = vector.extract_strided_slice %get3A_1585 {offsets = [392, 256], sizes = [8, 128], strides = [1, 1]} : vector<512x512xf32> to vector<8x128xf32>
    %add3A_1983 = arith.addf %add3A_1951, %slice3A_1982 : vector<8x128xf32>
    %slice3A_1984 = vector.extract_strided_slice %get3A_1585 {offsets = [392, 384], sizes = [8, 128], strides = [1, 1]} : vector<512x512xf32> to vector<8x128xf32>
    %add3A_1985 = arith.addf %add3A_1953, %slice3A_1984 : vector<8x128xf32>
    %slice3A_1986 = vector.extract_strided_slice %get3A_1585 {offsets = [400, 0], sizes = [8, 128], strides = [1, 1]} : vector<512x512xf32> to vector<8x128xf32>
    %add3A_1987 = arith.addf %add3A_1955, %slice3A_1986 : vector<8x128xf32>
    %slice3A_1988 = vector.extract_strided_slice %get3A_1585 {offsets = [400, 128], sizes = [8, 128], strides = [1, 1]} : vector<512x512xf32> to vector<8x128xf32>
    %add3A_1989 = arith.addf %add3A_1957, %slice3A_1988 : vector<8x128xf32>
    %slice3A_1990 = vector.extract_strided_slice %get3A_1585 {offsets = [400, 256], sizes = [8, 128], strides = [1, 1]} : vector<512x512xf32> to vector<8x128xf32>
    %add3A_1991 = arith.addf %add3A_1959, %slice3A_1990 : vector<8x128xf32>
    %slice3A_1992 = vector.extract_strided_slice %get3A_1585 {offsets = [400, 384], sizes = [8, 128], strides = [1, 1]} : vector<512x512xf32> to vector<8x128xf32>
    %add3A_1993 = arith.addf %add3A_1961, %slice3A_1992 : vector<8x128xf32>
    %slice3A_1994 = vector.extract_strided_slice %get3A_1585 {offsets = [408, 0], sizes = [8, 128], strides = [1, 1]} : vector<512x512xf32> to vector<8x128xf32>
    %add3A_1995 = arith.addf %add3A_1963, %slice3A_1994 : vector<8x128xf32>
    %slice3A_1996 = vector.extract_strided_slice %get3A_1585 {offsets = [408, 128], sizes = [8, 128], strides = [1, 1]} : vector<512x512xf32> to vector<8x128xf32>
    %add3A_1997 = arith.addf %add3A_1965, %slice3A_1996 : vector<8x128xf32>
    %slice3A_1998 = vector.extract_strided_slice %get3A_1585 {offsets = [408, 256], sizes = [8, 128], strides = [1, 1]} : vector<512x512xf32> to vector<8x128xf32>
    %add3A_1999 = arith.addf %add3A_1967, %slice3A_1998 : vector<8x128xf32>
    %slice3A_2000 = vector.extract_strided_slice %get3A_1585 {offsets = [408, 384], sizes = [8, 128], strides = [1, 1]} : vector<512x512xf32> to vector<8x128xf32>
    %add3A_2001 = arith.addf %add3A_1969, %slice3A_2000 : vector<8x128xf32>
    %slice3A_2002 = vector.extract_strided_slice %get3A_1585 {offsets = [416, 0], sizes = [8, 128], strides = [1, 1]} : vector<512x512xf32> to vector<8x128xf32>
    %add3A_2003 = arith.addf %add3A_1971, %slice3A_2002 : vector<8x128xf32>
    %slice3A_2004 = vector.extract_strided_slice %get3A_1585 {offsets = [416, 128], sizes = [8, 128], strides = [1, 1]} : vector<512x512xf32> to vector<8x128xf32>
    %add3A_2005 = arith.addf %add3A_1973, %slice3A_2004 : vector<8x128xf32>
    %slice3A_2006 = vector.extract_strided_slice %get3A_1585 {offsets = [416, 256], sizes = [8, 128], strides = [1, 1]} : vector<512x512xf32> to vector<8x128xf32>
    %add3A_2007 = arith.addf %add3A_1975, %slice3A_2006 : vector<8x128xf32>
    %slice3A_2008 = vector.extract_strided_slice %get3A_1585 {offsets = [416, 384], sizes = [8, 128], strides = [1, 1]} : vector<512x512xf32> to vector<8x128xf32>
    %add3A_2009 = arith.addf %add3A_1977, %slice3A_2008 : vector<8x128xf32>
    %slice3A_2010 = vector.extract_strided_slice %get3A_1585 {offsets = [424, 0], sizes = [8, 128], strides = [1, 1]} : vector<512x512xf32> to vector<8x128xf32>
    %add3A_2011 = arith.addf %add3A_1979, %slice3A_2010 : vector<8x128xf32>
    %slice3A_2012 = vector.extract_strided_slice %get3A_1585 {offsets = [424, 128], sizes = [8, 128], strides = [1, 1]} : vector<512x512xf32> to vector<8x128xf32>
    %add3A_2013 = arith.addf %add3A_1981, %slice3A_2012 : vector<8x128xf32>
    %slice3A_2014 = vector.extract_strided_slice %get3A_1585 {offsets = [424, 256], sizes = [8, 128], strides = [1, 1]} : vector<512x512xf32> to vector<8x128xf32>
    %add3A_2015 = arith.addf %add3A_1983, %slice3A_2014 : vector<8x128xf32>
    %slice3A_2016 = vector.extract_strided_slice %get3A_1585 {offsets = [424, 384], sizes = [8, 128], strides = [1, 1]} : vector<512x512xf32> to vector<8x128xf32>
    %add3A_2017 = arith.addf %add3A_1985, %slice3A_2016 : vector<8x128xf32>
    %slice3A_2018 = vector.extract_strided_slice %get3A_1585 {offsets = [432, 0], sizes = [8, 128], strides = [1, 1]} : vector<512x512xf32> to vector<8x128xf32>
    %add3A_2019 = arith.addf %add3A_1987, %slice3A_2018 : vector<8x128xf32>
    %slice3A_2020 = vector.extract_strided_slice %get3A_1585 {offsets = [432, 128], sizes = [8, 128], strides = [1, 1]} : vector<512x512xf32> to vector<8x128xf32>
    %add3A_2021 = arith.addf %add3A_1989, %slice3A_2020 : vector<8x128xf32>
    %slice3A_2022 = vector.extract_strided_slice %get3A_1585 {offsets = [432, 256], sizes = [8, 128], strides = [1, 1]} : vector<512x512xf32> to vector<8x128xf32>
    %add3A_2023 = arith.addf %add3A_1991, %slice3A_2022 : vector<8x128xf32>
    %slice3A_2024 = vector.extract_strided_slice %get3A_1585 {offsets = [432, 384], sizes = [8, 128], strides = [1, 1]} : vector<512x512xf32> to vector<8x128xf32>
    %add3A_2025 = arith.addf %add3A_1993, %slice3A_2024 : vector<8x128xf32>
    %slice3A_2026 = vector.extract_strided_slice %get3A_1585 {offsets = [440, 0], sizes = [8, 128], strides = [1, 1]} : vector<512x512xf32> to vector<8x128xf32>
    %add3A_2027 = arith.addf %add3A_1995, %slice3A_2026 : vector<8x128xf32>
    %slice3A_2028 = vector.extract_strided_slice %get3A_1585 {offsets = [440, 128], sizes = [8, 128], strides = [1, 1]} : vector<512x512xf32> to vector<8x128xf32>
    %add3A_2029 = arith.addf %add3A_1997, %slice3A_2028 : vector<8x128xf32>
    %slice3A_2030 = vector.extract_strided_slice %get3A_1585 {offsets = [440, 256], sizes = [8, 128], strides = [1, 1]} : vector<512x512xf32> to vector<8x128xf32>
    %add3A_2031 = arith.addf %add3A_1999, %slice3A_2030 : vector<8x128xf32>
    %slice3A_2032 = vector.extract_strided_slice %get3A_1585 {offsets = [440, 384], sizes = [8, 128], strides = [1, 1]} : vector<512x512xf32> to vector<8x128xf32>
    %add3A_2033 = arith.addf %add3A_2001, %slice3A_2032 : vector<8x128xf32>
    %slice3A_2034 = vector.extract_strided_slice %get3A_1585 {offsets = [448, 0], sizes = [8, 128], strides = [1, 1]} : vector<512x512xf32> to vector<8x128xf32>
    %add3A_2035 = arith.addf %add3A_2003, %slice3A_2034 : vector<8x128xf32>
    %slice3A_2036 = vector.extract_strided_slice %get3A_1585 {offsets = [448, 128], sizes = [8, 128], strides = [1, 1]} : vector<512x512xf32> to vector<8x128xf32>
    %add3A_2037 = arith.addf %add3A_2005, %slice3A_2036 : vector<8x128xf32>
    %slice3A_2038 = vector.extract_strided_slice %get3A_1585 {offsets = [448, 256], sizes = [8, 128], strides = [1, 1]} : vector<512x512xf32> to vector<8x128xf32>
    %add3A_2039 = arith.addf %add3A_2007, %slice3A_2038 : vector<8x128xf32>
    %slice3A_2040 = vector.extract_strided_slice %get3A_1585 {offsets = [448, 384], sizes = [8, 128], strides = [1, 1]} : vector<512x512xf32> to vector<8x128xf32>
    %add3A_2041 = arith.addf %add3A_2009, %slice3A_2040 : vector<8x128xf32>
    %slice3A_2042 = vector.extract_strided_slice %get3A_1585 {offsets = [456, 0], sizes = [8, 128], strides = [1, 1]} : vector<512x512xf32> to vector<8x128xf32>
    %add3A_2043 = arith.addf %add3A_2011, %slice3A_2042 : vector<8x128xf32>
    %slice3A_2044 = vector.extract_strided_slice %get3A_1585 {offsets = [456, 128], sizes = [8, 128], strides = [1, 1]} : vector<512x512xf32> to vector<8x128xf32>
    %add3A_2045 = arith.addf %add3A_2013, %slice3A_2044 : vector<8x128xf32>
    %slice3A_2046 = vector.extract_strided_slice %get3A_1585 {offsets = [456, 256], sizes = [8, 128], strides = [1, 1]} : vector<512x512xf32> to vector<8x128xf32>
    %add3A_2047 = arith.addf %add3A_2015, %slice3A_2046 : vector<8x128xf32>
    %slice3A_2048 = vector.extract_strided_slice %get3A_1585 {offsets = [456, 384], sizes = [8, 128], strides = [1, 1]} : vector<512x512xf32> to vector<8x128xf32>
    %add3A_2049 = arith.addf %add3A_2017, %slice3A_2048 : vector<8x128xf32>
    %slice3A_2050 = vector.extract_strided_slice %get3A_1585 {offsets = [464, 0], sizes = [8, 128], strides = [1, 1]} : vector<512x512xf32> to vector<8x128xf32>
    %add3A_2051 = arith.addf %add3A_2019, %slice3A_2050 : vector<8x128xf32>
    %slice3A_2052 = vector.extract_strided_slice %get3A_1585 {offsets = [464, 128], sizes = [8, 128], strides = [1, 1]} : vector<512x512xf32> to vector<8x128xf32>
    %add3A_2053 = arith.addf %add3A_2021, %slice3A_2052 : vector<8x128xf32>
    %slice3A_2054 = vector.extract_strided_slice %get3A_1585 {offsets = [464, 256], sizes = [8, 128], strides = [1, 1]} : vector<512x512xf32> to vector<8x128xf32>
    %add3A_2055 = arith.addf %add3A_2023, %slice3A_2054 : vector<8x128xf32>
    %slice3A_2056 = vector.extract_strided_slice %get3A_1585 {offsets = [464, 384], sizes = [8, 128], strides = [1, 1]} : vector<512x512xf32> to vector<8x128xf32>
    %add3A_2057 = arith.addf %add3A_2025, %slice3A_2056 : vector<8x128xf32>
    %slice3A_2058 = vector.extract_strided_slice %get3A_1585 {offsets = [472, 0], sizes = [8, 128], strides = [1, 1]} : vector<512x512xf32> to vector<8x128xf32>
    %add3A_2059 = arith.addf %add3A_2027, %slice3A_2058 : vector<8x128xf32>
    %slice3A_2060 = vector.extract_strided_slice %get3A_1585 {offsets = [472, 128], sizes = [8, 128], strides = [1, 1]} : vector<512x512xf32> to vector<8x128xf32>
    %add3A_2061 = arith.addf %add3A_2029, %slice3A_2060 : vector<8x128xf32>
    %slice3A_2062 = vector.extract_strided_slice %get3A_1585 {offsets = [472, 256], sizes = [8, 128], strides = [1, 1]} : vector<512x512xf32> to vector<8x128xf32>
    %add3A_2063 = arith.addf %add3A_2031, %slice3A_2062 : vector<8x128xf32>
    %slice3A_2064 = vector.extract_strided_slice %get3A_1585 {offsets = [472, 384], sizes = [8, 128], strides = [1, 1]} : vector<512x512xf32> to vector<8x128xf32>
    %add3A_2065 = arith.addf %add3A_2033, %slice3A_2064 : vector<8x128xf32>
    %slice3A_2066 = vector.extract_strided_slice %get3A_1585 {offsets = [480, 0], sizes = [8, 128], strides = [1, 1]} : vector<512x512xf32> to vector<8x128xf32>
    %add3A_2067 = arith.addf %add3A_2035, %slice3A_2066 : vector<8x128xf32>
    %slice3A_2068 = vector.extract_strided_slice %get3A_1585 {offsets = [480, 128], sizes = [8, 128], strides = [1, 1]} : vector<512x512xf32> to vector<8x128xf32>
    %add3A_2069 = arith.addf %add3A_2037, %slice3A_2068 : vector<8x128xf32>
    %slice3A_2070 = vector.extract_strided_slice %get3A_1585 {offsets = [480, 256], sizes = [8, 128], strides = [1, 1]} : vector<512x512xf32> to vector<8x128xf32>
    %add3A_2071 = arith.addf %add3A_2039, %slice3A_2070 : vector<8x128xf32>
    %slice3A_2072 = vector.extract_strided_slice %get3A_1585 {offsets = [480, 384], sizes = [8, 128], strides = [1, 1]} : vector<512x512xf32> to vector<8x128xf32>
    %add3A_2073 = arith.addf %add3A_2041, %slice3A_2072 : vector<8x128xf32>
    %slice3A_2074 = vector.extract_strided_slice %get3A_1585 {offsets = [488, 0], sizes = [8, 128], strides = [1, 1]} : vector<512x512xf32> to vector<8x128xf32>
    %add3A_2075 = arith.addf %add3A_2043, %slice3A_2074 : vector<8x128xf32>
    %slice3A_2076 = vector.extract_strided_slice %get3A_1585 {offsets = [488, 128], sizes = [8, 128], strides = [1, 1]} : vector<512x512xf32> to vector<8x128xf32>
    %add3A_2077 = arith.addf %add3A_2045, %slice3A_2076 : vector<8x128xf32>
    %slice3A_2078 = vector.extract_strided_slice %get3A_1585 {offsets = [488, 256], sizes = [8, 128], strides = [1, 1]} : vector<512x512xf32> to vector<8x128xf32>
    %add3A_2079 = arith.addf %add3A_2047, %slice3A_2078 : vector<8x128xf32>
    %slice3A_2080 = vector.extract_strided_slice %get3A_1585 {offsets = [488, 384], sizes = [8, 128], strides = [1, 1]} : vector<512x512xf32> to vector<8x128xf32>
    %add3A_2081 = arith.addf %add3A_2049, %slice3A_2080 : vector<8x128xf32>
    %slice3A_2082 = vector.extract_strided_slice %get3A_1585 {offsets = [496, 0], sizes = [8, 128], strides = [1, 1]} : vector<512x512xf32> to vector<8x128xf32>
    %add3A_2083 = arith.addf %add3A_2051, %slice3A_2082 : vector<8x128xf32>
    %slice3A_2084 = vector.extract_strided_slice %get3A_1585 {offsets = [496, 128], sizes = [8, 128], strides = [1, 1]} : vector<512x512xf32> to vector<8x128xf32>
    %add3A_2085 = arith.addf %add3A_2053, %slice3A_2084 : vector<8x128xf32>
    %slice3A_2086 = vector.extract_strided_slice %get3A_1585 {offsets = [496, 256], sizes = [8, 128], strides = [1, 1]} : vector<512x512xf32> to vector<8x128xf32>
    %add3A_2087 = arith.addf %add3A_2055, %slice3A_2086 : vector<8x128xf32>
    %slice3A_2088 = vector.extract_strided_slice %get3A_1585 {offsets = [496, 384], sizes = [8, 128], strides = [1, 1]} : vector<512x512xf32> to vector<8x128xf32>
    %add3A_2089 = arith.addf %add3A_2057, %slice3A_2088 : vector<8x128xf32>
    %slice3A_2090 = vector.extract_strided_slice %get3A_1585 {offsets = [504, 0], sizes = [8, 128], strides = [1, 1]} : vector<512x512xf32> to vector<8x128xf32>
    %add3A_2091 = arith.addf %add3A_2059, %slice3A_2090 : vector<8x128xf32>
    %slice3A_2092 = vector.extract_strided_slice %get3A_1585 {offsets = [504, 128], sizes = [8, 128], strides = [1, 1]} : vector<512x512xf32> to vector<8x128xf32>
    %add3A_2093 = arith.addf %add3A_2061, %slice3A_2092 : vector<8x128xf32>
    %slice3A_2094 = vector.extract_strided_slice %get3A_1585 {offsets = [504, 256], sizes = [8, 128], strides = [1, 1]} : vector<512x512xf32> to vector<8x128xf32>
    %add3A_2095 = arith.addf %add3A_2063, %slice3A_2094 : vector<8x128xf32>
    %slice3A_2096 = vector.extract_strided_slice %get3A_1585 {offsets = [504, 384], sizes = [8, 128], strides = [1, 1]} : vector<512x512xf32> to vector<8x128xf32>
    %add3A_2097 = arith.addf %add3A_2065, %slice3A_2096 : vector<8x128xf32>
    %add3A_2098 = arith.addf %add3A_2067, %add3A_2069 : vector<8x128xf32>
    %add3A_2099 = arith.addf %add3A_2071, %add3A_2073 : vector<8x128xf32>
    %add3A_2100 = arith.addf %add3A_2075, %add3A_2077 : vector<8x128xf32>
    %add3A_2101 = arith.addf %add3A_2079, %add3A_2081 : vector<8x128xf32>
    %add3A_2102 = arith.addf %add3A_2083, %add3A_2085 : vector<8x128xf32>
    %add3A_2103 = arith.addf %add3A_2087, %add3A_2089 : vector<8x128xf32>
    %add3A_2104 = arith.addf %add3A_2091, %add3A_2093 : vector<8x128xf32>
    %add3A_2105 = arith.addf %add3A_2095, %add3A_2097 : vector<8x128xf32>
    %add3A_2106 = arith.addf %add3A_2098, %add3A_2099 : vector<8x128xf32>
    %add3A_2107 = arith.addf %add3A_2100, %add3A_2101 : vector<8x128xf32>
    %add3A_2108 = arith.addf %add3A_2102, %add3A_2103 : vector<8x128xf32>
    %add3A_2109 = arith.addf %add3A_2104, %add3A_2105 : vector<8x128xf32>
    %add3A_2110 = arith.addf %add3A_2106, %add3A_2107 : vector<8x128xf32>
    %add3A_2111 = arith.addf %add3A_2108, %add3A_2109 : vector<8x128xf32>
    %add3A_2112 = arith.addf %add3A_2110, %add3A_2111 : vector<8x128xf32>
    %get3A_2113 = arith.constant 0 : index
    %get3A_2114 = arith.constant 0 : index
    %get3A_2115 = vector.load %arg2[%get3A_2113, %get3A_2114] : memref<8x128xf32, #tpu.memory_space<vmem>>, vector<8x128xf32>
    %add3A_2116 = arith.addf %get3A_2115, %add3A_2112 : vector<8x128xf32>
    %swap3A = arith.constant 0 : index
    %swap3A_2117 = arith.constant 0 : index
    %swap3A_2118 = vector.load %arg2[%swap3A, %swap3A_2117] : memref<8x128xf32, #tpu.memory_space<vmem>>, vector<8x128xf32>
    tpu.vector_store %arg2[%swap3A, %swap3A_2117], %add3A_2116 {strides = array<i32>} : memref<8x128xf32, #tpu.memory_space<vmem>>, vector<8x128xf32>,
    return
  }
  func.func @transform_0(%arg0: i32) -> (i32, i32, i32) {
    %c0_i32 = arith.constant 0 : i32
    %c0_i32_0 = arith.constant 0 : i32
    %c0_i32_1 = arith.constant 0 : i32
    return %arg0, %c0_i32, %c0_i32_0 : i32, i32, i32
  }
  func.func @transform_1(%arg0: i32) -> (i32, i32) {
    %c0_i32 = arith.constant 0 : i32
    %c0_i32_0 = arith.constant 0 : i32
    %c0_i32_1 = arith.constant 0 : i32
    return %c0_i32, %c0_i32_0 : i32, i32
  }
}

</mosaic_0001>

<sc_bundles>
// kernel: kernel.4.cloned.1.call-start
scs
__scs_entry_jumppad:
0x0: {  	(pc) =	sbr.rel $0x88, $3  }
0x1: {  	(tag) =	ssettag $0x0;
	lr =	simm.s32 $0x1  }
0x2: {  	[smem:$0x3F9F] =	sst lr;
	_ =	strace $0xD0000000  }
0x3: {  	_ = 	snop  }
0x4: {  	_ = 	snop  }
0x5: {  	_ = 	snop  }
0x6: {  	_ = 	snop  }
0x7: {  	_ = 	snop  }
__scs_overlays_trampoline_lowered:
0x8: {  	[smem:$0x3FAE] =	sst s0  }
0x9: {  	[smem:$0x3FAF] =	sst s1  }
0xa: {  	[smem:$0x3FB0] =	sst s2  }
0xb: {  	[smem:$0x3FB1] =	sst s3  }
0xc: {  	[smem:$0x3FB2] =	sst s4  }
0xd: {  	[smem:$0x3FB3] =	sst s5  }
0xe: {  	[smem:$0x3FB4] =	sst s6  }
0xf: {  	[smem:$0x3FB5] =	sst s7  }
0x10: {  	[smem:$0x3FB6] =	sst s8  }
0x11: {  	[smem:$0x3FB7] =	sst s9;
	s0 =	simm.s32 @!p0 $0x0  }
0x12: {  	s1 =	sld [smem:$0x3F9D];
	s0 =	simm.s32 @p0 $0x1  }
0x13: {  	[smem:$0x3FB8] =	sst s0;
	s0 =	simm.s32 @!p1 $0x0  }
0x14: {  	s2 =	sld [smem:$0x3F9C];
	s0 =	simm.s32 @p1 $0x1  }
0x15: {  	[smem:$0x3FB9] =	sst s0;
	s0 =	simm.s32 @!p2 $0x0  }
0x16: {  	s3 =	sld [smem:$0x3FDB];
	s0 =	simm.s32 @p2 $0x1  }
0x17: {  	s4 =	simm.s32 $0x1BF5;
	[smem:$0x3FBB] =	sst s0  }
0x18: {  	s0 =	sld [smem:$0x3F9E];
	_ =	swait.ge [sflag:s4], $0x0  }
0x19: {  	s7 =	sld [smem:$0x3F9F]  }
0x1a: {  	s8 =	sadd.s32 $0xFFFFE003, lr  }
0x1b: {  	s9 =	sadd.s32 $0xFFFFFEF7, lr;
	s5 =	simm.s32 $0xFFFFFFFF;
	p2 =	slt.u32 s8, $0xFFFFF086  }
0x1c: {  	p1 =	slt.u32 s9, $0xF7A;
	s5 =	simm.s32 @!p2 $0x0  }
0x1d: {  	s5 =	simm.s32 @p1 $0x1;
	p0 =	seq.s32 s7, s2  }
0x1e: {  	s7 =	smul.u32 @!p0 $0xF7A, s2;
	p2 =	seq.s32 @!p0 s5, $0x0  }
0x1f: {  	s9 =	smul.u32 $0xF7A, s1;
	s8 =	simm.s32 @!p0 $0x1BF5;
	p2 =	por !p2, p0  }
0x20: {  	[sflag:s8] =	ssyncset.s32 @!p0 $0xFFFFF086;
	s6 =	sadd.s32 @!p0 s3, s7;
	s7 =	simm.s32 @!p0 $0x108  }
0x21: {  	s3 =	sadd.s32 s3, s9;
	s6 =	sadd.s32 @!p0 $0x88, s6;
	s7 =	simm.s32 @p2 $0x1082  }
0x22: {  	[simem:s7], [sflag:s8] =	dma.local @!p0 [hbm:s6], $0xF7A  }
0x23: {  	s9 =	sor.u32 $0xD0000000, s2;
	s6 =	simm.s32 $0x108;
	_ =	swait.ge @!p0 [sflag:s8], $0x0  }
0x24: {  	s3 =	sadd.s32 $0x88, s3;
	s6 =	simm.s32 @!p1 $0x1082;
	[sflag:s4] =	ssyncset.s32 $0xFFFFF086  }
0x25: {  	[simem:s6], [sflag:s4] =	dma.local [hbm:s3], $0xF7A  }
0x26: {  	[smem:$0x3F9F] =	sst s1;
	(tag) =	ssettag s2;
	_ =	strace s9  }
0x27: {  	s1 =	sld [smem:$0x3FAF]  }
0x28: {  	s2 =	sld [smem:$0x3FB0]  }
0x29: {  	s4 =	sld [smem:$0x3FB2]  }
0x2a: {  	p0 =	seq.s32 s5, $0x0;
	s5 =	sld [smem:$0x3FB3]  }
0x2b: {  	s6 =	sld [smem:$0x3FB4]  }
0x2c: {  	s7 =	sld [smem:$0x3FB5]  }
0x2d: {  	s3 =	simm.s32 $0x108;
	s8 =	sld [smem:$0x3FB6]  }
0x2e: {  	s3 =	simm.s32 @!p0 $0x1082;
	s9 =	sld [smem:$0x3FB7]  }
0x2f: {  	lr =	sadd.s32 s0, s3;
	s0 =	sld [smem:$0x3FAE]  }
0x30: {  	s3 =	sld [smem:$0x3FB1]  }
0x31: {  	[smem:$0x3FBA] =	sst s10  }
0x32: {  	s10 =	sld [smem:$0x3FB8];
	_ =	sdelay $0x3  }
0x33: {  	p0 =	seq.s32 s10, $0x1;
	s10 =	sld [smem:$0x3FBA];
	_ =	sdelay $0x3  }
0x34: {  	[smem:$0x3FBA] =	sst s10  }
0x35: {  	s10 =	sld [smem:$0x3FB9];
	_ =	sdelay $0x3  }
0x36: {  	p1 =	seq.s32 s10, $0x1;
	s10 =	sld [smem:$0x3FBA];
	_ =	sdelay $0x3  }
0x37: {  	[smem:$0x3FBA] =	sst s10  }
0x38: {  	s10 =	sld [smem:$0x3FBB]  }
0x39: {  	_ = 	snop;
	(pc) =	sbr.ind lr, $3  }
0x3a: {  	_ = 	snop  }
0x3b: {  	_ = 	snop  }
0x3c: {  	p2 =	seq.s32 s10, $0x1;
	s10 =	sld [smem:$0x3FBA]  }
0x3d: {  	_ =	shalt  }
0x3e: {  	_ =	shalt  }
0x3f: {  	_ =	shalt  }
0x40: {  	_ =	shalt  }
0x41: {  	_ =	shalt  }
0x42: {  	_ =	shalt  }
0x43: {  	_ =	shalt  }
0x44: {  	_ =	shalt  }
0x45: {  	_ =	shalt  }
0x46: {  	_ =	shalt  }
0x47: {  	_ =	shalt  }
0x48: {  	_ =	shalt  }
0x49: {  	_ =	shalt  }
0x4a: {  	_ =	shalt  }
0x4b: {  	_ =	shalt  }
0x4c: {  	_ =	shalt  }
0x4d: {  	_ =	shalt  }
0x4e: {  	_ =	shalt  }
0x4f: {  	_ =	shalt  }
0x50: {  	_ =	shalt  }
0x51: {  	_ =	shalt  }
0x52: {  	_ =	shalt  }
0x53: {  	_ =	shalt  }
0x54: {  	_ =	shalt  }
0x55: {  	_ =	shalt  }
0x56: {  	_ =	shalt  }
0x57: {  	_ =	shalt  }
0x58: {  	_ =	shalt  }
0x59: {  	_ =	shalt  }
0x5a: {  	_ =	shalt  }
0x5b: {  	_ =	shalt  }
0x5c: {  	_ =	shalt  }
0x5d: {  	_ =	shalt  }
0x5e: {  	_ =	shalt  }
0x5f: {  	_ =	shalt  }
0x60: {  	_ =	shalt  }
0x61: {  	_ =	shalt  }
0x62: {  	_ =	shalt  }
0x63: {  	_ =	shalt  }
0x64: {  	_ =	shalt  }
0x65: {  	_ =	shalt  }
0x66: {  	_ =	shalt  }
0x67: {  	_ =	shalt  }
0x68: {  	_ =	shalt  }
0x69: {  	_ =	shalt  }
0x6a: {  	_ =	shalt  }
0x6b: {  	_ =	shalt  }
0x6c: {  	_ =	shalt  }
0x6d: {  	_ =	shalt  }
0x6e: {  	_ =	shalt  }
0x6f: {  	_ =	shalt  }
0x70: {  	_ =	shalt  }
0x71: {  	_ =	shalt  }
0x72: {  	_ =	shalt  }
0x73: {  	_ =	shalt  }
0x74: {  	_ =	shalt  }
0x75: {  	_ =	shalt  }
0x76: {  	_ =	shalt  }
0x77: {  	_ =	shalt  }
0x78: {  	_ =	shalt  }
0x79: {  	_ =	shalt  }
0x7a: {  	_ =	shalt  }
0x7b: {  	_ =	shalt  }
0x7c: {  	_ =	shalt  }
0x7d: {  	_ =	shalt  }
0x7e: {  	_ =	shalt  }
0x7f: {  	_ =	shalt  }
0x80: {  	_ =	shalt  }
0x81: {  	_ =	shalt  }
0x82: {  	_ =	shalt  }
0x83: {  	_ =	shalt  }
0x84: {  	_ =	shalt  }
0x85: {  	_ =	shalt  }
0x86: {  	_ =	shalt  }
0x87: {  	_ =	shalt  }
.Lfunc_end0:
.L_simem_size_0:
called_computation_lowered:
.L_overlay_start_0:
0x88: {  	s2 =	sld [smem:$0x3FD9]  }
0x89: {  	s3 =	sld [smem:$0x3FFE];
	_ =	sdelay $0x1  }
0x8a: {  	s1 =	srdreg.scid  }
0x8b: {  	s0 =	sand.u32 $0x1, s1  }
0x8c: {  	s17 =	sshll.u32 s0, $0xA;
	s2 =	sadd.s32 s3, s2  }
0x8d: {  	s2 =	sadd.s32 s2, s17  }
0x8e: {  	[smem:$0x3FC6] =	sst s2  }
0x8f: {  	_ = 	snop  }
0x90: {  	s2 =	sld [smem:$0x3FC9];
	(tm) =	ssettm $0x1  }
0x91: {  	s18 =	sld [smem:$0x3FFB];
	_ =	sdelay $0x3  }
0x92: {  	_ =	strace s18  }
0x93: {  	s3 =	sld [smem:$0x3FFC];
	_ =	sdelay $0x3  }
0x94: {  	_ =	strace s3  }
0x95: {  	s3 =	sld [smem:$0x3FFD];
	_ =	sdelay $0x3  }
0x96: {  	_ =	strace s3  }
0x97: {  	_ =	strace $0x8FFFFFFF  }
0x98: {  	s19 =	sld [smem:$0x3FDB];
	_ =	sdelay $0x1  }
0x99: {  	s4 =	simm.s32 $_scs_section_size  }
0x9a: {  	s5 =	simm.s32 $_size__tile_overlayer_lowered;
	s6 =	simm.s32 $_tile_overlayer_lowered  }
0x9b: {  	s22 =	simm.s32 $0x1BFF;
	s21 =	sshll.u32 s6, $0x1;
	s3 =	sadd.s32 s4, s19  }
0x9c: {  	s7 =	simm.s32 $0x0;
	s20 =	sshll.u32 s5, $0x1;
	s5 =	sadd.s32 s21, s3  }
0x9d: {  	[timem:s7], [sflag:s22] =	dma.local [hbm:s5], s20  }
0x9e: {  	_ =	swait.ge [sflag:s22], s20  }
0x9f: {  	s4 =	ssub.s32 $0x0, s20;
	[sflag:s22] =	ssyncset.done $0x0  }
0xa0: {  	[sflag:s22] =	ssyncadd.s32 s4;
	_ =	sdelay $0x1  }
0xa1: {  	s23 =	simm.s32 $0x1B8B  }
0xa2: {  	_ =	swait.ge [sflag:s23], $0x1  }
0xa3: {  	[sflag:s23] =	ssyncset.done $0x0  }
0xa4: {  	s25 =	simm.s32 $0x1B8E;
	s24 =	sld [smem:$0x3FFE];
	[sflag:s23] =	ssyncadd.s32 $0xFFFFFFFF  }
0xa5: {  	s26 =	simm.s32 $execute0_lowered;
	[smem:$0x3FD2] =	sst s25  }
0xa6: {  	s5 =	sshll.u32 s26, $0x1;
	_ =	strace $0x80000046;
	[dreg:$0x1] =	wrdreg $0xFFFFFFFF  }
0xa7: {  	s28 =	simm.s32 $_size_execute0_lowered;
	s3 =	sadd.s32 s3, s5;
	[dreg:$0x0] =	wrdreg $0x0  }
0xa8: {  	s5 =	sshll.u32 s28, $0x1;
	[dreg:$0x2] =	wrdreg s3  }
0xa9: {  	[dreg:$0x3] =	wrdreg s5  }
0xaa: {  	[dreg:$0x4] =	wrdreg $0xC0  }
0xab: {  	_ =	task [dreg:s7], $0x5FFFF  }
0xac: {  	[dreg:$0x1] =	wrdreg $0xFFFFFFFF  }
0xad: {  	[dreg:$0x0] =	wrdreg $0x60  }
0xae: {  	[dreg:$0x2] =	wrdreg s2  }
0xaf: {  	[dreg:$0x3] =	wrdreg s24  }
0xb0: {  	[dreg:$0x4] =	wrdreg $0x9  }
0xb1: {  	_ =	task.clear_ibuf [dreg:s7], $0x5FFFF;
	_ =	strace $0x90000046  }
0xb2: {  	s29 =	simm.s32 $0x9;
	_ =	strace $0x80000048  }
0xb3: {  	_ =	swait.ge [sflag:s29], $0x1  }
0xb4: {  	[sflag:s29] =	ssyncadd.s32 $0xFFFFFFFF  }
0xb5: {  	_ =	strace $0x90000048  }
0xb6: {  	_ =	sfence  }
0xb7: {  	s30 =	sld [smem:$0x0];
	_ =	sdelay $0x2  }
0xb8: {  	s31 =	sshll.u32 s1, $0xD;
	s1 =	sshrl.u32 s1, $0x2  }
0xb9: {  	s3 =	sand.u32 $0x4000, s31;
	s1 =	sadd.s32 s1, s30  }
0xba: {  	s0 =	sor.u32 s3, s0;
	s1 =	sshll.u32 s1, $0x11  }
0xbb: {  	s0 =	sor.u32 s1, s0  }
0xbc: {  	s0 =	sadd.s32 $0x8F2B, s0  }
0xbd: {  	[sflag:s0] =	ssyncadd.remote.s32 $0x1  }
0xbe: {  	_ =	sfence.sel $0xFFFF  }
0xbf: {  	[dreg:$0x0] =	wrdreg $0xFFFFFFFF;
	(pc) =	sbr.abs _section_cstart, $3  }
0xc0: {  	[dreg:$0x1] =	wrdreg $0xFFFFFFFF  }
0xc1: {  	_ =	task.clear_ibuf [dreg:s7], $0x2FFFF;
	_ =	strace $0x9FFFFFFF  }
0xc2: {  	(tm) =	ssettm $0x7FFFFFFF  }
0xc3: {  	_ =	shalt  }
tec
execute0_lowered:
.L_overlay_start_1:
0x0: {  	(tag) =	ssettag $0x1  }
0x1: {  	s5 =	rddreg [dreg:$0x0]  }
0x2: {  	v0 =	vlaneseq.u32;
	s4 =	rddreg [dreg:$0x1];
	v2 =	vimm.s32 $0x0;
	vm2 =	vcmask $0x300  }
0x3: {  	s0 =	rddreg [dreg:$0x2];
	s3 =	srdreg.scid;
	vm0 =	vcmask $0x704;
	vm1 =	vcmask $0xB08;
	v1 =	vmul.u32 $0x80, v0  }
0x4: {  	s1 =	simm.s32 $0x0;
	vm3 =	vcmask $0xF0C;
	v7 =	vimm.s32 $0x1;
	v8 =	vimm.s32 $0x2;
	s11 =	simm.s32 $0x2E00;
	s2 =	sand.u32 $0x1, s3  }
0x5: {  	v9 =	vimm.s32 $0x3;
	s12 =	simm.s32 $0x0;
	[smem:$0x7FF] =	sst s1;
	v5 =	vsel vm2, $0x800, v2;
	s6 =	ssub.s32 $0x2, s2;
	v3 =	vor.u32 $0x1, v1  }
0x6: {  	v7 =	vsel vm2, $0x801, v7;
	v5 =	vsel vm0, $0x880, v5;
	s7 =	sshll.u32 s2, $0x1;
	s2 =	stileid.u32;
	s8 =	sshrl.u32 s6, $0x1;
	[tilespmem:$0x1FFA0] =	vst v3;
	v3 =	vor.u32 $0x2, v1  }
0x7: {  	v7 =	vsel vm0, $0x881, v7;
	v6 =	vsel vm1, $0x900, v5;
	s7 =	sadd.s32 s7, s4;
	s31 =	smul.u32 $0x180, s2;
	_ =	strace $0x80000047;
	[tilespmem:$0x1FFB0] =	vst v3;
	v3 =	vor.u32 $0x3, v1  }
.Ltmp0:
0x8: {  	vm15 =	vmmov $0xf;
	s3 =	sadd.s32 s2, s3;
	s9 =	sshll.u32 s2, $0x2;
	v7 =	vsel vm1, $0x901, v7;
	[tilespmem:$0x1FFC0] =	vst v3;
	v3 =	vsel vm3, $0x980, v6;
	(pc) =	sbr.rel .LBB2_1-.Ltmp0, $4  }
0x9: {  	v8 =	vsel vm2, $0x802, v8;
	v9 =	vsel vm2, $0x803, v9;
	s10 =	sshll.u32 s2, $0xF;
	s8 =	ssub.s32 s6, s8;
	s3 =	sshll.u32 s3, $0x8;
	[tilespmem:$0x1FFD0] =	vst v3;
	v3 =	vsel vm3, $0x981, v7  }
0xa: {  	v8 =	vsel vm0, $0x882, v8;
	v9 =	vsel vm0, $0x883, v9;
	s7 =	sadd.s32 s9, s7;
	s5 =	sadd.s32 s5, s10;
	s9 =	simm.s32 $0xC00;
	[tilespmem:$0x1FFE0] =	vst v3;
	v3 =	vimm.s32 $0x0  }
0xb: {  	v8 =	vsel vm1, $0x902, v8;
	v9 =	vsel vm1, $0x903, v9;
	s10 =	simm.s32 $0x1;
	s3 =	sand.u32 $0x100, s3;
	s4 =	sadd.s32 s4, s31;
	v3 =	vsel vm15, $0xFFFFFFFF, v3  }
0xc: {  	v10 =	vimm.f32 $0.0e+00;
	v8 =	vsel vm3, $0x982, v8;
	v9 =	vsel vm3, $0x983, v9;
	s6 =	sadd.s32 $0x1800, s7;
	s7 =	smax.u32 s8, $0x1;
	s8 =	simm.s32 $0x2;
	[tilespmem:$0x1FFF0] =	vst v3  }
.LBB2_12:
0xd: {  	s12 =	sadd.s32 $0x1, s12  }
0xe: {  	p0 =	sne.s32 s12, s7  }
.Ltmp1:
0xf: {  	_ = 	snop;
	(pc) =	sbr.rel @!p0 .LBB2_13-.Ltmp1, $4  }
0x10: {  	[hbm4b:s6+s1] =	stream.linear.scatter [tilespmem:s11], [sflag:$0x2], $0x10, $0x38;
	[tilespmem:$0x2E80] =	vst v63  }
0x11: {  	_ =	swait.ge [sflag:s8], $0x10  }
0x12: {  	[sflag:s8] =	ssyncset.done $0x0  }
0x13: {  	[sflag:s8] =	ssyncadd.s32 $0xFFFFFFF0  }
.LBB2_1:
0x14: {  	[tilespmem:s1], [sflag:$0x2] =	stream.linear.gather [hbm4b:s4+s1], $0xA00, $0x38;
	[tilespmem:$0x2E80] =	vst v63  }
0x15: {  	_ =	swait.ge [sflag:s8], $0xA00  }
0x16: {  	v3 =	vld [tilespmem:$0x1FFA0];
	_ =	sdelay $0x5  }
0x17: {  	[sflag:s8] =	ssyncset.done $0x0  }
0x18: {  	[sflag:s8] =	ssyncadd.s32 $0xFFFFF600  }
0x19: {  	v12 =	vld.idx.msk [tilespmem:v3+s1+$0x0], $0xffff  }
0x1a: {  	v3 =	vld [tilespmem:$0x1FFB0];
	_ =	sdelay $0x7  }
0x1b: {  	v13 =	vld.idx.msk [tilespmem:v3+s1+$0x0], $0xffff  }
0x1c: {  	v3 =	vld [tilespmem:$0x1FFC0];
	_ =	sdelay $0x7  }
0x1d: {  	v15 =	vld.idx.msk [tilespmem:v3+s1+$0x0], $0xffff  }
0x1e: {  	v3 =	vld [tilespmem:$0x1FFD0];
	_ =	sdelay $0x4  }
0x1f: {  	v11 =	vld.idx.msk [tilespmem:v1+s1+$0x0], $0xffff;
	_ =	sdelay $0x2  }
0x20: {  	v18 =	vld.idx.msk [tilespmem:v3+s1+$0x0], $0xffff  }
0x21: {  	v3 =	vld [tilespmem:$0x1FFE0]  }
0x22: {  	v14 =	vtrunc.f32 v11  }
0x23: {  	v16 =	vcvt.f32.s32 v14;
	vm0 =	vlt.f32 v11, v14;
	v17 =	vtrunc.f32 v12  }
0x24: {  	v14 =	vcvt.f32.s32 v17;
	vm1 =	vlt.f32 v12, v17;
	v17 =	vtrunc.f32 v13  }
0x25: {  	vm9 =	vgt.f32 v13, v17;
	v13 =	vcvt.f32.s32 v17;
	v17 =	vld.idx.msk [tilespmem:v9+s1+$0x0], $0xffff  }
0x26: {  	v11 =	vsel vm0, $0xFFFFFFFF, v2  }
0x27: {  	v11 =	vadd.s32 v16, v11;
	v16 =	vtrunc.f32 v15  }
0x28: {  	v12 =	vsel vm1, $0xFFFFFFFF, v2;
	v20 =	vcvt.f32.s32 v16;
	vm10 =	vgt.f32 v15, v16;
	v16 =	vld.idx.msk [tilespmem:v8+s1+$0x0], $0xffff  }
0x29: {  	v12 =	vadd.s32 v14, v12;
	v14 =	vsel vm9, $0x1, v2;
	v21 =	vsel vm10, $0x1, v2;
	v19 =	vld.idx.msk [tilespmem:v3+s1+$0x0], $0xffff  }
0x2a: {  	v13 =	vadd.s32 v13, v14;
	v14 =	vadd.s32 v20, v21;
	v20 =	vtrunc.f32 v17  }
0x2b: {  	vm13 =	vgt.f32 v17, v20;
	v3 =	vld [tilespmem:$0x1FFF0]  }
0x2c: {  	v17 =	vcvt.f32.s32 v20;
	v20 =	vsel vm13, $0x1, v2;
	v15 =	vtrunc.f32 v18  }
0x2d: {  	v63 =	vtrunc.f32 v16;
	vm11 =	vlt.f32 v18, v15;
	v15 =	vcvt.f32.s32 v15  }
.Ltmp2:
0x2e: {  	vm14 =	vgt.f32 v16, v63;
	v18 =	vsel vm11, $0xFFFFFFFF, v2;
	v22 =	vtrunc.f32 v19;
	(pc) =	sbr.rel .LBB2_2-.Ltmp2, $4  }
0x2f: {  	v15 =	vadd.s32 v15, v18;
	vm12 =	vlt.f32 v19, v22;
	v18 =	vcvt.f32.s32 v22  }
0x30: {  	v21 =	vcvt.f32.s32 v63;
	vm15 =	vnez.u8 v3;
	v19 =	vsel vm12, $0xFFFFFFFF, v2  }
0x31: {  	v16 =	vadd.s32 v18, v19;
	v18 =	vsel vm14, $0x1, v2;
	v19 =	vadd.s32 v17, v20  }
0x32: {  	s13 =	simm.s32 $0x0;
	[tilespmem:$0x2E00] =	vst v10;
	v16 =	vnsel vm15, $0x0, v16;
	v17 =	vadd.s32 v21, v18;
	v18 =	vnsel vm15, $0x0, v19  }
.LBB2_11:
0x33: {  	s13 =	sadd.s32 $0x1, s13  }
0x34: {  	p0 =	sne.s32 s13, $0x10  }
.Ltmp3:
0x35: {  	_ = 	snop;
	(pc) =	sbr.rel @!p0 .LBB2_12-.Ltmp3, $1  }
0x36: {  	_ =	sdelay $0x3  }
.LBB2_2:
0x37: {  	s14 =	sshll.u32 s13, $0x4  }
0x38: {  	s14 =	sadd.s32 s3, s14  }
0x39: {  	s15 =	sor.u32 $0xF, s14  }
0x3a: {  	vm1 =	vgt.s32 v14, s14;
	vm0 =	vle.s32 v12, s15  }
0x3b: {  	vm0 =	vmand vm1, vm0  }
0x3c: {  	vm15 =	vgt.s32 v18, s14;
	vm14 =	vle.s32 v16, s15;
	v19 =	vsel vm0, $0x3F800000, v10  }
0x3d: {  	vm0 =	vmand vm15, vm14;
	(xrf0) =	vmax.scan.msk.f32 $0xffff, v19  }
0x3e: {  	v19 =	vsel vm0, $0x3F800000, v10  }
0x3f: {  	(xrf0) =	vmax.scan.msk.f32 $0xffff, v19;
	_ =	sdelay $0x3  }
0x40: {  	v19, _, _ =	vpop (xrf0)  }
0x41: {  	(v2sf) =	vpush v19, $0xF  }
0x42: {  	v19, _, _ =	vpop (xrf0)  }
0x43: {  	(v2sf) =	vpush v19, $0xF;
	_ =	sdelay $0xc  }
0x44: {  	s31 =	spop (v2sf)  }
0x45: {  	p0 =	sgt.f32 s31, $0.0e+00  }
0x46: {  	s15 =	spop (v2sf)  }
0x47: {  	p1 =	sgt.f32 @!p0 s15, $0.0e+00;
	_ =	sdelay $0x1  }
0x48: {  	p0 =	por p0, p1  }
.Ltmp4:
0x49: {  	_ = 	snop;
	(pc) =	sbr.rel @!p0 .LBB2_11-.Ltmp4, $1  }
0x4a: {  	_ =	sdelay $0x3  }
0x4b: {  	s15 =	sshll.u32 s14, $0x6  }
.Ltmp5:
0x4c: {  	s16 =	sadd.s32 s15, s5;
	s15 =	simm.s32 $0x0;
	(pc) =	sbr.rel .LBB2_4-.Ltmp5, $4  }
0x4d: {  	[tilespmem:s9], [sflag:$0x1] =	stream.linear.gather [hbm4b:s16+s15], $0x2000, $0x38;
	[tilespmem:$0x2E80] =	vst v63  }
0x4e: {  	_ =	swait.ge [sflag:s10], $0x2000  }
0x4f: {  	[sflag:s10] =	ssyncset.done $0x0  }
0x50: {  	[sflag:s10] =	ssyncadd.s32 $0xFFFFE000  }
.LBB2_8:
0x51: {  	vm4 =	vlt.s32 v59, v37;
	vm5 =	vge.s32 v59, v38;
	vm6 =	vlt.s32 v59, v39  }
0x52: {  	vm3 =	vmand vm3, vm4;
	vm4 =	vmand vm5, vm6;
	vm5 =	vlt.s32 v59, v36  }
0x53: {  	vm3 =	vmor vm3, vm4;
	vm2 =	vmand vm2, vm5;
	vm4 =	vlt.s32 v59, v35  }
0x54: {  	v3 =	vld [tilespmem:$0x1FF80];
	vm6 =	vlt.s32 v59, v34;
	vm2 =	vmor vm2, vm3;
	vm1 =	vmand vm1, vm4  }
0x55: {  	vm0 =	vmand vm0, vm6;
	vm5 =	vlt.s32 v59, v33;
	vm1 =	vmor vm1, vm2  }
0x56: {  	vm6 =	vmand vm15, vm5;
	vm15 =	vlt.s32 v59, v32;
	vm0 =	vmor vm0, vm1  }
0x57: {  	vm5 =	vlt.s32 v59, v31;
	vm4 =	vmand vm14, vm15;
	vm0 =	vmor vm6, vm0  }
0x58: {  	vm6 =	vmand vm13, vm5;
	vm5 =	vlt.s32 v59, v28;
	vm0 =	vmor vm4, vm0  }
0x59: {  	vm0 =	vmor vm6, vm0;
	vm6 =	vmand vm10, vm5;
	vm5 =	vnez.u8 v3;
	v3 =	vld [tilespmem:$0x1FF90];
	_ =	sdelay $0x1  }
0x5a: {  	vm13 =	vlt.s32 v59, v30  }
0x5b: {  	vm14 =	vmand vm12, vm13  }
0x5c: {  	vm15 =	vlt.s32 v59, v29;
	vm0 =	vmor vm14, vm0;
	vm14 =	vlt.s32 v59, v21  }
0x5d: {  	vm4 =	vmand vm11, vm15;
	vm15 =	vmand vm7, vm14;
	vm7 =	vnez.u8 v3;
	v3 =	vld [tilespmem:$0x1FF60];
	_ =	sdelay $0x3  }
0x5e: {  	vm10 =	vlt.s32 v59, v27  }
0x5f: {  	vm11 =	vmand vm9, vm10;
	vm9 =	vnez.u8 v3;
	v3 =	vld [tilespmem:$0x1FF70];
	_ =	sdelay $0x2  }
0x60: {  	vm0 =	vmor vm4, vm0  }
0x61: {  	vm0 =	vmor vm6, vm0  }
0x62: {  	vm0 =	vmor vm11, vm0;
	vm11 =	vnez.u8 v3;
	v3 =	vld [tilespmem:$0x1FF40];
	_ =	sdelay $0x2  }
0x63: {  	vm12 =	vlt.s32 v59, v26  }
0x64: {  	vm13 =	vmand vm8, vm12;
	vm8 =	vlt.s32 v59, v20  }
0x65: {  	vm4 =	vlt.s32 v59, v22;
	vm0 =	vmor vm13, vm0;
	vm13 =	vnez.u8 v3;
	v3 =	vld [tilespmem:$0x1FF50]  }
0x66: {  	vm1 =	vmand vm5, vm4;
	vm6 =	vlt.s32 v59, v23;
	vm0 =	vmor vm15, vm0  }
0x67: {  	vm12 =	vlt.s32 v59, v25;
	vm0 =	vmor vm1, vm0;
	vm1 =	vmand vm7, vm6  }
0x68: {  	vm10 =	vlt.s32 v59, v24;
	vm0 =	vmor vm1, vm0;
	vm1 =	vmand vm9, vm8  }
0x69: {  	vm14 =	vlt.s32 v59, v19;
	vm0 =	vmor vm1, vm0;
	vm1 =	vmand vm11, vm10  }
0x6a: {  	vm0 =	vmor vm1, vm0;
	vm1 =	vmand vm13, vm12;
	vm15 =	vnez.u8 v3  }
0x6b: {  	vm0 =	vmor vm1, vm0;
	vm1 =	vmand vm15, vm14  }
0x6c: {  	vm0 =	vmor vm1, vm0  }
0x6d: {  	s16 =	sadd.s32 $0x10, s16;
	v19 =	vsel vm0, $0x41400000, v10  }
0x6e: {  	[tilespmem:s16+$0x0] =	vst v19  }
.LBB2_9:
0x6f: {  	v20 =	vld [tilespmem:$0x2C00]  }
0x70: {  	v22 =	vld [tilespmem:$0x2C10]  }
0x71: {  	v24 =	vld [tilespmem:$0x2C20]  }
0x72: {  	v26 =	vld [tilespmem:$0x2C30]  }
0x73: {  	v28 =	vld [tilespmem:$0x2C40]  }
0x74: {  	v30 =	vld [tilespmem:$0x2C50]  }
0x75: {  	v32 =	vld [tilespmem:$0x2C60]  }
0x76: {  	v34 =	vld [tilespmem:$0x2C70]  }
0x77: {  	v36 =	vld [tilespmem:$0x2C80]  }
0x78: {  	v38 =	vld [tilespmem:$0x2C90]  }
0x79: {  	v40 =	vld [tilespmem:$0x2CA0]  }
0x7a: {  	v42 =	vld [tilespmem:$0x2CB0]  }
0x7b: {  	v44 =	vld [tilespmem:$0x2CC0]  }
0x7c: {  	v46 =	vld [tilespmem:$0x2CD0]  }
0x7d: {  	v48 =	vld [tilespmem:$0x2CE0]  }
0x7e: {  	v50 =	vld [tilespmem:$0x2CF0]  }
0x7f: {  	v52 =	vld [tilespmem:$0x2D00]  }
0x80: {  	v54 =	vld [tilespmem:$0x2D10]  }
0x81: {  	v56 =	vld [tilespmem:$0x2D20]  }
0x82: {  	v58 =	vld [tilespmem:$0x2D30]  }
0x83: {  	v60 =	vld [tilespmem:$0x2D40]  }
0x84: {  	v62 =	vld [tilespmem:$0x2D50]  }
0x85: {  	s16 =	sshll.u32 s15, $0x9;
	s17 =	sshll.u32 s15, $0x7;
	v3 =	vld [tilespmem:$0x2D60]  }
0x86: {  	v5 =	vld [tilespmem:$0x2D70];
	s16 =	sand.u32 $0x1000, s16;
	s17 =	sand.u32 $0x380, s17  }
0x87: {  	v7 =	vld [tilespmem:$0x2D80];
	s16 =	sor.u32 s17, s16  }
0x88: {  	v19 =	vld [tilespmem:s16+$0xC00]  }
0x89: {  	v21 =	vld [tilespmem:s16+$0xC10]  }
0x8a: {  	v23 =	vld [tilespmem:s16+$0xC20]  }
0x8b: {  	v25 =	vld [tilespmem:s16+$0xC30]  }
0x8c: {  	v27 =	vld [tilespmem:s16+$0xC40]  }
0x8d: {  	v29 =	vld [tilespmem:s16+$0xC50]  }
0x8e: {  	v31 =	vld [tilespmem:s16+$0xC60]  }
0x8f: {  	v33 =	vld [tilespmem:s16+$0xC70]  }
0x90: {  	v35 =	vld [tilespmem:s16+$0x1000]  }
0x91: {  	v37 =	vld [tilespmem:s16+$0x1010]  }
0x92: {  	v39 =	vld [tilespmem:s16+$0x1020]  }
0x93: {  	v41 =	vld [tilespmem:s16+$0x1030]  }
0x94: {  	v43 =	vld [tilespmem:s16+$0x1040]  }
0x95: {  	v45 =	vld [tilespmem:s16+$0x1050]  }
0x96: {  	v47 =	vld [tilespmem:s16+$0x1060]  }
0x97: {  	v49 =	vld [tilespmem:s16+$0x1070]  }
0x98: {  	v51 =	vld [tilespmem:s16+$0x1400]  }
0x99: {  	v53 =	vld [tilespmem:s16+$0x1410]  }
0x9a: {  	v55 =	vld [tilespmem:s16+$0x1420]  }
0x9b: {  	v57 =	vld [tilespmem:s16+$0x1430]  }
0x9c: {  	v59 =	vld [tilespmem:s16+$0x1440]  }
0x9d: {  	v61 =	vld [tilespmem:s16+$0x1450]  }
0x9e: {  	v63 =	vld [tilespmem:s16+$0x1460]  }
0x9f: {  	v4 =	vld [tilespmem:s16+$0x1470]  }
0xa0: {  	v6 =	vld [tilespmem:s16+$0x1800]  }
0xa1: {  	v19 =	vmul.f32 v20, v19;
	v20 =	vmul.f32 v22, v21;
	v21 =	vld [tilespmem:s16+$0x1810]  }
0xa2: {  	v22 =	vmul.f32 v24, v23;
	v23 =	vmul.f32 v26, v25;
	v24 =	vld [tilespmem:$0x2D90]  }
0xa3: {  	v25 =	vmul.f32 v28, v27;
	v26 =	vmul.f32 v30, v29;
	v27 =	vld [tilespmem:s16+$0x1820]  }
0xa4: {  	v28 =	vmul.f32 v32, v31;
	v29 =	vmul.f32 v34, v33;
	v30 =	vld [tilespmem:$0x2DA0]  }
0xa5: {  	v31 =	vmul.f32 v36, v35;
	v32 =	vmul.f32 v38, v37;
	v33 =	vld [tilespmem:s16+$0x1830]  }
0xa6: {  	v34 =	vmul.f32 v40, v39;
	v35 =	vmul.f32 v42, v41;
	v36 =	vld [tilespmem:$0x2DB0]  }
0xa7: {  	v37 =	vmul.f32 v44, v43;
	v38 =	vmul.f32 v46, v45;
	v39 =	vld [tilespmem:s16+$0x1840]  }
0xa8: {  	v40 =	vmul.f32 v48, v47;
	v41 =	vmul.f32 v50, v49;
	v42 =	vld [tilespmem:$0x2DC0]  }
0xa9: {  	v43 =	vmul.f32 v52, v51;
	v44 =	vmul.f32 v54, v53;
	v54 =	vld [tilespmem:s16+$0x1850]  }
0xaa: {  	v46 =	vmul.f32 v56, v55;
	v47 =	vmul.f32 v58, v57;
	v57 =	vld [tilespmem:$0x2DD0]  }
0xab: {  	v49 =	vmul.f32 v60, v59;
	v50 =	vmul.f32 v62, v61;
	v58 =	vld [tilespmem:s16+$0x1860]  }
0xac: {  	v3 =	vmul.f32 v3, v63;
	v59 =	vld [tilespmem:$0x2DE0];
	v19 =	vadd.f32 v20, v19;
	v20 =	vadd.f32 v23, v22  }
0xad: {  	v4 =	vmul.f32 v5, v4;
	v60 =	vld [tilespmem:s16+$0x1870];
	v25 =	vadd.f32 v26, v25;
	v52 =	vadd.f32 v35, v34  }
0xae: {  	v6 =	vmul.f32 v7, v6;
	v62 =	vld [tilespmem:$0x2DF0];
	v55 =	vadd.f32 v41, v40;
	v56 =	vadd.f32 v44, v43  }
0xaf: {  	v3 =	vadd.f32 v4, v3;
	v19 =	vadd.f32 v20, v19;
	v7 =	vmul.f32 v24, v21  }
0xb0: {  	v61 =	vmul.f32 v30, v27;
	v63 =	vmul.f32 v36, v33;
	v36 =	vadd.f32 v29, v28  }
0xb1: {  	v39 =	vmul.f32 v42, v39;
	v42 =	vadd.f32 v32, v31;
	v53 =	vmul.f32 v57, v54  }
0xb2: {  	v54 =	vadd.f32 v38, v37;
	v5 =	vmul.f32 v59, v58;
	v57 =	vadd.f32 v47, v46  }
0xb3: {  	v21 =	vmul.f32 v62, v60;
	v58 =	vadd.f32 v50, v49;
	v59 =	vadd.f32 v7, v6  }
0xb4: {  	v6 =	vadd.f32 v63, v61;
	v7 =	vadd.f32 v53, v39  }
0xb5: {  	v5 =	vadd.f32 v21, v5;
	v20 =	vadd.f32 v36, v25  }
0xb6: {  	v60 =	vadd.f32 v52, v42;
	v61 =	vadd.f32 v55, v54  }
0xb7: {  	v62 =	vadd.f32 v57, v56;
	v3 =	vadd.f32 v3, v58  }
0xb8: {  	v4 =	vadd.f32 v6, v59;
	v5 =	vadd.f32 v5, v7  }
0xb9: {  	v6 =	vadd.f32 v20, v19;
	v7 =	vadd.f32 v61, v60  }
0xba: {  	v3 =	vadd.f32 v3, v62;
	v4 =	vadd.f32 v5, v4  }
0xbb: {  	v63 =	vld [tilespmem:$0x2E00]  }
0xbc: {  	v6 =	vadd.f32 v7, v6;
	v3 =	vadd.f32 v4, v3;
	_ =	sdelay $0x1  }
0xbd: {  	v3 =	vadd.f32 v3, v6;
	_ =	sdelay $0x1  }
0xbe: {  	v3 =	vadd.f32 v3, v63;
	_ =	sdelay $0x1  }
0xbf: {  	[tilespmem:$0x2E00] =	vst v3  }
.LBB2_10:
0xc0: {  	s15 =	sadd.s32 $0x1, s15  }
0xc1: {  	p0 =	sne.s32 s15, $0x10  }
.Ltmp6:
0xc2: {  	_ = 	snop;
	(pc) =	sbr.rel @!p0 .LBB2_11-.Ltmp6, $1  }
0xc3: {  	_ =	sdelay $0x3  }
.LBB2_4:
0xc4: {  	s16 =	sor.u32 s14, s15  }
0xc5: {  	v19 =	vmov s16  }
0xc6: {  	vm0 =	vge.s32 v19, v12;
	vm1 =	vlt.s32 v19, v14  }
0xc7: {  	vm0 =	vmand vm0, vm1  }
0xc8: {  	vm2 =	vlt.s32 v19, v18;
	vm1 =	vge.s32 v19, v16;
	v20 =	vsel vm0, $0x3F800000, v10  }
0xc9: {  	vm1 =	vmand vm1, vm2;
	(xrf0) =	vmax.scan.msk.f32 $0xffff, v20  }
0xca: {  	v20 =	vsel vm1, $0x3F800000, v10  }
0xcb: {  	(xrf0) =	vmax.scan.msk.f32 $0xffff, v20;
	_ =	sdelay $0x3  }
0xcc: {  	v20, _, _ =	vpop (xrf0)  }
0xcd: {  	(v2sf) =	vpush v20, $0xF  }
0xce: {  	v20, _, _ =	vpop (xrf0)  }
0xcf: {  	(v2sf) =	vpush v20, $0xF;
	_ =	sdelay $0xc  }
0xd0: {  	s17 =	spop (v2sf)  }
0xd1: {  	p0 =	sgt.f32 s17, $0.0e+00  }
0xd2: {  	s17 =	spop (v2sf)  }
0xd3: {  	p1 =	sgt.f32 @!p0 s17, $0.0e+00;
	_ =	sdelay $0x1  }
0xd4: {  	p0 =	por p0, p1  }
.Ltmp7:
0xd5: {  	_ = 	snop;
	(pc) =	sbr.rel @!p0 .LBB2_10-.Ltmp7, $1  }
0xd6: {  	_ =	sdelay $0x3  }
0xd7: {  	vm2 =	veq.s32 v19, v12;
	vm3 =	veq.s32 v19, v14  }
0xd8: {  	vm2 =	vmor vm2, vm3;
	vm3 =	veq.s32 v19, v16  }
0xd9: {  	vm2 =	vmor vm3, vm2;
	vm3 =	veq.s32 v19, v18  }
0xda: {  	vm2 =	vmor vm3, vm2  }
0xdb: {  	v19 =	vsel vm2, $0x3F800000, v10  }
0xdc: {  	(xrf0) =	vmax.scan.msk.f32 $0xffff, v19;
	_ =	sdelay $0x5  }
0xdd: {  	v19, _, _ =	vpop (xrf0)  }
0xde: {  	(v2sf) =	vpush v19, $0xF;
	_ =	sdelay $0xe  }
0xdf: {  	p0 =	seq.s32 s16, s3;
	s16 =	spop (v2sf)  }
0xe0: {  	p1 =	sgt.f32 @!p0 s16, $0.0e+00;
	_ =	sdelay $0x1  }
0xe1: {  	p0 =	por p0, p1  }
.Ltmp8:
0xe2: {  	_ = 	snop;
	(pc) =	sbr.rel @!p0 .LBB2_9-.Ltmp8, $1  }
0xe3: {  	_ =	sdelay $0x3  }
0xe4: {  	v19 =	vnsel vm0, $0x0, v11;
	v20 =	vnsel vm0, $0x0, v13  }
0xe5: {  	v40 =	vbroadcast v19, $0x0;
	v37 =	vbroadcast v20, $0x0  }
0xe6: {  	v38 =	vbroadcast v19, $0x1;
	v39 =	vbroadcast v20, $0x1  }
0xe7: {  	v41 =	vbroadcast v19, $0x2;
	v36 =	vbroadcast v20, $0x2  }
0xe8: {  	v42 =	vbroadcast v19, $0x3;
	v35 =	vbroadcast v20, $0x3  }
0xe9: {  	v43 =	vbroadcast v19, $0x4;
	v34 =	vbroadcast v20, $0x4  }
0xea: {  	v44 =	vbroadcast v19, $0x5;
	v33 =	vbroadcast v20, $0x5  }
0xeb: {  	v45 =	vbroadcast v19, $0x6;
	v32 =	vbroadcast v20, $0x6  }
0xec: {  	v46 =	vbroadcast v19, $0x7;
	v31 =	vbroadcast v20, $0x7  }
0xed: {  	v47 =	vbroadcast v19, $0x8;
	v30 =	vbroadcast v20, $0x8  }
0xee: {  	v48 =	vbroadcast v19, $0x9;
	v29 =	vbroadcast v20, $0x9  }
0xef: {  	v49 =	vbroadcast v19, $0xA;
	v28 =	vbroadcast v20, $0xA  }
0xf0: {  	v50 =	vbroadcast v19, $0xB;
	v27 =	vbroadcast v20, $0xB  }
0xf1: {  	v51 =	vbroadcast v19, $0xC;
	v26 =	vbroadcast v20, $0xC  }
0xf2: {  	v52 =	vbroadcast v19, $0xD;
	v21 =	vbroadcast v20, $0xD  }
0xf3: {  	v25 =	vnsel vm1, $0x0, v15;
	v53 =	vbroadcast v19, $0xE;
	v22 =	vbroadcast v20, $0xE  }
0xf4: {  	v59 =	vnsel vm1, $0x0, v17;
	v54 =	vbroadcast v19, $0xF;
	v23 =	vbroadcast v20, $0xF  }
0xf5: {  	v55 =	vbroadcast v25, $0x0;
	v20 =	vbroadcast v59, $0x0  }
0xf6: {  	v56 =	vbroadcast v25, $0x1;
	v57 =	vbroadcast v25, $0x2  }
0xf7: {  	s16 =	simm.s32 $0x0;
	v24 =	vbroadcast v59, $0x1;
	v58 =	vbroadcast v25, $0x3  }
0xf8: {  	v60 =	vor.u32 s16, v0;
	v25 =	vbroadcast v59, $0x2;
	v19 =	vbroadcast v59, $0x3  }
0xf9: {  	vm2 =	vge.s32 v60, v57;
	vm4 =	vge.s32 v60, v55;
	vm3 =	vge.s32 v60, v56  }
0xfa: {  	vm7 =	vge.s32 v60, v52;
	vm6 =	vge.s32 v60, v53;
	vm5 =	vge.s32 v60, v54  }
0xfb: {  	vm9 =	vge.s32 v60, v49;
	vm8 =	vge.s32 v60, v50;
	vm0 =	vge.s32 v60, v51  }
0xfc: {  	vm10 =	vge.s32 v60, v46;
	vm11 =	vge.s32 v60, v40;
	vm12 =	vge.s32 v60, v41  }
0xfd: {  	vm13 =	vlt.s32 v60, v37;
	vm14 =	vge.s32 v60, v38;
	vm15 =	vlt.s32 v60, v39  }
0xfe: {  	vm11 =	vmand vm11, vm13;
	vm13 =	vmand vm14, vm15;
	vm14 =	vlt.s32 v60, v36  }
0xff: {  	vm15 =	vge.s32 v60, v43;
	vm11 =	vmor vm11, vm13;
	vm12 =	vmand vm12, vm14  }
0x100: {  	vm13 =	vge.s32 v60, v42;
	vm14 =	vlt.s32 v60, v35;
	vm11 =	vmor vm12, vm11  }
0x101: {  	vm12 =	vge.s32 v60, v44;
	vm13 =	vmand vm13, vm14;
	vm14 =	vlt.s32 v60, v34  }
0x102: {  	vm11 =	vmor vm13, vm11;
	vm13 =	vmand vm15, vm14;
	vm14 =	vlt.s32 v60, v33  }
0x103: {  	vm15 =	vge.s32 v60, v47;
	vm11 =	vmor vm13, vm11;
	vm12 =	vmand vm12, vm14  }
0x104: {  	vm13 =	vge.s32 v60, v45;
	vm14 =	vlt.s32 v60, v32;
	vm11 =	vmor vm12, vm11  }
0x105: {  	vm12 =	vge.s32 v60, v48;
	vm13 =	vmand vm13, vm14;
	vm14 =	vlt.s32 v60, v31  }
0x106: {  	vm11 =	vmor vm13, vm11;
	vm10 =	vmand vm10, vm14;
	vm13 =	vlt.s32 v60, v30  }
0x107: {  	vm10 =	vmor vm10, vm11;
	vm11 =	vmand vm15, vm13;
	vm13 =	vlt.s32 v60, v29  }
0x108: {  	vm10 =	vmor vm11, vm10;
	vm11 =	vmand vm12, vm13;
	vm12 =	vlt.s32 v60, v28  }
0x109: {  	vm10 =	vmor vm11, vm10;
	vm9 =	vmand vm9, vm12;
	vm11 =	vlt.s32 v60, v27  }
0x10a: {  	vm9 =	vmor vm9, vm10;
	vm8 =	vmand vm8, vm11;
	vm10 =	vlt.s32 v60, v26  }
0x10b: {  	vm8 =	vmor vm8, vm9;
	vm0 =	vmand vm0, vm10;
	vm9 =	vlt.s32 v60, v21  }
0x10c: {  	vm0 =	vmor vm0, vm8;
	vm7 =	vmand vm7, vm9;
	vm8 =	vlt.s32 v60, v22  }
0x10d: {  	vm0 =	vmor vm7, vm0;
	vm6 =	vmand vm6, vm8;
	vm7 =	vlt.s32 v60, v23  }
0x10e: {  	vm0 =	vmor vm6, vm0;
	vm5 =	vmand vm5, vm7;
	vm6 =	vlt.s32 v60, v20  }
0x10f: {  	vm0 =	vmor vm5, vm0;
	vm4 =	vmand vm4, vm6;
	vm5 =	vlt.s32 v60, v24  }
0x110: {  	s31 =	simm.s32 $0x10;
	vm0 =	vmor vm4, vm0;
	vm3 =	vmand vm3, vm5;
	vm4 =	vlt.s32 v60, v25  }
0x111: {  	v59 =	vor.u32 s31, v0;
	vm0 =	vmor vm3, vm0;
	vm2 =	vmand vm2, vm4  }
0x112: {  	v3 =	vimm.s32 $0x0;
	vm0 =	vmor vm2, vm0;
	vm2 =	vge.s32 v59, v57  }
0x113: {  	vm1 =	vge.s32 v60, v58;
	v3 =	vsel vm2, $0xFFFFFFFF, v3  }
0x114: {  	vm3 =	vlt.s32 v60, v19;
	vm2 =	vge.s32 v59, v58;
	[tilespmem:$0x1FF40] =	vst v3;
	v3 =	vimm.s32 $0x0  }
0x115: {  	vm1 =	vmand vm1, vm3;
	v3 =	vsel vm2, $0xFFFFFFFF, v3  }
0x116: {  	vm0 =	vmor vm1, vm0;
	vm1 =	vge.s32 v59, v55;
	[tilespmem:$0x1FF50] =	vst v3;
	v3 =	vimm.s32 $0x0  }
0x117: {  	vm14 =	vge.s32 v59, v45;
	vm15 =	vge.s32 v59, v44;
	v3 =	vsel vm1, $0xFFFFFFFF, v3  }
0x118: {  	vm13 =	vge.s32 v59, v46;
	vm1 =	vge.s32 v59, v56;
	[tilespmem:$0x1FF60] =	vst v3;
	v3 =	vimm.s32 $0x0  }
0x119: {  	vm12 =	vge.s32 v59, v47;
	vm11 =	vge.s32 v59, v48;
	v3 =	vsel vm1, $0xFFFFFFFF, v3  }
0x11a: {  	v60 =	vsel vm0, $0x41400000, v10;
	vm0 =	vge.s32 v59, v53;
	[tilespmem:$0x1FF70] =	vst v3;
	v3 =	vimm.s32 $0x0  }
0x11b: {  	vm10 =	vge.s32 v59, v49;
	vm9 =	vge.s32 v59, v50;
	v3 =	vsel vm0, $0xFFFFFFFF, v3  }
0x11c: {  	s16 =	simm.s32 $0x2C00;
	vm8 =	vge.s32 v59, v51;
	vm0 =	vge.s32 v59, v54;
	[tilespmem:$0x1FF80] =	vst v3;
	v3 =	vimm.s32 $0x0  }
0x11d: {  	vm7 =	vge.s32 v59, v52;
	vm3 =	vge.s32 v59, v40;
	[tilespmem:s16+$0x0] =	vst v60;
	v3 =	vsel vm0, $0xFFFFFFFF, v3  }
0x11e: {  	s17 =	simm.s32 $0x20;
	vm2 =	vge.s32 v59, v41;
	vm1 =	vge.s32 v59, v42;
	vm0 =	vge.s32 v59, v43;
	[tilespmem:$0x1FF90] =	vst v3  }
.LBB2_7:
0x11f: {  	vm4 =	vlt.s32 v59, v37;
	vm5 =	vge.s32 v59, v38;
	vm6 =	vlt.s32 v59, v39  }
0x120: {  	vm3 =	vmand vm3, vm4;
	vm4 =	vmand vm5, vm6;
	vm5 =	vlt.s32 v59, v36  }
0x121: {  	vm3 =	vmor vm3, vm4;
	vm2 =	vmand vm2, vm5;
	vm4 =	vlt.s32 v59, v35  }
0x122: {  	vm2 =	vmor vm2, vm3;
	vm1 =	vmand vm1, vm4;
	vm3 =	vlt.s32 v59, v34  }
0x123: {  	vm1 =	vmor vm1, vm2;
	vm0 =	vmand vm0, vm3;
	vm2 =	vlt.s32 v59, v33  }
0x124: {  	vm0 =	vmor vm0, vm1;
	vm1 =	vmand vm15, vm2;
	vm2 =	vlt.s32 v59, v32  }
0x125: {  	vm0 =	vmor vm1, vm0;
	vm1 =	vmand vm14, vm2;
	vm2 =	vlt.s32 v59, v31  }
0x126: {  	vm0 =	vmor vm1, vm0;
	vm1 =	vmand vm13, vm2;
	vm2 =	vlt.s32 v59, v30  }
0x127: {  	vm0 =	vmor vm1, vm0;
	vm1 =	vmand vm12, vm2;
	vm2 =	vlt.s32 v59, v29  }
0x128: {  	v3 =	vld [tilespmem:$0x1FF80];
	vm0 =	vmor vm1, vm0;
	vm1 =	vmand vm11, vm2;
	vm2 =	vlt.s32 v59, v28  }
0x129: {  	vm0 =	vmor vm1, vm0;
	vm1 =	vmand vm10, vm2;
	vm2 =	vlt.s32 v59, v27  }
0x12a: {  	vm0 =	vmor vm1, vm0;
	vm1 =	vmand vm9, vm2;
	vm2 =	vlt.s32 v59, v26  }
0x12b: {  	vm0 =	vmor vm1, vm0;
	vm1 =	vmand vm8, vm2;
	vm2 =	vlt.s32 v59, v21  }
0x12c: {  	vm0 =	vmor vm1, vm0;
	vm1 =	vmand vm7, vm2  }
0x12d: {  	vm0 =	vmor vm1, vm0;
	vm1 =	vnez.u8 v3;
	v3 =	vld [tilespmem:$0x1FF90];
	_ =	sdelay $0x2  }
0x12e: {  	vm2 =	vlt.s32 v59, v22  }
0x12f: {  	vm1 =	vmand vm1, vm2  }
0x130: {  	vm0 =	vmor vm1, vm0;
	vm1 =	vnez.u8 v3;
	v3 =	vld [tilespmem:$0x1FF60];
	_ =	sdelay $0x2  }
0x131: {  	vm2 =	vlt.s32 v59, v23  }
0x132: {  	vm1 =	vmand vm1, vm2  }
0x133: {  	vm0 =	vmor vm1, vm0;
	vm1 =	vnez.u8 v3;
	v3 =	vld [tilespmem:$0x1FF70];
	_ =	sdelay $0x2  }
0x134: {  	vm2 =	vlt.s32 v59, v20  }
0x135: {  	vm1 =	vmand vm1, vm2  }
0x136: {  	vm0 =	vmor vm1, vm0;
	vm1 =	vnez.u8 v3;
	v3 =	vld [tilespmem:$0x1FF40];
	_ =	sdelay $0x2  }
0x137: {  	vm2 =	vlt.s32 v59, v24  }
0x138: {  	vm1 =	vmand vm1, vm2  }
0x139: {  	vm0 =	vmor vm1, vm0;
	vm1 =	vnez.u8 v3;
	v3 =	vld [tilespmem:$0x1FF50];
	_ =	sdelay $0x2  }
0x13a: {  	vm2 =	vlt.s32 v59, v25  }
0x13b: {  	vm1 =	vmand vm1, vm2;
	vm2 =	vlt.s32 v59, v19  }
0x13c: {  	v59 =	vor.u32 s17, v0;
	vm0 =	vmor vm1, vm0;
	vm1 =	vnez.u8 v3  }
0x13d: {  	v3 =	vimm.s32 $0x0;
	vm1 =	vmand vm1, vm2;
	vm2 =	vge.s32 v59, v57  }
0x13e: {  	v3 =	vsel vm2, $0xFFFFFFFF, v3  }
0x13f: {  	vm2 =	vge.s32 v59, v58;
	[tilespmem:$0x1FF40] =	vst v3;
	v3 =	vimm.s32 $0x0  }
0x140: {  	v3 =	vsel vm2, $0xFFFFFFFF, v3  }
0x141: {  	vm0 =	vmor vm1, vm0;
	vm1 =	vge.s32 v59, v55;
	[tilespmem:$0x1FF50] =	vst v3;
	v3 =	vimm.s32 $0x0  }
0x142: {  	vm7 =	vge.s32 v59, v52;
	vm10 =	vge.s32 v59, v49;
	v3 =	vsel vm1, $0xFFFFFFFF, v3  }
0x143: {  	vm9 =	vge.s32 v59, v50;
	vm1 =	vge.s32 v59, v56;
	[tilespmem:$0x1FF60] =	vst v3;
	v3 =	vimm.s32 $0x0  }
0x144: {  	p0 =	sne.s32 s17, $0x1F0;
	vm8 =	vge.s32 v59, v51;
	vm13 =	vge.s32 v59, v46;
	v3 =	vsel vm1, $0xFFFFFFFF, v3  }
.Ltmp9:
0x145: {  	v60 =	vsel vm0, $0x41400000, v10;
	vm0 =	vge.s32 v59, v53;
	[tilespmem:$0x1FF70] =	vst v3;
	v3 =	vimm.s32 $0x0;
	(pc) =	sbr.rel @p0 .LBB2_7-.Ltmp9, $4  }
0x146: {  	vm12 =	vge.s32 v59, v47;
	vm11 =	vge.s32 v59, v48;
	v3 =	vsel vm0, $0xFFFFFFFF, v3  }
0x147: {  	s16 =	sadd.s32 $0x10, s16;
	vm15 =	vge.s32 v59, v44;
	vm0 =	vge.s32 v59, v54;
	[tilespmem:$0x1FF80] =	vst v3;
	v3 =	vimm.s32 $0x0  }
0x148: {  	vm14 =	vge.s32 v59, v45;
	vm3 =	vge.s32 v59, v40;
	[tilespmem:s16+$0x0] =	vst v60;
	v3 =	vsel vm0, $0xFFFFFFFF, v3  }
0x149: {  	s17 =	sadd.s32 $0x10, s17;
	vm2 =	vge.s32 v59, v41;
	vm1 =	vge.s32 v59, v42;
	vm0 =	vge.s32 v59, v43;
	[tilespmem:$0x1FF90] =	vst v3  }
.Ltmp10:
0x14a: {  	_ = 	snop;
	(pc) =	sbr.rel .LBB2_8-.Ltmp10, $1  }
0x14b: {  	_ =	sdelay $0x3  }
.LBB2_13:
0x14c: {  	_ =	sfence.sel $0x180000  }
0x14d: {  	[bflag:$0x0] =	sbarrier.arrive $0xFFFF  }
0x14e: {  	p0 =	sne.s32 s2, $0x0;
	_ =	strace $0x90000047  }
0x14f: {  	s0 =	sadd.s32 @!p0 $0x100000, s0;
	[bflag:$0x2] =	sbarrier.arrive $0xFFFF  }
0x150: {  	[sflag:s0] =	ssyncadd.tile.s32 @!p0 $0x1;
	_ =	shalt  }
.Lfunc_end2:
_tile_overlayer_lowered:
.L_overlay_start_2:
0x151: {  	(tag) =	ssettag $0x2  }
0x152: {  	s0 =	rddreg [dreg:$0x0];
	s2 =	stileid.u32  }
0x153: {  	s1 =	rddreg [dreg:$0x1];
	p0 =	sne.s32 s2, $0x0  }
0x154: {  	s3 =	rddreg [dreg:$0x2];
	[bflag:$0x3] =	sbarrier.arrive $0xFFFF;
	s2 =	simm.s32 @!p0 $0x1C02  }
0x155: {  	[timem:s3], [sflag:s2] =	dma.local @!p0 [hbm:s0], s1  }
0x156: {  	s0 =	simm.s32 @!p0 $0x2  }
0x157: {  	_ =	swait.ge @!p0 [sflag:s0], s1  }
0x158: {  	s1 =	ssub.s32 @!p0 $0x0, s1;
	[sflag:s0] =	ssyncset.done @!p0 $0x0  }
0x159: {  	[sflag:s0] =	ssyncadd.s32 @!p0 s1  }
0x15a: {  	[bflag:$0x3] =	sbarrier.arrive $0xFFFF  }
0x15b: {  	_ =	shalt  }

</sc_bundles>
